<compile_context>
chip_gen: v7x
topology: tpu7x:2x2x1
jax: 0.10.2.dev20260603
libtpu: 0.0.44.dev20260713+nightly
codegen_flags: <defaults>
</compile_context>

<pallas_src>
import functools

import jax
import jax.numpy as jnp
from jax import lax
from jax.experimental import pallas as pl
from jax.experimental.pallas import tpu as pltpu
from jax.experimental.pallas import tpu_sc as plsc

N = 10000
D = 128
E = 320000
EPS = 1e-5

NW = 32
LANES = 128
NBLK = 80
DEPTH = 2
SRING = 4
EP = NW * NBLK * LANES
NP = 10240
RPT = NP // 16

_mesh = plsc.VectorSubcoreMesh(core_axis_name="c", subcore_axis_name="s")


def _zero_vmem_2d(ref, nrows, ncols):
    def row(i, _):
        def col(j, _):
            ref[i, pl.ds(j * 16, 16)] = jnp.zeros((16,), jnp.float32)
            return 0
        return lax.fori_loop(0, ncols // 16, col, 0)
    lax.fori_loop(0, nrows, row, 0)


def _sc_agg_body(h_hbm, src_hbm, dst_hbm, out_hbm, sidx, didx, rows, aggS, gsem, ssem):
    c = lax.axis_index("c")
    s = lax.axis_index("s")
    wid = s * 2 + c

    _zero_vmem_2d(rows.at[0], LANES, D)
    base = s * RPT
    for k in range(RPT // LANES):
        pltpu.sync_copy(rows.at[0], aggS.at[pl.ds(base + k * LANES, LANES)])

    pltpu.sync_copy(dst_hbm.at[wid], didx)
    for b in range(SRING):
        pltpu.async_copy(src_hbm.at[wid, b], sidx.at[b], ssem.at[b])
    plsc.subcore_barrier()

    for b in range(DEPTH):
        pltpu.make_async_copy(src_hbm.at[wid, b], sidx.at[b], ssem.at[b]).wait()
        pltpu.async_copy(h_hbm.at[sidx.at[b]], rows.at[b], gsem.at[b])

    def step(j, _):
        for b in range(SRING):
            k = j * SRING + b
            rs = b % DEPTH
            pltpu.make_async_copy(h_hbm.at[sidx.at[b]], rows.at[rs], gsem.at[rs]).wait()
            pltpu.sync_copy(rows.at[rs], aggS.at[didx.at[k]], add=True)

            @pl.when(j < NBLK // SRING - 1)
            def _():
                pltpu.async_copy(src_hbm.at[wid, k + SRING], sidx.at[b], ssem.at[b])

            @pl.when(k + DEPTH < NBLK)
            def _():
                b2 = (b + DEPTH) % SRING
                pltpu.make_async_copy(src_hbm.at[wid, b2], sidx.at[b2], ssem.at[b2]).wait()
                pltpu.async_copy(h_hbm.at[sidx.at[b2]], rows.at[rs], gsem.at[rs])
        return 0
    lax.fori_loop(0, NBLK // SRING, step, 0)

    plsc.subcore_barrier()
    pltpu.sync_copy(aggS.at[pl.ds(base, RPT)], out_hbm.at[c, pl.ds(base, RPT)])


_sc_agg = functools.partial(
    pl.kernel,
    out_type=jax.ShapeDtypeStruct((2, NP, D), jnp.float32),
    mesh=_mesh,
    scratch_types=[
        pltpu.VMEM((SRING, LANES), jnp.int32),
        pltpu.VMEM((NBLK, LANES), jnp.int32),
        pltpu.VMEM((DEPTH, LANES, D), jnp.float32),
        pltpu.VMEM_SHARED((NP, D), jnp.float32),
        pltpu.SemaphoreType.DMA((DEPTH,)),
        pltpu.SemaphoreType.DMA((SRING,)),
    ],
)(_sc_agg_body)


def _sc_deg_body(dst_hbm, out_hbm, didx, ones, degS):
    c = lax.axis_index("c")
    s = lax.axis_index("s")
    wid = s * 2 + c

    _zero_vmem_2d(ones, LANES, D)
    base = s * RPT
    for k in range(RPT // LANES):
        pltpu.sync_copy(ones, degS.at[pl.ds(base + k * LANES, LANES)])

    def orow(i, _):
        def ocol(j, _):
            ones[i, pl.ds(j * 16, 16)] = jnp.ones((16,), jnp.float32)
            return 0
        return lax.fori_loop(0, D // 16, ocol, 0)
    lax.fori_loop(0, LANES, orow, 0)
    plsc.subcore_barrier()

    pltpu.sync_copy(dst_hbm.at[wid], didx)

    def step(j, _):
        pltpu.sync_copy(ones, degS.at[didx.at[j]], add=True)
        return 0
    lax.fori_loop(0, NBLK, step, 0)

    plsc.subcore_barrier()
    pltpu.sync_copy(degS.at[pl.ds(base, RPT)], out_hbm.at[c, pl.ds(base, RPT)])


_sc_deg = functools.partial(
    pl.kernel,
    out_type=jax.ShapeDtypeStruct((2, NP, D), jnp.float32),
    mesh=_mesh,
    scratch_types=[
        pltpu.VMEM((NBLK, LANES), jnp.int32),
        pltpu.VMEM((LANES, D), jnp.float32),
        pltpu.VMEM_SHARED((NP, D), jnp.float32),
    ],
)(_sc_deg_body)


ROWB = 2000


def _tc_layer_body(agg, deg, h, Wl, Wr, sc, be, out):
    a = agg[0] + agg[1]
    dg = deg[0, :, :1] + deg[1, :, :1]
    am = a * (1.0 / jnp.maximum(dg, 1.0))
    acc = jnp.dot(am, Wl[...], preferred_element_type=jnp.float32)
    acc = acc + jnp.dot(h[...], Wr[...], preferred_element_type=jnp.float32)
    out[...] = jnp.maximum(acc * sc[...] + be[...], 0.0)


def _tc_last_body(agg, deg, h, Wl, Wr, sc, be, Wc, bc, out):
    a = agg[0] + agg[1]
    dg = deg[0, :, :1] + deg[1, :, :1]
    am = a * (1.0 / jnp.maximum(dg, 1.0))
    acc = jnp.dot(am, Wl[...], preferred_element_type=jnp.float32)
    acc = acc + jnp.dot(h[...], Wr[...], preferred_element_type=jnp.float32)
    hr = jnp.maximum(acc * sc[...] + be[...], 0.0)
    out[...] = jnp.dot(hr, Wc[...], preferred_element_type=jnp.float32) + bc[...]


def _tc_layer(agg, deg, h, Wl, Wr, sc, be):
    grid = (N // ROWB,)
    return pl.pallas_call(
        _tc_layer_body,
        grid=grid,
        in_specs=[
            pl.BlockSpec((2, ROWB, D), lambda i: (0, i, 0)),
            pl.BlockSpec((2, ROWB, D), lambda i: (0, i, 0)),
            pl.BlockSpec((ROWB, D), lambda i: (i, 0)),
            pl.BlockSpec((D, D), lambda i: (0, 0)),
            pl.BlockSpec((D, D), lambda i: (0, 0)),
            pl.BlockSpec((1, D), lambda i: (0, 0)),
            pl.BlockSpec((1, D), lambda i: (0, 0)),
        ],
        out_specs=pl.BlockSpec((ROWB, D), lambda i: (i, 0)),
        out_shape=jax.ShapeDtypeStruct((N, D), jnp.float32),
    )(agg, deg, h, Wl, Wr, sc, be)


def _tc_last(agg, deg, h, Wl, Wr, sc, be, Wc, bc):
    grid = (N // ROWB,)
    return pl.pallas_call(
        _tc_last_body,
        grid=grid,
        in_specs=[
            pl.BlockSpec((2, ROWB, D), lambda i: (0, i, 0)),
            pl.BlockSpec((2, ROWB, D), lambda i: (0, i, 0)),
            pl.BlockSpec((ROWB, D), lambda i: (i, 0)),
            pl.BlockSpec((D, D), lambda i: (0, 0)),
            pl.BlockSpec((D, D), lambda i: (0, 0)),
            pl.BlockSpec((1, D), lambda i: (0, 0)),
            pl.BlockSpec((1, D), lambda i: (0, 0)),
            pl.BlockSpec((D, 2), lambda i: (0, 0)),
            pl.BlockSpec((1, 2), lambda i: (0, 0)),
        ],
        out_specs=pl.BlockSpec((ROWB, 2), lambda i: (i, 0)),
        out_shape=jax.ShapeDtypeStruct((N, 2), jnp.float32),
    )(agg, deg, h, Wl, Wr, sc, be, Wc, bc)


def kernel(x, edge_index, Wl0, bl0, Wr0, bn_g0, bn_b0, Wl1, bl1, Wr1, bn_g1, bn_b1,
           Wl2, bl2, Wr2, bn_g2, bn_b2, Wl3, bl3, Wr3, bn_g3, bn_b3, Wc, bc):
    src = edge_index[0].astype(jnp.int32)
    dst = edge_index[1].astype(jnp.int32)
    pad = EP - E
    src_r = jnp.concatenate([src, jnp.zeros((pad,), jnp.int32)]).reshape(NW, NBLK, LANES)
    dst_r = jnp.concatenate([dst, jnp.full((pad,), N, jnp.int32)]).reshape(NW, NBLK, LANES)

    deg = _sc_deg(dst_r)

    scale = 1.0 / jnp.sqrt(1.0 + EPS)
    layers = [
        (Wl0, bl0, Wr0, bn_g0, bn_b0),
        (Wl1, bl1, Wr1, bn_g1, bn_b1),
        (Wl2, bl2, Wr2, bn_g2, bn_b2),
        (Wl3, bl3, Wr3, bn_g3, bn_b3),
    ]

    h = x
    for li, (Wl, bl, Wr, g, b) in enumerate(layers):
        s = (g * scale).reshape(1, D)
        be = (bl * g * scale + b).reshape(1, D)
        agg = _sc_agg(h, src_r, dst_r)
        if li < 3:
            h = _tc_layer(agg, deg, h, Wl, Wr, s, be)
        else:
            out = _tc_last(agg, deg, h, Wl, Wr, s, be, Wc, bc.reshape(1, 2))
    return out

# --- scband reference (transcript-rebuilt; emitter-appended) ---
"""Pipeline reference for scband-vessel-sage-42537356099859 (READ-ONLY COPY).

The authoritative reference and input builder live on the scoring server;
editing this copy changes nothing except your own understanding.
"""

import jax, jax.numpy as jnp
import numpy as np

N = 10000
E = 320000
D = 128
H = 128
C = 2
EPS = 1e-5


def setup_inputs(seed: int = 0):
    key = jax.random.key(seed)
    ks = jax.random.split(key, 32)
    inp = {}
    inp["x"] = jax.random.normal(ks[0], (N, D), dtype=jnp.float32)
    inp["edge_index"] = jax.random.randint(ks[1], (2, E), 0, N)
    dims = [(D, H), (H, H), (H, H), (H, H)]
    k = 2
    for i, (din, dout) in enumerate(dims):
        inp[f"Wl{i}"] = jax.random.normal(ks[k], (din, dout), dtype=jnp.float32) * (1.0 / np.sqrt(din)); k += 1
        inp[f"bl{i}"] = jnp.zeros((dout,), dtype=jnp.float32)
        inp[f"Wr{i}"] = jax.random.normal(ks[k], (din, dout), dtype=jnp.float32) * (1.0 / np.sqrt(din)); k += 1
        inp[f"bn_g{i}"] = jnp.ones((dout,), dtype=jnp.float32)
        inp[f"bn_b{i}"] = jnp.zeros((dout,), dtype=jnp.float32)
    inp["Wc"] = jax.random.normal(ks[k], (H, C), dtype=jnp.float32) * (1.0 / np.sqrt(H)); k += 1
    inp["bc"] = jnp.zeros((C,), dtype=jnp.float32)
    return inp


def _sage_layer(x, src, dst, Wl, bl, Wr, g, b):
    # PyG SAGEConv (aggr='mean', root_weight=True): out = lin_l(mean_j x_j) + lin_r(x_i)
    agg = jax.ops.segment_sum(x[src], dst, num_segments=N)
    deg = jax.ops.segment_sum(jnp.ones((src.shape[0],), dtype=x.dtype), dst, num_segments=N)
    agg = agg / jnp.maximum(deg, 1.0)[:, None]
    h = agg @ Wl + bl + x @ Wr
    # BatchNorm1d in eval mode: running_mean=0, running_var=1
    h = h / jnp.sqrt(1.0 + EPS) * g + b
    # dropout inactive in eval mode
    return jax.nn.relu(h)


def reference(x, edge_index, Wl0, bl0, Wr0, bn_g0, bn_b0, Wl1, bl1, Wr1, bn_g1, bn_b1, Wl2, bl2, Wr2, bn_g2, bn_b2, Wl3, bl3, Wr3, bn_g3, bn_b3, Wc, bc):
    src, dst = edge_index[0], edge_index[1]
    layers = [(Wl0, bl0, Wr0, bn_g0, bn_b0), (Wl1, bl1, Wr1, bn_g1, bn_b1), (Wl2, bl2, Wr2, bn_g2, bn_b2), (Wl3, bl3, Wr3, bn_g3, bn_b3)]
    h = x
    for Wl, bl, Wr, g, b in layers:
        h = _sage_layer(h, src, dst, Wl, bl, Wr, g, b)
    return h @ Wc + bc

if __name__ == "__main__":
    import jax
    _d = setup_inputs()
    print(jax.jit(kernel)(*tuple(_d.values())))

</pallas_src>

<mosaic_0001>
#map = affine_map<(d0, d1) -> (0, 0)>
#map1 = affine_map<(d0, d1) -> (0, 0, 0)>
module attributes {stable_mosaic.version = 14 : i64} {
  func.func @_sc_agg_body(%arg0: i32, %arg1: i32, %arg2: memref<10000x128xf32, #tpu.memory_space<hbm>>, %arg3: memref<32x80x128xi32, #tpu.memory_space<hbm>>, %arg4: memref<32x80x128xi32, #tpu.memory_space<hbm>>, %arg5: memref<2x10240x128xf32, #tpu.memory_space<hbm>>, %arg6: memref<4x128xi32, #tpu.memory_space<vmem>>, %arg7: memref<80x128xi32, #tpu.memory_space<vmem>>, %arg8: memref<2x128x128xf32, #tpu.memory_space<vmem>>, %arg9: memref<10240x128xf32, #tpu.memory_space<vmem_shared>>, %arg10: memref<2x!tpu.dma_semaphore, #tpu.memory_space<semaphore_mem>>, %arg11: memref<4x!tpu.dma_semaphore, #tpu.memory_space<semaphore_mem>>) attributes {dimension_semantics = [#tpu.dimension_semantics<core_parallel>, #tpu.dimension_semantics<subcore_parallel>], iteration_bounds = array<i64: 2, 16>, scalar_prefetch = 0 : i64, scratch_operands = 6 : i64, tpu.core_type = #tpu.core_type<sc_vector_subcore>, window_params = [{transform_indices = #map}, {transform_indices = #map1}, {transform_indices = #map1}, {transform_indices = #map1}]} {
    %mul3A = arith.constant 2 : i32
    %mul3A_0 = arith.muli %arg1, %mul3A : i32
    %add3A = arith.addi %mul3A_0, %arg0 : i32
    %scan3A = arith.constant 0 : i32
    %scan3A_1 = arith.constant 0 : i32
    %scan3A_2 = arith.constant 0 : i32
    %scan3A_3 = arith.constant 128 : i32
    %scan3A_4 = arith.addi %scan3A_2, %scan3A_3 : i32
    %scan3A_5 = arith.constant 1 : i32
    %scan3A_6 = scf.for %scan3A_162 = %scan3A_2 to %scan3A_4 step %scan3A_5 iter_args(%scan3A_163 = %scan3A_1) -> (i32)  : i32 {
      %scan3A_164 = arith.constant 0 : i32
      %scan3A_165 = arith.constant 0 : i32
      %scan3A_166 = arith.constant 8 : i32
      %scan3A_167 = arith.addi %scan3A_165, %scan3A_166 : i32
      %scan3A_168 = arith.constant 1 : i32
      %scan3A_169 = scf.for %scan3A_171 = %scan3A_165 to %scan3A_167 step %scan3A_168 iter_args(%scan3A_172 = %scan3A_164) -> (i32)  : i32 {
        %broadcast_in_dim3A = arith.constant 0.000000e+00 : f32
        %broadcast_in_dim3A_173 = vector.broadcast %broadcast_in_dim3A : f32 to vector<16xf32>
        %mul3A_174 = arith.constant 16 : i32
        %mul3A_175 = arith.muli %scan3A_171, %mul3A_174 : i32
        %swap3A = arith.constant 0 : i32
        %swap3A_176 = arith.constant 0 : i32
        %swap3A_177 = tpu.memref_slice %arg8[%scan3A, %swap3A, %swap3A_176] : memref<2x128x128xf32, #tpu.memory_space<vmem>> -> memref<1x128x128xf32, #tpu.memory_space<vmem>>
        %swap3A_178 = tpu.memref_squeeze %swap3A_177 : memref<1x128x128xf32, #tpu.memory_space<vmem>> -> memref<128x128xf32, #tpu.memory_space<vmem>>
        %swap3A_179 = arith.index_cast %scan3A_162 : i32 to index
        %swap3A_180 = arith.index_cast %mul3A_175 : i32 to index
        %swap3A_181 = tpu.vector_load %swap3A_178[%swap3A_179, %swap3A_180] {strides = array<i32>} : memref<128x128xf32, #tpu.memory_space<vmem>>, vector<1x16xf32>,
        %swap3A_182 = vector.shape_cast %swap3A_181 : vector<1x16xf32> to vector<16xf32>
        %swap3A_183 = vector.shape_cast %broadcast_in_dim3A_173 : vector<16xf32> to vector<1x16xf32>
        tpu.vector_store %swap3A_178[%swap3A_179, %swap3A_180], %swap3A_183 {strides = array<i32>} : memref<128x128xf32, #tpu.memory_space<vmem>>, vector<1x16xf32>,
        %scan3A_184 = arith.constant 0 : i32
        scf.yield %scan3A_184 : i32
      }
      %scan3A_170 = arith.constant 8 : i32
      scf.yield %scan3A_169 : i32
    }
    %scan3A_7 = arith.constant 128 : i32
    %mul3A_8 = arith.constant 640 : i32
    %mul3A_9 = arith.muli %arg1, %mul3A_8 : i32
    %add3A_10 = arith.constant 0 : i32
    %add3A_11 = arith.addi %mul3A_9, %add3A_10 : i32
    %run_scoped3A = arith.constant 0 : i32
    "tpu.region"() ({
      %run_scoped3A_162 = tpu.sem_alloc : memref<!tpu.dma_semaphore, #tpu.memory_space<semaphore_mem>>
      %dma_start3A_163 = arith.constant 0 : i32
      %dma_start3A_164 = arith.constant 0 : i32
      %dma_start3A_165 = tpu.memref_slice %arg8[%run_scoped3A, %dma_start3A_163, %dma_start3A_164] : memref<2x128x128xf32, #tpu.memory_space<vmem>> -> memref<1x128x128xf32, #tpu.memory_space<vmem>>
      %dma_start3A_166 = tpu.memref_squeeze %dma_start3A_165 : memref<1x128x128xf32, #tpu.memory_space<vmem>> -> memref<128x128xf32, #tpu.memory_space<vmem>>
      %dma_start3A_167 = arith.constant 0 : i32
      %dma_start3A_168 = tpu.memref_slice %arg9[%add3A_11, %dma_start3A_167] : memref<10240x128xf32, #tpu.memory_space<vmem_shared>> -> memref<128x128xf32, #tpu.memory_space<vmem_shared>>
      %dma_start3A_169 = arith.constant 0 : i32
      %dma_start3A_170 = tpu.memref_slice %arg9[%add3A_11, %dma_start3A_169] : memref<10240x128xf32, #tpu.memory_space<vmem_shared>> -> memref<128x128xf32, #tpu.memory_space<vmem_shared>>
      %dma_start3A_171 = arith.constant 0 : i32
      %dma_start3A_172 = arith.constant 0 : i32
      %dma_start3A_173 = tpu.memref_slice %arg8[%run_scoped3A, %dma_start3A_171, %dma_start3A_172] : memref<2x128x128xf32, #tpu.memory_space<vmem>> -> memref<1x128x128xf32, #tpu.memory_space<vmem>>
      %dma_start3A_174 = tpu.memref_squeeze %dma_start3A_173 : memref<1x128x128xf32, #tpu.memory_space<vmem>> -> memref<128x128xf32, #tpu.memory_space<vmem>>
      tpu.enqueue_dma source(%dma_start3A_174 : memref<128x128xf32, #tpu.memory_space<vmem>>) target(%dma_start3A_170 : memref<128x128xf32, #tpu.memory_space<vmem_shared>>) target_semaphore(%run_scoped3A_162 : memref<!tpu.dma_semaphore, #tpu.memory_space<semaphore_mem>>)
      %dma_wait3A_175 = arith.constant 0 : i32
      %dma_wait3A_176 = arith.constant 0 : i32
      %dma_wait3A_177 = tpu.memref_slice %arg8[%run_scoped3A, %dma_wait3A_175, %dma_wait3A_176] : memref<2x128x128xf32, #tpu.memory_space<vmem>> -> memref<1x128x128xf32, #tpu.memory_space<vmem>>
      %dma_wait3A_178 = tpu.memref_squeeze %dma_wait3A_177 : memref<1x128x128xf32, #tpu.memory_space<vmem>> -> memref<128x128xf32, #tpu.memory_space<vmem>>
      %dma_wait3A_179 = arith.constant 0 : i32
      %dma_wait3A_180 = tpu.memref_slice %arg9[%add3A_11, %dma_wait3A_179] : memref<10240x128xf32, #tpu.memory_space<vmem_shared>> -> memref<128x128xf32, #tpu.memory_space<vmem_shared>>
      %dma_wait3A_181 = arith.constant 0 : i32
      %dma_wait3A_182 = tpu.memref_slice %arg9[%add3A_11, %dma_wait3A_181] : memref<10240x128xf32, #tpu.memory_space<vmem_shared>> -> memref<128x128xf32, #tpu.memory_space<vmem_shared>>
      %dma_wait3A_183 = arith.constant 0 : i32
      %dma_wait3A_184 = arith.constant 0 : i32
      %dma_wait3A_185 = tpu.memref_slice %arg8[%run_scoped3A, %dma_wait3A_183, %dma_wait3A_184] : memref<2x128x128xf32, #tpu.memory_space<vmem>> -> memref<1x128x128xf32, #tpu.memory_space<vmem>>
      %dma_wait3A_186 = tpu.memref_squeeze %dma_wait3A_185 : memref<1x128x128xf32, #tpu.memory_space<vmem>> -> memref<128x128xf32, #tpu.memory_space<vmem>>
      tpu.wait_dma2 semaphore(%run_scoped3A_162 : memref<!tpu.dma_semaphore, #tpu.memory_space<semaphore_mem>>) src(%dma_wait3A_186 : memref<128x128xf32, #tpu.memory_space<vmem>>) dst(%dma_wait3A_182 : memref<128x128xf32, #tpu.memory_space<vmem_shared>>)
      tpu.yield
    }) : () -> ()
    %add3A_12 = arith.constant 128 : i32
    %add3A_13 = arith.addi %mul3A_9, %add3A_12 : i32
    %run_scoped3A_14 = arith.constant 0 : i32
    "tpu.region"() ({
      %run_scoped3A_162 = tpu.sem_alloc : memref<!tpu.dma_semaphore, #tpu.memory_space<semaphore_mem>>
      %dma_start3A_163 = arith.constant 0 : i32
      %dma_start3A_164 = arith.constant 0 : i32
      %dma_start3A_165 = tpu.memref_slice %arg8[%run_scoped3A_14, %dma_start3A_163, %dma_start3A_164] : memref<2x128x128xf32, #tpu.memory_space<vmem>> -> memref<1x128x128xf32, #tpu.memory_space<vmem>>
      %dma_start3A_166 = tpu.memref_squeeze %dma_start3A_165 : memref<1x128x128xf32, #tpu.memory_space<vmem>> -> memref<128x128xf32, #tpu.memory_space<vmem>>
      %dma_start3A_167 = arith.constant 0 : i32
      %dma_start3A_168 = tpu.memref_slice %arg9[%add3A_13, %dma_start3A_167] : memref<10240x128xf32, #tpu.memory_space<vmem_shared>> -> memref<128x128xf32, #tpu.memory_space<vmem_shared>>
      %dma_start3A_169 = arith.constant 0 : i32
      %dma_start3A_170 = tpu.memref_slice %arg9[%add3A_13, %dma_start3A_169] : memref<10240x128xf32, #tpu.memory_space<vmem_shared>> -> memref<128x128xf32, #tpu.memory_space<vmem_shared>>
      %dma_start3A_171 = arith.constant 0 : i32
      %dma_start3A_172 = arith.constant 0 : i32
      %dma_start3A_173 = tpu.memref_slice %arg8[%run_scoped3A_14, %dma_start3A_171, %dma_start3A_172] : memref<2x128x128xf32, #tpu.memory_space<vmem>> -> memref<1x128x128xf32, #tpu.memory_space<vmem>>
      %dma_start3A_174 = tpu.memref_squeeze %dma_start3A_173 : memref<1x128x128xf32, #tpu.memory_space<vmem>> -> memref<128x128xf32, #tpu.memory_space<vmem>>
      tpu.enqueue_dma source(%dma_start3A_174 : memref<128x128xf32, #tpu.memory_space<vmem>>) target(%dma_start3A_170 : memref<128x128xf32, #tpu.memory_space<vmem_shared>>) target_semaphore(%run_scoped3A_162 : memref<!tpu.dma_semaphore, #tpu.memory_space<semaphore_mem>>)
      %dma_wait3A_175 = arith.constant 0 : i32
      %dma_wait3A_176 = arith.constant 0 : i32
      %dma_wait3A_177 = tpu.memref_slice %arg8[%run_scoped3A_14, %dma_wait3A_175, %dma_wait3A_176] : memref<2x128x128xf32, #tpu.memory_space<vmem>> -> memref<1x128x128xf32, #tpu.memory_space<vmem>>
      %dma_wait3A_178 = tpu.memref_squeeze %dma_wait3A_177 : memref<1x128x128xf32, #tpu.memory_space<vmem>> -> memref<128x128xf32, #tpu.memory_space<vmem>>
      %dma_wait3A_179 = arith.constant 0 : i32
      %dma_wait3A_180 = tpu.memref_slice %arg9[%add3A_13, %dma_wait3A_179] : memref<10240x128xf32, #tpu.memory_space<vmem_shared>> -> memref<128x128xf32, #tpu.memory_space<vmem_shared>>
      %dma_wait3A_181 = arith.constant 0 : i32
      %dma_wait3A_182 = tpu.memref_slice %arg9[%add3A_13, %dma_wait3A_181] : memref<10240x128xf32, #tpu.memory_space<vmem_shared>> -> memref<128x128xf32, #tpu.memory_space<vmem_shared>>
      %dma_wait3A_183 = arith.constant 0 : i32
      %dma_wait3A_184 = arith.constant 0 : i32
      %dma_wait3A_185 = tpu.memref_slice %arg8[%run_scoped3A_14, %dma_wait3A_183, %dma_wait3A_184] : memref<2x128x128xf32, #tpu.memory_space<vmem>> -> memref<1x128x128xf32, #tpu.memory_space<vmem>>
      %dma_wait3A_186 = tpu.memref_squeeze %dma_wait3A_185 : memref<1x128x128xf32, #tpu.memory_space<vmem>> -> memref<128x128xf32, #tpu.memory_space<vmem>>
      tpu.wait_dma2 semaphore(%run_scoped3A_162 : memref<!tpu.dma_semaphore, #tpu.memory_space<semaphore_mem>>) src(%dma_wait3A_186 : memref<128x128xf32, #tpu.memory_space<vmem>>) dst(%dma_wait3A_182 : memref<128x128xf32, #tpu.memory_space<vmem_shared>>)
      tpu.yield
    }) : () -> ()
    %add3A_15 = arith.constant 256 : i32
    %add3A_16 = arith.addi %mul3A_9, %add3A_15 : i32
    %run_scoped3A_17 = arith.constant 0 : i32
    "tpu.region"() ({
      %run_scoped3A_162 = tpu.sem_alloc : memref<!tpu.dma_semaphore, #tpu.memory_space<semaphore_mem>>
      %dma_start3A_163 = arith.constant 0 : i32
      %dma_start3A_164 = arith.constant 0 : i32
      %dma_start3A_165 = tpu.memref_slice %arg8[%run_scoped3A_17, %dma_start3A_163, %dma_start3A_164] : memref<2x128x128xf32, #tpu.memory_space<vmem>> -> memref<1x128x128xf32, #tpu.memory_space<vmem>>
      %dma_start3A_166 = tpu.memref_squeeze %dma_start3A_165 : memref<1x128x128xf32, #tpu.memory_space<vmem>> -> memref<128x128xf32, #tpu.memory_space<vmem>>
      %dma_start3A_167 = arith.constant 0 : i32
      %dma_start3A_168 = tpu.memref_slice %arg9[%add3A_16, %dma_start3A_167] : memref<10240x128xf32, #tpu.memory_space<vmem_shared>> -> memref<128x128xf32, #tpu.memory_space<vmem_shared>>
      %dma_start3A_169 = arith.constant 0 : i32
      %dma_start3A_170 = tpu.memref_slice %arg9[%add3A_16, %dma_start3A_169] : memref<10240x128xf32, #tpu.memory_space<vmem_shared>> -> memref<128x128xf32, #tpu.memory_space<vmem_shared>>
      %dma_start3A_171 = arith.constant 0 : i32
      %dma_start3A_172 = arith.constant 0 : i32
      %dma_start3A_173 = tpu.memref_slice %arg8[%run_scoped3A_17, %dma_start3A_171, %dma_start3A_172] : memref<2x128x128xf32, #tpu.memory_space<vmem>> -> memref<1x128x128xf32, #tpu.memory_space<vmem>>
      %dma_start3A_174 = tpu.memref_squeeze %dma_start3A_173 : memref<1x128x128xf32, #tpu.memory_space<vmem>> -> memref<128x128xf32, #tpu.memory_space<vmem>>
      tpu.enqueue_dma source(%dma_start3A_174 : memref<128x128xf32, #tpu.memory_space<vmem>>) target(%dma_start3A_170 : memref<128x128xf32, #tpu.memory_space<vmem_shared>>) target_semaphore(%run_scoped3A_162 : memref<!tpu.dma_semaphore, #tpu.memory_space<semaphore_mem>>)
      %dma_wait3A_175 = arith.constant 0 : i32
      %dma_wait3A_176 = arith.constant 0 : i32
      %dma_wait3A_177 = tpu.memref_slice %arg8[%run_scoped3A_17, %dma_wait3A_175, %dma_wait3A_176] : memref<2x128x128xf32, #tpu.memory_space<vmem>> -> memref<1x128x128xf32, #tpu.memory_space<vmem>>
      %dma_wait3A_178 = tpu.memref_squeeze %dma_wait3A_177 : memref<1x128x128xf32, #tpu.memory_space<vmem>> -> memref<128x128xf32, #tpu.memory_space<vmem>>
      %dma_wait3A_179 = arith.constant 0 : i32
      %dma_wait3A_180 = tpu.memref_slice %arg9[%add3A_16, %dma_wait3A_179] : memref<10240x128xf32, #tpu.memory_space<vmem_shared>> -> memref<128x128xf32, #tpu.memory_space<vmem_shared>>
      %dma_wait3A_181 = arith.constant 0 : i32
      %dma_wait3A_182 = tpu.memref_slice %arg9[%add3A_16, %dma_wait3A_181] : memref<10240x128xf32, #tpu.memory_space<vmem_shared>> -> memref<128x128xf32, #tpu.memory_space<vmem_shared>>
      %dma_wait3A_183 = arith.constant 0 : i32
      %dma_wait3A_184 = arith.constant 0 : i32
      %dma_wait3A_185 = tpu.memref_slice %arg8[%run_scoped3A_17, %dma_wait3A_183, %dma_wait3A_184] : memref<2x128x128xf32, #tpu.memory_space<vmem>> -> memref<1x128x128xf32, #tpu.memory_space<vmem>>
      %dma_wait3A_186 = tpu.memref_squeeze %dma_wait3A_185 : memref<1x128x128xf32, #tpu.memory_space<vmem>> -> memref<128x128xf32, #tpu.memory_space<vmem>>
      tpu.wait_dma2 semaphore(%run_scoped3A_162 : memref<!tpu.dma_semaphore, #tpu.memory_space<semaphore_mem>>) src(%dma_wait3A_186 : memref<128x128xf32, #tpu.memory_space<vmem>>) dst(%dma_wait3A_182 : memref<128x128xf32, #tpu.memory_space<vmem_shared>>)
      tpu.yield
    }) : () -> ()
    %add3A_18 = arith.constant 384 : i32
    %add3A_19 = arith.addi %mul3A_9, %add3A_18 : i32
    %run_scoped3A_20 = arith.constant 0 : i32
    "tpu.region"() ({
      %run_scoped3A_162 = tpu.sem_alloc : memref<!tpu.dma_semaphore, #tpu.memory_space<semaphore_mem>>
      %dma_start3A_163 = arith.constant 0 : i32
      %dma_start3A_164 = arith.constant 0 : i32
      %dma_start3A_165 = tpu.memref_slice %arg8[%run_scoped3A_20, %dma_start3A_163, %dma_start3A_164] : memref<2x128x128xf32, #tpu.memory_space<vmem>> -> memref<1x128x128xf32, #tpu.memory_space<vmem>>
      %dma_start3A_166 = tpu.memref_squeeze %dma_start3A_165 : memref<1x128x128xf32, #tpu.memory_space<vmem>> -> memref<128x128xf32, #tpu.memory_space<vmem>>
      %dma_start3A_167 = arith.constant 0 : i32
      %dma_start3A_168 = tpu.memref_slice %arg9[%add3A_19, %dma_start3A_167] : memref<10240x128xf32, #tpu.memory_space<vmem_shared>> -> memref<128x128xf32, #tpu.memory_space<vmem_shared>>
      %dma_start3A_169 = arith.constant 0 : i32
      %dma_start3A_170 = tpu.memref_slice %arg9[%add3A_19, %dma_start3A_169] : memref<10240x128xf32, #tpu.memory_space<vmem_shared>> -> memref<128x128xf32, #tpu.memory_space<vmem_shared>>
      %dma_start3A_171 = arith.constant 0 : i32
      %dma_start3A_172 = arith.constant 0 : i32
      %dma_start3A_173 = tpu.memref_slice %arg8[%run_scoped3A_20, %dma_start3A_171, %dma_start3A_172] : memref<2x128x128xf32, #tpu.memory_space<vmem>> -> memref<1x128x128xf32, #tpu.memory_space<vmem>>
      %dma_start3A_174 = tpu.memref_squeeze %dma_start3A_173 : memref<1x128x128xf32, #tpu.memory_space<vmem>> -> memref<128x128xf32, #tpu.memory_space<vmem>>
      tpu.enqueue_dma source(%dma_start3A_174 : memref<128x128xf32, #tpu.memory_space<vmem>>) target(%dma_start3A_170 : memref<128x128xf32, #tpu.memory_space<vmem_shared>>) target_semaphore(%run_scoped3A_162 : memref<!tpu.dma_semaphore, #tpu.memory_space<semaphore_mem>>)
      %dma_wait3A_175 = arith.constant 0 : i32
      %dma_wait3A_176 = arith.constant 0 : i32
      %dma_wait3A_177 = tpu.memref_slice %arg8[%run_scoped3A_20, %dma_wait3A_175, %dma_wait3A_176] : memref<2x128x128xf32, #tpu.memory_space<vmem>> -> memref<1x128x128xf32, #tpu.memory_space<vmem>>
      %dma_wait3A_178 = tpu.memref_squeeze %dma_wait3A_177 : memref<1x128x128xf32, #tpu.memory_space<vmem>> -> memref<128x128xf32, #tpu.memory_space<vmem>>
      %dma_wait3A_179 = arith.constant 0 : i32
      %dma_wait3A_180 = tpu.memref_slice %arg9[%add3A_19, %dma_wait3A_179] : memref<10240x128xf32, #tpu.memory_space<vmem_shared>> -> memref<128x128xf32, #tpu.memory_space<vmem_shared>>
      %dma_wait3A_181 = arith.constant 0 : i32
      %dma_wait3A_182 = tpu.memref_slice %arg9[%add3A_19, %dma_wait3A_181] : memref<10240x128xf32, #tpu.memory_space<vmem_shared>> -> memref<128x128xf32, #tpu.memory_space<vmem_shared>>
      %dma_wait3A_183 = arith.constant 0 : i32
      %dma_wait3A_184 = arith.constant 0 : i32
      %dma_wait3A_185 = tpu.memref_slice %arg8[%run_scoped3A_20, %dma_wait3A_183, %dma_wait3A_184] : memref<2x128x128xf32, #tpu.memory_space<vmem>> -> memref<1x128x128xf32, #tpu.memory_space<vmem>>
      %dma_wait3A_186 = tpu.memref_squeeze %dma_wait3A_185 : memref<1x128x128xf32, #tpu.memory_space<vmem>> -> memref<128x128xf32, #tpu.memory_space<vmem>>
      tpu.wait_dma2 semaphore(%run_scoped3A_162 : memref<!tpu.dma_semaphore, #tpu.memory_space<semaphore_mem>>) src(%dma_wait3A_186 : memref<128x128xf32, #tpu.memory_space<vmem>>) dst(%dma_wait3A_182 : memref<128x128xf32, #tpu.memory_space<vmem_shared>>)
      tpu.yield
    }) : () -> ()
    %add3A_21 = arith.constant 512 : i32
    %add3A_22 = arith.addi %mul3A_9, %add3A_21 : i32
    %run_scoped3A_23 = arith.constant 0 : i32
    "tpu.region"() ({
      %run_scoped3A_162 = tpu.sem_alloc : memref<!tpu.dma_semaphore, #tpu.memory_space<semaphore_mem>>
      %dma_start3A_163 = arith.constant 0 : i32
      %dma_start3A_164 = arith.constant 0 : i32
      %dma_start3A_165 = tpu.memref_slice %arg8[%run_scoped3A_23, %dma_start3A_163, %dma_start3A_164] : memref<2x128x128xf32, #tpu.memory_space<vmem>> -> memref<1x128x128xf32, #tpu.memory_space<vmem>>
      %dma_start3A_166 = tpu.memref_squeeze %dma_start3A_165 : memref<1x128x128xf32, #tpu.memory_space<vmem>> -> memref<128x128xf32, #tpu.memory_space<vmem>>
      %dma_start3A_167 = arith.constant 0 : i32
      %dma_start3A_168 = tpu.memref_slice %arg9[%add3A_22, %dma_start3A_167] : memref<10240x128xf32, #tpu.memory_space<vmem_shared>> -> memref<128x128xf32, #tpu.memory_space<vmem_shared>>
      %dma_start3A_169 = arith.constant 0 : i32
      %dma_start3A_170 = tpu.memref_slice %arg9[%add3A_22, %dma_start3A_169] : memref<10240x128xf32, #tpu.memory_space<vmem_shared>> -> memref<128x128xf32, #tpu.memory_space<vmem_shared>>
      %dma_start3A_171 = arith.constant 0 : i32
      %dma_start3A_172 = arith.constant 0 : i32
      %dma_start3A_173 = tpu.memref_slice %arg8[%run_scoped3A_23, %dma_start3A_171, %dma_start3A_172] : memref<2x128x128xf32, #tpu.memory_space<vmem>> -> memref<1x128x128xf32, #tpu.memory_space<vmem>>
      %dma_start3A_174 = tpu.memref_squeeze %dma_start3A_173 : memref<1x128x128xf32, #tpu.memory_space<vmem>> -> memref<128x128xf32, #tpu.memory_space<vmem>>
      tpu.enqueue_dma source(%dma_start3A_174 : memref<128x128xf32, #tpu.memory_space<vmem>>) target(%dma_start3A_170 : memref<128x128xf32, #tpu.memory_space<vmem_shared>>) target_semaphore(%run_scoped3A_162 : memref<!tpu.dma_semaphore, #tpu.memory_space<semaphore_mem>>)
      %dma_wait3A_175 = arith.constant 0 : i32
      %dma_wait3A_176 = arith.constant 0 : i32
      %dma_wait3A_177 = tpu.memref_slice %arg8[%run_scoped3A_23, %dma_wait3A_175, %dma_wait3A_176] : memref<2x128x128xf32, #tpu.memory_space<vmem>> -> memref<1x128x128xf32, #tpu.memory_space<vmem>>
      %dma_wait3A_178 = tpu.memref_squeeze %dma_wait3A_177 : memref<1x128x128xf32, #tpu.memory_space<vmem>> -> memref<128x128xf32, #tpu.memory_space<vmem>>
      %dma_wait3A_179 = arith.constant 0 : i32
      %dma_wait3A_180 = tpu.memref_slice %arg9[%add3A_22, %dma_wait3A_179] : memref<10240x128xf32, #tpu.memory_space<vmem_shared>> -> memref<128x128xf32, #tpu.memory_space<vmem_shared>>
      %dma_wait3A_181 = arith.constant 0 : i32
      %dma_wait3A_182 = tpu.memref_slice %arg9[%add3A_22, %dma_wait3A_181] : memref<10240x128xf32, #tpu.memory_space<vmem_shared>> -> memref<128x128xf32, #tpu.memory_space<vmem_shared>>
      %dma_wait3A_183 = arith.constant 0 : i32
      %dma_wait3A_184 = arith.constant 0 : i32
      %dma_wait3A_185 = tpu.memref_slice %arg8[%run_scoped3A_23, %dma_wait3A_183, %dma_wait3A_184] : memref<2x128x128xf32, #tpu.memory_space<vmem>> -> memref<1x128x128xf32, #tpu.memory_space<vmem>>
      %dma_wait3A_186 = tpu.memref_squeeze %dma_wait3A_185 : memref<1x128x128xf32, #tpu.memory_space<vmem>> -> memref<128x128xf32, #tpu.memory_space<vmem>>
      tpu.wait_dma2 semaphore(%run_scoped3A_162 : memref<!tpu.dma_semaphore, #tpu.memory_space<semaphore_mem>>) src(%dma_wait3A_186 : memref<128x128xf32, #tpu.memory_space<vmem>>) dst(%dma_wait3A_182 : memref<128x128xf32, #tpu.memory_space<vmem_shared>>)
      tpu.yield
    }) : () -> ()
    "tpu.region"() ({
      %run_scoped3A_162 = tpu.sem_alloc : memref<!tpu.dma_semaphore, #tpu.memory_space<semaphore_mem>>
      %dma_start3A_163 = arith.constant 0 : i32
      %dma_start3A_164 = arith.constant 0 : i32
      %dma_start3A_165 = tpu.memref_slice %arg4[%add3A, %dma_start3A_163, %dma_start3A_164] : memref<32x80x128xi32, #tpu.memory_space<hbm>> -> memref<1x80x128xi32, #tpu.memory_space<hbm>>
      %dma_start3A_166 = tpu.memref_squeeze %dma_start3A_165 : memref<1x80x128xi32, #tpu.memory_space<hbm>> -> memref<80x128xi32, #tpu.memory_space<hbm>>
      %dma_start3A_167 = arith.constant 0 : i32
      %dma_start3A_168 = arith.constant 0 : i32
      %dma_start3A_169 = tpu.memref_slice %arg4[%add3A, %dma_start3A_167, %dma_start3A_168] : memref<32x80x128xi32, #tpu.memory_space<hbm>> -> memref<1x80x128xi32, #tpu.memory_space<hbm>>
      %dma_start3A_170 = tpu.memref_squeeze %dma_start3A_169 : memref<1x80x128xi32, #tpu.memory_space<hbm>> -> memref<80x128xi32, #tpu.memory_space<hbm>>
      tpu.enqueue_dma source(%dma_start3A_170 : memref<80x128xi32, #tpu.memory_space<hbm>>) target(%arg7 : memref<80x128xi32, #tpu.memory_space<vmem>>) target_semaphore(%run_scoped3A_162 : memref<!tpu.dma_semaphore, #tpu.memory_space<semaphore_mem>>)
      %dma_wait3A_171 = arith.constant 0 : i32
      %dma_wait3A_172 = arith.constant 0 : i32
      %dma_wait3A_173 = tpu.memref_slice %arg4[%add3A, %dma_wait3A_171, %dma_wait3A_172] : memref<32x80x128xi32, #tpu.memory_space<hbm>> -> memref<1x80x128xi32, #tpu.memory_space<hbm>>
      %dma_wait3A_174 = tpu.memref_squeeze %dma_wait3A_173 : memref<1x80x128xi32, #tpu.memory_space<hbm>> -> memref<80x128xi32, #tpu.memory_space<hbm>>
      %dma_wait3A_175 = arith.constant 0 : i32
      %dma_wait3A_176 = arith.constant 0 : i32
      %dma_wait3A_177 = tpu.memref_slice %arg4[%add3A, %dma_wait3A_175, %dma_wait3A_176] : memref<32x80x128xi32, #tpu.memory_space<hbm>> -> memref<1x80x128xi32, #tpu.memory_space<hbm>>
      %dma_wait3A_178 = tpu.memref_squeeze %dma_wait3A_177 : memref<1x80x128xi32, #tpu.memory_space<hbm>> -> memref<80x128xi32, #tpu.memory_space<hbm>>
      tpu.wait_dma2 semaphore(%run_scoped3A_162 : memref<!tpu.dma_semaphore, #tpu.memory_space<semaphore_mem>>) src(%dma_wait3A_178 : memref<80x128xi32, #tpu.memory_space<hbm>>) dst(%arg7 : memref<80x128xi32, #tpu.memory_space<vmem>>)
      tpu.yield
    }) : () -> ()
    %dma_start3A = arith.constant 0 : i32
    %dma_start3A_24 = arith.constant 0 : i32
    %dma_start3A_25 = arith.constant 0 : i32
    %dma_start3A_26 = arith.constant 0 : i32
    %dma_start3A_27 = tpu.memref_slice %arg6[%dma_start3A_24, %dma_start3A_26] : memref<4x128xi32, #tpu.memory_space<vmem>> -> memref<1x128xi32, #tpu.memory_space<vmem>>
    %dma_start3A_28 = tpu.memref_squeeze %dma_start3A_27 : memref<1x128xi32, #tpu.memory_space<vmem>> -> memref<128xi32, #tpu.memory_space<vmem>>
    %dma_start3A_29 = arith.constant 0 : i32
    %dma_start3A_30 = tpu.memref_slice %arg3[%add3A, %dma_start3A, %dma_start3A_29] : memref<32x80x128xi32, #tpu.memory_space<hbm>> -> memref<1x1x128xi32, #tpu.memory_space<hbm>>
    %dma_start3A_31 = tpu.memref_squeeze %dma_start3A_30 : memref<1x1x128xi32, #tpu.memory_space<hbm>> -> memref<128xi32, #tpu.memory_space<hbm>>
    %dma_start3A_32 = tpu.memref_slice %arg11[%dma_start3A_25] : memref<4x!tpu.dma_semaphore, #tpu.memory_space<semaphore_mem>> -> memref<1x!tpu.dma_semaphore, #tpu.memory_space<semaphore_mem>>
    %dma_start3A_33 = tpu.memref_squeeze %dma_start3A_32 : memref<1x!tpu.dma_semaphore, #tpu.memory_space<semaphore_mem>> -> memref<!tpu.dma_semaphore, #tpu.memory_space<semaphore_mem>>
    %dma_start3A_34 = arith.constant 0 : i32
    %dma_start3A_35 = tpu.memref_slice %arg6[%dma_start3A_24, %dma_start3A_34] : memref<4x128xi32, #tpu.memory_space<vmem>> -> memref<1x128xi32, #tpu.memory_space<vmem>>
    %dma_start3A_36 = tpu.memref_squeeze %dma_start3A_35 : memref<1x128xi32, #tpu.memory_space<vmem>> -> memref<128xi32, #tpu.memory_space<vmem>>
    %dma_start3A_37 = arith.constant 0 : i32
    %dma_start3A_38 = tpu.memref_slice %arg3[%add3A, %dma_start3A, %dma_start3A_37] : memref<32x80x128xi32, #tpu.memory_space<hbm>> -> memref<1x1x128xi32, #tpu.memory_space<hbm>>
    %dma_start3A_39 = tpu.memref_squeeze %dma_start3A_38 : memref<1x1x128xi32, #tpu.memory_space<hbm>> -> memref<128xi32, #tpu.memory_space<hbm>>
    tpu.enqueue_dma source(%dma_start3A_39 : memref<128xi32, #tpu.memory_space<hbm>>) target(%dma_start3A_36 : memref<128xi32, #tpu.memory_space<vmem>>) target_semaphore(%dma_start3A_33 : memref<!tpu.dma_semaphore, #tpu.memory_space<semaphore_mem>>)
    %dma_start3A_40 = arith.constant 1 : i32
    %dma_start3A_41 = arith.constant 1 : i32
    %dma_start3A_42 = arith.constant 1 : i32
    %dma_start3A_43 = arith.constant 0 : i32
    %dma_start3A_44 = tpu.memref_slice %arg6[%dma_start3A_41, %dma_start3A_43] : memref<4x128xi32, #tpu.memory_space<vmem>> -> memref<1x128xi32, #tpu.memory_space<vmem>>
    %dma_start3A_45 = tpu.memref_squeeze %dma_start3A_44 : memref<1x128xi32, #tpu.memory_space<vmem>> -> memref<128xi32, #tpu.memory_space<vmem>>
    %dma_start3A_46 = arith.constant 0 : i32
    %dma_start3A_47 = tpu.memref_slice %arg3[%add3A, %dma_start3A_40, %dma_start3A_46] : memref<32x80x128xi32, #tpu.memory_space<hbm>> -> memref<1x1x128xi32, #tpu.memory_space<hbm>>
    %dma_start3A_48 = tpu.memref_squeeze %dma_start3A_47 : memref<1x1x128xi32, #tpu.memory_space<hbm>> -> memref<128xi32, #tpu.memory_space<hbm>>
    %dma_start3A_49 = tpu.memref_slice %arg11[%dma_start3A_42] : memref<4x!tpu.dma_semaphore, #tpu.memory_space<semaphore_mem>> -> memref<1x!tpu.dma_semaphore, #tpu.memory_space<semaphore_mem>>
    %dma_start3A_50 = tpu.memref_squeeze %dma_start3A_49 : memref<1x!tpu.dma_semaphore, #tpu.memory_space<semaphore_mem>> -> memref<!tpu.dma_semaphore, #tpu.memory_space<semaphore_mem>>
    %dma_start3A_51 = arith.constant 0 : i32
    %dma_start3A_52 = tpu.memref_slice %arg6[%dma_start3A_41, %dma_start3A_51] : memref<4x128xi32, #tpu.memory_space<vmem>> -> memref<1x128xi32, #tpu.memory_space<vmem>>
    %dma_start3A_53 = tpu.memref_squeeze %dma_start3A_52 : memref<1x128xi32, #tpu.memory_space<vmem>> -> memref<128xi32, #tpu.memory_space<vmem>>
    %dma_start3A_54 = arith.constant 0 : i32
    %dma_start3A_55 = tpu.memref_slice %arg3[%add3A, %dma_start3A_40, %dma_start3A_54] : memref<32x80x128xi32, #tpu.memory_space<hbm>> -> memref<1x1x128xi32, #tpu.memory_space<hbm>>
    %dma_start3A_56 = tpu.memref_squeeze %dma_start3A_55 : memref<1x1x128xi32, #tpu.memory_space<hbm>> -> memref<128xi32, #tpu.memory_space<hbm>>
    tpu.enqueue_dma source(%dma_start3A_56 : memref<128xi32, #tpu.memory_space<hbm>>) target(%dma_start3A_53 : memref<128xi32, #tpu.memory_space<vmem>>) target_semaphore(%dma_start3A_50 : memref<!tpu.dma_semaphore, #tpu.memory_space<semaphore_mem>>)
    %dma_start3A_57 = arith.constant 2 : i32
    %dma_start3A_58 = arith.constant 2 : i32
    %dma_start3A_59 = arith.constant 2 : i32
    %dma_start3A_60 = arith.constant 0 : i32
    %dma_start3A_61 = tpu.memref_slice %arg6[%dma_start3A_58, %dma_start3A_60] : memref<4x128xi32, #tpu.memory_space<vmem>> -> memref<1x128xi32, #tpu.memory_space<vmem>>
    %dma_start3A_62 = tpu.memref_squeeze %dma_start3A_61 : memref<1x128xi32, #tpu.memory_space<vmem>> -> memref<128xi32, #tpu.memory_space<vmem>>
    %dma_start3A_63 = arith.constant 0 : i32
    %dma_start3A_64 = tpu.memref_slice %arg3[%add3A, %dma_start3A_57, %dma_start3A_63] : memref<32x80x128xi32, #tpu.memory_space<hbm>> -> memref<1x1x128xi32, #tpu.memory_space<hbm>>
    %dma_start3A_65 = tpu.memref_squeeze %dma_start3A_64 : memref<1x1x128xi32, #tpu.memory_space<hbm>> -> memref<128xi32, #tpu.memory_space<hbm>>
    %dma_start3A_66 = tpu.memref_slice %arg11[%dma_start3A_59] : memref<4x!tpu.dma_semaphore, #tpu.memory_space<semaphore_mem>> -> memref<1x!tpu.dma_semaphore, #tpu.memory_space<semaphore_mem>>
    %dma_start3A_67 = tpu.memref_squeeze %dma_start3A_66 : memref<1x!tpu.dma_semaphore, #tpu.memory_space<semaphore_mem>> -> memref<!tpu.dma_semaphore, #tpu.memory_space<semaphore_mem>>
    %dma_start3A_68 = arith.constant 0 : i32
    %dma_start3A_69 = tpu.memref_slice %arg6[%dma_start3A_58, %dma_start3A_68] : memref<4x128xi32, #tpu.memory_space<vmem>> -> memref<1x128xi32, #tpu.memory_space<vmem>>
    %dma_start3A_70 = tpu.memref_squeeze %dma_start3A_69 : memref<1x128xi32, #tpu.memory_space<vmem>> -> memref<128xi32, #tpu.memory_space<vmem>>
    %dma_start3A_71 = arith.constant 0 : i32
    %dma_start3A_72 = tpu.memref_slice %arg3[%add3A, %dma_start3A_57, %dma_start3A_71] : memref<32x80x128xi32, #tpu.memory_space<hbm>> -> memref<1x1x128xi32, #tpu.memory_space<hbm>>
    %dma_start3A_73 = tpu.memref_squeeze %dma_start3A_72 : memref<1x1x128xi32, #tpu.memory_space<hbm>> -> memref<128xi32, #tpu.memory_space<hbm>>
    tpu.enqueue_dma source(%dma_start3A_73 : memref<128xi32, #tpu.memory_space<hbm>>) target(%dma_start3A_70 : memref<128xi32, #tpu.memory_space<vmem>>) target_semaphore(%dma_start3A_67 : memref<!tpu.dma_semaphore, #tpu.memory_space<semaphore_mem>>)
    %dma_start3A_74 = arith.constant 3 : i32
    %dma_start3A_75 = arith.constant 3 : i32
    %dma_start3A_76 = arith.constant 3 : i32
    %dma_start3A_77 = arith.constant 0 : i32
    %dma_start3A_78 = tpu.memref_slice %arg6[%dma_start3A_75, %dma_start3A_77] : memref<4x128xi32, #tpu.memory_space<vmem>> -> memref<1x128xi32, #tpu.memory_space<vmem>>
    %dma_start3A_79 = tpu.memref_squeeze %dma_start3A_78 : memref<1x128xi32, #tpu.memory_space<vmem>> -> memref<128xi32, #tpu.memory_space<vmem>>
    %dma_start3A_80 = arith.constant 0 : i32
    %dma_start3A_81 = tpu.memref_slice %arg3[%add3A, %dma_start3A_74, %dma_start3A_80] : memref<32x80x128xi32, #tpu.memory_space<hbm>> -> memref<1x1x128xi32, #tpu.memory_space<hbm>>
    %dma_start3A_82 = tpu.memref_squeeze %dma_start3A_81 : memref<1x1x128xi32, #tpu.memory_space<hbm>> -> memref<128xi32, #tpu.memory_space<hbm>>
    %dma_start3A_83 = tpu.memref_slice %arg11[%dma_start3A_76] : memref<4x!tpu.dma_semaphore, #tpu.memory_space<semaphore_mem>> -> memref<1x!tpu.dma_semaphore, #tpu.memory_space<semaphore_mem>>
    %dma_start3A_84 = tpu.memref_squeeze %dma_start3A_83 : memref<1x!tpu.dma_semaphore, #tpu.memory_space<semaphore_mem>> -> memref<!tpu.dma_semaphore, #tpu.memory_space<semaphore_mem>>
    %dma_start3A_85 = arith.constant 0 : i32
    %dma_start3A_86 = tpu.memref_slice %arg6[%dma_start3A_75, %dma_start3A_85] : memref<4x128xi32, #tpu.memory_space<vmem>> -> memref<1x128xi32, #tpu.memory_space<vmem>>
    %dma_start3A_87 = tpu.memref_squeeze %dma_start3A_86 : memref<1x128xi32, #tpu.memory_space<vmem>> -> memref<128xi32, #tpu.memory_space<vmem>>
    %dma_start3A_88 = arith.constant 0 : i32
    %dma_start3A_89 = tpu.memref_slice %arg3[%add3A, %dma_start3A_74, %dma_start3A_88] : memref<32x80x128xi32, #tpu.memory_space<hbm>> -> memref<1x1x128xi32, #tpu.memory_space<hbm>>
    %dma_start3A_90 = tpu.memref_squeeze %dma_start3A_89 : memref<1x1x128xi32, #tpu.memory_space<hbm>> -> memref<128xi32, #tpu.memory_space<hbm>>
    tpu.enqueue_dma source(%dma_start3A_90 : memref<128xi32, #tpu.memory_space<hbm>>) target(%dma_start3A_87 : memref<128xi32, #tpu.memory_space<vmem>>) target_semaphore(%dma_start3A_84 : memref<!tpu.dma_semaphore, #tpu.memory_space<semaphore_mem>>)
    %barrier3A = arith.constant 0 : index
    tpu.barrier barrier_id(%barrier3A)
    %dma_wait3A = arith.constant 0 : i32
    %dma_wait3A_91 = arith.constant 0 : i32
    %dma_wait3A_92 = arith.constant 0 : i32
    %dma_wait3A_93 = arith.constant 0 : i32
    %dma_wait3A_94 = tpu.memref_slice %arg6[%dma_wait3A_91, %dma_wait3A_93] : memref<4x128xi32, #tpu.memory_space<vmem>> -> memref<1x128xi32, #tpu.memory_space<vmem>>
    %dma_wait3A_95 = tpu.memref_squeeze %dma_wait3A_94 : memref<1x128xi32, #tpu.memory_space<vmem>> -> memref<128xi32, #tpu.memory_space<vmem>>
    %dma_wait3A_96 = arith.constant 0 : i32
    %dma_wait3A_97 = tpu.memref_slice %arg3[%add3A, %dma_wait3A, %dma_wait3A_96] : memref<32x80x128xi32, #tpu.memory_space<hbm>> -> memref<1x1x128xi32, #tpu.memory_space<hbm>>
    %dma_wait3A_98 = tpu.memref_squeeze %dma_wait3A_97 : memref<1x1x128xi32, #tpu.memory_space<hbm>> -> memref<128xi32, #tpu.memory_space<hbm>>
    %dma_wait3A_99 = tpu.memref_slice %arg11[%dma_wait3A_92] : memref<4x!tpu.dma_semaphore, #tpu.memory_space<semaphore_mem>> -> memref<1x!tpu.dma_semaphore, #tpu.memory_space<semaphore_mem>>
    %dma_wait3A_100 = tpu.memref_squeeze %dma_wait3A_99 : memref<1x!tpu.dma_semaphore, #tpu.memory_space<semaphore_mem>> -> memref<!tpu.dma_semaphore, #tpu.memory_space<semaphore_mem>>
    %dma_wait3A_101 = arith.constant 0 : i32
    %dma_wait3A_102 = tpu.memref_slice %arg6[%dma_wait3A_91, %dma_wait3A_101] : memref<4x128xi32, #tpu.memory_space<vmem>> -> memref<1x128xi32, #tpu.memory_space<vmem>>
    %dma_wait3A_103 = tpu.memref_squeeze %dma_wait3A_102 : memref<1x128xi32, #tpu.memory_space<vmem>> -> memref<128xi32, #tpu.memory_space<vmem>>
    %dma_wait3A_104 = arith.constant 0 : i32
    %dma_wait3A_105 = tpu.memref_slice %arg3[%add3A, %dma_wait3A, %dma_wait3A_104] : memref<32x80x128xi32, #tpu.memory_space<hbm>> -> memref<1x1x128xi32, #tpu.memory_space<hbm>>
    %dma_wait3A_106 = tpu.memref_squeeze %dma_wait3A_105 : memref<1x1x128xi32, #tpu.memory_space<hbm>> -> memref<128xi32, #tpu.memory_space<hbm>>
    tpu.wait_dma2 semaphore(%dma_wait3A_100 : memref<!tpu.dma_semaphore, #tpu.memory_space<semaphore_mem>>) src(%dma_wait3A_106 : memref<128xi32, #tpu.memory_space<hbm>>) dst(%dma_wait3A_103 : memref<128xi32, #tpu.memory_space<vmem>>)
    %dma_start3A_107 = arith.constant 0 : i32
    %dma_start3A_108 = arith.constant 0 : i32
    %dma_start3A_109 = arith.constant 0 : i32
    %dma_start3A_110 = arith.constant 0 : i32
    %dma_start3A_111 = arith.constant 0 : i32
    %dma_start3A_112 = tpu.memref_slice %arg8[%dma_start3A_108, %dma_start3A_110, %dma_start3A_111] : memref<2x128x128xf32, #tpu.memory_space<vmem>> -> memref<1x128x128xf32, #tpu.memory_space<vmem>>
    %dma_start3A_113 = tpu.memref_squeeze %dma_start3A_112 : memref<1x128x128xf32, #tpu.memory_space<vmem>> -> memref<128x128xf32, #tpu.memory_space<vmem>>
    %dma_start3A_114 = arith.constant 0 : i32
    %dma_start3A_115 = tpu.memref_slice %arg6[%dma_start3A_107, %dma_start3A_114] : memref<4x128xi32, #tpu.memory_space<vmem>> -> memref<1x128xi32, #tpu.memory_space<vmem>>
    %dma_start3A_116 = tpu.memref_squeeze %dma_start3A_115 : memref<1x128xi32, #tpu.memory_space<vmem>> -> memref<128xi32, #tpu.memory_space<vmem>>
    %dma_start3A_117 = arith.constant 0 : i32
    %dma_start3A_118 = arith.constant 0 : i32
    %dma_start3A_119 = tpu.memref_slice %arg2[%dma_start3A_117, %dma_start3A_118] : memref<10000x128xf32, #tpu.memory_space<hbm>> -> memref<10000x128xf32, #tpu.memory_space<hbm>>
    %dma_start3A_120 = tpu.memref_slice %arg10[%dma_start3A_109] : memref<2x!tpu.dma_semaphore, #tpu.memory_space<semaphore_mem>> -> memref<1x!tpu.dma_semaphore, #tpu.memory_space<semaphore_mem>>
    %dma_start3A_121 = tpu.memref_squeeze %dma_start3A_120 : memref<1x!tpu.dma_semaphore, #tpu.memory_space<semaphore_mem>> -> memref<!tpu.dma_semaphore, #tpu.memory_space<semaphore_mem>>
    tpu.enqueue_indirect_dma source(%dma_start3A_119 : memref<10000x128xf32, #tpu.memory_space<hbm>>) target(%dma_start3A_113 : memref<128x128xf32, #tpu.memory_space<vmem>>) offsets(%dma_start3A_116 : memref<128xi32, #tpu.memory_space<vmem>>) semaphore(%dma_start3A_121 : memref<!tpu.dma_semaphore, #tpu.memory_space<semaphore_mem>>)
    %dma_wait3A_122 = arith.constant 1 : i32
    %dma_wait3A_123 = arith.constant 1 : i32
    %dma_wait3A_124 = arith.constant 1 : i32
    %dma_wait3A_125 = arith.constant 0 : i32
    %dma_wait3A_126 = tpu.memref_slice %arg6[%dma_wait3A_123, %dma_wait3A_125] : memref<4x128xi32, #tpu.memory_space<vmem>> -> memref<1x128xi32, #tpu.memory_space<vmem>>
    %dma_wait3A_127 = tpu.memref_squeeze %dma_wait3A_126 : memref<1x128xi32, #tpu.memory_space<vmem>> -> memref<128xi32, #tpu.memory_space<vmem>>
    %dma_wait3A_128 = arith.constant 0 : i32
    %dma_wait3A_129 = tpu.memref_slice %arg3[%add3A, %dma_wait3A_122, %dma_wait3A_128] : memref<32x80x128xi32, #tpu.memory_space<hbm>> -> memref<1x1x128xi32, #tpu.memory_space<hbm>>
    %dma_wait3A_130 = tpu.memref_squeeze %dma_wait3A_129 : memref<1x1x128xi32, #tpu.memory_space<hbm>> -> memref<128xi32, #tpu.memory_space<hbm>>
    %dma_wait3A_131 = tpu.memref_slice %arg11[%dma_wait3A_124] : memref<4x!tpu.dma_semaphore, #tpu.memory_space<semaphore_mem>> -> memref<1x!tpu.dma_semaphore, #tpu.memory_space<semaphore_mem>>
    %dma_wait3A_132 = tpu.memref_squeeze %dma_wait3A_131 : memref<1x!tpu.dma_semaphore, #tpu.memory_space<semaphore_mem>> -> memref<!tpu.dma_semaphore, #tpu.memory_space<semaphore_mem>>
    %dma_wait3A_133 = arith.constant 0 : i32
    %dma_wait3A_134 = tpu.memref_slice %arg6[%dma_wait3A_123, %dma_wait3A_133] : memref<4x128xi32, #tpu.memory_space<vmem>> -> memref<1x128xi32, #tpu.memory_space<vmem>>
    %dma_wait3A_135 = tpu.memref_squeeze %dma_wait3A_134 : memref<1x128xi32, #tpu.memory_space<vmem>> -> memref<128xi32, #tpu.memory_space<vmem>>
    %dma_wait3A_136 = arith.constant 0 : i32
    %dma_wait3A_137 = tpu.memref_slice %arg3[%add3A, %dma_wait3A_122, %dma_wait3A_136] : memref<32x80x128xi32, #tpu.memory_space<hbm>> -> memref<1x1x128xi32, #tpu.memory_space<hbm>>
    %dma_wait3A_138 = tpu.memref_squeeze %dma_wait3A_137 : memref<1x1x128xi32, #tpu.memory_space<hbm>> -> memref<128xi32, #tpu.memory_space<hbm>>
    tpu.wait_dma2 semaphore(%dma_wait3A_132 : memref<!tpu.dma_semaphore, #tpu.memory_space<semaphore_mem>>) src(%dma_wait3A_138 : memref<128xi32, #tpu.memory_space<hbm>>) dst(%dma_wait3A_135 : memref<128xi32, #tpu.memory_space<vmem>>)
    %dma_start3A_139 = arith.constant 1 : i32
    %dma_start3A_140 = arith.constant 1 : i32
    %dma_start3A_141 = arith.constant 1 : i32
    %dma_start3A_142 = arith.constant 0 : i32
    %dma_start3A_143 = arith.constant 0 : i32
    %dma_start3A_144 = tpu.memref_slice %arg8[%dma_start3A_140, %dma_start3A_142, %dma_start3A_143] : memref<2x128x128xf32, #tpu.memory_space<vmem>> -> memref<1x128x128xf32, #tpu.memory_space<vmem>>
    %dma_start3A_145 = tpu.memref_squeeze %dma_start3A_144 : memref<1x128x128xf32, #tpu.memory_space<vmem>> -> memref<128x128xf32, #tpu.memory_space<vmem>>
    %dma_start3A_146 = arith.constant 0 : i32
    %dma_start3A_147 = tpu.memref_slice %arg6[%dma_start3A_139, %dma_start3A_146] : memref<4x128xi32, #tpu.memory_space<vmem>> -> memref<1x128xi32, #tpu.memory_space<vmem>>
    %dma_start3A_148 = tpu.memref_squeeze %dma_start3A_147 : memref<1x128xi32, #tpu.memory_space<vmem>> -> memref<128xi32, #tpu.memory_space<vmem>>
    %dma_start3A_149 = arith.constant 0 : i32
    %dma_start3A_150 = arith.constant 0 : i32
    %dma_start3A_151 = tpu.memref_slice %arg2[%dma_start3A_149, %dma_start3A_150] : memref<10000x128xf32, #tpu.memory_space<hbm>> -> memref<10000x128xf32, #tpu.memory_space<hbm>>
    %dma_start3A_152 = tpu.memref_slice %arg10[%dma_start3A_141] : memref<2x!tpu.dma_semaphore, #tpu.memory_space<semaphore_mem>> -> memref<1x!tpu.dma_semaphore, #tpu.memory_space<semaphore_mem>>
    %dma_start3A_153 = tpu.memref_squeeze %dma_start3A_152 : memref<1x!tpu.dma_semaphore, #tpu.memory_space<semaphore_mem>> -> memref<!tpu.dma_semaphore, #tpu.memory_space<semaphore_mem>>
    tpu.enqueue_indirect_dma source(%dma_start3A_151 : memref<10000x128xf32, #tpu.memory_space<hbm>>) target(%dma_start3A_145 : memref<128x128xf32, #tpu.memory_space<vmem>>) offsets(%dma_start3A_148 : memref<128xi32, #tpu.memory_space<vmem>>) semaphore(%dma_start3A_153 : memref<!tpu.dma_semaphore, #tpu.memory_space<semaphore_mem>>)
    %scan3A_154 = arith.constant 0 : i32
    %scan3A_155 = arith.constant 0 : i32
    %scan3A_156 = arith.constant 20 : i32
    %scan3A_157 = arith.addi %scan3A_155, %scan3A_156 : i32
    %scan3A_158 = arith.constant 1 : i32
    %scan3A_159 = scf.for %scan3A_162 = %scan3A_155 to %scan3A_157 step %scan3A_158 iter_args(%scan3A_163 = %scan3A_154) -> (i32)  : i32 {
      %mul3A_164 = arith.constant 4 : i32
      %mul3A_165 = arith.muli %scan3A_162, %mul3A_164 : i32
      %add3A_166 = arith.constant 0 : i32
      %add3A_167 = arith.addi %mul3A_165, %add3A_166 : i32
      %dma_wait3A_168 = arith.constant 0 : i32
      %dma_wait3A_169 = arith.constant 0 : i32
      %dma_wait3A_170 = arith.constant 0 : i32
      %dma_wait3A_171 = arith.constant 0 : i32
      %dma_wait3A_172 = arith.constant 0 : i32
      %dma_wait3A_173 = tpu.memref_slice %arg8[%dma_wait3A_169, %dma_wait3A_171, %dma_wait3A_172] : memref<2x128x128xf32, #tpu.memory_space<vmem>> -> memref<1x128x128xf32, #tpu.memory_space<vmem>>
      %dma_wait3A_174 = tpu.memref_squeeze %dma_wait3A_173 : memref<1x128x128xf32, #tpu.memory_space<vmem>> -> memref<128x128xf32, #tpu.memory_space<vmem>>
      %dma_wait3A_175 = arith.constant 0 : i32
      %dma_wait3A_176 = tpu.memref_slice %arg6[%dma_wait3A_168, %dma_wait3A_175] : memref<4x128xi32, #tpu.memory_space<vmem>> -> memref<1x128xi32, #tpu.memory_space<vmem>>
      %dma_wait3A_177 = tpu.memref_squeeze %dma_wait3A_176 : memref<1x128xi32, #tpu.memory_space<vmem>> -> memref<128xi32, #tpu.memory_space<vmem>>
      %dma_wait3A_178 = arith.constant 0 : i32
      %dma_wait3A_179 = arith.constant 0 : i32
      %dma_wait3A_180 = tpu.memref_slice %arg2[%dma_wait3A_178, %dma_wait3A_179] : memref<10000x128xf32, #tpu.memory_space<hbm>> -> memref<10000x128xf32, #tpu.memory_space<hbm>>
      %dma_wait3A_181 = tpu.memref_slice %arg10[%dma_wait3A_170] : memref<2x!tpu.dma_semaphore, #tpu.memory_space<semaphore_mem>> -> memref<1x!tpu.dma_semaphore, #tpu.memory_space<semaphore_mem>>
      %dma_wait3A_182 = tpu.memref_squeeze %dma_wait3A_181 : memref<1x!tpu.dma_semaphore, #tpu.memory_space<semaphore_mem>> -> memref<!tpu.dma_semaphore, #tpu.memory_space<semaphore_mem>>
      tpu.wait_indirect_dma semaphore(%dma_wait3A_182 : memref<!tpu.dma_semaphore, #tpu.memory_space<semaphore_mem>>) src(%dma_wait3A_180 : memref<10000x128xf32, #tpu.memory_space<hbm>>) dst(%dma_wait3A_174 : memref<128x128xf32, #tpu.memory_space<vmem>>)
      %run_scoped3A_183 = arith.constant 0 : i32
      "tpu.region"() ({
        %run_scoped3A_290 = tpu.sem_alloc : memref<!tpu.dma_semaphore, #tpu.memory_space<semaphore_mem>>
        %dma_start3A_291 = arith.constant 0 : i32
        %dma_start3A_292 = arith.constant 0 : i32
        %dma_start3A_293 = tpu.memref_slice %arg8[%run_scoped3A_183, %dma_start3A_291, %dma_start3A_292] : memref<2x128x128xf32, #tpu.memory_space<vmem>> -> memref<1x128x128xf32, #tpu.memory_space<vmem>>
        %dma_start3A_294 = tpu.memref_squeeze %dma_start3A_293 : memref<1x128x128xf32, #tpu.memory_space<vmem>> -> memref<128x128xf32, #tpu.memory_space<vmem>>
        %dma_start3A_295 = arith.constant 0 : i32
        %dma_start3A_296 = tpu.memref_slice %arg7[%add3A_167, %dma_start3A_295] : memref<80x128xi32, #tpu.memory_space<vmem>> -> memref<1x128xi32, #tpu.memory_space<vmem>>
        %dma_start3A_297 = tpu.memref_squeeze %dma_start3A_296 : memref<1x128xi32, #tpu.memory_space<vmem>> -> memref<128xi32, #tpu.memory_space<vmem>>
        %dma_start3A_298 = arith.constant 0 : i32
        %dma_start3A_299 = arith.constant 0 : i32
        %dma_start3A_300 = tpu.memref_slice %arg9[%dma_start3A_298, %dma_start3A_299] : memref<10240x128xf32, #tpu.memory_space<vmem_shared>> -> memref<10240x128xf32, #tpu.memory_space<vmem_shared>>
        tpu.enqueue_indirect_dma source(%dma_start3A_294 : memref<128x128xf32, #tpu.memory_space<vmem>>) target(%dma_start3A_300 : memref<10240x128xf32, #tpu.memory_space<vmem_shared>>) offsets(%dma_start3A_297 : memref<128xi32, #tpu.memory_space<vmem>>) semaphore(%run_scoped3A_290 : memref<!tpu.dma_semaphore, #tpu.memory_space<semaphore_mem>>) {add = true}
        %dma_wait3A_301 = arith.constant 0 : i32
        %dma_wait3A_302 = arith.constant 0 : i32
        %dma_wait3A_303 = tpu.memref_slice %arg8[%run_scoped3A_183, %dma_wait3A_301, %dma_wait3A_302] : memref<2x128x128xf32, #tpu.memory_space<vmem>> -> memref<1x128x128xf32, #tpu.memory_space<vmem>>
        %dma_wait3A_304 = tpu.memref_squeeze %dma_wait3A_303 : memref<1x128x128xf32, #tpu.memory_space<vmem>> -> memref<128x128xf32, #tpu.memory_space<vmem>>
        %dma_wait3A_305 = arith.constant 0 : i32
        %dma_wait3A_306 = tpu.memref_slice %arg7[%add3A_167, %dma_wait3A_305] : memref<80x128xi32, #tpu.memory_space<vmem>> -> memref<1x128xi32, #tpu.memory_space<vmem>>
        %dma_wait3A_307 = tpu.memref_squeeze %dma_wait3A_306 : memref<1x128xi32, #tpu.memory_space<vmem>> -> memref<128xi32, #tpu.memory_space<vmem>>
        %dma_wait3A_308 = arith.constant 0 : i32
        %dma_wait3A_309 = arith.constant 0 : i32
        %dma_wait3A_310 = tpu.memref_slice %arg9[%dma_wait3A_308, %dma_wait3A_309] : memref<10240x128xf32, #tpu.memory_space<vmem_shared>> -> memref<10240x128xf32, #tpu.memory_space<vmem_shared>>
        tpu.wait_indirect_dma semaphore(%run_scoped3A_290 : memref<!tpu.dma_semaphore, #tpu.memory_space<semaphore_mem>>) src(%dma_wait3A_304 : memref<128x128xf32, #tpu.memory_space<vmem>>) dst(%dma_wait3A_310 : memref<10240x128xf32, #tpu.memory_space<vmem_shared>>)
        tpu.yield
      }) : () -> ()
      %lt3A = arith.constant 19 : i32
      %lt3A_184 = arith.cmpi slt, %scan3A_162, %lt3A : i32
      %convert_element_type3A = arith.extui %lt3A_184 : i1 to i32
      %cond3A = arith.constant 0 : i32
      %cond3A_185 = arith.cmpi ne, %convert_element_type3A, %cond3A : i32
      scf.if %cond3A_185 {
        %add3A_290 = arith.constant 4 : i32
        %add3A_291 = arith.addi %add3A_167, %add3A_290 : i32
        %dma_start3A_292 = arith.constant 0 : i32
        %dma_start3A_293 = arith.constant 0 : i32
        %dma_start3A_294 = arith.constant 0 : i32
        %dma_start3A_295 = tpu.memref_slice %arg6[%dma_start3A_292, %dma_start3A_294] : memref<4x128xi32, #tpu.memory_space<vmem>> -> memref<1x128xi32, #tpu.memory_space<vmem>>
        %dma_start3A_296 = tpu.memref_squeeze %dma_start3A_295 : memref<1x128xi32, #tpu.memory_space<vmem>> -> memref<128xi32, #tpu.memory_space<vmem>>
        %dma_start3A_297 = arith.constant 0 : i32
        %dma_start3A_298 = tpu.memref_slice %arg3[%add3A, %add3A_291, %dma_start3A_297] : memref<32x80x128xi32, #tpu.memory_space<hbm>> -> memref<1x1x128xi32, #tpu.memory_space<hbm>>
        %dma_start3A_299 = tpu.memref_squeeze %dma_start3A_298 : memref<1x1x128xi32, #tpu.memory_space<hbm>> -> memref<128xi32, #tpu.memory_space<hbm>>
        %dma_start3A_300 = tpu.memref_slice %arg11[%dma_start3A_293] : memref<4x!tpu.dma_semaphore, #tpu.memory_space<semaphore_mem>> -> memref<1x!tpu.dma_semaphore, #tpu.memory_space<semaphore_mem>>
        %dma_start3A_301 = tpu.memref_squeeze %dma_start3A_300 : memref<1x!tpu.dma_semaphore, #tpu.memory_space<semaphore_mem>> -> memref<!tpu.dma_semaphore, #tpu.memory_space<semaphore_mem>>
        %dma_start3A_302 = arith.constant 0 : i32
        %dma_start3A_303 = tpu.memref_slice %arg6[%dma_start3A_292, %dma_start3A_302] : memref<4x128xi32, #tpu.memory_space<vmem>> -> memref<1x128xi32, #tpu.memory_space<vmem>>
        %dma_start3A_304 = tpu.memref_squeeze %dma_start3A_303 : memref<1x128xi32, #tpu.memory_space<vmem>> -> memref<128xi32, #tpu.memory_space<vmem>>
        %dma_start3A_305 = arith.constant 0 : i32
        %dma_start3A_306 = tpu.memref_slice %arg3[%add3A, %add3A_291, %dma_start3A_305] : memref<32x80x128xi32, #tpu.memory_space<hbm>> -> memref<1x1x128xi32, #tpu.memory_space<hbm>>
        %dma_start3A_307 = tpu.memref_squeeze %dma_start3A_306 : memref<1x1x128xi32, #tpu.memory_space<hbm>> -> memref<128xi32, #tpu.memory_space<hbm>>
        tpu.enqueue_dma source(%dma_start3A_307 : memref<128xi32, #tpu.memory_space<hbm>>) target(%dma_start3A_304 : memref<128xi32, #tpu.memory_space<vmem>>) target_semaphore(%dma_start3A_301 : memref<!tpu.dma_semaphore, #tpu.memory_space<semaphore_mem>>)
      } else {
      }
      %add3A_186 = arith.constant 2 : i32
      %add3A_187 = arith.addi %add3A_167, %add3A_186 : i32
      %lt3A_188 = arith.constant 80 : i32
      %lt3A_189 = arith.cmpi slt, %add3A_187, %lt3A_188 : i32
      %convert_element_type3A_190 = arith.extui %lt3A_189 : i1 to i32
      %cond3A_191 = arith.constant 0 : i32
      %cond3A_192 = arith.cmpi ne, %convert_element_type3A_190, %cond3A_191 : i32
      scf.if %cond3A_192 {
        %dma_wait3A_290 = arith.constant 2 : i32
        %dma_wait3A_291 = arith.constant 2 : i32
        %dma_wait3A_292 = arith.constant 2 : i32
        %dma_wait3A_293 = arith.constant 0 : i32
        %dma_wait3A_294 = tpu.memref_slice %arg6[%dma_wait3A_291, %dma_wait3A_293] : memref<4x128xi32, #tpu.memory_space<vmem>> -> memref<1x128xi32, #tpu.memory_space<vmem>>
        %dma_wait3A_295 = tpu.memref_squeeze %dma_wait3A_294 : memref<1x128xi32, #tpu.memory_space<vmem>> -> memref<128xi32, #tpu.memory_space<vmem>>
        %dma_wait3A_296 = arith.constant 0 : i32
        %dma_wait3A_297 = tpu.memref_slice %arg3[%add3A, %dma_wait3A_290, %dma_wait3A_296] : memref<32x80x128xi32, #tpu.memory_space<hbm>> -> memref<1x1x128xi32, #tpu.memory_space<hbm>>
        %dma_wait3A_298 = tpu.memref_squeeze %dma_wait3A_297 : memref<1x1x128xi32, #tpu.memory_space<hbm>> -> memref<128xi32, #tpu.memory_space<hbm>>
        %dma_wait3A_299 = tpu.memref_slice %arg11[%dma_wait3A_292] : memref<4x!tpu.dma_semaphore, #tpu.memory_space<semaphore_mem>> -> memref<1x!tpu.dma_semaphore, #tpu.memory_space<semaphore_mem>>
        %dma_wait3A_300 = tpu.memref_squeeze %dma_wait3A_299 : memref<1x!tpu.dma_semaphore, #tpu.memory_space<semaphore_mem>> -> memref<!tpu.dma_semaphore, #tpu.memory_space<semaphore_mem>>
        %dma_wait3A_301 = arith.constant 0 : i32
        %dma_wait3A_302 = tpu.memref_slice %arg6[%dma_wait3A_291, %dma_wait3A_301] : memref<4x128xi32, #tpu.memory_space<vmem>> -> memref<1x128xi32, #tpu.memory_space<vmem>>
        %dma_wait3A_303 = tpu.memref_squeeze %dma_wait3A_302 : memref<1x128xi32, #tpu.memory_space<vmem>> -> memref<128xi32, #tpu.memory_space<vmem>>
        %dma_wait3A_304 = arith.constant 0 : i32
        %dma_wait3A_305 = tpu.memref_slice %arg3[%add3A, %dma_wait3A_290, %dma_wait3A_304] : memref<32x80x128xi32, #tpu.memory_space<hbm>> -> memref<1x1x128xi32, #tpu.memory_space<hbm>>
        %dma_wait3A_306 = tpu.memref_squeeze %dma_wait3A_305 : memref<1x1x128xi32, #tpu.memory_space<hbm>> -> memref<128xi32, #tpu.memory_space<hbm>>
        tpu.wait_dma2 semaphore(%dma_wait3A_300 : memref<!tpu.dma_semaphore, #tpu.memory_space<semaphore_mem>>) src(%dma_wait3A_306 : memref<128xi32, #tpu.memory_space<hbm>>) dst(%dma_wait3A_303 : memref<128xi32, #tpu.memory_space<vmem>>)
        %dma_start3A_307 = arith.constant 2 : i32
        %dma_start3A_308 = arith.constant 0 : i32
        %dma_start3A_309 = arith.constant 0 : i32
        %dma_start3A_310 = arith.constant 0 : i32
        %dma_start3A_311 = arith.constant 0 : i32
        %dma_start3A_312 = tpu.memref_slice %arg8[%dma_start3A_308, %dma_start3A_310, %dma_start3A_311] : memref<2x128x128xf32, #tpu.memory_space<vmem>> -> memref<1x128x128xf32, #tpu.memory_space<vmem>>
        %dma_start3A_313 = tpu.memref_squeeze %dma_start3A_312 : memref<1x128x128xf32, #tpu.memory_space<vmem>> -> memref<128x128xf32, #tpu.memory_space<vmem>>
        %dma_start3A_314 = arith.constant 0 : i32
        %dma_start3A_315 = tpu.memref_slice %arg6[%dma_start3A_307, %dma_start3A_314] : memref<4x128xi32, #tpu.memory_space<vmem>> -> memref<1x128xi32, #tpu.memory_space<vmem>>
        %dma_start3A_316 = tpu.memref_squeeze %dma_start3A_315 : memref<1x128xi32, #tpu.memory_space<vmem>> -> memref<128xi32, #tpu.memory_space<vmem>>
        %dma_start3A_317 = arith.constant 0 : i32
        %dma_start3A_318 = arith.constant 0 : i32
        %dma_start3A_319 = tpu.memref_slice %arg2[%dma_start3A_317, %dma_start3A_318] : memref<10000x128xf32, #tpu.memory_space<hbm>> -> memref<10000x128xf32, #tpu.memory_space<hbm>>
        %dma_start3A_320 = tpu.memref_slice %arg10[%dma_start3A_309] : memref<2x!tpu.dma_semaphore, #tpu.memory_space<semaphore_mem>> -> memref<1x!tpu.dma_semaphore, #tpu.memory_space<semaphore_mem>>
        %dma_start3A_321 = tpu.memref_squeeze %dma_start3A_320 : memref<1x!tpu.dma_semaphore, #tpu.memory_space<semaphore_mem>> -> memref<!tpu.dma_semaphore, #tpu.memory_space<semaphore_mem>>
        tpu.enqueue_indirect_dma source(%dma_start3A_319 : memref<10000x128xf32, #tpu.memory_space<hbm>>) target(%dma_start3A_313 : memref<128x128xf32, #tpu.memory_space<vmem>>) offsets(%dma_start3A_316 : memref<128xi32, #tpu.memory_space<vmem>>) semaphore(%dma_start3A_321 : memref<!tpu.dma_semaphore, #tpu.memory_space<semaphore_mem>>)
      } else {
      }
      %mul3A_193 = arith.constant 4 : i32
      %mul3A_194 = arith.muli %scan3A_162, %mul3A_193 : i32
      %add3A_195 = arith.constant 1 : i32
      %add3A_196 = arith.addi %mul3A_194, %add3A_195 : i32
      %dma_wait3A_197 = arith.constant 1 : i32
      %dma_wait3A_198 = arith.constant 1 : i32
      %dma_wait3A_199 = arith.constant 1 : i32
      %dma_wait3A_200 = arith.constant 0 : i32
      %dma_wait3A_201 = arith.constant 0 : i32
      %dma_wait3A_202 = tpu.memref_slice %arg8[%dma_wait3A_198, %dma_wait3A_200, %dma_wait3A_201] : memref<2x128x128xf32, #tpu.memory_space<vmem>> -> memref<1x128x128xf32, #tpu.memory_space<vmem>>
      %dma_wait3A_203 = tpu.memref_squeeze %dma_wait3A_202 : memref<1x128x128xf32, #tpu.memory_space<vmem>> -> memref<128x128xf32, #tpu.memory_space<vmem>>
      %dma_wait3A_204 = arith.constant 0 : i32
      %dma_wait3A_205 = tpu.memref_slice %arg6[%dma_wait3A_197, %dma_wait3A_204] : memref<4x128xi32, #tpu.memory_space<vmem>> -> memref<1x128xi32, #tpu.memory_space<vmem>>
      %dma_wait3A_206 = tpu.memref_squeeze %dma_wait3A_205 : memref<1x128xi32, #tpu.memory_space<vmem>> -> memref<128xi32, #tpu.memory_space<vmem>>
      %dma_wait3A_207 = arith.constant 0 : i32
      %dma_wait3A_208 = arith.constant 0 : i32
      %dma_wait3A_209 = tpu.memref_slice %arg2[%dma_wait3A_207, %dma_wait3A_208] : memref<10000x128xf32, #tpu.memory_space<hbm>> -> memref<10000x128xf32, #tpu.memory_space<hbm>>
      %dma_wait3A_210 = tpu.memref_slice %arg10[%dma_wait3A_199] : memref<2x!tpu.dma_semaphore, #tpu.memory_space<semaphore_mem>> -> memref<1x!tpu.dma_semaphore, #tpu.memory_space<semaphore_mem>>
      %dma_wait3A_211 = tpu.memref_squeeze %dma_wait3A_210 : memref<1x!tpu.dma_semaphore, #tpu.memory_space<semaphore_mem>> -> memref<!tpu.dma_semaphore, #tpu.memory_space<semaphore_mem>>
      tpu.wait_indirect_dma semaphore(%dma_wait3A_211 : memref<!tpu.dma_semaphore, #tpu.memory_space<semaphore_mem>>) src(%dma_wait3A_209 : memref<10000x128xf32, #tpu.memory_space<hbm>>) dst(%dma_wait3A_203 : memref<128x128xf32, #tpu.memory_space<vmem>>)
      %run_scoped3A_212 = arith.constant 1 : i32
      "tpu.region"() ({
        %run_scoped3A_290 = tpu.sem_alloc : memref<!tpu.dma_semaphore, #tpu.memory_space<semaphore_mem>>
        %dma_start3A_291 = arith.constant 0 : i32
        %dma_start3A_292 = arith.constant 0 : i32
        %dma_start3A_293 = tpu.memref_slice %arg8[%run_scoped3A_212, %dma_start3A_291, %dma_start3A_292] : memref<2x128x128xf32, #tpu.memory_space<vmem>> -> memref<1x128x128xf32, #tpu.memory_space<vmem>>
        %dma_start3A_294 = tpu.memref_squeeze %dma_start3A_293 : memref<1x128x128xf32, #tpu.memory_space<vmem>> -> memref<128x128xf32, #tpu.memory_space<vmem>>
        %dma_start3A_295 = arith.constant 0 : i32
        %dma_start3A_296 = tpu.memref_slice %arg7[%add3A_196, %dma_start3A_295] : memref<80x128xi32, #tpu.memory_space<vmem>> -> memref<1x128xi32, #tpu.memory_space<vmem>>
        %dma_start3A_297 = tpu.memref_squeeze %dma_start3A_296 : memref<1x128xi32, #tpu.memory_space<vmem>> -> memref<128xi32, #tpu.memory_space<vmem>>
        %dma_start3A_298 = arith.constant 0 : i32
        %dma_start3A_299 = arith.constant 0 : i32
        %dma_start3A_300 = tpu.memref_slice %arg9[%dma_start3A_298, %dma_start3A_299] : memref<10240x128xf32, #tpu.memory_space<vmem_shared>> -> memref<10240x128xf32, #tpu.memory_space<vmem_shared>>
        tpu.enqueue_indirect_dma source(%dma_start3A_294 : memref<128x128xf32, #tpu.memory_space<vmem>>) target(%dma_start3A_300 : memref<10240x128xf32, #tpu.memory_space<vmem_shared>>) offsets(%dma_start3A_297 : memref<128xi32, #tpu.memory_space<vmem>>) semaphore(%run_scoped3A_290 : memref<!tpu.dma_semaphore, #tpu.memory_space<semaphore_mem>>) {add = true}
        %dma_wait3A_301 = arith.constant 0 : i32
        %dma_wait3A_302 = arith.constant 0 : i32
        %dma_wait3A_303 = tpu.memref_slice %arg8[%run_scoped3A_212, %dma_wait3A_301, %dma_wait3A_302] : memref<2x128x128xf32, #tpu.memory_space<vmem>> -> memref<1x128x128xf32, #tpu.memory_space<vmem>>
        %dma_wait3A_304 = tpu.memref_squeeze %dma_wait3A_303 : memref<1x128x128xf32, #tpu.memory_space<vmem>> -> memref<128x128xf32, #tpu.memory_space<vmem>>
        %dma_wait3A_305 = arith.constant 0 : i32
        %dma_wait3A_306 = tpu.memref_slice %arg7[%add3A_196, %dma_wait3A_305] : memref<80x128xi32, #tpu.memory_space<vmem>> -> memref<1x128xi32, #tpu.memory_space<vmem>>
        %dma_wait3A_307 = tpu.memref_squeeze %dma_wait3A_306 : memref<1x128xi32, #tpu.memory_space<vmem>> -> memref<128xi32, #tpu.memory_space<vmem>>
        %dma_wait3A_308 = arith.constant 0 : i32
        %dma_wait3A_309 = arith.constant 0 : i32
        %dma_wait3A_310 = tpu.memref_slice %arg9[%dma_wait3A_308, %dma_wait3A_309] : memref<10240x128xf32, #tpu.memory_space<vmem_shared>> -> memref<10240x128xf32, #tpu.memory_space<vmem_shared>>
        tpu.wait_indirect_dma semaphore(%run_scoped3A_290 : memref<!tpu.dma_semaphore, #tpu.memory_space<semaphore_mem>>) src(%dma_wait3A_304 : memref<128x128xf32, #tpu.memory_space<vmem>>) dst(%dma_wait3A_310 : memref<10240x128xf32, #tpu.memory_space<vmem_shared>>)
        tpu.yield
      }) : () -> ()
      %lt3A_213 = arith.constant 19 : i32
      %lt3A_214 = arith.cmpi slt, %scan3A_162, %lt3A_213 : i32
      %convert_element_type3A_215 = arith.extui %lt3A_214 : i1 to i32
      %cond3A_216 = arith.constant 0 : i32
      %cond3A_217 = arith.cmpi ne, %convert_element_type3A_215, %cond3A_216 : i32
      scf.if %cond3A_217 {
        %add3A_290 = arith.constant 4 : i32
        %add3A_291 = arith.addi %add3A_196, %add3A_290 : i32
        %dma_start3A_292 = arith.constant 1 : i32
        %dma_start3A_293 = arith.constant 1 : i32
        %dma_start3A_294 = arith.constant 0 : i32
        %dma_start3A_295 = tpu.memref_slice %arg6[%dma_start3A_292, %dma_start3A_294] : memref<4x128xi32, #tpu.memory_space<vmem>> -> memref<1x128xi32, #tpu.memory_space<vmem>>
        %dma_start3A_296 = tpu.memref_squeeze %dma_start3A_295 : memref<1x128xi32, #tpu.memory_space<vmem>> -> memref<128xi32, #tpu.memory_space<vmem>>
        %dma_start3A_297 = arith.constant 0 : i32
        %dma_start3A_298 = tpu.memref_slice %arg3[%add3A, %add3A_291, %dma_start3A_297] : memref<32x80x128xi32, #tpu.memory_space<hbm>> -> memref<1x1x128xi32, #tpu.memory_space<hbm>>
        %dma_start3A_299 = tpu.memref_squeeze %dma_start3A_298 : memref<1x1x128xi32, #tpu.memory_space<hbm>> -> memref<128xi32, #tpu.memory_space<hbm>>
        %dma_start3A_300 = tpu.memref_slice %arg11[%dma_start3A_293] : memref<4x!tpu.dma_semaphore, #tpu.memory_space<semaphore_mem>> -> memref<1x!tpu.dma_semaphore, #tpu.memory_space<semaphore_mem>>
        %dma_start3A_301 = tpu.memref_squeeze %dma_start3A_300 : memref<1x!tpu.dma_semaphore, #tpu.memory_space<semaphore_mem>> -> memref<!tpu.dma_semaphore, #tpu.memory_space<semaphore_mem>>
        %dma_start3A_302 = arith.constant 0 : i32
        %dma_start3A_303 = tpu.memref_slice %arg6[%dma_start3A_292, %dma_start3A_302] : memref<4x128xi32, #tpu.memory_space<vmem>> -> memref<1x128xi32, #tpu.memory_space<vmem>>
        %dma_start3A_304 = tpu.memref_squeeze %dma_start3A_303 : memref<1x128xi32, #tpu.memory_space<vmem>> -> memref<128xi32, #tpu.memory_space<vmem>>
        %dma_start3A_305 = arith.constant 0 : i32
        %dma_start3A_306 = tpu.memref_slice %arg3[%add3A, %add3A_291, %dma_start3A_305] : memref<32x80x128xi32, #tpu.memory_space<hbm>> -> memref<1x1x128xi32, #tpu.memory_space<hbm>>
        %dma_start3A_307 = tpu.memref_squeeze %dma_start3A_306 : memref<1x1x128xi32, #tpu.memory_space<hbm>> -> memref<128xi32, #tpu.memory_space<hbm>>
        tpu.enqueue_dma source(%dma_start3A_307 : memref<128xi32, #tpu.memory_space<hbm>>) target(%dma_start3A_304 : memref<128xi32, #tpu.memory_space<vmem>>) target_semaphore(%dma_start3A_301 : memref<!tpu.dma_semaphore, #tpu.memory_space<semaphore_mem>>)
      } else {
      }
      %add3A_218 = arith.constant 2 : i32
      %add3A_219 = arith.addi %add3A_196, %add3A_218 : i32
      %lt3A_220 = arith.constant 80 : i32
      %lt3A_221 = arith.cmpi slt, %add3A_219, %lt3A_220 : i32
      %convert_element_type3A_222 = arith.extui %lt3A_221 : i1 to i32
      %cond3A_223 = arith.constant 0 : i32
      %cond3A_224 = arith.cmpi ne, %convert_element_type3A_222, %cond3A_223 : i32
      scf.if %cond3A_224 {
        %dma_wait3A_290 = arith.constant 3 : i32
        %dma_wait3A_291 = arith.constant 3 : i32
        %dma_wait3A_292 = arith.constant 3 : i32
        %dma_wait3A_293 = arith.constant 0 : i32
        %dma_wait3A_294 = tpu.memref_slice %arg6[%dma_wait3A_291, %dma_wait3A_293] : memref<4x128xi32, #tpu.memory_space<vmem>> -> memref<1x128xi32, #tpu.memory_space<vmem>>
        %dma_wait3A_295 = tpu.memref_squeeze %dma_wait3A_294 : memref<1x128xi32, #tpu.memory_space<vmem>> -> memref<128xi32, #tpu.memory_space<vmem>>
        %dma_wait3A_296 = arith.constant 0 : i32
        %dma_wait3A_297 = tpu.memref_slice %arg3[%add3A, %dma_wait3A_290, %dma_wait3A_296] : memref<32x80x128xi32, #tpu.memory_space<hbm>> -> memref<1x1x128xi32, #tpu.memory_space<hbm>>
        %dma_wait3A_298 = tpu.memref_squeeze %dma_wait3A_297 : memref<1x1x128xi32, #tpu.memory_space<hbm>> -> memref<128xi32, #tpu.memory_space<hbm>>
        %dma_wait3A_299 = tpu.memref_slice %arg11[%dma_wait3A_292] : memref<4x!tpu.dma_semaphore, #tpu.memory_space<semaphore_mem>> -> memref<1x!tpu.dma_semaphore, #tpu.memory_space<semaphore_mem>>
        %dma_wait3A_300 = tpu.memref_squeeze %dma_wait3A_299 : memref<1x!tpu.dma_semaphore, #tpu.memory_space<semaphore_mem>> -> memref<!tpu.dma_semaphore, #tpu.memory_space<semaphore_mem>>
        %dma_wait3A_301 = arith.constant 0 : i32
        %dma_wait3A_302 = tpu.memref_slice %arg6[%dma_wait3A_291, %dma_wait3A_301] : memref<4x128xi32, #tpu.memory_space<vmem>> -> memref<1x128xi32, #tpu.memory_space<vmem>>
        %dma_wait3A_303 = tpu.memref_squeeze %dma_wait3A_302 : memref<1x128xi32, #tpu.memory_space<vmem>> -> memref<128xi32, #tpu.memory_space<vmem>>
        %dma_wait3A_304 = arith.constant 0 : i32
        %dma_wait3A_305 = tpu.memref_slice %arg3[%add3A, %dma_wait3A_290, %dma_wait3A_304] : memref<32x80x128xi32, #tpu.memory_space<hbm>> -> memref<1x1x128xi32, #tpu.memory_space<hbm>>
        %dma_wait3A_306 = tpu.memref_squeeze %dma_wait3A_305 : memref<1x1x128xi32, #tpu.memory_space<hbm>> -> memref<128xi32, #tpu.memory_space<hbm>>
        tpu.wait_dma2 semaphore(%dma_wait3A_300 : memref<!tpu.dma_semaphore, #tpu.memory_space<semaphore_mem>>) src(%dma_wait3A_306 : memref<128xi32, #tpu.memory_space<hbm>>) dst(%dma_wait3A_303 : memref<128xi32, #tpu.memory_space<vmem>>)
        %dma_start3A_307 = arith.constant 3 : i32
        %dma_start3A_308 = arith.constant 1 : i32
        %dma_start3A_309 = arith.constant 1 : i32
        %dma_start3A_310 = arith.constant 0 : i32
        %dma_start3A_311 = arith.constant 0 : i32
        %dma_start3A_312 = tpu.memref_slice %arg8[%dma_start3A_308, %dma_start3A_310, %dma_start3A_311] : memref<2x128x128xf32, #tpu.memory_space<vmem>> -> memref<1x128x128xf32, #tpu.memory_space<vmem>>
        %dma_start3A_313 = tpu.memref_squeeze %dma_start3A_312 : memref<1x128x128xf32, #tpu.memory_space<vmem>> -> memref<128x128xf32, #tpu.memory_space<vmem>>
        %dma_start3A_314 = arith.constant 0 : i32
        %dma_start3A_315 = tpu.memref_slice %arg6[%dma_start3A_307, %dma_start3A_314] : memref<4x128xi32, #tpu.memory_space<vmem>> -> memref<1x128xi32, #tpu.memory_space<vmem>>
        %dma_start3A_316 = tpu.memref_squeeze %dma_start3A_315 : memref<1x128xi32, #tpu.memory_space<vmem>> -> memref<128xi32, #tpu.memory_space<vmem>>
        %dma_start3A_317 = arith.constant 0 : i32
        %dma_start3A_318 = arith.constant 0 : i32
        %dma_start3A_319 = tpu.memref_slice %arg2[%dma_start3A_317, %dma_start3A_318] : memref<10000x128xf32, #tpu.memory_space<hbm>> -> memref<10000x128xf32, #tpu.memory_space<hbm>>
        %dma_start3A_320 = tpu.memref_slice %arg10[%dma_start3A_309] : memref<2x!tpu.dma_semaphore, #tpu.memory_space<semaphore_mem>> -> memref<1x!tpu.dma_semaphore, #tpu.memory_space<semaphore_mem>>
        %dma_start3A_321 = tpu.memref_squeeze %dma_start3A_320 : memref<1x!tpu.dma_semaphore, #tpu.memory_space<semaphore_mem>> -> memref<!tpu.dma_semaphore, #tpu.memory_space<semaphore_mem>>
        tpu.enqueue_indirect_dma source(%dma_start3A_319 : memref<10000x128xf32, #tpu.memory_space<hbm>>) target(%dma_start3A_313 : memref<128x128xf32, #tpu.memory_space<vmem>>) offsets(%dma_start3A_316 : memref<128xi32, #tpu.memory_space<vmem>>) semaphore(%dma_start3A_321 : memref<!tpu.dma_semaphore, #tpu.memory_space<semaphore_mem>>)
      } else {
      }
      %mul3A_225 = arith.constant 4 : i32
      %mul3A_226 = arith.muli %scan3A_162, %mul3A_225 : i32
      %add3A_227 = arith.constant 2 : i32
      %add3A_228 = arith.addi %mul3A_226, %add3A_227 : i32
      %dma_wait3A_229 = arith.constant 2 : i32
      %dma_wait3A_230 = arith.constant 0 : i32
      %dma_wait3A_231 = arith.constant 0 : i32
      %dma_wait3A_232 = arith.constant 0 : i32
      %dma_wait3A_233 = arith.constant 0 : i32
      %dma_wait3A_234 = tpu.memref_slice %arg8[%dma_wait3A_230, %dma_wait3A_232, %dma_wait3A_233] : memref<2x128x128xf32, #tpu.memory_space<vmem>> -> memref<1x128x128xf32, #tpu.memory_space<vmem>>
      %dma_wait3A_235 = tpu.memref_squeeze %dma_wait3A_234 : memref<1x128x128xf32, #tpu.memory_space<vmem>> -> memref<128x128xf32, #tpu.memory_space<vmem>>
      %dma_wait3A_236 = arith.constant 0 : i32
      %dma_wait3A_237 = tpu.memref_slice %arg6[%dma_wait3A_229, %dma_wait3A_236] : memref<4x128xi32, #tpu.memory_space<vmem>> -> memref<1x128xi32, #tpu.memory_space<vmem>>
      %dma_wait3A_238 = tpu.memref_squeeze %dma_wait3A_237 : memref<1x128xi32, #tpu.memory_space<vmem>> -> memref<128xi32, #tpu.memory_space<vmem>>
      %dma_wait3A_239 = arith.constant 0 : i32
      %dma_wait3A_240 = arith.constant 0 : i32
      %dma_wait3A_241 = tpu.memref_slice %arg2[%dma_wait3A_239, %dma_wait3A_240] : memref<10000x128xf32, #tpu.memory_space<hbm>> -> memref<10000x128xf32, #tpu.memory_space<hbm>>
      %dma_wait3A_242 = tpu.memref_slice %arg10[%dma_wait3A_231] : memref<2x!tpu.dma_semaphore, #tpu.memory_space<semaphore_mem>> -> memref<1x!tpu.dma_semaphore, #tpu.memory_space<semaphore_mem>>
      %dma_wait3A_243 = tpu.memref_squeeze %dma_wait3A_242 : memref<1x!tpu.dma_semaphore, #tpu.memory_space<semaphore_mem>> -> memref<!tpu.dma_semaphore, #tpu.memory_space<semaphore_mem>>
      tpu.wait_indirect_dma semaphore(%dma_wait3A_243 : memref<!tpu.dma_semaphore, #tpu.memory_space<semaphore_mem>>) src(%dma_wait3A_241 : memref<10000x128xf32, #tpu.memory_space<hbm>>) dst(%dma_wait3A_235 : memref<128x128xf32, #tpu.memory_space<vmem>>)
      %run_scoped3A_244 = arith.constant 0 : i32
      "tpu.region"() ({
        %run_scoped3A_290 = tpu.sem_alloc : memref<!tpu.dma_semaphore, #tpu.memory_space<semaphore_mem>>
        %dma_start3A_291 = arith.constant 0 : i32
        %dma_start3A_292 = arith.constant 0 : i32
        %dma_start3A_293 = tpu.memref_slice %arg8[%run_scoped3A_244, %dma_start3A_291, %dma_start3A_292] : memref<2x128x128xf32, #tpu.memory_space<vmem>> -> memref<1x128x128xf32, #tpu.memory_space<vmem>>
        %dma_start3A_294 = tpu.memref_squeeze %dma_start3A_293 : memref<1x128x128xf32, #tpu.memory_space<vmem>> -> memref<128x128xf32, #tpu.memory_space<vmem>>
        %dma_start3A_295 = arith.constant 0 : i32
        %dma_start3A_296 = tpu.memref_slice %arg7[%add3A_228, %dma_start3A_295] : memref<80x128xi32, #tpu.memory_space<vmem>> -> memref<1x128xi32, #tpu.memory_space<vmem>>
        %dma_start3A_297 = tpu.memref_squeeze %dma_start3A_296 : memref<1x128xi32, #tpu.memory_space<vmem>> -> memref<128xi32, #tpu.memory_space<vmem>>
        %dma_start3A_298 = arith.constant 0 : i32
        %dma_start3A_299 = arith.constant 0 : i32
        %dma_start3A_300 = tpu.memref_slice %arg9[%dma_start3A_298, %dma_start3A_299] : memref<10240x128xf32, #tpu.memory_space<vmem_shared>> -> memref<10240x128xf32, #tpu.memory_space<vmem_shared>>
        tpu.enqueue_indirect_dma source(%dma_start3A_294 : memref<128x128xf32, #tpu.memory_space<vmem>>) target(%dma_start3A_300 : memref<10240x128xf32, #tpu.memory_space<vmem_shared>>) offsets(%dma_start3A_297 : memref<128xi32, #tpu.memory_space<vmem>>) semaphore(%run_scoped3A_290 : memref<!tpu.dma_semaphore, #tpu.memory_space<semaphore_mem>>) {add = true}
        %dma_wait3A_301 = arith.constant 0 : i32
        %dma_wait3A_302 = arith.constant 0 : i32
        %dma_wait3A_303 = tpu.memref_slice %arg8[%run_scoped3A_244, %dma_wait3A_301, %dma_wait3A_302] : memref<2x128x128xf32, #tpu.memory_space<vmem>> -> memref<1x128x128xf32, #tpu.memory_space<vmem>>
        %dma_wait3A_304 = tpu.memref_squeeze %dma_wait3A_303 : memref<1x128x128xf32, #tpu.memory_space<vmem>> -> memref<128x128xf32, #tpu.memory_space<vmem>>
        %dma_wait3A_305 = arith.constant 0 : i32
        %dma_wait3A_306 = tpu.memref_slice %arg7[%add3A_228, %dma_wait3A_305] : memref<80x128xi32, #tpu.memory_space<vmem>> -> memref<1x128xi32, #tpu.memory_space<vmem>>
        %dma_wait3A_307 = tpu.memref_squeeze %dma_wait3A_306 : memref<1x128xi32, #tpu.memory_space<vmem>> -> memref<128xi32, #tpu.memory_space<vmem>>
        %dma_wait3A_308 = arith.constant 0 : i32
        %dma_wait3A_309 = arith.constant 0 : i32
        %dma_wait3A_310 = tpu.memref_slice %arg9[%dma_wait3A_308, %dma_wait3A_309] : memref<10240x128xf32, #tpu.memory_space<vmem_shared>> -> memref<10240x128xf32, #tpu.memory_space<vmem_shared>>
        tpu.wait_indirect_dma semaphore(%run_scoped3A_290 : memref<!tpu.dma_semaphore, #tpu.memory_space<semaphore_mem>>) src(%dma_wait3A_304 : memref<128x128xf32, #tpu.memory_space<vmem>>) dst(%dma_wait3A_310 : memref<10240x128xf32, #tpu.memory_space<vmem_shared>>)
        tpu.yield
      }) : () -> ()
      %lt3A_245 = arith.constant 19 : i32
      %lt3A_246 = arith.cmpi slt, %scan3A_162, %lt3A_245 : i32
      %convert_element_type3A_247 = arith.extui %lt3A_246 : i1 to i32
      %cond3A_248 = arith.constant 0 : i32
      %cond3A_249 = arith.cmpi ne, %convert_element_type3A_247, %cond3A_248 : i32
      scf.if %cond3A_249 {
        %add3A_290 = arith.constant 4 : i32
        %add3A_291 = arith.addi %add3A_228, %add3A_290 : i32
        %dma_start3A_292 = arith.constant 2 : i32
        %dma_start3A_293 = arith.constant 2 : i32
        %dma_start3A_294 = arith.constant 0 : i32
        %dma_start3A_295 = tpu.memref_slice %arg6[%dma_start3A_292, %dma_start3A_294] : memref<4x128xi32, #tpu.memory_space<vmem>> -> memref<1x128xi32, #tpu.memory_space<vmem>>
        %dma_start3A_296 = tpu.memref_squeeze %dma_start3A_295 : memref<1x128xi32, #tpu.memory_space<vmem>> -> memref<128xi32, #tpu.memory_space<vmem>>
        %dma_start3A_297 = arith.constant 0 : i32
        %dma_start3A_298 = tpu.memref_slice %arg3[%add3A, %add3A_291, %dma_start3A_297] : memref<32x80x128xi32, #tpu.memory_space<hbm>> -> memref<1x1x128xi32, #tpu.memory_space<hbm>>
        %dma_start3A_299 = tpu.memref_squeeze %dma_start3A_298 : memref<1x1x128xi32, #tpu.memory_space<hbm>> -> memref<128xi32, #tpu.memory_space<hbm>>
        %dma_start3A_300 = tpu.memref_slice %arg11[%dma_start3A_293] : memref<4x!tpu.dma_semaphore, #tpu.memory_space<semaphore_mem>> -> memref<1x!tpu.dma_semaphore, #tpu.memory_space<semaphore_mem>>
        %dma_start3A_301 = tpu.memref_squeeze %dma_start3A_300 : memref<1x!tpu.dma_semaphore, #tpu.memory_space<semaphore_mem>> -> memref<!tpu.dma_semaphore, #tpu.memory_space<semaphore_mem>>
        %dma_start3A_302 = arith.constant 0 : i32
        %dma_start3A_303 = tpu.memref_slice %arg6[%dma_start3A_292, %dma_start3A_302] : memref<4x128xi32, #tpu.memory_space<vmem>> -> memref<1x128xi32, #tpu.memory_space<vmem>>
        %dma_start3A_304 = tpu.memref_squeeze %dma_start3A_303 : memref<1x128xi32, #tpu.memory_space<vmem>> -> memref<128xi32, #tpu.memory_space<vmem>>
        %dma_start3A_305 = arith.constant 0 : i32
        %dma_start3A_306 = tpu.memref_slice %arg3[%add3A, %add3A_291, %dma_start3A_305] : memref<32x80x128xi32, #tpu.memory_space<hbm>> -> memref<1x1x128xi32, #tpu.memory_space<hbm>>
        %dma_start3A_307 = tpu.memref_squeeze %dma_start3A_306 : memref<1x1x128xi32, #tpu.memory_space<hbm>> -> memref<128xi32, #tpu.memory_space<hbm>>
        tpu.enqueue_dma source(%dma_start3A_307 : memref<128xi32, #tpu.memory_space<hbm>>) target(%dma_start3A_304 : memref<128xi32, #tpu.memory_space<vmem>>) target_semaphore(%dma_start3A_301 : memref<!tpu.dma_semaphore, #tpu.memory_space<semaphore_mem>>)
      } else {
      }
      %add3A_250 = arith.constant 2 : i32
      %add3A_251 = arith.addi %add3A_228, %add3A_250 : i32
      %lt3A_252 = arith.constant 80 : i32
      %lt3A_253 = arith.cmpi slt, %add3A_251, %lt3A_252 : i32
      %convert_element_type3A_254 = arith.extui %lt3A_253 : i1 to i32
      %cond3A_255 = arith.constant 0 : i32
      %cond3A_256 = arith.cmpi ne, %convert_element_type3A_254, %cond3A_255 : i32
      scf.if %cond3A_256 {
        %dma_wait3A_290 = arith.constant 0 : i32
        %dma_wait3A_291 = arith.constant 0 : i32
        %dma_wait3A_292 = arith.constant 0 : i32
        %dma_wait3A_293 = arith.constant 0 : i32
        %dma_wait3A_294 = tpu.memref_slice %arg6[%dma_wait3A_291, %dma_wait3A_293] : memref<4x128xi32, #tpu.memory_space<vmem>> -> memref<1x128xi32, #tpu.memory_space<vmem>>
        %dma_wait3A_295 = tpu.memref_squeeze %dma_wait3A_294 : memref<1x128xi32, #tpu.memory_space<vmem>> -> memref<128xi32, #tpu.memory_space<vmem>>
        %dma_wait3A_296 = arith.constant 0 : i32
        %dma_wait3A_297 = tpu.memref_slice %arg3[%add3A, %dma_wait3A_290, %dma_wait3A_296] : memref<32x80x128xi32, #tpu.memory_space<hbm>> -> memref<1x1x128xi32, #tpu.memory_space<hbm>>
        %dma_wait3A_298 = tpu.memref_squeeze %dma_wait3A_297 : memref<1x1x128xi32, #tpu.memory_space<hbm>> -> memref<128xi32, #tpu.memory_space<hbm>>
        %dma_wait3A_299 = tpu.memref_slice %arg11[%dma_wait3A_292] : memref<4x!tpu.dma_semaphore, #tpu.memory_space<semaphore_mem>> -> memref<1x!tpu.dma_semaphore, #tpu.memory_space<semaphore_mem>>
        %dma_wait3A_300 = tpu.memref_squeeze %dma_wait3A_299 : memref<1x!tpu.dma_semaphore, #tpu.memory_space<semaphore_mem>> -> memref<!tpu.dma_semaphore, #tpu.memory_space<semaphore_mem>>
        %dma_wait3A_301 = arith.constant 0 : i32
        %dma_wait3A_302 = tpu.memref_slice %arg6[%dma_wait3A_291, %dma_wait3A_301] : memref<4x128xi32, #tpu.memory_space<vmem>> -> memref<1x128xi32, #tpu.memory_space<vmem>>
        %dma_wait3A_303 = tpu.memref_squeeze %dma_wait3A_302 : memref<1x128xi32, #tpu.memory_space<vmem>> -> memref<128xi32, #tpu.memory_space<vmem>>
        %dma_wait3A_304 = arith.constant 0 : i32
        %dma_wait3A_305 = tpu.memref_slice %arg3[%add3A, %dma_wait3A_290, %dma_wait3A_304] : memref<32x80x128xi32, #tpu.memory_space<hbm>> -> memref<1x1x128xi32, #tpu.memory_space<hbm>>
        %dma_wait3A_306 = tpu.memref_squeeze %dma_wait3A_305 : memref<1x1x128xi32, #tpu.memory_space<hbm>> -> memref<128xi32, #tpu.memory_space<hbm>>
        tpu.wait_dma2 semaphore(%dma_wait3A_300 : memref<!tpu.dma_semaphore, #tpu.memory_space<semaphore_mem>>) src(%dma_wait3A_306 : memref<128xi32, #tpu.memory_space<hbm>>) dst(%dma_wait3A_303 : memref<128xi32, #tpu.memory_space<vmem>>)
        %dma_start3A_307 = arith.constant 0 : i32
        %dma_start3A_308 = arith.constant 0 : i32
        %dma_start3A_309 = arith.constant 0 : i32
        %dma_start3A_310 = arith.constant 0 : i32
        %dma_start3A_311 = arith.constant 0 : i32
        %dma_start3A_312 = tpu.memref_slice %arg8[%dma_start3A_308, %dma_start3A_310, %dma_start3A_311] : memref<2x128x128xf32, #tpu.memory_space<vmem>> -> memref<1x128x128xf32, #tpu.memory_space<vmem>>
        %dma_start3A_313 = tpu.memref_squeeze %dma_start3A_312 : memref<1x128x128xf32, #tpu.memory_space<vmem>> -> memref<128x128xf32, #tpu.memory_space<vmem>>
        %dma_start3A_314 = arith.constant 0 : i32
        %dma_start3A_315 = tpu.memref_slice %arg6[%dma_start3A_307, %dma_start3A_314] : memref<4x128xi32, #tpu.memory_space<vmem>> -> memref<1x128xi32, #tpu.memory_space<vmem>>
        %dma_start3A_316 = tpu.memref_squeeze %dma_start3A_315 : memref<1x128xi32, #tpu.memory_space<vmem>> -> memref<128xi32, #tpu.memory_space<vmem>>
        %dma_start3A_317 = arith.constant 0 : i32
        %dma_start3A_318 = arith.constant 0 : i32
        %dma_start3A_319 = tpu.memref_slice %arg2[%dma_start3A_317, %dma_start3A_318] : memref<10000x128xf32, #tpu.memory_space<hbm>> -> memref<10000x128xf32, #tpu.memory_space<hbm>>
        %dma_start3A_320 = tpu.memref_slice %arg10[%dma_start3A_309] : memref<2x!tpu.dma_semaphore, #tpu.memory_space<semaphore_mem>> -> memref<1x!tpu.dma_semaphore, #tpu.memory_space<semaphore_mem>>
        %dma_start3A_321 = tpu.memref_squeeze %dma_start3A_320 : memref<1x!tpu.dma_semaphore, #tpu.memory_space<semaphore_mem>> -> memref<!tpu.dma_semaphore, #tpu.memory_space<semaphore_mem>>
        tpu.enqueue_indirect_dma source(%dma_start3A_319 : memref<10000x128xf32, #tpu.memory_space<hbm>>) target(%dma_start3A_313 : memref<128x128xf32, #tpu.memory_space<vmem>>) offsets(%dma_start3A_316 : memref<128xi32, #tpu.memory_space<vmem>>) semaphore(%dma_start3A_321 : memref<!tpu.dma_semaphore, #tpu.memory_space<semaphore_mem>>)
      } else {
      }
      %mul3A_257 = arith.constant 4 : i32
      %mul3A_258 = arith.muli %scan3A_162, %mul3A_257 : i32
      %add3A_259 = arith.constant 3 : i32
      %add3A_260 = arith.addi %mul3A_258, %add3A_259 : i32
      %dma_wait3A_261 = arith.constant 3 : i32
      %dma_wait3A_262 = arith.constant 1 : i32
      %dma_wait3A_263 = arith.constant 1 : i32
      %dma_wait3A_264 = arith.constant 0 : i32
      %dma_wait3A_265 = arith.constant 0 : i32
      %dma_wait3A_266 = tpu.memref_slice %arg8[%dma_wait3A_262, %dma_wait3A_264, %dma_wait3A_265] : memref<2x128x128xf32, #tpu.memory_space<vmem>> -> memref<1x128x128xf32, #tpu.memory_space<vmem>>
      %dma_wait3A_267 = tpu.memref_squeeze %dma_wait3A_266 : memref<1x128x128xf32, #tpu.memory_space<vmem>> -> memref<128x128xf32, #tpu.memory_space<vmem>>
      %dma_wait3A_268 = arith.constant 0 : i32
      %dma_wait3A_269 = tpu.memref_slice %arg6[%dma_wait3A_261, %dma_wait3A_268] : memref<4x128xi32, #tpu.memory_space<vmem>> -> memref<1x128xi32, #tpu.memory_space<vmem>>
      %dma_wait3A_270 = tpu.memref_squeeze %dma_wait3A_269 : memref<1x128xi32, #tpu.memory_space<vmem>> -> memref<128xi32, #tpu.memory_space<vmem>>
      %dma_wait3A_271 = arith.constant 0 : i32
      %dma_wait3A_272 = arith.constant 0 : i32
      %dma_wait3A_273 = tpu.memref_slice %arg2[%dma_wait3A_271, %dma_wait3A_272] : memref<10000x128xf32, #tpu.memory_space<hbm>> -> memref<10000x128xf32, #tpu.memory_space<hbm>>
      %dma_wait3A_274 = tpu.memref_slice %arg10[%dma_wait3A_263] : memref<2x!tpu.dma_semaphore, #tpu.memory_space<semaphore_mem>> -> memref<1x!tpu.dma_semaphore, #tpu.memory_space<semaphore_mem>>
      %dma_wait3A_275 = tpu.memref_squeeze %dma_wait3A_274 : memref<1x!tpu.dma_semaphore, #tpu.memory_space<semaphore_mem>> -> memref<!tpu.dma_semaphore, #tpu.memory_space<semaphore_mem>>
      tpu.wait_indirect_dma semaphore(%dma_wait3A_275 : memref<!tpu.dma_semaphore, #tpu.memory_space<semaphore_mem>>) src(%dma_wait3A_273 : memref<10000x128xf32, #tpu.memory_space<hbm>>) dst(%dma_wait3A_267 : memref<128x128xf32, #tpu.memory_space<vmem>>)
      %run_scoped3A_276 = arith.constant 1 : i32
      "tpu.region"() ({
        %run_scoped3A_290 = tpu.sem_alloc : memref<!tpu.dma_semaphore, #tpu.memory_space<semaphore_mem>>
        %dma_start3A_291 = arith.constant 0 : i32
        %dma_start3A_292 = arith.constant 0 : i32
        %dma_start3A_293 = tpu.memref_slice %arg8[%run_scoped3A_276, %dma_start3A_291, %dma_start3A_292] : memref<2x128x128xf32, #tpu.memory_space<vmem>> -> memref<1x128x128xf32, #tpu.memory_space<vmem>>
        %dma_start3A_294 = tpu.memref_squeeze %dma_start3A_293 : memref<1x128x128xf32, #tpu.memory_space<vmem>> -> memref<128x128xf32, #tpu.memory_space<vmem>>
        %dma_start3A_295 = arith.constant 0 : i32
        %dma_start3A_296 = tpu.memref_slice %arg7[%add3A_260, %dma_start3A_295] : memref<80x128xi32, #tpu.memory_space<vmem>> -> memref<1x128xi32, #tpu.memory_space<vmem>>
        %dma_start3A_297 = tpu.memref_squeeze %dma_start3A_296 : memref<1x128xi32, #tpu.memory_space<vmem>> -> memref<128xi32, #tpu.memory_space<vmem>>
        %dma_start3A_298 = arith.constant 0 : i32
        %dma_start3A_299 = arith.constant 0 : i32
        %dma_start3A_300 = tpu.memref_slice %arg9[%dma_start3A_298, %dma_start3A_299] : memref<10240x128xf32, #tpu.memory_space<vmem_shared>> -> memref<10240x128xf32, #tpu.memory_space<vmem_shared>>
        tpu.enqueue_indirect_dma source(%dma_start3A_294 : memref<128x128xf32, #tpu.memory_space<vmem>>) target(%dma_start3A_300 : memref<10240x128xf32, #tpu.memory_space<vmem_shared>>) offsets(%dma_start3A_297 : memref<128xi32, #tpu.memory_space<vmem>>) semaphore(%run_scoped3A_290 : memref<!tpu.dma_semaphore, #tpu.memory_space<semaphore_mem>>) {add = true}
        %dma_wait3A_301 = arith.constant 0 : i32
        %dma_wait3A_302 = arith.constant 0 : i32
        %dma_wait3A_303 = tpu.memref_slice %arg8[%run_scoped3A_276, %dma_wait3A_301, %dma_wait3A_302] : memref<2x128x128xf32, #tpu.memory_space<vmem>> -> memref<1x128x128xf32, #tpu.memory_space<vmem>>
        %dma_wait3A_304 = tpu.memref_squeeze %dma_wait3A_303 : memref<1x128x128xf32, #tpu.memory_space<vmem>> -> memref<128x128xf32, #tpu.memory_space<vmem>>
        %dma_wait3A_305 = arith.constant 0 : i32
        %dma_wait3A_306 = tpu.memref_slice %arg7[%add3A_260, %dma_wait3A_305] : memref<80x128xi32, #tpu.memory_space<vmem>> -> memref<1x128xi32, #tpu.memory_space<vmem>>
        %dma_wait3A_307 = tpu.memref_squeeze %dma_wait3A_306 : memref<1x128xi32, #tpu.memory_space<vmem>> -> memref<128xi32, #tpu.memory_space<vmem>>
        %dma_wait3A_308 = arith.constant 0 : i32
        %dma_wait3A_309 = arith.constant 0 : i32
        %dma_wait3A_310 = tpu.memref_slice %arg9[%dma_wait3A_308, %dma_wait3A_309] : memref<10240x128xf32, #tpu.memory_space<vmem_shared>> -> memref<10240x128xf32, #tpu.memory_space<vmem_shared>>
        tpu.wait_indirect_dma semaphore(%run_scoped3A_290 : memref<!tpu.dma_semaphore, #tpu.memory_space<semaphore_mem>>) src(%dma_wait3A_304 : memref<128x128xf32, #tpu.memory_space<vmem>>) dst(%dma_wait3A_310 : memref<10240x128xf32, #tpu.memory_space<vmem_shared>>)
        tpu.yield
      }) : () -> ()
      %lt3A_277 = arith.constant 19 : i32
      %lt3A_278 = arith.cmpi slt, %scan3A_162, %lt3A_277 : i32
      %convert_element_type3A_279 = arith.extui %lt3A_278 : i1 to i32
      %cond3A_280 = arith.constant 0 : i32
      %cond3A_281 = arith.cmpi ne, %convert_element_type3A_279, %cond3A_280 : i32
      scf.if %cond3A_281 {
        %add3A_290 = arith.constant 4 : i32
        %add3A_291 = arith.addi %add3A_260, %add3A_290 : i32
        %dma_start3A_292 = arith.constant 3 : i32
        %dma_start3A_293 = arith.constant 3 : i32
        %dma_start3A_294 = arith.constant 0 : i32
        %dma_start3A_295 = tpu.memref_slice %arg6[%dma_start3A_292, %dma_start3A_294] : memref<4x128xi32, #tpu.memory_space<vmem>> -> memref<1x128xi32, #tpu.memory_space<vmem>>
        %dma_start3A_296 = tpu.memref_squeeze %dma_start3A_295 : memref<1x128xi32, #tpu.memory_space<vmem>> -> memref<128xi32, #tpu.memory_space<vmem>>
        %dma_start3A_297 = arith.constant 0 : i32
        %dma_start3A_298 = tpu.memref_slice %arg3[%add3A, %add3A_291, %dma_start3A_297] : memref<32x80x128xi32, #tpu.memory_space<hbm>> -> memref<1x1x128xi32, #tpu.memory_space<hbm>>
        %dma_start3A_299 = tpu.memref_squeeze %dma_start3A_298 : memref<1x1x128xi32, #tpu.memory_space<hbm>> -> memref<128xi32, #tpu.memory_space<hbm>>
        %dma_start3A_300 = tpu.memref_slice %arg11[%dma_start3A_293] : memref<4x!tpu.dma_semaphore, #tpu.memory_space<semaphore_mem>> -> memref<1x!tpu.dma_semaphore, #tpu.memory_space<semaphore_mem>>
        %dma_start3A_301 = tpu.memref_squeeze %dma_start3A_300 : memref<1x!tpu.dma_semaphore, #tpu.memory_space<semaphore_mem>> -> memref<!tpu.dma_semaphore, #tpu.memory_space<semaphore_mem>>
        %dma_start3A_302 = arith.constant 0 : i32
        %dma_start3A_303 = tpu.memref_slice %arg6[%dma_start3A_292, %dma_start3A_302] : memref<4x128xi32, #tpu.memory_space<vmem>> -> memref<1x128xi32, #tpu.memory_space<vmem>>
        %dma_start3A_304 = tpu.memref_squeeze %dma_start3A_303 : memref<1x128xi32, #tpu.memory_space<vmem>> -> memref<128xi32, #tpu.memory_space<vmem>>
        %dma_start3A_305 = arith.constant 0 : i32
        %dma_start3A_306 = tpu.memref_slice %arg3[%add3A, %add3A_291, %dma_start3A_305] : memref<32x80x128xi32, #tpu.memory_space<hbm>> -> memref<1x1x128xi32, #tpu.memory_space<hbm>>
        %dma_start3A_307 = tpu.memref_squeeze %dma_start3A_306 : memref<1x1x128xi32, #tpu.memory_space<hbm>> -> memref<128xi32, #tpu.memory_space<hbm>>
        tpu.enqueue_dma source(%dma_start3A_307 : memref<128xi32, #tpu.memory_space<hbm>>) target(%dma_start3A_304 : memref<128xi32, #tpu.memory_space<vmem>>) target_semaphore(%dma_start3A_301 : memref<!tpu.dma_semaphore, #tpu.memory_space<semaphore_mem>>)
      } else {
      }
      %add3A_282 = arith.constant 2 : i32
      %add3A_283 = arith.addi %add3A_260, %add3A_282 : i32
      %lt3A_284 = arith.constant 80 : i32
      %lt3A_285 = arith.cmpi slt, %add3A_283, %lt3A_284 : i32
      %convert_element_type3A_286 = arith.extui %lt3A_285 : i1 to i32
      %cond3A_287 = arith.constant 0 : i32
      %cond3A_288 = arith.cmpi ne, %convert_element_type3A_286, %cond3A_287 : i32
      scf.if %cond3A_288 {
        %dma_wait3A_290 = arith.constant 1 : i32
        %dma_wait3A_291 = arith.constant 1 : i32
        %dma_wait3A_292 = arith.constant 1 : i32
        %dma_wait3A_293 = arith.constant 0 : i32
        %dma_wait3A_294 = tpu.memref_slice %arg6[%dma_wait3A_291, %dma_wait3A_293] : memref<4x128xi32, #tpu.memory_space<vmem>> -> memref<1x128xi32, #tpu.memory_space<vmem>>
        %dma_wait3A_295 = tpu.memref_squeeze %dma_wait3A_294 : memref<1x128xi32, #tpu.memory_space<vmem>> -> memref<128xi32, #tpu.memory_space<vmem>>
        %dma_wait3A_296 = arith.constant 0 : i32
        %dma_wait3A_297 = tpu.memref_slice %arg3[%add3A, %dma_wait3A_290, %dma_wait3A_296] : memref<32x80x128xi32, #tpu.memory_space<hbm>> -> memref<1x1x128xi32, #tpu.memory_space<hbm>>
        %dma_wait3A_298 = tpu.memref_squeeze %dma_wait3A_297 : memref<1x1x128xi32, #tpu.memory_space<hbm>> -> memref<128xi32, #tpu.memory_space<hbm>>
        %dma_wait3A_299 = tpu.memref_slice %arg11[%dma_wait3A_292] : memref<4x!tpu.dma_semaphore, #tpu.memory_space<semaphore_mem>> -> memref<1x!tpu.dma_semaphore, #tpu.memory_space<semaphore_mem>>
        %dma_wait3A_300 = tpu.memref_squeeze %dma_wait3A_299 : memref<1x!tpu.dma_semaphore, #tpu.memory_space<semaphore_mem>> -> memref<!tpu.dma_semaphore, #tpu.memory_space<semaphore_mem>>
        %dma_wait3A_301 = arith.constant 0 : i32
        %dma_wait3A_302 = tpu.memref_slice %arg6[%dma_wait3A_291, %dma_wait3A_301] : memref<4x128xi32, #tpu.memory_space<vmem>> -> memref<1x128xi32, #tpu.memory_space<vmem>>
        %dma_wait3A_303 = tpu.memref_squeeze %dma_wait3A_302 : memref<1x128xi32, #tpu.memory_space<vmem>> -> memref<128xi32, #tpu.memory_space<vmem>>
        %dma_wait3A_304 = arith.constant 0 : i32
        %dma_wait3A_305 = tpu.memref_slice %arg3[%add3A, %dma_wait3A_290, %dma_wait3A_304] : memref<32x80x128xi32, #tpu.memory_space<hbm>> -> memref<1x1x128xi32, #tpu.memory_space<hbm>>
        %dma_wait3A_306 = tpu.memref_squeeze %dma_wait3A_305 : memref<1x1x128xi32, #tpu.memory_space<hbm>> -> memref<128xi32, #tpu.memory_space<hbm>>
        tpu.wait_dma2 semaphore(%dma_wait3A_300 : memref<!tpu.dma_semaphore, #tpu.memory_space<semaphore_mem>>) src(%dma_wait3A_306 : memref<128xi32, #tpu.memory_space<hbm>>) dst(%dma_wait3A_303 : memref<128xi32, #tpu.memory_space<vmem>>)
        %dma_start3A_307 = arith.constant 1 : i32
        %dma_start3A_308 = arith.constant 1 : i32
        %dma_start3A_309 = arith.constant 1 : i32
        %dma_start3A_310 = arith.constant 0 : i32
        %dma_start3A_311 = arith.constant 0 : i32
        %dma_start3A_312 = tpu.memref_slice %arg8[%dma_start3A_308, %dma_start3A_310, %dma_start3A_311] : memref<2x128x128xf32, #tpu.memory_space<vmem>> -> memref<1x128x128xf32, #tpu.memory_space<vmem>>
        %dma_start3A_313 = tpu.memref_squeeze %dma_start3A_312 : memref<1x128x128xf32, #tpu.memory_space<vmem>> -> memref<128x128xf32, #tpu.memory_space<vmem>>
        %dma_start3A_314 = arith.constant 0 : i32
        %dma_start3A_315 = tpu.memref_slice %arg6[%dma_start3A_307, %dma_start3A_314] : memref<4x128xi32, #tpu.memory_space<vmem>> -> memref<1x128xi32, #tpu.memory_space<vmem>>
        %dma_start3A_316 = tpu.memref_squeeze %dma_start3A_315 : memref<1x128xi32, #tpu.memory_space<vmem>> -> memref<128xi32, #tpu.memory_space<vmem>>
        %dma_start3A_317 = arith.constant 0 : i32
        %dma_start3A_318 = arith.constant 0 : i32
        %dma_start3A_319 = tpu.memref_slice %arg2[%dma_start3A_317, %dma_start3A_318] : memref<10000x128xf32, #tpu.memory_space<hbm>> -> memref<10000x128xf32, #tpu.memory_space<hbm>>
        %dma_start3A_320 = tpu.memref_slice %arg10[%dma_start3A_309] : memref<2x!tpu.dma_semaphore, #tpu.memory_space<semaphore_mem>> -> memref<1x!tpu.dma_semaphore, #tpu.memory_space<semaphore_mem>>
        %dma_start3A_321 = tpu.memref_squeeze %dma_start3A_320 : memref<1x!tpu.dma_semaphore, #tpu.memory_space<semaphore_mem>> -> memref<!tpu.dma_semaphore, #tpu.memory_space<semaphore_mem>>
        tpu.enqueue_indirect_dma source(%dma_start3A_319 : memref<10000x128xf32, #tpu.memory_space<hbm>>) target(%dma_start3A_313 : memref<128x128xf32, #tpu.memory_space<vmem>>) offsets(%dma_start3A_316 : memref<128xi32, #tpu.memory_space<vmem>>) semaphore(%dma_start3A_321 : memref<!tpu.dma_semaphore, #tpu.memory_space<semaphore_mem>>)
      } else {
      }
      %scan3A_289 = arith.constant 0 : i32
      scf.yield %scan3A_289 : i32
    }
    %scan3A_160 = arith.constant 20 : i32
    %barrier3A_161 = arith.constant 0 : index
    tpu.barrier barrier_id(%barrier3A_161)
    "tpu.region"() ({
      %run_scoped3A_162 = tpu.sem_alloc : memref<!tpu.dma_semaphore, #tpu.memory_space<semaphore_mem>>
      %dma_start3A_163 = arith.constant 0 : i32
      %dma_start3A_164 = tpu.memref_slice %arg5[%arg0, %mul3A_9, %dma_start3A_163] : memref<2x10240x128xf32, #tpu.memory_space<hbm>> -> memref<1x640x128xf32, #tpu.memory_space<hbm>>
      %dma_start3A_165 = tpu.memref_squeeze %dma_start3A_164 : memref<1x640x128xf32, #tpu.memory_space<hbm>> -> memref<640x128xf32, #tpu.memory_space<hbm>>
      %dma_start3A_166 = arith.constant 0 : i32
      %dma_start3A_167 = tpu.memref_slice %arg9[%mul3A_9, %dma_start3A_166] : memref<10240x128xf32, #tpu.memory_space<vmem_shared>> -> memref<640x128xf32, #tpu.memory_space<vmem_shared>>
      tpu.enqueue_dma source(%dma_start3A_167 : memref<640x128xf32, #tpu.memory_space<vmem_shared>>) target(%dma_start3A_165 : memref<640x128xf32, #tpu.memory_space<hbm>>) target_semaphore(%run_scoped3A_162 : memref<!tpu.dma_semaphore, #tpu.memory_space<semaphore_mem>>)
      %dma_wait3A_168 = arith.constant 0 : i32
      %dma_wait3A_169 = tpu.memref_slice %arg5[%arg0, %mul3A_9, %dma_wait3A_168] : memref<2x10240x128xf32, #tpu.memory_space<hbm>> -> memref<1x640x128xf32, #tpu.memory_space<hbm>>
      %dma_wait3A_170 = tpu.memref_squeeze %dma_wait3A_169 : memref<1x640x128xf32, #tpu.memory_space<hbm>> -> memref<640x128xf32, #tpu.memory_space<hbm>>
      %dma_wait3A_171 = arith.constant 0 : i32
      %dma_wait3A_172 = tpu.memref_slice %arg9[%mul3A_9, %dma_wait3A_171] : memref<10240x128xf32, #tpu.memory_space<vmem_shared>> -> memref<640x128xf32, #tpu.memory_space<vmem_shared>>
      tpu.wait_dma2 semaphore(%run_scoped3A_162 : memref<!tpu.dma_semaphore, #tpu.memory_space<semaphore_mem>>) src(%dma_wait3A_172 : memref<640x128xf32, #tpu.memory_space<vmem_shared>>) dst(%dma_wait3A_170 : memref<640x128xf32, #tpu.memory_space<hbm>>)
      tpu.yield
    }) : () -> ()
    return
  }
}

#map = affine_map<(d0, d1) -> (0, 0)>
#map1 = affine_map<(d0, d1) -> (0, 0, 0)>
module attributes {stable_mosaic.version = 14 : i64} {
  func.func @_sc_agg_body(%arg0: i32, %arg1: i32, %arg2: memref<10000x128xf32, #tpu.memory_space<hbm>>, %arg3: memref<32x80x128xi32, #tpu.memory_space<hbm>>, %arg4: memref<32x80x128xi32, #tpu.memory_space<hbm>>, %arg5: memref<2x10240x128xf32, #tpu.memory_space<hbm>>, %arg6: memref<4x128xi32, #tpu.memory_space<vmem>>, %arg7: memref<80x128xi32, #tpu.memory_space<vmem>>, %arg8: memref<2x128x128xf32, #tpu.memory_space<vmem>>, %arg9: memref<10240x128xf32, #tpu.memory_space<vmem_shared>>, %arg10: memref<2x!tpu.dma_semaphore, #tpu.memory_space<semaphore_mem>>, %arg11: memref<4x!tpu.dma_semaphore, #tpu.memory_space<semaphore_mem>>) attributes {dimension_semantics = [#tpu.dimension_semantics<core_parallel>, #tpu.dimension_semantics<subcore_parallel>], iteration_bounds = array<i64: 2, 16>, scalar_prefetch = 0 : i64, scratch_operands = 6 : i64, tpu.core_type = #tpu.core_type<sc_vector_subcore>, window_params = [{transform_indices = #map}, {transform_indices = #map1}, {transform_indices = #map1}, {transform_indices = #map1}]} {
    %mul3A = arith.constant 2 : i32
    %mul3A_0 = arith.muli %arg1, %mul3A : i32
    %add3A = arith.addi %mul3A_0, %arg0 : i32
    %scan3A = arith.constant 0 : i32
    %scan3A_1 = arith.constant 0 : i32
    %scan3A_2 = arith.constant 0 : i32
    %scan3A_3 = arith.constant 128 : i32
    %scan3A_4 = arith.addi %scan3A_2, %scan3A_3 : i32
    %scan3A_5 = arith.constant 1 : i32
    %scan3A_6 = scf.for %scan3A_162 = %scan3A_2 to %scan3A_4 step %scan3A_5 iter_args(%scan3A_163 = %scan3A_1) -> (i32)  : i32 {
      %scan3A_164 = arith.constant 0 : i32
      %scan3A_165 = arith.constant 0 : i32
      %scan3A_166 = arith.constant 8 : i32
      %scan3A_167 = arith.addi %scan3A_165, %scan3A_166 : i32
      %scan3A_168 = arith.constant 1 : i32
      %scan3A_169 = scf.for %scan3A_171 = %scan3A_165 to %scan3A_167 step %scan3A_168 iter_args(%scan3A_172 = %scan3A_164) -> (i32)  : i32 {
        %broadcast_in_dim3A = arith.constant 0.000000e+00 : f32
        %broadcast_in_dim3A_173 = vector.broadcast %broadcast_in_dim3A : f32 to vector<16xf32>
        %mul3A_174 = arith.constant 16 : i32
        %mul3A_175 = arith.muli %scan3A_171, %mul3A_174 : i32
        %swap3A = arith.constant 0 : i32
        %swap3A_176 = arith.constant 0 : i32
        %swap3A_177 = tpu.memref_slice %arg8[%scan3A, %swap3A, %swap3A_176] : memref<2x128x128xf32, #tpu.memory_space<vmem>> -> memref<1x128x128xf32, #tpu.memory_space<vmem>>
        %swap3A_178 = tpu.memref_squeeze %swap3A_177 : memref<1x128x128xf32, #tpu.memory_space<vmem>> -> memref<128x128xf32, #tpu.memory_space<vmem>>
        %swap3A_179 = arith.index_cast %scan3A_162 : i32 to index
        %swap3A_180 = arith.index_cast %mul3A_175 : i32 to index
        %swap3A_181 = tpu.vector_load %swap3A_178[%swap3A_179, %swap3A_180] {strides = array<i32>} : memref<128x128xf32, #tpu.memory_space<vmem>>, vector<1x16xf32>,
        %swap3A_182 = vector.shape_cast %swap3A_181 : vector<1x16xf32> to vector<16xf32>
        %swap3A_183 = vector.shape_cast %broadcast_in_dim3A_173 : vector<16xf32> to vector<1x16xf32>
        tpu.vector_store %swap3A_178[%swap3A_179, %swap3A_180], %swap3A_183 {strides = array<i32>} : memref<128x128xf32, #tpu.memory_space<vmem>>, vector<1x16xf32>,
        %scan3A_184 = arith.constant 0 : i32
        scf.yield %scan3A_184 : i32
      }
      %scan3A_170 = arith.constant 8 : i32
      scf.yield %scan3A_169 : i32
    }
    %scan3A_7 = arith.constant 128 : i32
    %mul3A_8 = arith.constant 640 : i32
    %mul3A_9 = arith.muli %arg1, %mul3A_8 : i32
    %add3A_10 = arith.constant 0 : i32
    %add3A_11 = arith.addi %mul3A_9, %add3A_10 : i32
    %run_scoped3A = arith.constant 0 : i32
    "tpu.region"() ({
      %run_scoped3A_162 = tpu.sem_alloc : memref<!tpu.dma_semaphore, #tpu.memory_space<semaphore_mem>>
      %dma_start3A_163 = arith.constant 0 : i32
      %dma_start3A_164 = arith.constant 0 : i32
      %dma_start3A_165 = tpu.memref_slice %arg8[%run_scoped3A, %dma_start3A_163, %dma_start3A_164] : memref<2x128x128xf32, #tpu.memory_space<vmem>> -> memref<1x128x128xf32, #tpu.memory_space<vmem>>
      %dma_start3A_166 = tpu.memref_squeeze %dma_start3A_165 : memref<1x128x128xf32, #tpu.memory_space<vmem>> -> memref<128x128xf32, #tpu.memory_space<vmem>>
      %dma_start3A_167 = arith.constant 0 : i32
      %dma_start3A_168 = tpu.memref_slice %arg9[%add3A_11, %dma_start3A_167] : memref<10240x128xf32, #tpu.memory_space<vmem_shared>> -> memref<128x128xf32, #tpu.memory_space<vmem_shared>>
      %dma_start3A_169 = arith.constant 0 : i32
      %dma_start3A_170 = tpu.memref_slice %arg9[%add3A_11, %dma_start3A_169] : memref<10240x128xf32, #tpu.memory_space<vmem_shared>> -> memref<128x128xf32, #tpu.memory_space<vmem_shared>>
      %dma_start3A_171 = arith.constant 0 : i32
      %dma_start3A_172 = arith.constant 0 : i32
      %dma_start3A_173 = tpu.memref_slice %arg8[%run_scoped3A, %dma_start3A_171, %dma_start3A_172] : memref<2x128x128xf32, #tpu.memory_space<vmem>> -> memref<1x128x128xf32, #tpu.memory_space<vmem>>
      %dma_start3A_174 = tpu.memref_squeeze %dma_start3A_173 : memref<1x128x128xf32, #tpu.memory_space<vmem>> -> memref<128x128xf32, #tpu.memory_space<vmem>>
      tpu.enqueue_dma source(%dma_start3A_174 : memref<128x128xf32, #tpu.memory_space<vmem>>) target(%dma_start3A_170 : memref<128x128xf32, #tpu.memory_space<vmem_shared>>) target_semaphore(%run_scoped3A_162 : memref<!tpu.dma_semaphore, #tpu.memory_space<semaphore_mem>>)
      %dma_wait3A_175 = arith.constant 0 : i32
      %dma_wait3A_176 = arith.constant 0 : i32
      %dma_wait3A_177 = tpu.memref_slice %arg8[%run_scoped3A, %dma_wait3A_175, %dma_wait3A_176] : memref<2x128x128xf32, #tpu.memory_space<vmem>> -> memref<1x128x128xf32, #tpu.memory_space<vmem>>
      %dma_wait3A_178 = tpu.memref_squeeze %dma_wait3A_177 : memref<1x128x128xf32, #tpu.memory_space<vmem>> -> memref<128x128xf32, #tpu.memory_space<vmem>>
      %dma_wait3A_179 = arith.constant 0 : i32
      %dma_wait3A_180 = tpu.memref_slice %arg9[%add3A_11, %dma_wait3A_179] : memref<10240x128xf32, #tpu.memory_space<vmem_shared>> -> memref<128x128xf32, #tpu.memory_space<vmem_shared>>
      %dma_wait3A_181 = arith.constant 0 : i32
      %dma_wait3A_182 = tpu.memref_slice %arg9[%add3A_11, %dma_wait3A_181] : memref<10240x128xf32, #tpu.memory_space<vmem_shared>> -> memref<128x128xf32, #tpu.memory_space<vmem_shared>>
      %dma_wait3A_183 = arith.constant 0 : i32
      %dma_wait3A_184 = arith.constant 0 : i32
      %dma_wait3A_185 = tpu.memref_slice %arg8[%run_scoped3A, %dma_wait3A_183, %dma_wait3A_184] : memref<2x128x128xf32, #tpu.memory_space<vmem>> -> memref<1x128x128xf32, #tpu.memory_space<vmem>>
      %dma_wait3A_186 = tpu.memref_squeeze %dma_wait3A_185 : memref<1x128x128xf32, #tpu.memory_space<vmem>> -> memref<128x128xf32, #tpu.memory_space<vmem>>
      tpu.wait_dma2 semaphore(%run_scoped3A_162 : memref<!tpu.dma_semaphore, #tpu.memory_space<semaphore_mem>>) src(%dma_wait3A_186 : memref<128x128xf32, #tpu.memory_space<vmem>>) dst(%dma_wait3A_182 : memref<128x128xf32, #tpu.memory_space<vmem_shared>>)
      tpu.yield
    }) : () -> ()
    %add3A_12 = arith.constant 128 : i32
    %add3A_13 = arith.addi %mul3A_9, %add3A_12 : i32
    %run_scoped3A_14 = arith.constant 0 : i32
    "tpu.region"() ({
      %run_scoped3A_162 = tpu.sem_alloc : memref<!tpu.dma_semaphore, #tpu.memory_space<semaphore_mem>>
      %dma_start3A_163 = arith.constant 0 : i32
      %dma_start3A_164 = arith.constant 0 : i32
      %dma_start3A_165 = tpu.memref_slice %arg8[%run_scoped3A_14, %dma_start3A_163, %dma_start3A_164] : memref<2x128x128xf32, #tpu.memory_space<vmem>> -> memref<1x128x128xf32, #tpu.memory_space<vmem>>
      %dma_start3A_166 = tpu.memref_squeeze %dma_start3A_165 : memref<1x128x128xf32, #tpu.memory_space<vmem>> -> memref<128x128xf32, #tpu.memory_space<vmem>>
      %dma_start3A_167 = arith.constant 0 : i32
      %dma_start3A_168 = tpu.memref_slice %arg9[%add3A_13, %dma_start3A_167] : memref<10240x128xf32, #tpu.memory_space<vmem_shared>> -> memref<128x128xf32, #tpu.memory_space<vmem_shared>>
      %dma_start3A_169 = arith.constant 0 : i32
      %dma_start3A_170 = tpu.memref_slice %arg9[%add3A_13, %dma_start3A_169] : memref<10240x128xf32, #tpu.memory_space<vmem_shared>> -> memref<128x128xf32, #tpu.memory_space<vmem_shared>>
      %dma_start3A_171 = arith.constant 0 : i32
      %dma_start3A_172 = arith.constant 0 : i32
      %dma_start3A_173 = tpu.memref_slice %arg8[%run_scoped3A_14, %dma_start3A_171, %dma_start3A_172] : memref<2x128x128xf32, #tpu.memory_space<vmem>> -> memref<1x128x128xf32, #tpu.memory_space<vmem>>
      %dma_start3A_174 = tpu.memref_squeeze %dma_start3A_173 : memref<1x128x128xf32, #tpu.memory_space<vmem>> -> memref<128x128xf32, #tpu.memory_space<vmem>>
      tpu.enqueue_dma source(%dma_start3A_174 : memref<128x128xf32, #tpu.memory_space<vmem>>) target(%dma_start3A_170 : memref<128x128xf32, #tpu.memory_space<vmem_shared>>) target_semaphore(%run_scoped3A_162 : memref<!tpu.dma_semaphore, #tpu.memory_space<semaphore_mem>>)
      %dma_wait3A_175 = arith.constant 0 : i32
      %dma_wait3A_176 = arith.constant 0 : i32
      %dma_wait3A_177 = tpu.memref_slice %arg8[%run_scoped3A_14, %dma_wait3A_175, %dma_wait3A_176] : memref<2x128x128xf32, #tpu.memory_space<vmem>> -> memref<1x128x128xf32, #tpu.memory_space<vmem>>
      %dma_wait3A_178 = tpu.memref_squeeze %dma_wait3A_177 : memref<1x128x128xf32, #tpu.memory_space<vmem>> -> memref<128x128xf32, #tpu.memory_space<vmem>>
      %dma_wait3A_179 = arith.constant 0 : i32
      %dma_wait3A_180 = tpu.memref_slice %arg9[%add3A_13, %dma_wait3A_179] : memref<10240x128xf32, #tpu.memory_space<vmem_shared>> -> memref<128x128xf32, #tpu.memory_space<vmem_shared>>
      %dma_wait3A_181 = arith.constant 0 : i32
      %dma_wait3A_182 = tpu.memref_slice %arg9[%add3A_13, %dma_wait3A_181] : memref<10240x128xf32, #tpu.memory_space<vmem_shared>> -> memref<128x128xf32, #tpu.memory_space<vmem_shared>>
      %dma_wait3A_183 = arith.constant 0 : i32
      %dma_wait3A_184 = arith.constant 0 : i32
      %dma_wait3A_185 = tpu.memref_slice %arg8[%run_scoped3A_14, %dma_wait3A_183, %dma_wait3A_184] : memref<2x128x128xf32, #tpu.memory_space<vmem>> -> memref<1x128x128xf32, #tpu.memory_space<vmem>>
      %dma_wait3A_186 = tpu.memref_squeeze %dma_wait3A_185 : memref<1x128x128xf32, #tpu.memory_space<vmem>> -> memref<128x128xf32, #tpu.memory_space<vmem>>
      tpu.wait_dma2 semaphore(%run_scoped3A_162 : memref<!tpu.dma_semaphore, #tpu.memory_space<semaphore_mem>>) src(%dma_wait3A_186 : memref<128x128xf32, #tpu.memory_space<vmem>>) dst(%dma_wait3A_182 : memref<128x128xf32, #tpu.memory_space<vmem_shared>>)
      tpu.yield
    }) : () -> ()
    %add3A_15 = arith.constant 256 : i32
    %add3A_16 = arith.addi %mul3A_9, %add3A_15 : i32
    %run_scoped3A_17 = arith.constant 0 : i32
    "tpu.region"() ({
      %run_scoped3A_162 = tpu.sem_alloc : memref<!tpu.dma_semaphore, #tpu.memory_space<semaphore_mem>>
      %dma_start3A_163 = arith.constant 0 : i32
      %dma_start3A_164 = arith.constant 0 : i32
      %dma_start3A_165 = tpu.memref_slice %arg8[%run_scoped3A_17, %dma_start3A_163, %dma_start3A_164] : memref<2x128x128xf32, #tpu.memory_space<vmem>> -> memref<1x128x128xf32, #tpu.memory_space<vmem>>
      %dma_start3A_166 = tpu.memref_squeeze %dma_start3A_165 : memref<1x128x128xf32, #tpu.memory_space<vmem>> -> memref<128x128xf32, #tpu.memory_space<vmem>>
      %dma_start3A_167 = arith.constant 0 : i32
      %dma_start3A_168 = tpu.memref_slice %arg9[%add3A_16, %dma_start3A_167] : memref<10240x128xf32, #tpu.memory_space<vmem_shared>> -> memref<128x128xf32, #tpu.memory_space<vmem_shared>>
      %dma_start3A_169 = arith.constant 0 : i32
      %dma_start3A_170 = tpu.memref_slice %arg9[%add3A_16, %dma_start3A_169] : memref<10240x128xf32, #tpu.memory_space<vmem_shared>> -> memref<128x128xf32, #tpu.memory_space<vmem_shared>>
      %dma_start3A_171 = arith.constant 0 : i32
      %dma_start3A_172 = arith.constant 0 : i32
      %dma_start3A_173 = tpu.memref_slice %arg8[%run_scoped3A_17, %dma_start3A_171, %dma_start3A_172] : memref<2x128x128xf32, #tpu.memory_space<vmem>> -> memref<1x128x128xf32, #tpu.memory_space<vmem>>
      %dma_start3A_174 = tpu.memref_squeeze %dma_start3A_173 : memref<1x128x128xf32, #tpu.memory_space<vmem>> -> memref<128x128xf32, #tpu.memory_space<vmem>>
      tpu.enqueue_dma source(%dma_start3A_174 : memref<128x128xf32, #tpu.memory_space<vmem>>) target(%dma_start3A_170 : memref<128x128xf32, #tpu.memory_space<vmem_shared>>) target_semaphore(%run_scoped3A_162 : memref<!tpu.dma_semaphore, #tpu.memory_space<semaphore_mem>>)
      %dma_wait3A_175 = arith.constant 0 : i32
      %dma_wait3A_176 = arith.constant 0 : i32
      %dma_wait3A_177 = tpu.memref_slice %arg8[%run_scoped3A_17, %dma_wait3A_175, %dma_wait3A_176] : memref<2x128x128xf32, #tpu.memory_space<vmem>> -> memref<1x128x128xf32, #tpu.memory_space<vmem>>
      %dma_wait3A_178 = tpu.memref_squeeze %dma_wait3A_177 : memref<1x128x128xf32, #tpu.memory_space<vmem>> -> memref<128x128xf32, #tpu.memory_space<vmem>>
      %dma_wait3A_179 = arith.constant 0 : i32
      %dma_wait3A_180 = tpu.memref_slice %arg9[%add3A_16, %dma_wait3A_179] : memref<10240x128xf32, #tpu.memory_space<vmem_shared>> -> memref<128x128xf32, #tpu.memory_space<vmem_shared>>
      %dma_wait3A_181 = arith.constant 0 : i32
      %dma_wait3A_182 = tpu.memref_slice %arg9[%add3A_16, %dma_wait3A_181] : memref<10240x128xf32, #tpu.memory_space<vmem_shared>> -> memref<128x128xf32, #tpu.memory_space<vmem_shared>>
      %dma_wait3A_183 = arith.constant 0 : i32
      %dma_wait3A_184 = arith.constant 0 : i32
      %dma_wait3A_185 = tpu.memref_slice %arg8[%run_scoped3A_17, %dma_wait3A_183, %dma_wait3A_184] : memref<2x128x128xf32, #tpu.memory_space<vmem>> -> memref<1x128x128xf32, #tpu.memory_space<vmem>>
      %dma_wait3A_186 = tpu.memref_squeeze %dma_wait3A_185 : memref<1x128x128xf32, #tpu.memory_space<vmem>> -> memref<128x128xf32, #tpu.memory_space<vmem>>
      tpu.wait_dma2 semaphore(%run_scoped3A_162 : memref<!tpu.dma_semaphore, #tpu.memory_space<semaphore_mem>>) src(%dma_wait3A_186 : memref<128x128xf32, #tpu.memory_space<vmem>>) dst(%dma_wait3A_182 : memref<128x128xf32, #tpu.memory_space<vmem_shared>>)
      tpu.yield
    }) : () -> ()
    %add3A_18 = arith.constant 384 : i32
    %add3A_19 = arith.addi %mul3A_9, %add3A_18 : i32
    %run_scoped3A_20 = arith.constant 0 : i32
    "tpu.region"() ({
      %run_scoped3A_162 = tpu.sem_alloc : memref<!tpu.dma_semaphore, #tpu.memory_space<semaphore_mem>>
      %dma_start3A_163 = arith.constant 0 : i32
      %dma_start3A_164 = arith.constant 0 : i32
      %dma_start3A_165 = tpu.memref_slice %arg8[%run_scoped3A_20, %dma_start3A_163, %dma_start3A_164] : memref<2x128x128xf32, #tpu.memory_space<vmem>> -> memref<1x128x128xf32, #tpu.memory_space<vmem>>
      %dma_start3A_166 = tpu.memref_squeeze %dma_start3A_165 : memref<1x128x128xf32, #tpu.memory_space<vmem>> -> memref<128x128xf32, #tpu.memory_space<vmem>>
      %dma_start3A_167 = arith.constant 0 : i32
      %dma_start3A_168 = tpu.memref_slice %arg9[%add3A_19, %dma_start3A_167] : memref<10240x128xf32, #tpu.memory_space<vmem_shared>> -> memref<128x128xf32, #tpu.memory_space<vmem_shared>>
      %dma_start3A_169 = arith.constant 0 : i32
      %dma_start3A_170 = tpu.memref_slice %arg9[%add3A_19, %dma_start3A_169] : memref<10240x128xf32, #tpu.memory_space<vmem_shared>> -> memref<128x128xf32, #tpu.memory_space<vmem_shared>>
      %dma_start3A_171 = arith.constant 0 : i32
      %dma_start3A_172 = arith.constant 0 : i32
      %dma_start3A_173 = tpu.memref_slice %arg8[%run_scoped3A_20, %dma_start3A_171, %dma_start3A_172] : memref<2x128x128xf32, #tpu.memory_space<vmem>> -> memref<1x128x128xf32, #tpu.memory_space<vmem>>
      %dma_start3A_174 = tpu.memref_squeeze %dma_start3A_173 : memref<1x128x128xf32, #tpu.memory_space<vmem>> -> memref<128x128xf32, #tpu.memory_space<vmem>>
      tpu.enqueue_dma source(%dma_start3A_174 : memref<128x128xf32, #tpu.memory_space<vmem>>) target(%dma_start3A_170 : memref<128x128xf32, #tpu.memory_space<vmem_shared>>) target_semaphore(%run_scoped3A_162 : memref<!tpu.dma_semaphore, #tpu.memory_space<semaphore_mem>>)
      %dma_wait3A_175 = arith.constant 0 : i32
      %dma_wait3A_176 = arith.constant 0 : i32
      %dma_wait3A_177 = tpu.memref_slice %arg8[%run_scoped3A_20, %dma_wait3A_175, %dma_wait3A_176] : memref<2x128x128xf32, #tpu.memory_space<vmem>> -> memref<1x128x128xf32, #tpu.memory_space<vmem>>
      %dma_wait3A_178 = tpu.memref_squeeze %dma_wait3A_177 : memref<1x128x128xf32, #tpu.memory_space<vmem>> -> memref<128x128xf32, #tpu.memory_space<vmem>>
      %dma_wait3A_179 = arith.constant 0 : i32
      %dma_wait3A_180 = tpu.memref_slice %arg9[%add3A_19, %dma_wait3A_179] : memref<10240x128xf32, #tpu.memory_space<vmem_shared>> -> memref<128x128xf32, #tpu.memory_space<vmem_shared>>
      %dma_wait3A_181 = arith.constant 0 : i32
      %dma_wait3A_182 = tpu.memref_slice %arg9[%add3A_19, %dma_wait3A_181] : memref<10240x128xf32, #tpu.memory_space<vmem_shared>> -> memref<128x128xf32, #tpu.memory_space<vmem_shared>>
      %dma_wait3A_183 = arith.constant 0 : i32
      %dma_wait3A_184 = arith.constant 0 : i32
      %dma_wait3A_185 = tpu.memref_slice %arg8[%run_scoped3A_20, %dma_wait3A_183, %dma_wait3A_184] : memref<2x128x128xf32, #tpu.memory_space<vmem>> -> memref<1x128x128xf32, #tpu.memory_space<vmem>>
      %dma_wait3A_186 = tpu.memref_squeeze %dma_wait3A_185 : memref<1x128x128xf32, #tpu.memory_space<vmem>> -> memref<128x128xf32, #tpu.memory_space<vmem>>
      tpu.wait_dma2 semaphore(%run_scoped3A_162 : memref<!tpu.dma_semaphore, #tpu.memory_space<semaphore_mem>>) src(%dma_wait3A_186 : memref<128x128xf32, #tpu.memory_space<vmem>>) dst(%dma_wait3A_182 : memref<128x128xf32, #tpu.memory_space<vmem_shared>>)
      tpu.yield
    }) : () -> ()
    %add3A_21 = arith.constant 512 : i32
    %add3A_22 = arith.addi %mul3A_9, %add3A_21 : i32
    %run_scoped3A_23 = arith.constant 0 : i32
    "tpu.region"() ({
      %run_scoped3A_162 = tpu.sem_alloc : memref<!tpu.dma_semaphore, #tpu.memory_space<semaphore_mem>>
      %dma_start3A_163 = arith.constant 0 : i32
      %dma_start3A_164 = arith.constant 0 : i32
      %dma_start3A_165 = tpu.memref_slice %arg8[%run_scoped3A_23, %dma_start3A_163, %dma_start3A_164] : memref<2x128x128xf32, #tpu.memory_space<vmem>> -> memref<1x128x128xf32, #tpu.memory_space<vmem>>
      %dma_start3A_166 = tpu.memref_squeeze %dma_start3A_165 : memref<1x128x128xf32, #tpu.memory_space<vmem>> -> memref<128x128xf32, #tpu.memory_space<vmem>>
      %dma_start3A_167 = arith.constant 0 : i32
      %dma_start3A_168 = tpu.memref_slice %arg9[%add3A_22, %dma_start3A_167] : memref<10240x128xf32, #tpu.memory_space<vmem_shared>> -> memref<128x128xf32, #tpu.memory_space<vmem_shared>>
      %dma_start3A_169 = arith.constant 0 : i32
      %dma_start3A_170 = tpu.memref_slice %arg9[%add3A_22, %dma_start3A_169] : memref<10240x128xf32, #tpu.memory_space<vmem_shared>> -> memref<128x128xf32, #tpu.memory_space<vmem_shared>>
      %dma_start3A_171 = arith.constant 0 : i32
      %dma_start3A_172 = arith.constant 0 : i32
      %dma_start3A_173 = tpu.memref_slice %arg8[%run_scoped3A_23, %dma_start3A_171, %dma_start3A_172] : memref<2x128x128xf32, #tpu.memory_space<vmem>> -> memref<1x128x128xf32, #tpu.memory_space<vmem>>
      %dma_start3A_174 = tpu.memref_squeeze %dma_start3A_173 : memref<1x128x128xf32, #tpu.memory_space<vmem>> -> memref<128x128xf32, #tpu.memory_space<vmem>>
      tpu.enqueue_dma source(%dma_start3A_174 : memref<128x128xf32, #tpu.memory_space<vmem>>) target(%dma_start3A_170 : memref<128x128xf32, #tpu.memory_space<vmem_shared>>) target_semaphore(%run_scoped3A_162 : memref<!tpu.dma_semaphore, #tpu.memory_space<semaphore_mem>>)
      %dma_wait3A_175 = arith.constant 0 : i32
      %dma_wait3A_176 = arith.constant 0 : i32
      %dma_wait3A_177 = tpu.memref_slice %arg8[%run_scoped3A_23, %dma_wait3A_175, %dma_wait3A_176] : memref<2x128x128xf32, #tpu.memory_space<vmem>> -> memref<1x128x128xf32, #tpu.memory_space<vmem>>
      %dma_wait3A_178 = tpu.memref_squeeze %dma_wait3A_177 : memref<1x128x128xf32, #tpu.memory_space<vmem>> -> memref<128x128xf32, #tpu.memory_space<vmem>>
      %dma_wait3A_179 = arith.constant 0 : i32
      %dma_wait3A_180 = tpu.memref_slice %arg9[%add3A_22, %dma_wait3A_179] : memref<10240x128xf32, #tpu.memory_space<vmem_shared>> -> memref<128x128xf32, #tpu.memory_space<vmem_shared>>
      %dma_wait3A_181 = arith.constant 0 : i32
      %dma_wait3A_182 = tpu.memref_slice %arg9[%add3A_22, %dma_wait3A_181] : memref<10240x128xf32, #tpu.memory_space<vmem_shared>> -> memref<128x128xf32, #tpu.memory_space<vmem_shared>>
      %dma_wait3A_183 = arith.constant 0 : i32
      %dma_wait3A_184 = arith.constant 0 : i32
      %dma_wait3A_185 = tpu.memref_slice %arg8[%run_scoped3A_23, %dma_wait3A_183, %dma_wait3A_184] : memref<2x128x128xf32, #tpu.memory_space<vmem>> -> memref<1x128x128xf32, #tpu.memory_space<vmem>>
      %dma_wait3A_186 = tpu.memref_squeeze %dma_wait3A_185 : memref<1x128x128xf32, #tpu.memory_space<vmem>> -> memref<128x128xf32, #tpu.memory_space<vmem>>
      tpu.wait_dma2 semaphore(%run_scoped3A_162 : memref<!tpu.dma_semaphore, #tpu.memory_space<semaphore_mem>>) src(%dma_wait3A_186 : memref<128x128xf32, #tpu.memory_space<vmem>>) dst(%dma_wait3A_182 : memref<128x128xf32, #tpu.memory_space<vmem_shared>>)
      tpu.yield
    }) : () -> ()
    "tpu.region"() ({
      %run_scoped3A_162 = tpu.sem_alloc : memref<!tpu.dma_semaphore, #tpu.memory_space<semaphore_mem>>
      %dma_start3A_163 = arith.constant 0 : i32
      %dma_start3A_164 = arith.constant 0 : i32
      %dma_start3A_165 = tpu.memref_slice %arg4[%add3A, %dma_start3A_163, %dma_start3A_164] : memref<32x80x128xi32, #tpu.memory_space<hbm>> -> memref<1x80x128xi32, #tpu.memory_space<hbm>>
      %dma_start3A_166 = tpu.memref_squeeze %dma_start3A_165 : memref<1x80x128xi32, #tpu.memory_space<hbm>> -> memref<80x128xi32, #tpu.memory_space<hbm>>
      %dma_start3A_167 = arith.constant 0 : i32
      %dma_start3A_168 = arith.constant 0 : i32
      %dma_start3A_169 = tpu.memref_slice %arg4[%add3A, %dma_start3A_167, %dma_start3A_168] : memref<32x80x128xi32, #tpu.memory_space<hbm>> -> memref<1x80x128xi32, #tpu.memory_space<hbm>>
      %dma_start3A_170 = tpu.memref_squeeze %dma_start3A_169 : memref<1x80x128xi32, #tpu.memory_space<hbm>> -> memref<80x128xi32, #tpu.memory_space<hbm>>
      tpu.enqueue_dma source(%dma_start3A_170 : memref<80x128xi32, #tpu.memory_space<hbm>>) target(%arg7 : memref<80x128xi32, #tpu.memory_space<vmem>>) target_semaphore(%run_scoped3A_162 : memref<!tpu.dma_semaphore, #tpu.memory_space<semaphore_mem>>)
      %dma_wait3A_171 = arith.constant 0 : i32
      %dma_wait3A_172 = arith.constant 0 : i32
      %dma_wait3A_173 = tpu.memref_slice %arg4[%add3A, %dma_wait3A_171, %dma_wait3A_172] : memref<32x80x128xi32, #tpu.memory_space<hbm>> -> memref<1x80x128xi32, #tpu.memory_space<hbm>>
      %dma_wait3A_174 = tpu.memref_squeeze %dma_wait3A_173 : memref<1x80x128xi32, #tpu.memory_space<hbm>> -> memref<80x128xi32, #tpu.memory_space<hbm>>
      %dma_wait3A_175 = arith.constant 0 : i32
      %dma_wait3A_176 = arith.constant 0 : i32
      %dma_wait3A_177 = tpu.memref_slice %arg4[%add3A, %dma_wait3A_175, %dma_wait3A_176] : memref<32x80x128xi32, #tpu.memory_space<hbm>> -> memref<1x80x128xi32, #tpu.memory_space<hbm>>
      %dma_wait3A_178 = tpu.memref_squeeze %dma_wait3A_177 : memref<1x80x128xi32, #tpu.memory_space<hbm>> -> memref<80x128xi32, #tpu.memory_space<hbm>>
      tpu.wait_dma2 semaphore(%run_scoped3A_162 : memref<!tpu.dma_semaphore, #tpu.memory_space<semaphore_mem>>) src(%dma_wait3A_178 : memref<80x128xi32, #tpu.memory_space<hbm>>) dst(%arg7 : memref<80x128xi32, #tpu.memory_space<vmem>>)
      tpu.yield
    }) : () -> ()
    %dma_start3A = arith.constant 0 : i32
    %dma_start3A_24 = arith.constant 0 : i32
    %dma_start3A_25 = arith.constant 0 : i32
    %dma_start3A_26 = arith.constant 0 : i32
    %dma_start3A_27 = tpu.memref_slice %arg6[%dma_start3A_24, %dma_start3A_26] : memref<4x128xi32, #tpu.memory_space<vmem>> -> memref<1x128xi32, #tpu.memory_space<vmem>>
    %dma_start3A_28 = tpu.memref_squeeze %dma_start3A_27 : memref<1x128xi32, #tpu.memory_space<vmem>> -> memref<128xi32, #tpu.memory_space<vmem>>
    %dma_start3A_29 = arith.constant 0 : i32
    %dma_start3A_30 = tpu.memref_slice %arg3[%add3A, %dma_start3A, %dma_start3A_29] : memref<32x80x128xi32, #tpu.memory_space<hbm>> -> memref<1x1x128xi32, #tpu.memory_space<hbm>>
    %dma_start3A_31 = tpu.memref_squeeze %dma_start3A_30 : memref<1x1x128xi32, #tpu.memory_space<hbm>> -> memref<128xi32, #tpu.memory_space<hbm>>
    %dma_start3A_32 = tpu.memref_slice %arg11[%dma_start3A_25] : memref<4x!tpu.dma_semaphore, #tpu.memory_space<semaphore_mem>> -> memref<1x!tpu.dma_semaphore, #tpu.memory_space<semaphore_mem>>
    %dma_start3A_33 = tpu.memref_squeeze %dma_start3A_32 : memref<1x!tpu.dma_semaphore, #tpu.memory_space<semaphore_mem>> -> memref<!tpu.dma_semaphore, #tpu.memory_space<semaphore_mem>>
    %dma_start3A_34 = arith.constant 0 : i32
    %dma_start3A_35 = tpu.memref_slice %arg6[%dma_start3A_24, %dma_start3A_34] : memref<4x128xi32, #tpu.memory_space<vmem>> -> memref<1x128xi32, #tpu.memory_space<vmem>>
    %dma_start3A_36 = tpu.memref_squeeze %dma_start3A_35 : memref<1x128xi32, #tpu.memory_space<vmem>> -> memref<128xi32, #tpu.memory_space<vmem>>
    %dma_start3A_37 = arith.constant 0 : i32
    %dma_start3A_38 = tpu.memref_slice %arg3[%add3A, %dma_start3A, %dma_start3A_37] : memref<32x80x128xi32, #tpu.memory_space<hbm>> -> memref<1x1x128xi32, #tpu.memory_space<hbm>>
    %dma_start3A_39 = tpu.memref_squeeze %dma_start3A_38 : memref<1x1x128xi32, #tpu.memory_space<hbm>> -> memref<128xi32, #tpu.memory_space<hbm>>
    tpu.enqueue_dma source(%dma_start3A_39 : memref<128xi32, #tpu.memory_space<hbm>>) target(%dma_start3A_36 : memref<128xi32, #tpu.memory_space<vmem>>) target_semaphore(%dma_start3A_33 : memref<!tpu.dma_semaphore, #tpu.memory_space<semaphore_mem>>)
    %dma_start3A_40 = arith.constant 1 : i32
    %dma_start3A_41 = arith.constant 1 : i32
    %dma_start3A_42 = arith.constant 1 : i32
    %dma_start3A_43 = arith.constant 0 : i32
    %dma_start3A_44 = tpu.memref_slice %arg6[%dma_start3A_41, %dma_start3A_43] : memref<4x128xi32, #tpu.memory_space<vmem>> -> memref<1x128xi32, #tpu.memory_space<vmem>>
    %dma_start3A_45 = tpu.memref_squeeze %dma_start3A_44 : memref<1x128xi32, #tpu.memory_space<vmem>> -> memref<128xi32, #tpu.memory_space<vmem>>
    %dma_start3A_46 = arith.constant 0 : i32
    %dma_start3A_47 = tpu.memref_slice %arg3[%add3A, %dma_start3A_40, %dma_start3A_46] : memref<32x80x128xi32, #tpu.memory_space<hbm>> -> memref<1x1x128xi32, #tpu.memory_space<hbm>>
    %dma_start3A_48 = tpu.memref_squeeze %dma_start3A_47 : memref<1x1x128xi32, #tpu.memory_space<hbm>> -> memref<128xi32, #tpu.memory_space<hbm>>
    %dma_start3A_49 = tpu.memref_slice %arg11[%dma_start3A_42] : memref<4x!tpu.dma_semaphore, #tpu.memory_space<semaphore_mem>> -> memref<1x!tpu.dma_semaphore, #tpu.memory_space<semaphore_mem>>
    %dma_start3A_50 = tpu.memref_squeeze %dma_start3A_49 : memref<1x!tpu.dma_semaphore, #tpu.memory_space<semaphore_mem>> -> memref<!tpu.dma_semaphore, #tpu.memory_space<semaphore_mem>>
    %dma_start3A_51 = arith.constant 0 : i32
    %dma_start3A_52 = tpu.memref_slice %arg6[%dma_start3A_41, %dma_start3A_51] : memref<4x128xi32, #tpu.memory_space<vmem>> -> memref<1x128xi32, #tpu.memory_space<vmem>>
    %dma_start3A_53 = tpu.memref_squeeze %dma_start3A_52 : memref<1x128xi32, #tpu.memory_space<vmem>> -> memref<128xi32, #tpu.memory_space<vmem>>
    %dma_start3A_54 = arith.constant 0 : i32
    %dma_start3A_55 = tpu.memref_slice %arg3[%add3A, %dma_start3A_40, %dma_start3A_54] : memref<32x80x128xi32, #tpu.memory_space<hbm>> -> memref<1x1x128xi32, #tpu.memory_space<hbm>>
    %dma_start3A_56 = tpu.memref_squeeze %dma_start3A_55 : memref<1x1x128xi32, #tpu.memory_space<hbm>> -> memref<128xi32, #tpu.memory_space<hbm>>
    tpu.enqueue_dma source(%dma_start3A_56 : memref<128xi32, #tpu.memory_space<hbm>>) target(%dma_start3A_53 : memref<128xi32, #tpu.memory_space<vmem>>) target_semaphore(%dma_start3A_50 : memref<!tpu.dma_semaphore, #tpu.memory_space<semaphore_mem>>)
    %dma_start3A_57 = arith.constant 2 : i32
    %dma_start3A_58 = arith.constant 2 : i32
    %dma_start3A_59 = arith.constant 2 : i32
    %dma_start3A_60 = arith.constant 0 : i32
    %dma_start3A_61 = tpu.memref_slice %arg6[%dma_start3A_58, %dma_start3A_60] : memref<4x128xi32, #tpu.memory_space<vmem>> -> memref<1x128xi32, #tpu.memory_space<vmem>>
    %dma_start3A_62 = tpu.memref_squeeze %dma_start3A_61 : memref<1x128xi32, #tpu.memory_space<vmem>> -> memref<128xi32, #tpu.memory_space<vmem>>
    %dma_start3A_63 = arith.constant 0 : i32
    %dma_start3A_64 = tpu.memref_slice %arg3[%add3A, %dma_start3A_57, %dma_start3A_63] : memref<32x80x128xi32, #tpu.memory_space<hbm>> -> memref<1x1x128xi32, #tpu.memory_space<hbm>>
    %dma_start3A_65 = tpu.memref_squeeze %dma_start3A_64 : memref<1x1x128xi32, #tpu.memory_space<hbm>> -> memref<128xi32, #tpu.memory_space<hbm>>
    %dma_start3A_66 = tpu.memref_slice %arg11[%dma_start3A_59] : memref<4x!tpu.dma_semaphore, #tpu.memory_space<semaphore_mem>> -> memref<1x!tpu.dma_semaphore, #tpu.memory_space<semaphore_mem>>
    %dma_start3A_67 = tpu.memref_squeeze %dma_start3A_66 : memref<1x!tpu.dma_semaphore, #tpu.memory_space<semaphore_mem>> -> memref<!tpu.dma_semaphore, #tpu.memory_space<semaphore_mem>>
    %dma_start3A_68 = arith.constant 0 : i32
    %dma_start3A_69 = tpu.memref_slice %arg6[%dma_start3A_58, %dma_start3A_68] : memref<4x128xi32, #tpu.memory_space<vmem>> -> memref<1x128xi32, #tpu.memory_space<vmem>>
    %dma_start3A_70 = tpu.memref_squeeze %dma_start3A_69 : memref<1x128xi32, #tpu.memory_space<vmem>> -> memref<128xi32, #tpu.memory_space<vmem>>
    %dma_start3A_71 = arith.constant 0 : i32
    %dma_start3A_72 = tpu.memref_slice %arg3[%add3A, %dma_start3A_57, %dma_start3A_71] : memref<32x80x128xi32, #tpu.memory_space<hbm>> -> memref<1x1x128xi32, #tpu.memory_space<hbm>>
    %dma_start3A_73 = tpu.memref_squeeze %dma_start3A_72 : memref<1x1x128xi32, #tpu.memory_space<hbm>> -> memref<128xi32, #tpu.memory_space<hbm>>
    tpu.enqueue_dma source(%dma_start3A_73 : memref<128xi32, #tpu.memory_space<hbm>>) target(%dma_start3A_70 : memref<128xi32, #tpu.memory_space<vmem>>) target_semaphore(%dma_start3A_67 : memref<!tpu.dma_semaphore, #tpu.memory_space<semaphore_mem>>)
    %dma_start3A_74 = arith.constant 3 : i32
    %dma_start3A_75 = arith.constant 3 : i32
    %dma_start3A_76 = arith.constant 3 : i32
    %dma_start3A_77 = arith.constant 0 : i32
    %dma_start3A_78 = tpu.memref_slice %arg6[%dma_start3A_75, %dma_start3A_77] : memref<4x128xi32, #tpu.memory_space<vmem>> -> memref<1x128xi32, #tpu.memory_space<vmem>>
    %dma_start3A_79 = tpu.memref_squeeze %dma_start3A_78 : memref<1x128xi32, #tpu.memory_space<vmem>> -> memref<128xi32, #tpu.memory_space<vmem>>
    %dma_start3A_80 = arith.constant 0 : i32
    %dma_start3A_81 = tpu.memref_slice %arg3[%add3A, %dma_start3A_74, %dma_start3A_80] : memref<32x80x128xi32, #tpu.memory_space<hbm>> -> memref<1x1x128xi32, #tpu.memory_space<hbm>>
    %dma_start3A_82 = tpu.memref_squeeze %dma_start3A_81 : memref<1x1x128xi32, #tpu.memory_space<hbm>> -> memref<128xi32, #tpu.memory_space<hbm>>
    %dma_start3A_83 = tpu.memref_slice %arg11[%dma_start3A_76] : memref<4x!tpu.dma_semaphore, #tpu.memory_space<semaphore_mem>> -> memref<1x!tpu.dma_semaphore, #tpu.memory_space<semaphore_mem>>
    %dma_start3A_84 = tpu.memref_squeeze %dma_start3A_83 : memref<1x!tpu.dma_semaphore, #tpu.memory_space<semaphore_mem>> -> memref<!tpu.dma_semaphore, #tpu.memory_space<semaphore_mem>>
    %dma_start3A_85 = arith.constant 0 : i32
    %dma_start3A_86 = tpu.memref_slice %arg6[%dma_start3A_75, %dma_start3A_85] : memref<4x128xi32, #tpu.memory_space<vmem>> -> memref<1x128xi32, #tpu.memory_space<vmem>>
    %dma_start3A_87 = tpu.memref_squeeze %dma_start3A_86 : memref<1x128xi32, #tpu.memory_space<vmem>> -> memref<128xi32, #tpu.memory_space<vmem>>
    %dma_start3A_88 = arith.constant 0 : i32
    %dma_start3A_89 = tpu.memref_slice %arg3[%add3A, %dma_start3A_74, %dma_start3A_88] : memref<32x80x128xi32, #tpu.memory_space<hbm>> -> memref<1x1x128xi32, #tpu.memory_space<hbm>>
    %dma_start3A_90 = tpu.memref_squeeze %dma_start3A_89 : memref<1x1x128xi32, #tpu.memory_space<hbm>> -> memref<128xi32, #tpu.memory_space<hbm>>
    tpu.enqueue_dma source(%dma_start3A_90 : memref<128xi32, #tpu.memory_space<hbm>>) target(%dma_start3A_87 : memref<128xi32, #tpu.memory_space<vmem>>) target_semaphore(%dma_start3A_84 : memref<!tpu.dma_semaphore, #tpu.memory_space<semaphore_mem>>)
    %barrier3A = arith.constant 0 : index
    tpu.barrier barrier_id(%barrier3A)
    %dma_wait3A = arith.constant 0 : i32
    %dma_wait3A_91 = arith.constant 0 : i32
    %dma_wait3A_92 = arith.constant 0 : i32
    %dma_wait3A_93 = arith.constant 0 : i32
    %dma_wait3A_94 = tpu.memref_slice %arg6[%dma_wait3A_91, %dma_wait3A_93] : memref<4x128xi32, #tpu.memory_space<vmem>> -> memref<1x128xi32, #tpu.memory_space<vmem>>
    %dma_wait3A_95 = tpu.memref_squeeze %dma_wait3A_94 : memref<1x128xi32, #tpu.memory_space<vmem>> -> memref<128xi32, #tpu.memory_space<vmem>>
    %dma_wait3A_96 = arith.constant 0 : i32
    %dma_wait3A_97 = tpu.memref_slice %arg3[%add3A, %dma_wait3A, %dma_wait3A_96] : memref<32x80x128xi32, #tpu.memory_space<hbm>> -> memref<1x1x128xi32, #tpu.memory_space<hbm>>
    %dma_wait3A_98 = tpu.memref_squeeze %dma_wait3A_97 : memref<1x1x128xi32, #tpu.memory_space<hbm>> -> memref<128xi32, #tpu.memory_space<hbm>>
    %dma_wait3A_99 = tpu.memref_slice %arg11[%dma_wait3A_92] : memref<4x!tpu.dma_semaphore, #tpu.memory_space<semaphore_mem>> -> memref<1x!tpu.dma_semaphore, #tpu.memory_space<semaphore_mem>>
    %dma_wait3A_100 = tpu.memref_squeeze %dma_wait3A_99 : memref<1x!tpu.dma_semaphore, #tpu.memory_space<semaphore_mem>> -> memref<!tpu.dma_semaphore, #tpu.memory_space<semaphore_mem>>
    %dma_wait3A_101 = arith.constant 0 : i32
    %dma_wait3A_102 = tpu.memref_slice %arg6[%dma_wait3A_91, %dma_wait3A_101] : memref<4x128xi32, #tpu.memory_space<vmem>> -> memref<1x128xi32, #tpu.memory_space<vmem>>
    %dma_wait3A_103 = tpu.memref_squeeze %dma_wait3A_102 : memref<1x128xi32, #tpu.memory_space<vmem>> -> memref<128xi32, #tpu.memory_space<vmem>>
    %dma_wait3A_104 = arith.constant 0 : i32
    %dma_wait3A_105 = tpu.memref_slice %arg3[%add3A, %dma_wait3A, %dma_wait3A_104] : memref<32x80x128xi32, #tpu.memory_space<hbm>> -> memref<1x1x128xi32, #tpu.memory_space<hbm>>
    %dma_wait3A_106 = tpu.memref_squeeze %dma_wait3A_105 : memref<1x1x128xi32, #tpu.memory_space<hbm>> -> memref<128xi32, #tpu.memory_space<hbm>>
    tpu.wait_dma2 semaphore(%dma_wait3A_100 : memref<!tpu.dma_semaphore, #tpu.memory_space<semaphore_mem>>) src(%dma_wait3A_106 : memref<128xi32, #tpu.memory_space<hbm>>) dst(%dma_wait3A_103 : memref<128xi32, #tpu.memory_space<vmem>>)
    %dma_start3A_107 = arith.constant 0 : i32
    %dma_start3A_108 = arith.constant 0 : i32
    %dma_start3A_109 = arith.constant 0 : i32
    %dma_start3A_110 = arith.constant 0 : i32
    %dma_start3A_111 = arith.constant 0 : i32
    %dma_start3A_112 = tpu.memref_slice %arg8[%dma_start3A_108, %dma_start3A_110, %dma_start3A_111] : memref<2x128x128xf32, #tpu.memory_space<vmem>> -> memref<1x128x128xf32, #tpu.memory_space<vmem>>
    %dma_start3A_113 = tpu.memref_squeeze %dma_start3A_112 : memref<1x128x128xf32, #tpu.memory_space<vmem>> -> memref<128x128xf32, #tpu.memory_space<vmem>>
    %dma_start3A_114 = arith.constant 0 : i32
    %dma_start3A_115 = tpu.memref_slice %arg6[%dma_start3A_107, %dma_start3A_114] : memref<4x128xi32, #tpu.memory_space<vmem>> -> memref<1x128xi32, #tpu.memory_space<vmem>>
    %dma_start3A_116 = tpu.memref_squeeze %dma_start3A_115 : memref<1x128xi32, #tpu.memory_space<vmem>> -> memref<128xi32, #tpu.memory_space<vmem>>
    %dma_start3A_117 = arith.constant 0 : i32
    %dma_start3A_118 = arith.constant 0 : i32
    %dma_start3A_119 = tpu.memref_slice %arg2[%dma_start3A_117, %dma_start3A_118] : memref<10000x128xf32, #tpu.memory_space<hbm>> -> memref<10000x128xf32, #tpu.memory_space<hbm>>
    %dma_start3A_120 = tpu.memref_slice %arg10[%dma_start3A_109] : memref<2x!tpu.dma_semaphore, #tpu.memory_space<semaphore_mem>> -> memref<1x!tpu.dma_semaphore, #tpu.memory_space<semaphore_mem>>
    %dma_start3A_121 = tpu.memref_squeeze %dma_start3A_120 : memref<1x!tpu.dma_semaphore, #tpu.memory_space<semaphore_mem>> -> memref<!tpu.dma_semaphore, #tpu.memory_space<semaphore_mem>>
    tpu.enqueue_indirect_dma source(%dma_start3A_119 : memref<10000x128xf32, #tpu.memory_space<hbm>>) target(%dma_start3A_113 : memref<128x128xf32, #tpu.memory_space<vmem>>) offsets(%dma_start3A_116 : memref<128xi32, #tpu.memory_space<vmem>>) semaphore(%dma_start3A_121 : memref<!tpu.dma_semaphore, #tpu.memory_space<semaphore_mem>>)
    %dma_wait3A_122 = arith.constant 1 : i32
    %dma_wait3A_123 = arith.constant 1 : i32
    %dma_wait3A_124 = arith.constant 1 : i32
    %dma_wait3A_125 = arith.constant 0 : i32
    %dma_wait3A_126 = tpu.memref_slice %arg6[%dma_wait3A_123, %dma_wait3A_125] : memref<4x128xi32, #tpu.memory_space<vmem>> -> memref<1x128xi32, #tpu.memory_space<vmem>>
    %dma_wait3A_127 = tpu.memref_squeeze %dma_wait3A_126 : memref<1x128xi32, #tpu.memory_space<vmem>> -> memref<128xi32, #tpu.memory_space<vmem>>
    %dma_wait3A_128 = arith.constant 0 : i32
    %dma_wait3A_129 = tpu.memref_slice %arg3[%add3A, %dma_wait3A_122, %dma_wait3A_128] : memref<32x80x128xi32, #tpu.memory_space<hbm>> -> memref<1x1x128xi32, #tpu.memory_space<hbm>>
    %dma_wait3A_130 = tpu.memref_squeeze %dma_wait3A_129 : memref<1x1x128xi32, #tpu.memory_space<hbm>> -> memref<128xi32, #tpu.memory_space<hbm>>
    %dma_wait3A_131 = tpu.memref_slice %arg11[%dma_wait3A_124] : memref<4x!tpu.dma_semaphore, #tpu.memory_space<semaphore_mem>> -> memref<1x!tpu.dma_semaphore, #tpu.memory_space<semaphore_mem>>
    %dma_wait3A_132 = tpu.memref_squeeze %dma_wait3A_131 : memref<1x!tpu.dma_semaphore, #tpu.memory_space<semaphore_mem>> -> memref<!tpu.dma_semaphore, #tpu.memory_space<semaphore_mem>>
    %dma_wait3A_133 = arith.constant 0 : i32
    %dma_wait3A_134 = tpu.memref_slice %arg6[%dma_wait3A_123, %dma_wait3A_133] : memref<4x128xi32, #tpu.memory_space<vmem>> -> memref<1x128xi32, #tpu.memory_space<vmem>>
    %dma_wait3A_135 = tpu.memref_squeeze %dma_wait3A_134 : memref<1x128xi32, #tpu.memory_space<vmem>> -> memref<128xi32, #tpu.memory_space<vmem>>
    %dma_wait3A_136 = arith.constant 0 : i32
    %dma_wait3A_137 = tpu.memref_slice %arg3[%add3A, %dma_wait3A_122, %dma_wait3A_136] : memref<32x80x128xi32, #tpu.memory_space<hbm>> -> memref<1x1x128xi32, #tpu.memory_space<hbm>>
    %dma_wait3A_138 = tpu.memref_squeeze %dma_wait3A_137 : memref<1x1x128xi32, #tpu.memory_space<hbm>> -> memref<128xi32, #tpu.memory_space<hbm>>
    tpu.wait_dma2 semaphore(%dma_wait3A_132 : memref<!tpu.dma_semaphore, #tpu.memory_space<semaphore_mem>>) src(%dma_wait3A_138 : memref<128xi32, #tpu.memory_space<hbm>>) dst(%dma_wait3A_135 : memref<128xi32, #tpu.memory_space<vmem>>)
    %dma_start3A_139 = arith.constant 1 : i32
    %dma_start3A_140 = arith.constant 1 : i32
    %dma_start3A_141 = arith.constant 1 : i32
    %dma_start3A_142 = arith.constant 0 : i32
    %dma_start3A_143 = arith.constant 0 : i32
    %dma_start3A_144 = tpu.memref_slice %arg8[%dma_start3A_140, %dma_start3A_142, %dma_start3A_143] : memref<2x128x128xf32, #tpu.memory_space<vmem>> -> memref<1x128x128xf32, #tpu.memory_space<vmem>>
    %dma_start3A_145 = tpu.memref_squeeze %dma_start3A_144 : memref<1x128x128xf32, #tpu.memory_space<vmem>> -> memref<128x128xf32, #tpu.memory_space<vmem>>
    %dma_start3A_146 = arith.constant 0 : i32
    %dma_start3A_147 = tpu.memref_slice %arg6[%dma_start3A_139, %dma_start3A_146] : memref<4x128xi32, #tpu.memory_space<vmem>> -> memref<1x128xi32, #tpu.memory_space<vmem>>
    %dma_start3A_148 = tpu.memref_squeeze %dma_start3A_147 : memref<1x128xi32, #tpu.memory_space<vmem>> -> memref<128xi32, #tpu.memory_space<vmem>>
    %dma_start3A_149 = arith.constant 0 : i32
    %dma_start3A_150 = arith.constant 0 : i32
    %dma_start3A_151 = tpu.memref_slice %arg2[%dma_start3A_149, %dma_start3A_150] : memref<10000x128xf32, #tpu.memory_space<hbm>> -> memref<10000x128xf32, #tpu.memory_space<hbm>>
    %dma_start3A_152 = tpu.memref_slice %arg10[%dma_start3A_141] : memref<2x!tpu.dma_semaphore, #tpu.memory_space<semaphore_mem>> -> memref<1x!tpu.dma_semaphore, #tpu.memory_space<semaphore_mem>>
    %dma_start3A_153 = tpu.memref_squeeze %dma_start3A_152 : memref<1x!tpu.dma_semaphore, #tpu.memory_space<semaphore_mem>> -> memref<!tpu.dma_semaphore, #tpu.memory_space<semaphore_mem>>
    tpu.enqueue_indirect_dma source(%dma_start3A_151 : memref<10000x128xf32, #tpu.memory_space<hbm>>) target(%dma_start3A_145 : memref<128x128xf32, #tpu.memory_space<vmem>>) offsets(%dma_start3A_148 : memref<128xi32, #tpu.memory_space<vmem>>) semaphore(%dma_start3A_153 : memref<!tpu.dma_semaphore, #tpu.memory_space<semaphore_mem>>)
    %scan3A_154 = arith.constant 0 : i32
    %scan3A_155 = arith.constant 0 : i32
    %scan3A_156 = arith.constant 20 : i32
    %scan3A_157 = arith.addi %scan3A_155, %scan3A_156 : i32
    %scan3A_158 = arith.constant 1 : i32
    %scan3A_159 = scf.for %scan3A_162 = %scan3A_155 to %scan3A_157 step %scan3A_158 iter_args(%scan3A_163 = %scan3A_154) -> (i32)  : i32 {
      %mul3A_164 = arith.constant 4 : i32
      %mul3A_165 = arith.muli %scan3A_162, %mul3A_164 : i32
      %add3A_166 = arith.constant 0 : i32
      %add3A_167 = arith.addi %mul3A_165, %add3A_166 : i32
      %dma_wait3A_168 = arith.constant 0 : i32
      %dma_wait3A_169 = arith.constant 0 : i32
      %dma_wait3A_170 = arith.constant 0 : i32
      %dma_wait3A_171 = arith.constant 0 : i32
      %dma_wait3A_172 = arith.constant 0 : i32
      %dma_wait3A_173 = tpu.memref_slice %arg8[%dma_wait3A_169, %dma_wait3A_171, %dma_wait3A_172] : memref<2x128x128xf32, #tpu.memory_space<vmem>> -> memref<1x128x128xf32, #tpu.memory_space<vmem>>
      %dma_wait3A_174 = tpu.memref_squeeze %dma_wait3A_173 : memref<1x128x128xf32, #tpu.memory_space<vmem>> -> memref<128x128xf32, #tpu.memory_space<vmem>>
      %dma_wait3A_175 = arith.constant 0 : i32
      %dma_wait3A_176 = tpu.memref_slice %arg6[%dma_wait3A_168, %dma_wait3A_175] : memref<4x128xi32, #tpu.memory_space<vmem>> -> memref<1x128xi32, #tpu.memory_space<vmem>>
      %dma_wait3A_177 = tpu.memref_squeeze %dma_wait3A_176 : memref<1x128xi32, #tpu.memory_space<vmem>> -> memref<128xi32, #tpu.memory_space<vmem>>
      %dma_wait3A_178 = arith.constant 0 : i32
      %dma_wait3A_179 = arith.constant 0 : i32
      %dma_wait3A_180 = tpu.memref_slice %arg2[%dma_wait3A_178, %dma_wait3A_179] : memref<10000x128xf32, #tpu.memory_space<hbm>> -> memref<10000x128xf32, #tpu.memory_space<hbm>>
      %dma_wait3A_181 = tpu.memref_slice %arg10[%dma_wait3A_170] : memref<2x!tpu.dma_semaphore, #tpu.memory_space<semaphore_mem>> -> memref<1x!tpu.dma_semaphore, #tpu.memory_space<semaphore_mem>>
      %dma_wait3A_182 = tpu.memref_squeeze %dma_wait3A_181 : memref<1x!tpu.dma_semaphore, #tpu.memory_space<semaphore_mem>> -> memref<!tpu.dma_semaphore, #tpu.memory_space<semaphore_mem>>
      tpu.wait_indirect_dma semaphore(%dma_wait3A_182 : memref<!tpu.dma_semaphore, #tpu.memory_space<semaphore_mem>>) src(%dma_wait3A_180 : memref<10000x128xf32, #tpu.memory_space<hbm>>) dst(%dma_wait3A_174 : memref<128x128xf32, #tpu.memory_space<vmem>>)
      %run_scoped3A_183 = arith.constant 0 : i32
      "tpu.region"() ({
        %run_scoped3A_290 = tpu.sem_alloc : memref<!tpu.dma_semaphore, #tpu.memory_space<semaphore_mem>>
        %dma_start3A_291 = arith.constant 0 : i32
        %dma_start3A_292 = arith.constant 0 : i32
        %dma_start3A_293 = tpu.memref_slice %arg8[%run_scoped3A_183, %dma_start3A_291, %dma_start3A_292] : memref<2x128x128xf32, #tpu.memory_space<vmem>> -> memref<1x128x128xf32, #tpu.memory_space<vmem>>
        %dma_start3A_294 = tpu.memref_squeeze %dma_start3A_293 : memref<1x128x128xf32, #tpu.memory_space<vmem>> -> memref<128x128xf32, #tpu.memory_space<vmem>>
        %dma_start3A_295 = arith.constant 0 : i32
        %dma_start3A_296 = tpu.memref_slice %arg7[%add3A_167, %dma_start3A_295] : memref<80x128xi32, #tpu.memory_space<vmem>> -> memref<1x128xi32, #tpu.memory_space<vmem>>
        %dma_start3A_297 = tpu.memref_squeeze %dma_start3A_296 : memref<1x128xi32, #tpu.memory_space<vmem>> -> memref<128xi32, #tpu.memory_space<vmem>>
        %dma_start3A_298 = arith.constant 0 : i32
        %dma_start3A_299 = arith.constant 0 : i32
        %dma_start3A_300 = tpu.memref_slice %arg9[%dma_start3A_298, %dma_start3A_299] : memref<10240x128xf32, #tpu.memory_space<vmem_shared>> -> memref<10240x128xf32, #tpu.memory_space<vmem_shared>>
        tpu.enqueue_indirect_dma source(%dma_start3A_294 : memref<128x128xf32, #tpu.memory_space<vmem>>) target(%dma_start3A_300 : memref<10240x128xf32, #tpu.memory_space<vmem_shared>>) offsets(%dma_start3A_297 : memref<128xi32, #tpu.memory_space<vmem>>) semaphore(%run_scoped3A_290 : memref<!tpu.dma_semaphore, #tpu.memory_space<semaphore_mem>>) {add = true}
        %dma_wait3A_301 = arith.constant 0 : i32
        %dma_wait3A_302 = arith.constant 0 : i32
        %dma_wait3A_303 = tpu.memref_slice %arg8[%run_scoped3A_183, %dma_wait3A_301, %dma_wait3A_302] : memref<2x128x128xf32, #tpu.memory_space<vmem>> -> memref<1x128x128xf32, #tpu.memory_space<vmem>>
        %dma_wait3A_304 = tpu.memref_squeeze %dma_wait3A_303 : memref<1x128x128xf32, #tpu.memory_space<vmem>> -> memref<128x128xf32, #tpu.memory_space<vmem>>
        %dma_wait3A_305 = arith.constant 0 : i32
        %dma_wait3A_306 = tpu.memref_slice %arg7[%add3A_167, %dma_wait3A_305] : memref<80x128xi32, #tpu.memory_space<vmem>> -> memref<1x128xi32, #tpu.memory_space<vmem>>
        %dma_wait3A_307 = tpu.memref_squeeze %dma_wait3A_306 : memref<1x128xi32, #tpu.memory_space<vmem>> -> memref<128xi32, #tpu.memory_space<vmem>>
        %dma_wait3A_308 = arith.constant 0 : i32
        %dma_wait3A_309 = arith.constant 0 : i32
        %dma_wait3A_310 = tpu.memref_slice %arg9[%dma_wait3A_308, %dma_wait3A_309] : memref<10240x128xf32, #tpu.memory_space<vmem_shared>> -> memref<10240x128xf32, #tpu.memory_space<vmem_shared>>
        tpu.wait_indirect_dma semaphore(%run_scoped3A_290 : memref<!tpu.dma_semaphore, #tpu.memory_space<semaphore_mem>>) src(%dma_wait3A_304 : memref<128x128xf32, #tpu.memory_space<vmem>>) dst(%dma_wait3A_310 : memref<10240x128xf32, #tpu.memory_space<vmem_shared>>)
        tpu.yield
      }) : () -> ()
      %lt3A = arith.constant 19 : i32
      %lt3A_184 = arith.cmpi slt, %scan3A_162, %lt3A : i32
      %convert_element_type3A = arith.extui %lt3A_184 : i1 to i32
      %cond3A = arith.constant 0 : i32
      %cond3A_185 = arith.cmpi ne, %convert_element_type3A, %cond3A : i32
      scf.if %cond3A_185 {
        %add3A_290 = arith.constant 4 : i32
        %add3A_291 = arith.addi %add3A_167, %add3A_290 : i32
        %dma_start3A_292 = arith.constant 0 : i32
        %dma_start3A_293 = arith.constant 0 : i32
        %dma_start3A_294 = arith.constant 0 : i32
        %dma_start3A_295 = tpu.memref_slice %arg6[%dma_start3A_292, %dma_start3A_294] : memref<4x128xi32, #tpu.memory_space<vmem>> -> memref<1x128xi32, #tpu.memory_space<vmem>>
        %dma_start3A_296 = tpu.memref_squeeze %dma_start3A_295 : memref<1x128xi32, #tpu.memory_space<vmem>> -> memref<128xi32, #tpu.memory_space<vmem>>
        %dma_start3A_297 = arith.constant 0 : i32
        %dma_start3A_298 = tpu.memref_slice %arg3[%add3A, %add3A_291, %dma_start3A_297] : memref<32x80x128xi32, #tpu.memory_space<hbm>> -> memref<1x1x128xi32, #tpu.memory_space<hbm>>
        %dma_start3A_299 = tpu.memref_squeeze %dma_start3A_298 : memref<1x1x128xi32, #tpu.memory_space<hbm>> -> memref<128xi32, #tpu.memory_space<hbm>>
        %dma_start3A_300 = tpu.memref_slice %arg11[%dma_start3A_293] : memref<4x!tpu.dma_semaphore, #tpu.memory_space<semaphore_mem>> -> memref<1x!tpu.dma_semaphore, #tpu.memory_space<semaphore_mem>>
        %dma_start3A_301 = tpu.memref_squeeze %dma_start3A_300 : memref<1x!tpu.dma_semaphore, #tpu.memory_space<semaphore_mem>> -> memref<!tpu.dma_semaphore, #tpu.memory_space<semaphore_mem>>
        %dma_start3A_302 = arith.constant 0 : i32
        %dma_start3A_303 = tpu.memref_slice %arg6[%dma_start3A_292, %dma_start3A_302] : memref<4x128xi32, #tpu.memory_space<vmem>> -> memref<1x128xi32, #tpu.memory_space<vmem>>
        %dma_start3A_304 = tpu.memref_squeeze %dma_start3A_303 : memref<1x128xi32, #tpu.memory_space<vmem>> -> memref<128xi32, #tpu.memory_space<vmem>>
        %dma_start3A_305 = arith.constant 0 : i32
        %dma_start3A_306 = tpu.memref_slice %arg3[%add3A, %add3A_291, %dma_start3A_305] : memref<32x80x128xi32, #tpu.memory_space<hbm>> -> memref<1x1x128xi32, #tpu.memory_space<hbm>>
        %dma_start3A_307 = tpu.memref_squeeze %dma_start3A_306 : memref<1x1x128xi32, #tpu.memory_space<hbm>> -> memref<128xi32, #tpu.memory_space<hbm>>
        tpu.enqueue_dma source(%dma_start3A_307 : memref<128xi32, #tpu.memory_space<hbm>>) target(%dma_start3A_304 : memref<128xi32, #tpu.memory_space<vmem>>) target_semaphore(%dma_start3A_301 : memref<!tpu.dma_semaphore, #tpu.memory_space<semaphore_mem>>)
      } else {
      }
      %add3A_186 = arith.constant 2 : i32
      %add3A_187 = arith.addi %add3A_167, %add3A_186 : i32
      %lt3A_188 = arith.constant 80 : i32
      %lt3A_189 = arith.cmpi slt, %add3A_187, %lt3A_188 : i32
      %convert_element_type3A_190 = arith.extui %lt3A_189 : i1 to i32
      %cond3A_191 = arith.constant 0 : i32
      %cond3A_192 = arith.cmpi ne, %convert_element_type3A_190, %cond3A_191 : i32
      scf.if %cond3A_192 {
        %dma_wait3A_290 = arith.constant 2 : i32
        %dma_wait3A_291 = arith.constant 2 : i32
        %dma_wait3A_292 = arith.constant 2 : i32
        %dma_wait3A_293 = arith.constant 0 : i32
        %dma_wait3A_294 = tpu.memref_slice %arg6[%dma_wait3A_291, %dma_wait3A_293] : memref<4x128xi32, #tpu.memory_space<vmem>> -> memref<1x128xi32, #tpu.memory_space<vmem>>
        %dma_wait3A_295 = tpu.memref_squeeze %dma_wait3A_294 : memref<1x128xi32, #tpu.memory_space<vmem>> -> memref<128xi32, #tpu.memory_space<vmem>>
        %dma_wait3A_296 = arith.constant 0 : i32
        %dma_wait3A_297 = tpu.memref_slice %arg3[%add3A, %dma_wait3A_290, %dma_wait3A_296] : memref<32x80x128xi32, #tpu.memory_space<hbm>> -> memref<1x1x128xi32, #tpu.memory_space<hbm>>
        %dma_wait3A_298 = tpu.memref_squeeze %dma_wait3A_297 : memref<1x1x128xi32, #tpu.memory_space<hbm>> -> memref<128xi32, #tpu.memory_space<hbm>>
        %dma_wait3A_299 = tpu.memref_slice %arg11[%dma_wait3A_292] : memref<4x!tpu.dma_semaphore, #tpu.memory_space<semaphore_mem>> -> memref<1x!tpu.dma_semaphore, #tpu.memory_space<semaphore_mem>>
        %dma_wait3A_300 = tpu.memref_squeeze %dma_wait3A_299 : memref<1x!tpu.dma_semaphore, #tpu.memory_space<semaphore_mem>> -> memref<!tpu.dma_semaphore, #tpu.memory_space<semaphore_mem>>
        %dma_wait3A_301 = arith.constant 0 : i32
        %dma_wait3A_302 = tpu.memref_slice %arg6[%dma_wait3A_291, %dma_wait3A_301] : memref<4x128xi32, #tpu.memory_space<vmem>> -> memref<1x128xi32, #tpu.memory_space<vmem>>
        %dma_wait3A_303 = tpu.memref_squeeze %dma_wait3A_302 : memref<1x128xi32, #tpu.memory_space<vmem>> -> memref<128xi32, #tpu.memory_space<vmem>>
        %dma_wait3A_304 = arith.constant 0 : i32
        %dma_wait3A_305 = tpu.memref_slice %arg3[%add3A, %dma_wait3A_290, %dma_wait3A_304] : memref<32x80x128xi32, #tpu.memory_space<hbm>> -> memref<1x1x128xi32, #tpu.memory_space<hbm>>
        %dma_wait3A_306 = tpu.memref_squeeze %dma_wait3A_305 : memref<1x1x128xi32, #tpu.memory_space<hbm>> -> memref<128xi32, #tpu.memory_space<hbm>>
        tpu.wait_dma2 semaphore(%dma_wait3A_300 : memref<!tpu.dma_semaphore, #tpu.memory_space<semaphore_mem>>) src(%dma_wait3A_306 : memref<128xi32, #tpu.memory_space<hbm>>) dst(%dma_wait3A_303 : memref<128xi32, #tpu.memory_space<vmem>>)
        %dma_start3A_307 = arith.constant 2 : i32
        %dma_start3A_308 = arith.constant 0 : i32
        %dma_start3A_309 = arith.constant 0 : i32
        %dma_start3A_310 = arith.constant 0 : i32
        %dma_start3A_311 = arith.constant 0 : i32
        %dma_start3A_312 = tpu.memref_slice %arg8[%dma_start3A_308, %dma_start3A_310, %dma_start3A_311] : memref<2x128x128xf32, #tpu.memory_space<vmem>> -> memref<1x128x128xf32, #tpu.memory_space<vmem>>
        %dma_start3A_313 = tpu.memref_squeeze %dma_start3A_312 : memref<1x128x128xf32, #tpu.memory_space<vmem>> -> memref<128x128xf32, #tpu.memory_space<vmem>>
        %dma_start3A_314 = arith.constant 0 : i32
        %dma_start3A_315 = tpu.memref_slice %arg6[%dma_start3A_307, %dma_start3A_314] : memref<4x128xi32, #tpu.memory_space<vmem>> -> memref<1x128xi32, #tpu.memory_space<vmem>>
        %dma_start3A_316 = tpu.memref_squeeze %dma_start3A_315 : memref<1x128xi32, #tpu.memory_space<vmem>> -> memref<128xi32, #tpu.memory_space<vmem>>
        %dma_start3A_317 = arith.constant 0 : i32
        %dma_start3A_318 = arith.constant 0 : i32
        %dma_start3A_319 = tpu.memref_slice %arg2[%dma_start3A_317, %dma_start3A_318] : memref<10000x128xf32, #tpu.memory_space<hbm>> -> memref<10000x128xf32, #tpu.memory_space<hbm>>
        %dma_start3A_320 = tpu.memref_slice %arg10[%dma_start3A_309] : memref<2x!tpu.dma_semaphore, #tpu.memory_space<semaphore_mem>> -> memref<1x!tpu.dma_semaphore, #tpu.memory_space<semaphore_mem>>
        %dma_start3A_321 = tpu.memref_squeeze %dma_start3A_320 : memref<1x!tpu.dma_semaphore, #tpu.memory_space<semaphore_mem>> -> memref<!tpu.dma_semaphore, #tpu.memory_space<semaphore_mem>>
        tpu.enqueue_indirect_dma source(%dma_start3A_319 : memref<10000x128xf32, #tpu.memory_space<hbm>>) target(%dma_start3A_313 : memref<128x128xf32, #tpu.memory_space<vmem>>) offsets(%dma_start3A_316 : memref<128xi32, #tpu.memory_space<vmem>>) semaphore(%dma_start3A_321 : memref<!tpu.dma_semaphore, #tpu.memory_space<semaphore_mem>>)
      } else {
      }
      %mul3A_193 = arith.constant 4 : i32
      %mul3A_194 = arith.muli %scan3A_162, %mul3A_193 : i32
      %add3A_195 = arith.constant 1 : i32
      %add3A_196 = arith.addi %mul3A_194, %add3A_195 : i32
      %dma_wait3A_197 = arith.constant 1 : i32
      %dma_wait3A_198 = arith.constant 1 : i32
      %dma_wait3A_199 = arith.constant 1 : i32
      %dma_wait3A_200 = arith.constant 0 : i32
      %dma_wait3A_201 = arith.constant 0 : i32
      %dma_wait3A_202 = tpu.memref_slice %arg8[%dma_wait3A_198, %dma_wait3A_200, %dma_wait3A_201] : memref<2x128x128xf32, #tpu.memory_space<vmem>> -> memref<1x128x128xf32, #tpu.memory_space<vmem>>
      %dma_wait3A_203 = tpu.memref_squeeze %dma_wait3A_202 : memref<1x128x128xf32, #tpu.memory_space<vmem>> -> memref<128x128xf32, #tpu.memory_space<vmem>>
      %dma_wait3A_204 = arith.constant 0 : i32
      %dma_wait3A_205 = tpu.memref_slice %arg6[%dma_wait3A_197, %dma_wait3A_204] : memref<4x128xi32, #tpu.memory_space<vmem>> -> memref<1x128xi32, #tpu.memory_space<vmem>>
      %dma_wait3A_206 = tpu.memref_squeeze %dma_wait3A_205 : memref<1x128xi32, #tpu.memory_space<vmem>> -> memref<128xi32, #tpu.memory_space<vmem>>
      %dma_wait3A_207 = arith.constant 0 : i32
      %dma_wait3A_208 = arith.constant 0 : i32
      %dma_wait3A_209 = tpu.memref_slice %arg2[%dma_wait3A_207, %dma_wait3A_208] : memref<10000x128xf32, #tpu.memory_space<hbm>> -> memref<10000x128xf32, #tpu.memory_space<hbm>>
      %dma_wait3A_210 = tpu.memref_slice %arg10[%dma_wait3A_199] : memref<2x!tpu.dma_semaphore, #tpu.memory_space<semaphore_mem>> -> memref<1x!tpu.dma_semaphore, #tpu.memory_space<semaphore_mem>>
      %dma_wait3A_211 = tpu.memref_squeeze %dma_wait3A_210 : memref<1x!tpu.dma_semaphore, #tpu.memory_space<semaphore_mem>> -> memref<!tpu.dma_semaphore, #tpu.memory_space<semaphore_mem>>
      tpu.wait_indirect_dma semaphore(%dma_wait3A_211 : memref<!tpu.dma_semaphore, #tpu.memory_space<semaphore_mem>>) src(%dma_wait3A_209 : memref<10000x128xf32, #tpu.memory_space<hbm>>) dst(%dma_wait3A_203 : memref<128x128xf32, #tpu.memory_space<vmem>>)
      %run_scoped3A_212 = arith.constant 1 : i32
      "tpu.region"() ({
        %run_scoped3A_290 = tpu.sem_alloc : memref<!tpu.dma_semaphore, #tpu.memory_space<semaphore_mem>>
        %dma_start3A_291 = arith.constant 0 : i32
        %dma_start3A_292 = arith.constant 0 : i32
        %dma_start3A_293 = tpu.memref_slice %arg8[%run_scoped3A_212, %dma_start3A_291, %dma_start3A_292] : memref<2x128x128xf32, #tpu.memory_space<vmem>> -> memref<1x128x128xf32, #tpu.memory_space<vmem>>
        %dma_start3A_294 = tpu.memref_squeeze %dma_start3A_293 : memref<1x128x128xf32, #tpu.memory_space<vmem>> -> memref<128x128xf32, #tpu.memory_space<vmem>>
        %dma_start3A_295 = arith.constant 0 : i32
        %dma_start3A_296 = tpu.memref_slice %arg7[%add3A_196, %dma_start3A_295] : memref<80x128xi32, #tpu.memory_space<vmem>> -> memref<1x128xi32, #tpu.memory_space<vmem>>
        %dma_start3A_297 = tpu.memref_squeeze %dma_start3A_296 : memref<1x128xi32, #tpu.memory_space<vmem>> -> memref<128xi32, #tpu.memory_space<vmem>>
        %dma_start3A_298 = arith.constant 0 : i32
        %dma_start3A_299 = arith.constant 0 : i32
        %dma_start3A_300 = tpu.memref_slice %arg9[%dma_start3A_298, %dma_start3A_299] : memref<10240x128xf32, #tpu.memory_space<vmem_shared>> -> memref<10240x128xf32, #tpu.memory_space<vmem_shared>>
        tpu.enqueue_indirect_dma source(%dma_start3A_294 : memref<128x128xf32, #tpu.memory_space<vmem>>) target(%dma_start3A_300 : memref<10240x128xf32, #tpu.memory_space<vmem_shared>>) offsets(%dma_start3A_297 : memref<128xi32, #tpu.memory_space<vmem>>) semaphore(%run_scoped3A_290 : memref<!tpu.dma_semaphore, #tpu.memory_space<semaphore_mem>>) {add = true}
        %dma_wait3A_301 = arith.constant 0 : i32
        %dma_wait3A_302 = arith.constant 0 : i32
        %dma_wait3A_303 = tpu.memref_slice %arg8[%run_scoped3A_212, %dma_wait3A_301, %dma_wait3A_302] : memref<2x128x128xf32, #tpu.memory_space<vmem>> -> memref<1x128x128xf32, #tpu.memory_space<vmem>>
        %dma_wait3A_304 = tpu.memref_squeeze %dma_wait3A_303 : memref<1x128x128xf32, #tpu.memory_space<vmem>> -> memref<128x128xf32, #tpu.memory_space<vmem>>
        %dma_wait3A_305 = arith.constant 0 : i32
        %dma_wait3A_306 = tpu.memref_slice %arg7[%add3A_196, %dma_wait3A_305] : memref<80x128xi32, #tpu.memory_space<vmem>> -> memref<1x128xi32, #tpu.memory_space<vmem>>
        %dma_wait3A_307 = tpu.memref_squeeze %dma_wait3A_306 : memref<1x128xi32, #tpu.memory_space<vmem>> -> memref<128xi32, #tpu.memory_space<vmem>>
        %dma_wait3A_308 = arith.constant 0 : i32
        %dma_wait3A_309 = arith.constant 0 : i32
        %dma_wait3A_310 = tpu.memref_slice %arg9[%dma_wait3A_308, %dma_wait3A_309] : memref<10240x128xf32, #tpu.memory_space<vmem_shared>> -> memref<10240x128xf32, #tpu.memory_space<vmem_shared>>
        tpu.wait_indirect_dma semaphore(%run_scoped3A_290 : memref<!tpu.dma_semaphore, #tpu.memory_space<semaphore_mem>>) src(%dma_wait3A_304 : memref<128x128xf32, #tpu.memory_space<vmem>>) dst(%dma_wait3A_310 : memref<10240x128xf32, #tpu.memory_space<vmem_shared>>)
        tpu.yield
      }) : () -> ()
      %lt3A_213 = arith.constant 19 : i32
      %lt3A_214 = arith.cmpi slt, %scan3A_162, %lt3A_213 : i32
      %convert_element_type3A_215 = arith.extui %lt3A_214 : i1 to i32
      %cond3A_216 = arith.constant 0 : i32
      %cond3A_217 = arith.cmpi ne, %convert_element_type3A_215, %cond3A_216 : i32
      scf.if %cond3A_217 {
        %add3A_290 = arith.constant 4 : i32
        %add3A_291 = arith.addi %add3A_196, %add3A_290 : i32
        %dma_start3A_292 = arith.constant 1 : i32
        %dma_start3A_293 = arith.constant 1 : i32
        %dma_start3A_294 = arith.constant 0 : i32
        %dma_start3A_295 = tpu.memref_slice %arg6[%dma_start3A_292, %dma_start3A_294] : memref<4x128xi32, #tpu.memory_space<vmem>> -> memref<1x128xi32, #tpu.memory_space<vmem>>
        %dma_start3A_296 = tpu.memref_squeeze %dma_start3A_295 : memref<1x128xi32, #tpu.memory_space<vmem>> -> memref<128xi32, #tpu.memory_space<vmem>>
        %dma_start3A_297 = arith.constant 0 : i32
        %dma_start3A_298 = tpu.memref_slice %arg3[%add3A, %add3A_291, %dma_start3A_297] : memref<32x80x128xi32, #tpu.memory_space<hbm>> -> memref<1x1x128xi32, #tpu.memory_space<hbm>>
        %dma_start3A_299 = tpu.memref_squeeze %dma_start3A_298 : memref<1x1x128xi32, #tpu.memory_space<hbm>> -> memref<128xi32, #tpu.memory_space<hbm>>
        %dma_start3A_300 = tpu.memref_slice %arg11[%dma_start3A_293] : memref<4x!tpu.dma_semaphore, #tpu.memory_space<semaphore_mem>> -> memref<1x!tpu.dma_semaphore, #tpu.memory_space<semaphore_mem>>
        %dma_start3A_301 = tpu.memref_squeeze %dma_start3A_300 : memref<1x!tpu.dma_semaphore, #tpu.memory_space<semaphore_mem>> -> memref<!tpu.dma_semaphore, #tpu.memory_space<semaphore_mem>>
        %dma_start3A_302 = arith.constant 0 : i32
        %dma_start3A_303 = tpu.memref_slice %arg6[%dma_start3A_292, %dma_start3A_302] : memref<4x128xi32, #tpu.memory_space<vmem>> -> memref<1x128xi32, #tpu.memory_space<vmem>>
        %dma_start3A_304 = tpu.memref_squeeze %dma_start3A_303 : memref<1x128xi32, #tpu.memory_space<vmem>> -> memref<128xi32, #tpu.memory_space<vmem>>
        %dma_start3A_305 = arith.constant 0 : i32
        %dma_start3A_306 = tpu.memref_slice %arg3[%add3A, %add3A_291, %dma_start3A_305] : memref<32x80x128xi32, #tpu.memory_space<hbm>> -> memref<1x1x128xi32, #tpu.memory_space<hbm>>
        %dma_start3A_307 = tpu.memref_squeeze %dma_start3A_306 : memref<1x1x128xi32, #tpu.memory_space<hbm>> -> memref<128xi32, #tpu.memory_space<hbm>>
        tpu.enqueue_dma source(%dma_start3A_307 : memref<128xi32, #tpu.memory_space<hbm>>) target(%dma_start3A_304 : memref<128xi32, #tpu.memory_space<vmem>>) target_semaphore(%dma_start3A_301 : memref<!tpu.dma_semaphore, #tpu.memory_space<semaphore_mem>>)
      } else {
      }
      %add3A_218 = arith.constant 2 : i32
      %add3A_219 = arith.addi %add3A_196, %add3A_218 : i32
      %lt3A_220 = arith.constant 80 : i32
      %lt3A_221 = arith.cmpi slt, %add3A_219, %lt3A_220 : i32
      %convert_element_type3A_222 = arith.extui %lt3A_221 : i1 to i32
      %cond3A_223 = arith.constant 0 : i32
      %cond3A_224 = arith.cmpi ne, %convert_element_type3A_222, %cond3A_223 : i32
      scf.if %cond3A_224 {
        %dma_wait3A_290 = arith.constant 3 : i32
        %dma_wait3A_291 = arith.constant 3 : i32
        %dma_wait3A_292 = arith.constant 3 : i32
        %dma_wait3A_293 = arith.constant 0 : i32
        %dma_wait3A_294 = tpu.memref_slice %arg6[%dma_wait3A_291, %dma_wait3A_293] : memref<4x128xi32, #tpu.memory_space<vmem>> -> memref<1x128xi32, #tpu.memory_space<vmem>>
        %dma_wait3A_295 = tpu.memref_squeeze %dma_wait3A_294 : memref<1x128xi32, #tpu.memory_space<vmem>> -> memref<128xi32, #tpu.memory_space<vmem>>
        %dma_wait3A_296 = arith.constant 0 : i32
        %dma_wait3A_297 = tpu.memref_slice %arg3[%add3A, %dma_wait3A_290, %dma_wait3A_296] : memref<32x80x128xi32, #tpu.memory_space<hbm>> -> memref<1x1x128xi32, #tpu.memory_space<hbm>>
        %dma_wait3A_298 = tpu.memref_squeeze %dma_wait3A_297 : memref<1x1x128xi32, #tpu.memory_space<hbm>> -> memref<128xi32, #tpu.memory_space<hbm>>
        %dma_wait3A_299 = tpu.memref_slice %arg11[%dma_wait3A_292] : memref<4x!tpu.dma_semaphore, #tpu.memory_space<semaphore_mem>> -> memref<1x!tpu.dma_semaphore, #tpu.memory_space<semaphore_mem>>
        %dma_wait3A_300 = tpu.memref_squeeze %dma_wait3A_299 : memref<1x!tpu.dma_semaphore, #tpu.memory_space<semaphore_mem>> -> memref<!tpu.dma_semaphore, #tpu.memory_space<semaphore_mem>>
        %dma_wait3A_301 = arith.constant 0 : i32
        %dma_wait3A_302 = tpu.memref_slice %arg6[%dma_wait3A_291, %dma_wait3A_301] : memref<4x128xi32, #tpu.memory_space<vmem>> -> memref<1x128xi32, #tpu.memory_space<vmem>>
        %dma_wait3A_303 = tpu.memref_squeeze %dma_wait3A_302 : memref<1x128xi32, #tpu.memory_space<vmem>> -> memref<128xi32, #tpu.memory_space<vmem>>
        %dma_wait3A_304 = arith.constant 0 : i32
        %dma_wait3A_305 = tpu.memref_slice %arg3[%add3A, %dma_wait3A_290, %dma_wait3A_304] : memref<32x80x128xi32, #tpu.memory_space<hbm>> -> memref<1x1x128xi32, #tpu.memory_space<hbm>>
        %dma_wait3A_306 = tpu.memref_squeeze %dma_wait3A_305 : memref<1x1x128xi32, #tpu.memory_space<hbm>> -> memref<128xi32, #tpu.memory_space<hbm>>
        tpu.wait_dma2 semaphore(%dma_wait3A_300 : memref<!tpu.dma_semaphore, #tpu.memory_space<semaphore_mem>>) src(%dma_wait3A_306 : memref<128xi32, #tpu.memory_space<hbm>>) dst(%dma_wait3A_303 : memref<128xi32, #tpu.memory_space<vmem>>)
        %dma_start3A_307 = arith.constant 3 : i32
        %dma_start3A_308 = arith.constant 1 : i32
        %dma_start3A_309 = arith.constant 1 : i32
        %dma_start3A_310 = arith.constant 0 : i32
        %dma_start3A_311 = arith.constant 0 : i32
        %dma_start3A_312 = tpu.memref_slice %arg8[%dma_start3A_308, %dma_start3A_310, %dma_start3A_311] : memref<2x128x128xf32, #tpu.memory_space<vmem>> -> memref<1x128x128xf32, #tpu.memory_space<vmem>>
        %dma_start3A_313 = tpu.memref_squeeze %dma_start3A_312 : memref<1x128x128xf32, #tpu.memory_space<vmem>> -> memref<128x128xf32, #tpu.memory_space<vmem>>
        %dma_start3A_314 = arith.constant 0 : i32
        %dma_start3A_315 = tpu.memref_slice %arg6[%dma_start3A_307, %dma_start3A_314] : memref<4x128xi32, #tpu.memory_space<vmem>> -> memref<1x128xi32, #tpu.memory_space<vmem>>
        %dma_start3A_316 = tpu.memref_squeeze %dma_start3A_315 : memref<1x128xi32, #tpu.memory_space<vmem>> -> memref<128xi32, #tpu.memory_space<vmem>>
        %dma_start3A_317 = arith.constant 0 : i32
        %dma_start3A_318 = arith.constant 0 : i32
        %dma_start3A_319 = tpu.memref_slice %arg2[%dma_start3A_317, %dma_start3A_318] : memref<10000x128xf32, #tpu.memory_space<hbm>> -> memref<10000x128xf32, #tpu.memory_space<hbm>>
        %dma_start3A_320 = tpu.memref_slice %arg10[%dma_start3A_309] : memref<2x!tpu.dma_semaphore, #tpu.memory_space<semaphore_mem>> -> memref<1x!tpu.dma_semaphore, #tpu.memory_space<semaphore_mem>>
        %dma_start3A_321 = tpu.memref_squeeze %dma_start3A_320 : memref<1x!tpu.dma_semaphore, #tpu.memory_space<semaphore_mem>> -> memref<!tpu.dma_semaphore, #tpu.memory_space<semaphore_mem>>
        tpu.enqueue_indirect_dma source(%dma_start3A_319 : memref<10000x128xf32, #tpu.memory_space<hbm>>) target(%dma_start3A_313 : memref<128x128xf32, #tpu.memory_space<vmem>>) offsets(%dma_start3A_316 : memref<128xi32, #tpu.memory_space<vmem>>) semaphore(%dma_start3A_321 : memref<!tpu.dma_semaphore, #tpu.memory_space<semaphore_mem>>)
      } else {
      }
      %mul3A_225 = arith.constant 4 : i32
      %mul3A_226 = arith.muli %scan3A_162, %mul3A_225 : i32
      %add3A_227 = arith.constant 2 : i32
      %add3A_228 = arith.addi %mul3A_226, %add3A_227 : i32
      %dma_wait3A_229 = arith.constant 2 : i32
      %dma_wait3A_230 = arith.constant 0 : i32
      %dma_wait3A_231 = arith.constant 0 : i32
      %dma_wait3A_232 = arith.constant 0 : i32
      %dma_wait3A_233 = arith.constant 0 : i32
      %dma_wait3A_234 = tpu.memref_slice %arg8[%dma_wait3A_230, %dma_wait3A_232, %dma_wait3A_233] : memref<2x128x128xf32, #tpu.memory_space<vmem>> -> memref<1x128x128xf32, #tpu.memory_space<vmem>>
      %dma_wait3A_235 = tpu.memref_squeeze %dma_wait3A_234 : memref<1x128x128xf32, #tpu.memory_space<vmem>> -> memref<128x128xf32, #tpu.memory_space<vmem>>
      %dma_wait3A_236 = arith.constant 0 : i32
      %dma_wait3A_237 = tpu.memref_slice %arg6[%dma_wait3A_229, %dma_wait3A_236] : memref<4x128xi32, #tpu.memory_space<vmem>> -> memref<1x128xi32, #tpu.memory_space<vmem>>
      %dma_wait3A_238 = tpu.memref_squeeze %dma_wait3A_237 : memref<1x128xi32, #tpu.memory_space<vmem>> -> memref<128xi32, #tpu.memory_space<vmem>>
      %dma_wait3A_239 = arith.constant 0 : i32
      %dma_wait3A_240 = arith.constant 0 : i32
      %dma_wait3A_241 = tpu.memref_slice %arg2[%dma_wait3A_239, %dma_wait3A_240] : memref<10000x128xf32, #tpu.memory_space<hbm>> -> memref<10000x128xf32, #tpu.memory_space<hbm>>
      %dma_wait3A_242 = tpu.memref_slice %arg10[%dma_wait3A_231] : memref<2x!tpu.dma_semaphore, #tpu.memory_space<semaphore_mem>> -> memref<1x!tpu.dma_semaphore, #tpu.memory_space<semaphore_mem>>
      %dma_wait3A_243 = tpu.memref_squeeze %dma_wait3A_242 : memref<1x!tpu.dma_semaphore, #tpu.memory_space<semaphore_mem>> -> memref<!tpu.dma_semaphore, #tpu.memory_space<semaphore_mem>>
      tpu.wait_indirect_dma semaphore(%dma_wait3A_243 : memref<!tpu.dma_semaphore, #tpu.memory_space<semaphore_mem>>) src(%dma_wait3A_241 : memref<10000x128xf32, #tpu.memory_space<hbm>>) dst(%dma_wait3A_235 : memref<128x128xf32, #tpu.memory_space<vmem>>)
      %run_scoped3A_244 = arith.constant 0 : i32
      "tpu.region"() ({
        %run_scoped3A_290 = tpu.sem_alloc : memref<!tpu.dma_semaphore, #tpu.memory_space<semaphore_mem>>
        %dma_start3A_291 = arith.constant 0 : i32
        %dma_start3A_292 = arith.constant 0 : i32
        %dma_start3A_293 = tpu.memref_slice %arg8[%run_scoped3A_244, %dma_start3A_291, %dma_start3A_292] : memref<2x128x128xf32, #tpu.memory_space<vmem>> -> memref<1x128x128xf32, #tpu.memory_space<vmem>>
        %dma_start3A_294 = tpu.memref_squeeze %dma_start3A_293 : memref<1x128x128xf32, #tpu.memory_space<vmem>> -> memref<128x128xf32, #tpu.memory_space<vmem>>
        %dma_start3A_295 = arith.constant 0 : i32
        %dma_start3A_296 = tpu.memref_slice %arg7[%add3A_228, %dma_start3A_295] : memref<80x128xi32, #tpu.memory_space<vmem>> -> memref<1x128xi32, #tpu.memory_space<vmem>>
        %dma_start3A_297 = tpu.memref_squeeze %dma_start3A_296 : memref<1x128xi32, #tpu.memory_space<vmem>> -> memref<128xi32, #tpu.memory_space<vmem>>
        %dma_start3A_298 = arith.constant 0 : i32
        %dma_start3A_299 = arith.constant 0 : i32
        %dma_start3A_300 = tpu.memref_slice %arg9[%dma_start3A_298, %dma_start3A_299] : memref<10240x128xf32, #tpu.memory_space<vmem_shared>> -> memref<10240x128xf32, #tpu.memory_space<vmem_shared>>
        tpu.enqueue_indirect_dma source(%dma_start3A_294 : memref<128x128xf32, #tpu.memory_space<vmem>>) target(%dma_start3A_300 : memref<10240x128xf32, #tpu.memory_space<vmem_shared>>) offsets(%dma_start3A_297 : memref<128xi32, #tpu.memory_space<vmem>>) semaphore(%run_scoped3A_290 : memref<!tpu.dma_semaphore, #tpu.memory_space<semaphore_mem>>) {add = true}
        %dma_wait3A_301 = arith.constant 0 : i32
        %dma_wait3A_302 = arith.constant 0 : i32
        %dma_wait3A_303 = tpu.memref_slice %arg8[%run_scoped3A_244, %dma_wait3A_301, %dma_wait3A_302] : memref<2x128x128xf32, #tpu.memory_space<vmem>> -> memref<1x128x128xf32, #tpu.memory_space<vmem>>
        %dma_wait3A_304 = tpu.memref_squeeze %dma_wait3A_303 : memref<1x128x128xf32, #tpu.memory_space<vmem>> -> memref<128x128xf32, #tpu.memory_space<vmem>>
        %dma_wait3A_305 = arith.constant 0 : i32
        %dma_wait3A_306 = tpu.memref_slice %arg7[%add3A_228, %dma_wait3A_305] : memref<80x128xi32, #tpu.memory_space<vmem>> -> memref<1x128xi32, #tpu.memory_space<vmem>>
        %dma_wait3A_307 = tpu.memref_squeeze %dma_wait3A_306 : memref<1x128xi32, #tpu.memory_space<vmem>> -> memref<128xi32, #tpu.memory_space<vmem>>
        %dma_wait3A_308 = arith.constant 0 : i32
        %dma_wait3A_309 = arith.constant 0 : i32
        %dma_wait3A_310 = tpu.memref_slice %arg9[%dma_wait3A_308, %dma_wait3A_309] : memref<10240x128xf32, #tpu.memory_space<vmem_shared>> -> memref<10240x128xf32, #tpu.memory_space<vmem_shared>>
        tpu.wait_indirect_dma semaphore(%run_scoped3A_290 : memref<!tpu.dma_semaphore, #tpu.memory_space<semaphore_mem>>) src(%dma_wait3A_304 : memref<128x128xf32, #tpu.memory_space<vmem>>) dst(%dma_wait3A_310 : memref<10240x128xf32, #tpu.memory_space<vmem_shared>>)
        tpu.yield
      }) : () -> ()
      %lt3A_245 = arith.constant 19 : i32
      %lt3A_246 = arith.cmpi slt, %scan3A_162, %lt3A_245 : i32
      %convert_element_type3A_247 = arith.extui %lt3A_246 : i1 to i32
      %cond3A_248 = arith.constant 0 : i32
      %cond3A_249 = arith.cmpi ne, %convert_element_type3A_247, %cond3A_248 : i32
      scf.if %cond3A_249 {
        %add3A_290 = arith.constant 4 : i32
        %add3A_291 = arith.addi %add3A_228, %add3A_290 : i32
        %dma_start3A_292 = arith.constant 2 : i32
        %dma_start3A_293 = arith.constant 2 : i32
        %dma_start3A_294 = arith.constant 0 : i32
        %dma_start3A_295 = tpu.memref_slice %arg6[%dma_start3A_292, %dma_start3A_294] : memref<4x128xi32, #tpu.memory_space<vmem>> -> memref<1x128xi32, #tpu.memory_space<vmem>>
        %dma_start3A_296 = tpu.memref_squeeze %dma_start3A_295 : memref<1x128xi32, #tpu.memory_space<vmem>> -> memref<128xi32, #tpu.memory_space<vmem>>
        %dma_start3A_297 = arith.constant 0 : i32
        %dma_start3A_298 = tpu.memref_slice %arg3[%add3A, %add3A_291, %dma_start3A_297] : memref<32x80x128xi32, #tpu.memory_space<hbm>> -> memref<1x1x128xi32, #tpu.memory_space<hbm>>
        %dma_start3A_299 = tpu.memref_squeeze %dma_start3A_298 : memref<1x1x128xi32, #tpu.memory_space<hbm>> -> memref<128xi32, #tpu.memory_space<hbm>>
        %dma_start3A_300 = tpu.memref_slice %arg11[%dma_start3A_293] : memref<4x!tpu.dma_semaphore, #tpu.memory_space<semaphore_mem>> -> memref<1x!tpu.dma_semaphore, #tpu.memory_space<semaphore_mem>>
        %dma_start3A_301 = tpu.memref_squeeze %dma_start3A_300 : memref<1x!tpu.dma_semaphore, #tpu.memory_space<semaphore_mem>> -> memref<!tpu.dma_semaphore, #tpu.memory_space<semaphore_mem>>
        %dma_start3A_302 = arith.constant 0 : i32
        %dma_start3A_303 = tpu.memref_slice %arg6[%dma_start3A_292, %dma_start3A_302] : memref<4x128xi32, #tpu.memory_space<vmem>> -> memref<1x128xi32, #tpu.memory_space<vmem>>
        %dma_start3A_304 = tpu.memref_squeeze %dma_start3A_303 : memref<1x128xi32, #tpu.memory_space<vmem>> -> memref<128xi32, #tpu.memory_space<vmem>>
        %dma_start3A_305 = arith.constant 0 : i32
        %dma_start3A_306 = tpu.memref_slice %arg3[%add3A, %add3A_291, %dma_start3A_305] : memref<32x80x128xi32, #tpu.memory_space<hbm>> -> memref<1x1x128xi32, #tpu.memory_space<hbm>>
        %dma_start3A_307 = tpu.memref_squeeze %dma_start3A_306 : memref<1x1x128xi32, #tpu.memory_space<hbm>> -> memref<128xi32, #tpu.memory_space<hbm>>
        tpu.enqueue_dma source(%dma_start3A_307 : memref<128xi32, #tpu.memory_space<hbm>>) target(%dma_start3A_304 : memref<128xi32, #tpu.memory_space<vmem>>) target_semaphore(%dma_start3A_301 : memref<!tpu.dma_semaphore, #tpu.memory_space<semaphore_mem>>)
      } else {
      }
      %add3A_250 = arith.constant 2 : i32
      %add3A_251 = arith.addi %add3A_228, %add3A_250 : i32
      %lt3A_252 = arith.constant 80 : i32
      %lt3A_253 = arith.cmpi slt, %add3A_251, %lt3A_252 : i32
      %convert_element_type3A_254 = arith.extui %lt3A_253 : i1 to i32
      %cond3A_255 = arith.constant 0 : i32
      %cond3A_256 = arith.cmpi ne, %convert_element_type3A_254, %cond3A_255 : i32
      scf.if %cond3A_256 {
        %dma_wait3A_290 = arith.constant 0 : i32
        %dma_wait3A_291 = arith.constant 0 : i32
        %dma_wait3A_292 = arith.constant 0 : i32
        %dma_wait3A_293 = arith.constant 0 : i32
        %dma_wait3A_294 = tpu.memref_slice %arg6[%dma_wait3A_291, %dma_wait3A_293] : memref<4x128xi32, #tpu.memory_space<vmem>> -> memref<1x128xi32, #tpu.memory_space<vmem>>
        %dma_wait3A_295 = tpu.memref_squeeze %dma_wait3A_294 : memref<1x128xi32, #tpu.memory_space<vmem>> -> memref<128xi32, #tpu.memory_space<vmem>>
        %dma_wait3A_296 = arith.constant 0 : i32
        %dma_wait3A_297 = tpu.memref_slice %arg3[%add3A, %dma_wait3A_290, %dma_wait3A_296] : memref<32x80x128xi32, #tpu.memory_space<hbm>> -> memref<1x1x128xi32, #tpu.memory_space<hbm>>
        %dma_wait3A_298 = tpu.memref_squeeze %dma_wait3A_297 : memref<1x1x128xi32, #tpu.memory_space<hbm>> -> memref<128xi32, #tpu.memory_space<hbm>>
        %dma_wait3A_299 = tpu.memref_slice %arg11[%dma_wait3A_292] : memref<4x!tpu.dma_semaphore, #tpu.memory_space<semaphore_mem>> -> memref<1x!tpu.dma_semaphore, #tpu.memory_space<semaphore_mem>>
        %dma_wait3A_300 = tpu.memref_squeeze %dma_wait3A_299 : memref<1x!tpu.dma_semaphore, #tpu.memory_space<semaphore_mem>> -> memref<!tpu.dma_semaphore, #tpu.memory_space<semaphore_mem>>
        %dma_wait3A_301 = arith.constant 0 : i32
        %dma_wait3A_302 = tpu.memref_slice %arg6[%dma_wait3A_291, %dma_wait3A_301] : memref<4x128xi32, #tpu.memory_space<vmem>> -> memref<1x128xi32, #tpu.memory_space<vmem>>
        %dma_wait3A_303 = tpu.memref_squeeze %dma_wait3A_302 : memref<1x128xi32, #tpu.memory_space<vmem>> -> memref<128xi32, #tpu.memory_space<vmem>>
        %dma_wait3A_304 = arith.constant 0 : i32
        %dma_wait3A_305 = tpu.memref_slice %arg3[%add3A, %dma_wait3A_290, %dma_wait3A_304] : memref<32x80x128xi32, #tpu.memory_space<hbm>> -> memref<1x1x128xi32, #tpu.memory_space<hbm>>
        %dma_wait3A_306 = tpu.memref_squeeze %dma_wait3A_305 : memref<1x1x128xi32, #tpu.memory_space<hbm>> -> memref<128xi32, #tpu.memory_space<hbm>>
        tpu.wait_dma2 semaphore(%dma_wait3A_300 : memref<!tpu.dma_semaphore, #tpu.memory_space<semaphore_mem>>) src(%dma_wait3A_306 : memref<128xi32, #tpu.memory_space<hbm>>) dst(%dma_wait3A_303 : memref<128xi32, #tpu.memory_space<vmem>>)
        %dma_start3A_307 = arith.constant 0 : i32
        %dma_start3A_308 = arith.constant 0 : i32
        %dma_start3A_309 = arith.constant 0 : i32
        %dma_start3A_310 = arith.constant 0 : i32
        %dma_start3A_311 = arith.constant 0 : i32
        %dma_start3A_312 = tpu.memref_slice %arg8[%dma_start3A_308, %dma_start3A_310, %dma_start3A_311] : memref<2x128x128xf32, #tpu.memory_space<vmem>> -> memref<1x128x128xf32, #tpu.memory_space<vmem>>
        %dma_start3A_313 = tpu.memref_squeeze %dma_start3A_312 : memref<1x128x128xf32, #tpu.memory_space<vmem>> -> memref<128x128xf32, #tpu.memory_space<vmem>>
        %dma_start3A_314 = arith.constant 0 : i32
        %dma_start3A_315 = tpu.memref_slice %arg6[%dma_start3A_307, %dma_start3A_314] : memref<4x128xi32, #tpu.memory_space<vmem>> -> memref<1x128xi32, #tpu.memory_space<vmem>>
        %dma_start3A_316 = tpu.memref_squeeze %dma_start3A_315 : memref<1x128xi32, #tpu.memory_space<vmem>> -> memref<128xi32, #tpu.memory_space<vmem>>
        %dma_start3A_317 = arith.constant 0 : i32
        %dma_start3A_318 = arith.constant 0 : i32
        %dma_start3A_319 = tpu.memref_slice %arg2[%dma_start3A_317, %dma_start3A_318] : memref<10000x128xf32, #tpu.memory_space<hbm>> -> memref<10000x128xf32, #tpu.memory_space<hbm>>
        %dma_start3A_320 = tpu.memref_slice %arg10[%dma_start3A_309] : memref<2x!tpu.dma_semaphore, #tpu.memory_space<semaphore_mem>> -> memref<1x!tpu.dma_semaphore, #tpu.memory_space<semaphore_mem>>
        %dma_start3A_321 = tpu.memref_squeeze %dma_start3A_320 : memref<1x!tpu.dma_semaphore, #tpu.memory_space<semaphore_mem>> -> memref<!tpu.dma_semaphore, #tpu.memory_space<semaphore_mem>>
        tpu.enqueue_indirect_dma source(%dma_start3A_319 : memref<10000x128xf32, #tpu.memory_space<hbm>>) target(%dma_start3A_313 : memref<128x128xf32, #tpu.memory_space<vmem>>) offsets(%dma_start3A_316 : memref<128xi32, #tpu.memory_space<vmem>>) semaphore(%dma_start3A_321 : memref<!tpu.dma_semaphore, #tpu.memory_space<semaphore_mem>>)
      } else {
      }
      %mul3A_257 = arith.constant 4 : i32
      %mul3A_258 = arith.muli %scan3A_162, %mul3A_257 : i32
      %add3A_259 = arith.constant 3 : i32
      %add3A_260 = arith.addi %mul3A_258, %add3A_259 : i32
      %dma_wait3A_261 = arith.constant 3 : i32
      %dma_wait3A_262 = arith.constant 1 : i32
      %dma_wait3A_263 = arith.constant 1 : i32
      %dma_wait3A_264 = arith.constant 0 : i32
      %dma_wait3A_265 = arith.constant 0 : i32
      %dma_wait3A_266 = tpu.memref_slice %arg8[%dma_wait3A_262, %dma_wait3A_264, %dma_wait3A_265] : memref<2x128x128xf32, #tpu.memory_space<vmem>> -> memref<1x128x128xf32, #tpu.memory_space<vmem>>
      %dma_wait3A_267 = tpu.memref_squeeze %dma_wait3A_266 : memref<1x128x128xf32, #tpu.memory_space<vmem>> -> memref<128x128xf32, #tpu.memory_space<vmem>>
      %dma_wait3A_268 = arith.constant 0 : i32
      %dma_wait3A_269 = tpu.memref_slice %arg6[%dma_wait3A_261, %dma_wait3A_268] : memref<4x128xi32, #tpu.memory_space<vmem>> -> memref<1x128xi32, #tpu.memory_space<vmem>>
      %dma_wait3A_270 = tpu.memref_squeeze %dma_wait3A_269 : memref<1x128xi32, #tpu.memory_space<vmem>> -> memref<128xi32, #tpu.memory_space<vmem>>
      %dma_wait3A_271 = arith.constant 0 : i32
      %dma_wait3A_272 = arith.constant 0 : i32
      %dma_wait3A_273 = tpu.memref_slice %arg2[%dma_wait3A_271, %dma_wait3A_272] : memref<10000x128xf32, #tpu.memory_space<hbm>> -> memref<10000x128xf32, #tpu.memory_space<hbm>>
      %dma_wait3A_274 = tpu.memref_slice %arg10[%dma_wait3A_263] : memref<2x!tpu.dma_semaphore, #tpu.memory_space<semaphore_mem>> -> memref<1x!tpu.dma_semaphore, #tpu.memory_space<semaphore_mem>>
      %dma_wait3A_275 = tpu.memref_squeeze %dma_wait3A_274 : memref<1x!tpu.dma_semaphore, #tpu.memory_space<semaphore_mem>> -> memref<!tpu.dma_semaphore, #tpu.memory_space<semaphore_mem>>
      tpu.wait_indirect_dma semaphore(%dma_wait3A_275 : memref<!tpu.dma_semaphore, #tpu.memory_space<semaphore_mem>>) src(%dma_wait3A_273 : memref<10000x128xf32, #tpu.memory_space<hbm>>) dst(%dma_wait3A_267 : memref<128x128xf32, #tpu.memory_space<vmem>>)
      %run_scoped3A_276 = arith.constant 1 : i32
      "tpu.region"() ({
        %run_scoped3A_290 = tpu.sem_alloc : memref<!tpu.dma_semaphore, #tpu.memory_space<semaphore_mem>>
        %dma_start3A_291 = arith.constant 0 : i32
        %dma_start3A_292 = arith.constant 0 : i32
        %dma_start3A_293 = tpu.memref_slice %arg8[%run_scoped3A_276, %dma_start3A_291, %dma_start3A_292] : memref<2x128x128xf32, #tpu.memory_space<vmem>> -> memref<1x128x128xf32, #tpu.memory_space<vmem>>
        %dma_start3A_294 = tpu.memref_squeeze %dma_start3A_293 : memref<1x128x128xf32, #tpu.memory_space<vmem>> -> memref<128x128xf32, #tpu.memory_space<vmem>>
        %dma_start3A_295 = arith.constant 0 : i32
        %dma_start3A_296 = tpu.memref_slice %arg7[%add3A_260, %dma_start3A_295] : memref<80x128xi32, #tpu.memory_space<vmem>> -> memref<1x128xi32, #tpu.memory_space<vmem>>
        %dma_start3A_297 = tpu.memref_squeeze %dma_start3A_296 : memref<1x128xi32, #tpu.memory_space<vmem>> -> memref<128xi32, #tpu.memory_space<vmem>>
        %dma_start3A_298 = arith.constant 0 : i32
        %dma_start3A_299 = arith.constant 0 : i32
        %dma_start3A_300 = tpu.memref_slice %arg9[%dma_start3A_298, %dma_start3A_299] : memref<10240x128xf32, #tpu.memory_space<vmem_shared>> -> memref<10240x128xf32, #tpu.memory_space<vmem_shared>>
        tpu.enqueue_indirect_dma source(%dma_start3A_294 : memref<128x128xf32, #tpu.memory_space<vmem>>) target(%dma_start3A_300 : memref<10240x128xf32, #tpu.memory_space<vmem_shared>>) offsets(%dma_start3A_297 : memref<128xi32, #tpu.memory_space<vmem>>) semaphore(%run_scoped3A_290 : memref<!tpu.dma_semaphore, #tpu.memory_space<semaphore_mem>>) {add = true}
        %dma_wait3A_301 = arith.constant 0 : i32
        %dma_wait3A_302 = arith.constant 0 : i32
        %dma_wait3A_303 = tpu.memref_slice %arg8[%run_scoped3A_276, %dma_wait3A_301, %dma_wait3A_302] : memref<2x128x128xf32, #tpu.memory_space<vmem>> -> memref<1x128x128xf32, #tpu.memory_space<vmem>>
        %dma_wait3A_304 = tpu.memref_squeeze %dma_wait3A_303 : memref<1x128x128xf32, #tpu.memory_space<vmem>> -> memref<128x128xf32, #tpu.memory_space<vmem>>
        %dma_wait3A_305 = arith.constant 0 : i32
        %dma_wait3A_306 = tpu.memref_slice %arg7[%add3A_260, %dma_wait3A_305] : memref<80x128xi32, #tpu.memory_space<vmem>> -> memref<1x128xi32, #tpu.memory_space<vmem>>
        %dma_wait3A_307 = tpu.memref_squeeze %dma_wait3A_306 : memref<1x128xi32, #tpu.memory_space<vmem>> -> memref<128xi32, #tpu.memory_space<vmem>>
        %dma_wait3A_308 = arith.constant 0 : i32
        %dma_wait3A_309 = arith.constant 0 : i32
        %dma_wait3A_310 = tpu.memref_slice %arg9[%dma_wait3A_308, %dma_wait3A_309] : memref<10240x128xf32, #tpu.memory_space<vmem_shared>> -> memref<10240x128xf32, #tpu.memory_space<vmem_shared>>
        tpu.wait_indirect_dma semaphore(%run_scoped3A_290 : memref<!tpu.dma_semaphore, #tpu.memory_space<semaphore_mem>>) src(%dma_wait3A_304 : memref<128x128xf32, #tpu.memory_space<vmem>>) dst(%dma_wait3A_310 : memref<10240x128xf32, #tpu.memory_space<vmem_shared>>)
        tpu.yield
      }) : () -> ()
      %lt3A_277 = arith.constant 19 : i32
      %lt3A_278 = arith.cmpi slt, %scan3A_162, %lt3A_277 : i32
      %convert_element_type3A_279 = arith.extui %lt3A_278 : i1 to i32
      %cond3A_280 = arith.constant 0 : i32
      %cond3A_281 = arith.cmpi ne, %convert_element_type3A_279, %cond3A_280 : i32
      scf.if %cond3A_281 {
        %add3A_290 = arith.constant 4 : i32
        %add3A_291 = arith.addi %add3A_260, %add3A_290 : i32
        %dma_start3A_292 = arith.constant 3 : i32
        %dma_start3A_293 = arith.constant 3 : i32
        %dma_start3A_294 = arith.constant 0 : i32
        %dma_start3A_295 = tpu.memref_slice %arg6[%dma_start3A_292, %dma_start3A_294] : memref<4x128xi32, #tpu.memory_space<vmem>> -> memref<1x128xi32, #tpu.memory_space<vmem>>
        %dma_start3A_296 = tpu.memref_squeeze %dma_start3A_295 : memref<1x128xi32, #tpu.memory_space<vmem>> -> memref<128xi32, #tpu.memory_space<vmem>>
        %dma_start3A_297 = arith.constant 0 : i32
        %dma_start3A_298 = tpu.memref_slice %arg3[%add3A, %add3A_291, %dma_start3A_297] : memref<32x80x128xi32, #tpu.memory_space<hbm>> -> memref<1x1x128xi32, #tpu.memory_space<hbm>>
        %dma_start3A_299 = tpu.memref_squeeze %dma_start3A_298 : memref<1x1x128xi32, #tpu.memory_space<hbm>> -> memref<128xi32, #tpu.memory_space<hbm>>
        %dma_start3A_300 = tpu.memref_slice %arg11[%dma_start3A_293] : memref<4x!tpu.dma_semaphore, #tpu.memory_space<semaphore_mem>> -> memref<1x!tpu.dma_semaphore, #tpu.memory_space<semaphore_mem>>
        %dma_start3A_301 = tpu.memref_squeeze %dma_start3A_300 : memref<1x!tpu.dma_semaphore, #tpu.memory_space<semaphore_mem>> -> memref<!tpu.dma_semaphore, #tpu.memory_space<semaphore_mem>>
        %dma_start3A_302 = arith.constant 0 : i32
        %dma_start3A_303 = tpu.memref_slice %arg6[%dma_start3A_292, %dma_start3A_302] : memref<4x128xi32, #tpu.memory_space<vmem>> -> memref<1x128xi32, #tpu.memory_space<vmem>>
        %dma_start3A_304 = tpu.memref_squeeze %dma_start3A_303 : memref<1x128xi32, #tpu.memory_space<vmem>> -> memref<128xi32, #tpu.memory_space<vmem>>
        %dma_start3A_305 = arith.constant 0 : i32
        %dma_start3A_306 = tpu.memref_slice %arg3[%add3A, %add3A_291, %dma_start3A_305] : memref<32x80x128xi32, #tpu.memory_space<hbm>> -> memref<1x1x128xi32, #tpu.memory_space<hbm>>
        %dma_start3A_307 = tpu.memref_squeeze %dma_start3A_306 : memref<1x1x128xi32, #tpu.memory_space<hbm>> -> memref<128xi32, #tpu.memory_space<hbm>>
        tpu.enqueue_dma source(%dma_start3A_307 : memref<128xi32, #tpu.memory_space<hbm>>) target(%dma_start3A_304 : memref<128xi32, #tpu.memory_space<vmem>>) target_semaphore(%dma_start3A_301 : memref<!tpu.dma_semaphore, #tpu.memory_space<semaphore_mem>>)
      } else {
      }
      %add3A_282 = arith.constant 2 : i32
      %add3A_283 = arith.addi %add3A_260, %add3A_282 : i32
      %lt3A_284 = arith.constant 80 : i32
      %lt3A_285 = arith.cmpi slt, %add3A_283, %lt3A_284 : i32
      %convert_element_type3A_286 = arith.extui %lt3A_285 : i1 to i32
      %cond3A_287 = arith.constant 0 : i32
      %cond3A_288 = arith.cmpi ne, %convert_element_type3A_286, %cond3A_287 : i32
      scf.if %cond3A_288 {
        %dma_wait3A_290 = arith.constant 1 : i32
        %dma_wait3A_291 = arith.constant 1 : i32
        %dma_wait3A_292 = arith.constant 1 : i32
        %dma_wait3A_293 = arith.constant 0 : i32
        %dma_wait3A_294 = tpu.memref_slice %arg6[%dma_wait3A_291, %dma_wait3A_293] : memref<4x128xi32, #tpu.memory_space<vmem>> -> memref<1x128xi32, #tpu.memory_space<vmem>>
        %dma_wait3A_295 = tpu.memref_squeeze %dma_wait3A_294 : memref<1x128xi32, #tpu.memory_space<vmem>> -> memref<128xi32, #tpu.memory_space<vmem>>
        %dma_wait3A_296 = arith.constant 0 : i32
        %dma_wait3A_297 = tpu.memref_slice %arg3[%add3A, %dma_wait3A_290, %dma_wait3A_296] : memref<32x80x128xi32, #tpu.memory_space<hbm>> -> memref<1x1x128xi32, #tpu.memory_space<hbm>>
        %dma_wait3A_298 = tpu.memref_squeeze %dma_wait3A_297 : memref<1x1x128xi32, #tpu.memory_space<hbm>> -> memref<128xi32, #tpu.memory_space<hbm>>
        %dma_wait3A_299 = tpu.memref_slice %arg11[%dma_wait3A_292] : memref<4x!tpu.dma_semaphore, #tpu.memory_space<semaphore_mem>> -> memref<1x!tpu.dma_semaphore, #tpu.memory_space<semaphore_mem>>
        %dma_wait3A_300 = tpu.memref_squeeze %dma_wait3A_299 : memref<1x!tpu.dma_semaphore, #tpu.memory_space<semaphore_mem>> -> memref<!tpu.dma_semaphore, #tpu.memory_space<semaphore_mem>>
        %dma_wait3A_301 = arith.constant 0 : i32
        %dma_wait3A_302 = tpu.memref_slice %arg6[%dma_wait3A_291, %dma_wait3A_301] : memref<4x128xi32, #tpu.memory_space<vmem>> -> memref<1x128xi32, #tpu.memory_space<vmem>>
        %dma_wait3A_303 = tpu.memref_squeeze %dma_wait3A_302 : memref<1x128xi32, #tpu.memory_space<vmem>> -> memref<128xi32, #tpu.memory_space<vmem>>
        %dma_wait3A_304 = arith.constant 0 : i32
        %dma_wait3A_305 = tpu.memref_slice %arg3[%add3A, %dma_wait3A_290, %dma_wait3A_304] : memref<32x80x128xi32, #tpu.memory_space<hbm>> -> memref<1x1x128xi32, #tpu.memory_space<hbm>>
        %dma_wait3A_306 = tpu.memref_squeeze %dma_wait3A_305 : memref<1x1x128xi32, #tpu.memory_space<hbm>> -> memref<128xi32, #tpu.memory_space<hbm>>
        tpu.wait_dma2 semaphore(%dma_wait3A_300 : memref<!tpu.dma_semaphore, #tpu.memory_space<semaphore_mem>>) src(%dma_wait3A_306 : memref<128xi32, #tpu.memory_space<hbm>>) dst(%dma_wait3A_303 : memref<128xi32, #tpu.memory_space<vmem>>)
        %dma_start3A_307 = arith.constant 1 : i32
        %dma_start3A_308 = arith.constant 1 : i32
        %dma_start3A_309 = arith.constant 1 : i32
        %dma_start3A_310 = arith.constant 0 : i32
        %dma_start3A_311 = arith.constant 0 : i32
        %dma_start3A_312 = tpu.memref_slice %arg8[%dma_start3A_308, %dma_start3A_310, %dma_start3A_311] : memref<2x128x128xf32, #tpu.memory_space<vmem>> -> memref<1x128x128xf32, #tpu.memory_space<vmem>>
        %dma_start3A_313 = tpu.memref_squeeze %dma_start3A_312 : memref<1x128x128xf32, #tpu.memory_space<vmem>> -> memref<128x128xf32, #tpu.memory_space<vmem>>
        %dma_start3A_314 = arith.constant 0 : i32
        %dma_start3A_315 = tpu.memref_slice %arg6[%dma_start3A_307, %dma_start3A_314] : memref<4x128xi32, #tpu.memory_space<vmem>> -> memref<1x128xi32, #tpu.memory_space<vmem>>
        %dma_start3A_316 = tpu.memref_squeeze %dma_start3A_315 : memref<1x128xi32, #tpu.memory_space<vmem>> -> memref<128xi32, #tpu.memory_space<vmem>>
        %dma_start3A_317 = arith.constant 0 : i32
        %dma_start3A_318 = arith.constant 0 : i32
        %dma_start3A_319 = tpu.memref_slice %arg2[%dma_start3A_317, %dma_start3A_318] : memref<10000x128xf32, #tpu.memory_space<hbm>> -> memref<10000x128xf32, #tpu.memory_space<hbm>>
        %dma_start3A_320 = tpu.memref_slice %arg10[%dma_start3A_309] : memref<2x!tpu.dma_semaphore, #tpu.memory_space<semaphore_mem>> -> memref<1x!tpu.dma_semaphore, #tpu.memory_space<semaphore_mem>>
        %dma_start3A_321 = tpu.memref_squeeze %dma_start3A_320 : memref<1x!tpu.dma_semaphore, #tpu.memory_space<semaphore_mem>> -> memref<!tpu.dma_semaphore, #tpu.memory_space<semaphore_mem>>
        tpu.enqueue_indirect_dma source(%dma_start3A_319 : memref<10000x128xf32, #tpu.memory_space<hbm>>) target(%dma_start3A_313 : memref<128x128xf32, #tpu.memory_space<vmem>>) offsets(%dma_start3A_316 : memref<128xi32, #tpu.memory_space<vmem>>) semaphore(%dma_start3A_321 : memref<!tpu.dma_semaphore, #tpu.memory_space<semaphore_mem>>)
      } else {
      }
      %scan3A_289 = arith.constant 0 : i32
      scf.yield %scan3A_289 : i32
    }
    %scan3A_160 = arith.constant 20 : i32
    %barrier3A_161 = arith.constant 0 : index
    tpu.barrier barrier_id(%barrier3A_161)
    "tpu.region"() ({
      %run_scoped3A_162 = tpu.sem_alloc : memref<!tpu.dma_semaphore, #tpu.memory_space<semaphore_mem>>
      %dma_start3A_163 = arith.constant 0 : i32
      %dma_start3A_164 = tpu.memref_slice %arg5[%arg0, %mul3A_9, %dma_start3A_163] : memref<2x10240x128xf32, #tpu.memory_space<hbm>> -> memref<1x640x128xf32, #tpu.memory_space<hbm>>
      %dma_start3A_165 = tpu.memref_squeeze %dma_start3A_164 : memref<1x640x128xf32, #tpu.memory_space<hbm>> -> memref<640x128xf32, #tpu.memory_space<hbm>>
      %dma_start3A_166 = arith.constant 0 : i32
      %dma_start3A_167 = tpu.memref_slice %arg9[%mul3A_9, %dma_start3A_166] : memref<10240x128xf32, #tpu.memory_space<vmem_shared>> -> memref<640x128xf32, #tpu.memory_space<vmem_shared>>
      tpu.enqueue_dma source(%dma_start3A_167 : memref<640x128xf32, #tpu.memory_space<vmem_shared>>) target(%dma_start3A_165 : memref<640x128xf32, #tpu.memory_space<hbm>>) target_semaphore(%run_scoped3A_162 : memref<!tpu.dma_semaphore, #tpu.memory_space<semaphore_mem>>)
      %dma_wait3A_168 = arith.constant 0 : i32
      %dma_wait3A_169 = tpu.memref_slice %arg5[%arg0, %mul3A_9, %dma_wait3A_168] : memref<2x10240x128xf32, #tpu.memory_space<hbm>> -> memref<1x640x128xf32, #tpu.memory_space<hbm>>
      %dma_wait3A_170 = tpu.memref_squeeze %dma_wait3A_169 : memref<1x640x128xf32, #tpu.memory_space<hbm>> -> memref<640x128xf32, #tpu.memory_space<hbm>>
      %dma_wait3A_171 = arith.constant 0 : i32
      %dma_wait3A_172 = tpu.memref_slice %arg9[%mul3A_9, %dma_wait3A_171] : memref<10240x128xf32, #tpu.memory_space<vmem_shared>> -> memref<640x128xf32, #tpu.memory_space<vmem_shared>>
      tpu.wait_dma2 semaphore(%run_scoped3A_162 : memref<!tpu.dma_semaphore, #tpu.memory_space<semaphore_mem>>) src(%dma_wait3A_172 : memref<640x128xf32, #tpu.memory_space<vmem_shared>>) dst(%dma_wait3A_170 : memref<640x128xf32, #tpu.memory_space<hbm>>)
      tpu.yield
    }) : () -> ()
    return
  }
}

#map = affine_map<(d0, d1) -> (0, 0, 0)>
module attributes {stable_mosaic.version = 14 : i64} {
  func.func @_sc_deg_body(%arg0: i32, %arg1: i32, %arg2: memref<32x80x128xi32, #tpu.memory_space<hbm>>, %arg3: memref<2x10240x128xf32, #tpu.memory_space<hbm>>, %arg4: memref<80x128xi32, #tpu.memory_space<vmem>>, %arg5: memref<128x128xf32, #tpu.memory_space<vmem>>, %arg6: memref<10240x128xf32, #tpu.memory_space<vmem_shared>>) attributes {dimension_semantics = [#tpu.dimension_semantics<core_parallel>, #tpu.dimension_semantics<subcore_parallel>], iteration_bounds = array<i64: 2, 16>, scalar_prefetch = 0 : i64, scratch_operands = 3 : i64, tpu.core_type = #tpu.core_type<sc_vector_subcore>, window_params = [{transform_indices = #map}, {transform_indices = #map}]} {
    %mul3A = arith.constant 2 : i32
    %mul3A_0 = arith.muli %arg1, %mul3A : i32
    %add3A = arith.addi %mul3A_0, %arg0 : i32
    %scan3A = arith.constant 0 : i32
    %scan3A_1 = arith.constant 0 : i32
    %scan3A_2 = arith.constant 128 : i32
    %scan3A_3 = arith.addi %scan3A_1, %scan3A_2 : i32
    %scan3A_4 = arith.constant 1 : i32
    %scan3A_5 = scf.for %scan3A_34 = %scan3A_1 to %scan3A_3 step %scan3A_4 iter_args(%scan3A_35 = %scan3A) -> (i32)  : i32 {
      %scan3A_36 = arith.constant 0 : i32
      %scan3A_37 = arith.constant 0 : i32
      %scan3A_38 = arith.constant 8 : i32
      %scan3A_39 = arith.addi %scan3A_37, %scan3A_38 : i32
      %scan3A_40 = arith.constant 1 : i32
      %scan3A_41 = scf.for %scan3A_43 = %scan3A_37 to %scan3A_39 step %scan3A_40 iter_args(%scan3A_44 = %scan3A_36) -> (i32)  : i32 {
        %broadcast_in_dim3A = arith.constant 0.000000e+00 : f32
        %broadcast_in_dim3A_45 = vector.broadcast %broadcast_in_dim3A : f32 to vector<16xf32>
        %mul3A_46 = arith.constant 16 : i32
        %mul3A_47 = arith.muli %scan3A_43, %mul3A_46 : i32
        %swap3A = arith.index_cast %scan3A_34 : i32 to index
        %swap3A_48 = arith.index_cast %mul3A_47 : i32 to index
        %swap3A_49 = tpu.vector_load %arg5[%swap3A, %swap3A_48] {strides = array<i32>} : memref<128x128xf32, #tpu.memory_space<vmem>>, vector<1x16xf32>,
        %swap3A_50 = vector.shape_cast %swap3A_49 : vector<1x16xf32> to vector<16xf32>
        %swap3A_51 = vector.shape_cast %broadcast_in_dim3A_45 : vector<16xf32> to vector<1x16xf32>
        tpu.vector_store %arg5[%swap3A, %swap3A_48], %swap3A_51 {strides = array<i32>} : memref<128x128xf32, #tpu.memory_space<vmem>>, vector<1x16xf32>,
        %scan3A_52 = arith.constant 0 : i32
        scf.yield %scan3A_52 : i32
      }
      %scan3A_42 = arith.constant 8 : i32
      scf.yield %scan3A_41 : i32
    }
    %scan3A_6 = arith.constant 128 : i32
    %mul3A_7 = arith.constant 640 : i32
    %mul3A_8 = arith.muli %arg1, %mul3A_7 : i32
    %add3A_9 = arith.constant 0 : i32
    %add3A_10 = arith.addi %mul3A_8, %add3A_9 : i32
    "tpu.region"() ({
      %run_scoped3A = tpu.sem_alloc : memref<!tpu.dma_semaphore, #tpu.memory_space<semaphore_mem>>
      %dma_start3A = arith.constant 0 : i32
      %dma_start3A_34 = tpu.memref_slice %arg6[%add3A_10, %dma_start3A] : memref<10240x128xf32, #tpu.memory_space<vmem_shared>> -> memref<128x128xf32, #tpu.memory_space<vmem_shared>>
      %dma_start3A_35 = arith.constant 0 : i32
      %dma_start3A_36 = tpu.memref_slice %arg6[%add3A_10, %dma_start3A_35] : memref<10240x128xf32, #tpu.memory_space<vmem_shared>> -> memref<128x128xf32, #tpu.memory_space<vmem_shared>>
      tpu.enqueue_dma source(%arg5 : memref<128x128xf32, #tpu.memory_space<vmem>>) target(%dma_start3A_36 : memref<128x128xf32, #tpu.memory_space<vmem_shared>>) target_semaphore(%run_scoped3A : memref<!tpu.dma_semaphore, #tpu.memory_space<semaphore_mem>>)
      %dma_wait3A = arith.constant 0 : i32
      %dma_wait3A_37 = tpu.memref_slice %arg6[%add3A_10, %dma_wait3A] : memref<10240x128xf32, #tpu.memory_space<vmem_shared>> -> memref<128x128xf32, #tpu.memory_space<vmem_shared>>
      %dma_wait3A_38 = arith.constant 0 : i32
      %dma_wait3A_39 = tpu.memref_slice %arg6[%add3A_10, %dma_wait3A_38] : memref<10240x128xf32, #tpu.memory_space<vmem_shared>> -> memref<128x128xf32, #tpu.memory_space<vmem_shared>>
      tpu.wait_dma2 semaphore(%run_scoped3A : memref<!tpu.dma_semaphore, #tpu.memory_space<semaphore_mem>>) src(%arg5 : memref<128x128xf32, #tpu.memory_space<vmem>>) dst(%dma_wait3A_39 : memref<128x128xf32, #tpu.memory_space<vmem_shared>>)
      tpu.yield
    }) : () -> ()
    %add3A_11 = arith.constant 128 : i32
    %add3A_12 = arith.addi %mul3A_8, %add3A_11 : i32
    "tpu.region"() ({
      %run_scoped3A = tpu.sem_alloc : memref<!tpu.dma_semaphore, #tpu.memory_space<semaphore_mem>>
      %dma_start3A = arith.constant 0 : i32
      %dma_start3A_34 = tpu.memref_slice %arg6[%add3A_12, %dma_start3A] : memref<10240x128xf32, #tpu.memory_space<vmem_shared>> -> memref<128x128xf32, #tpu.memory_space<vmem_shared>>
      %dma_start3A_35 = arith.constant 0 : i32
      %dma_start3A_36 = tpu.memref_slice %arg6[%add3A_12, %dma_start3A_35] : memref<10240x128xf32, #tpu.memory_space<vmem_shared>> -> memref<128x128xf32, #tpu.memory_space<vmem_shared>>
      tpu.enqueue_dma source(%arg5 : memref<128x128xf32, #tpu.memory_space<vmem>>) target(%dma_start3A_36 : memref<128x128xf32, #tpu.memory_space<vmem_shared>>) target_semaphore(%run_scoped3A : memref<!tpu.dma_semaphore, #tpu.memory_space<semaphore_mem>>)
      %dma_wait3A = arith.constant 0 : i32
      %dma_wait3A_37 = tpu.memref_slice %arg6[%add3A_12, %dma_wait3A] : memref<10240x128xf32, #tpu.memory_space<vmem_shared>> -> memref<128x128xf32, #tpu.memory_space<vmem_shared>>
      %dma_wait3A_38 = arith.constant 0 : i32
      %dma_wait3A_39 = tpu.memref_slice %arg6[%add3A_12, %dma_wait3A_38] : memref<10240x128xf32, #tpu.memory_space<vmem_shared>> -> memref<128x128xf32, #tpu.memory_space<vmem_shared>>
      tpu.wait_dma2 semaphore(%run_scoped3A : memref<!tpu.dma_semaphore, #tpu.memory_space<semaphore_mem>>) src(%arg5 : memref<128x128xf32, #tpu.memory_space<vmem>>) dst(%dma_wait3A_39 : memref<128x128xf32, #tpu.memory_space<vmem_shared>>)
      tpu.yield
    }) : () -> ()
    %add3A_13 = arith.constant 256 : i32
    %add3A_14 = arith.addi %mul3A_8, %add3A_13 : i32
    "tpu.region"() ({
      %run_scoped3A = tpu.sem_alloc : memref<!tpu.dma_semaphore, #tpu.memory_space<semaphore_mem>>
      %dma_start3A = arith.constant 0 : i32
      %dma_start3A_34 = tpu.memref_slice %arg6[%add3A_14, %dma_start3A] : memref<10240x128xf32, #tpu.memory_space<vmem_shared>> -> memref<128x128xf32, #tpu.memory_space<vmem_shared>>
      %dma_start3A_35 = arith.constant 0 : i32
      %dma_start3A_36 = tpu.memref_slice %arg6[%add3A_14, %dma_start3A_35] : memref<10240x128xf32, #tpu.memory_space<vmem_shared>> -> memref<128x128xf32, #tpu.memory_space<vmem_shared>>
      tpu.enqueue_dma source(%arg5 : memref<128x128xf32, #tpu.memory_space<vmem>>) target(%dma_start3A_36 : memref<128x128xf32, #tpu.memory_space<vmem_shared>>) target_semaphore(%run_scoped3A : memref<!tpu.dma_semaphore, #tpu.memory_space<semaphore_mem>>)
      %dma_wait3A = arith.constant 0 : i32
      %dma_wait3A_37 = tpu.memref_slice %arg6[%add3A_14, %dma_wait3A] : memref<10240x128xf32, #tpu.memory_space<vmem_shared>> -> memref<128x128xf32, #tpu.memory_space<vmem_shared>>
      %dma_wait3A_38 = arith.constant 0 : i32
      %dma_wait3A_39 = tpu.memref_slice %arg6[%add3A_14, %dma_wait3A_38] : memref<10240x128xf32, #tpu.memory_space<vmem_shared>> -> memref<128x128xf32, #tpu.memory_space<vmem_shared>>
      tpu.wait_dma2 semaphore(%run_scoped3A : memref<!tpu.dma_semaphore, #tpu.memory_space<semaphore_mem>>) src(%arg5 : memref<128x128xf32, #tpu.memory_space<vmem>>) dst(%dma_wait3A_39 : memref<128x128xf32, #tpu.memory_space<vmem_shared>>)
      tpu.yield
    }) : () -> ()
    %add3A_15 = arith.constant 384 : i32
    %add3A_16 = arith.addi %mul3A_8, %add3A_15 : i32
    "tpu.region"() ({
      %run_scoped3A = tpu.sem_alloc : memref<!tpu.dma_semaphore, #tpu.memory_space<semaphore_mem>>
      %dma_start3A = arith.constant 0 : i32
      %dma_start3A_34 = tpu.memref_slice %arg6[%add3A_16, %dma_start3A] : memref<10240x128xf32, #tpu.memory_space<vmem_shared>> -> memref<128x128xf32, #tpu.memory_space<vmem_shared>>
      %dma_start3A_35 = arith.constant 0 : i32
      %dma_start3A_36 = tpu.memref_slice %arg6[%add3A_16, %dma_start3A_35] : memref<10240x128xf32, #tpu.memory_space<vmem_shared>> -> memref<128x128xf32, #tpu.memory_space<vmem_shared>>
      tpu.enqueue_dma source(%arg5 : memref<128x128xf32, #tpu.memory_space<vmem>>) target(%dma_start3A_36 : memref<128x128xf32, #tpu.memory_space<vmem_shared>>) target_semaphore(%run_scoped3A : memref<!tpu.dma_semaphore, #tpu.memory_space<semaphore_mem>>)
      %dma_wait3A = arith.constant 0 : i32
      %dma_wait3A_37 = tpu.memref_slice %arg6[%add3A_16, %dma_wait3A] : memref<10240x128xf32, #tpu.memory_space<vmem_shared>> -> memref<128x128xf32, #tpu.memory_space<vmem_shared>>
      %dma_wait3A_38 = arith.constant 0 : i32
      %dma_wait3A_39 = tpu.memref_slice %arg6[%add3A_16, %dma_wait3A_38] : memref<10240x128xf32, #tpu.memory_space<vmem_shared>> -> memref<128x128xf32, #tpu.memory_space<vmem_shared>>
      tpu.wait_dma2 semaphore(%run_scoped3A : memref<!tpu.dma_semaphore, #tpu.memory_space<semaphore_mem>>) src(%arg5 : memref<128x128xf32, #tpu.memory_space<vmem>>) dst(%dma_wait3A_39 : memref<128x128xf32, #tpu.memory_space<vmem_shared>>)
      tpu.yield
    }) : () -> ()
    %add3A_17 = arith.constant 512 : i32
    %add3A_18 = arith.addi %mul3A_8, %add3A_17 : i32
    "tpu.region"() ({
      %run_scoped3A = tpu.sem_alloc : memref<!tpu.dma_semaphore, #tpu.memory_space<semaphore_mem>>
      %dma_start3A = arith.constant 0 : i32
      %dma_start3A_34 = tpu.memref_slice %arg6[%add3A_18, %dma_start3A] : memref<10240x128xf32, #tpu.memory_space<vmem_shared>> -> memref<128x128xf32, #tpu.memory_space<vmem_shared>>
      %dma_start3A_35 = arith.constant 0 : i32
      %dma_start3A_36 = tpu.memref_slice %arg6[%add3A_18, %dma_start3A_35] : memref<10240x128xf32, #tpu.memory_space<vmem_shared>> -> memref<128x128xf32, #tpu.memory_space<vmem_shared>>
      tpu.enqueue_dma source(%arg5 : memref<128x128xf32, #tpu.memory_space<vmem>>) target(%dma_start3A_36 : memref<128x128xf32, #tpu.memory_space<vmem_shared>>) target_semaphore(%run_scoped3A : memref<!tpu.dma_semaphore, #tpu.memory_space<semaphore_mem>>)
      %dma_wait3A = arith.constant 0 : i32
      %dma_wait3A_37 = tpu.memref_slice %arg6[%add3A_18, %dma_wait3A] : memref<10240x128xf32, #tpu.memory_space<vmem_shared>> -> memref<128x128xf32, #tpu.memory_space<vmem_shared>>
      %dma_wait3A_38 = arith.constant 0 : i32
      %dma_wait3A_39 = tpu.memref_slice %arg6[%add3A_18, %dma_wait3A_38] : memref<10240x128xf32, #tpu.memory_space<vmem_shared>> -> memref<128x128xf32, #tpu.memory_space<vmem_shared>>
      tpu.wait_dma2 semaphore(%run_scoped3A : memref<!tpu.dma_semaphore, #tpu.memory_space<semaphore_mem>>) src(%arg5 : memref<128x128xf32, #tpu.memory_space<vmem>>) dst(%dma_wait3A_39 : memref<128x128xf32, #tpu.memory_space<vmem_shared>>)
      tpu.yield
    }) : () -> ()
    %scan3A_19 = arith.constant 0 : i32
    %scan3A_20 = arith.constant 0 : i32
    %scan3A_21 = arith.constant 128 : i32
    %scan3A_22 = arith.addi %scan3A_20, %scan3A_21 : i32
    %scan3A_23 = arith.constant 1 : i32
    %scan3A_24 = scf.for %scan3A_34 = %scan3A_20 to %scan3A_22 step %scan3A_23 iter_args(%scan3A_35 = %scan3A_19) -> (i32)  : i32 {
      %scan3A_36 = arith.constant 0 : i32
      %scan3A_37 = arith.constant 0 : i32
      %scan3A_38 = arith.constant 8 : i32
      %scan3A_39 = arith.addi %scan3A_37, %scan3A_38 : i32
      %scan3A_40 = arith.constant 1 : i32
      %scan3A_41 = scf.for %scan3A_43 = %scan3A_37 to %scan3A_39 step %scan3A_40 iter_args(%scan3A_44 = %scan3A_36) -> (i32)  : i32 {
        %broadcast_in_dim3A = arith.constant 1.000000e+00 : f32
        %broadcast_in_dim3A_45 = vector.broadcast %broadcast_in_dim3A : f32 to vector<16xf32>
        %mul3A_46 = arith.constant 16 : i32
        %mul3A_47 = arith.muli %scan3A_43, %mul3A_46 : i32
        %swap3A = arith.index_cast %scan3A_34 : i32 to index
        %swap3A_48 = arith.index_cast %mul3A_47 : i32 to index
        %swap3A_49 = tpu.vector_load %arg5[%swap3A, %swap3A_48] {strides = array<i32>} : memref<128x128xf32, #tpu.memory_space<vmem>>, vector<1x16xf32>,
        %swap3A_50 = vector.shape_cast %swap3A_49 : vector<1x16xf32> to vector<16xf32>
        %swap3A_51 = vector.shape_cast %broadcast_in_dim3A_45 : vector<16xf32> to vector<1x16xf32>
        tpu.vector_store %arg5[%swap3A, %swap3A_48], %swap3A_51 {strides = array<i32>} : memref<128x128xf32, #tpu.memory_space<vmem>>, vector<1x16xf32>,
        %scan3A_52 = arith.constant 0 : i32
        scf.yield %scan3A_52 : i32
      }
      %scan3A_42 = arith.constant 8 : i32
      scf.yield %scan3A_41 : i32
    }
    %scan3A_25 = arith.constant 128 : i32
    %barrier3A = arith.constant 0 : index
    tpu.barrier barrier_id(%barrier3A)
    "tpu.region"() ({
      %run_scoped3A = tpu.sem_alloc : memref<!tpu.dma_semaphore, #tpu.memory_space<semaphore_mem>>
      %dma_start3A = arith.constant 0 : i32
      %dma_start3A_34 = arith.constant 0 : i32
      %dma_start3A_35 = tpu.memref_slice %arg2[%add3A, %dma_start3A, %dma_start3A_34] : memref<32x80x128xi32, #tpu.memory_space<hbm>> -> memref<1x80x128xi32, #tpu.memory_space<hbm>>
      %dma_start3A_36 = tpu.memref_squeeze %dma_start3A_35 : memref<1x80x128xi32, #tpu.memory_space<hbm>> -> memref<80x128xi32, #tpu.memory_space<hbm>>
      %dma_start3A_37 = arith.constant 0 : i32
      %dma_start3A_38 = arith.constant 0 : i32
      %dma_start3A_39 = tpu.memref_slice %arg2[%add3A, %dma_start3A_37, %dma_start3A_38] : memref<32x80x128xi32, #tpu.memory_space<hbm>> -> memref<1x80x128xi32, #tpu.memory_space<hbm>>
      %dma_start3A_40 = tpu.memref_squeeze %dma_start3A_39 : memref<1x80x128xi32, #tpu.memory_space<hbm>> -> memref<80x128xi32, #tpu.memory_space<hbm>>
      tpu.enqueue_dma source(%dma_start3A_40 : memref<80x128xi32, #tpu.memory_space<hbm>>) target(%arg4 : memref<80x128xi32, #tpu.memory_space<vmem>>) target_semaphore(%run_scoped3A : memref<!tpu.dma_semaphore, #tpu.memory_space<semaphore_mem>>)
      %dma_wait3A = arith.constant 0 : i32
      %dma_wait3A_41 = arith.constant 0 : i32
      %dma_wait3A_42 = tpu.memref_slice %arg2[%add3A, %dma_wait3A, %dma_wait3A_41] : memref<32x80x128xi32, #tpu.memory_space<hbm>> -> memref<1x80x128xi32, #tpu.memory_space<hbm>>
      %dma_wait3A_43 = tpu.memref_squeeze %dma_wait3A_42 : memref<1x80x128xi32, #tpu.memory_space<hbm>> -> memref<80x128xi32, #tpu.memory_space<hbm>>
      %dma_wait3A_44 = arith.constant 0 : i32
      %dma_wait3A_45 = arith.constant 0 : i32
      %dma_wait3A_46 = tpu.memref_slice %arg2[%add3A, %dma_wait3A_44, %dma_wait3A_45] : memref<32x80x128xi32, #tpu.memory_space<hbm>> -> memref<1x80x128xi32, #tpu.memory_space<hbm>>
      %dma_wait3A_47 = tpu.memref_squeeze %dma_wait3A_46 : memref<1x80x128xi32, #tpu.memory_space<hbm>> -> memref<80x128xi32, #tpu.memory_space<hbm>>
      tpu.wait_dma2 semaphore(%run_scoped3A : memref<!tpu.dma_semaphore, #tpu.memory_space<semaphore_mem>>) src(%dma_wait3A_47 : memref<80x128xi32, #tpu.memory_space<hbm>>) dst(%arg4 : memref<80x128xi32, #tpu.memory_space<vmem>>)
      tpu.yield
    }) : () -> ()
    %scan3A_26 = arith.constant 0 : i32
    %scan3A_27 = arith.constant 0 : i32
    %scan3A_28 = arith.constant 80 : i32
    %scan3A_29 = arith.addi %scan3A_27, %scan3A_28 : i32
    %scan3A_30 = arith.constant 1 : i32
    %scan3A_31 = scf.for %scan3A_34 = %scan3A_27 to %scan3A_29 step %scan3A_30 iter_args(%scan3A_35 = %scan3A_26) -> (i32)  : i32 {
      "tpu.region"() ({
        %run_scoped3A = tpu.sem_alloc : memref<!tpu.dma_semaphore, #tpu.memory_space<semaphore_mem>>
        %dma_start3A = arith.constant 0 : i32
        %dma_start3A_37 = tpu.memref_slice %arg4[%scan3A_34, %dma_start3A] : memref<80x128xi32, #tpu.memory_space<vmem>> -> memref<1x128xi32, #tpu.memory_space<vmem>>
        %dma_start3A_38 = tpu.memref_squeeze %dma_start3A_37 : memref<1x128xi32, #tpu.memory_space<vmem>> -> memref<128xi32, #tpu.memory_space<vmem>>
        %dma_start3A_39 = arith.constant 0 : i32
        %dma_start3A_40 = arith.constant 0 : i32
        %dma_start3A_41 = tpu.memref_slice %arg6[%dma_start3A_39, %dma_start3A_40] : memref<10240x128xf32, #tpu.memory_space<vmem_shared>> -> memref<10240x128xf32, #tpu.memory_space<vmem_shared>>
        tpu.enqueue_indirect_dma source(%arg5 : memref<128x128xf32, #tpu.memory_space<vmem>>) target(%dma_start3A_41 : memref<10240x128xf32, #tpu.memory_space<vmem_shared>>) offsets(%dma_start3A_38 : memref<128xi32, #tpu.memory_space<vmem>>) semaphore(%run_scoped3A : memref<!tpu.dma_semaphore, #tpu.memory_space<semaphore_mem>>) {add = true}
        %dma_wait3A = arith.constant 0 : i32
        %dma_wait3A_42 = tpu.memref_slice %arg4[%scan3A_34, %dma_wait3A] : memref<80x128xi32, #tpu.memory_space<vmem>> -> memref<1x128xi32, #tpu.memory_space<vmem>>
        %dma_wait3A_43 = tpu.memref_squeeze %dma_wait3A_42 : memref<1x128xi32, #tpu.memory_space<vmem>> -> memref<128xi32, #tpu.memory_space<vmem>>
        %dma_wait3A_44 = arith.constant 0 : i32
        %dma_wait3A_45 = arith.constant 0 : i32
        %dma_wait3A_46 = tpu.memref_slice %arg6[%dma_wait3A_44, %dma_wait3A_45] : memref<10240x128xf32, #tpu.memory_space<vmem_shared>> -> memref<10240x128xf32, #tpu.memory_space<vmem_shared>>
        tpu.wait_indirect_dma semaphore(%run_scoped3A : memref<!tpu.dma_semaphore, #tpu.memory_space<semaphore_mem>>) src(%arg5 : memref<128x128xf32, #tpu.memory_space<vmem>>) dst(%dma_wait3A_46 : memref<10240x128xf32, #tpu.memory_space<vmem_shared>>)
        tpu.yield
      }) : () -> ()
      %scan3A_36 = arith.constant 0 : i32
      scf.yield %scan3A_36 : i32
    }
    %scan3A_32 = arith.constant 80 : i32
    %barrier3A_33 = arith.constant 0 : index
    tpu.barrier barrier_id(%barrier3A_33)
    "tpu.region"() ({
      %run_scoped3A = tpu.sem_alloc : memref<!tpu.dma_semaphore, #tpu.memory_space<semaphore_mem>>
      %dma_start3A = arith.constant 0 : i32
      %dma_start3A_34 = tpu.memref_slice %arg3[%arg0, %mul3A_8, %dma_start3A] : memref<2x10240x128xf32, #tpu.memory_space<hbm>> -> memref<1x640x128xf32, #tpu.memory_space<hbm>>
      %dma_start3A_35 = tpu.memref_squeeze %dma_start3A_34 : memref<1x640x128xf32, #tpu.memory_space<hbm>> -> memref<640x128xf32, #tpu.memory_space<hbm>>
      %dma_start3A_36 = arith.constant 0 : i32
      %dma_start3A_37 = tpu.memref_slice %arg6[%mul3A_8, %dma_start3A_36] : memref<10240x128xf32, #tpu.memory_space<vmem_shared>> -> memref<640x128xf32, #tpu.memory_space<vmem_shared>>
      tpu.enqueue_dma source(%dma_start3A_37 : memref<640x128xf32, #tpu.memory_space<vmem_shared>>) target(%dma_start3A_35 : memref<640x128xf32, #tpu.memory_space<hbm>>) target_semaphore(%run_scoped3A : memref<!tpu.dma_semaphore, #tpu.memory_space<semaphore_mem>>)
      %dma_wait3A = arith.constant 0 : i32
      %dma_wait3A_38 = tpu.memref_slice %arg3[%arg0, %mul3A_8, %dma_wait3A] : memref<2x10240x128xf32, #tpu.memory_space<hbm>> -> memref<1x640x128xf32, #tpu.memory_space<hbm>>
      %dma_wait3A_39 = tpu.memref_squeeze %dma_wait3A_38 : memref<1x640x128xf32, #tpu.memory_space<hbm>> -> memref<640x128xf32, #tpu.memory_space<hbm>>
      %dma_wait3A_40 = arith.constant 0 : i32
      %dma_wait3A_41 = tpu.memref_slice %arg6[%mul3A_8, %dma_wait3A_40] : memref<10240x128xf32, #tpu.memory_space<vmem_shared>> -> memref<640x128xf32, #tpu.memory_space<vmem_shared>>
      tpu.wait_dma2 semaphore(%run_scoped3A : memref<!tpu.dma_semaphore, #tpu.memory_space<semaphore_mem>>) src(%dma_wait3A_41 : memref<640x128xf32, #tpu.memory_space<vmem_shared>>) dst(%dma_wait3A_39 : memref<640x128xf32, #tpu.memory_space<hbm>>)
      tpu.yield
    }) : () -> ()
    return
  }
}

#map = affine_map<(d0, d1) -> (0, 0)>
#map1 = affine_map<(d0, d1) -> (0, 0, 0)>
module attributes {stable_mosaic.version = 14 : i64} {
  func.func @_sc_agg_body(%arg0: i32, %arg1: i32, %arg2: memref<10000x128xf32, #tpu.memory_space<hbm>>, %arg3: memref<32x80x128xi32, #tpu.memory_space<hbm>>, %arg4: memref<32x80x128xi32, #tpu.memory_space<hbm>>, %arg5: memref<2x10240x128xf32, #tpu.memory_space<hbm>>, %arg6: memref<4x128xi32, #tpu.memory_space<vmem>>, %arg7: memref<80x128xi32, #tpu.memory_space<vmem>>, %arg8: memref<2x128x128xf32, #tpu.memory_space<vmem>>, %arg9: memref<10240x128xf32, #tpu.memory_space<vmem_shared>>, %arg10: memref<2x!tpu.dma_semaphore, #tpu.memory_space<semaphore_mem>>, %arg11: memref<4x!tpu.dma_semaphore, #tpu.memory_space<semaphore_mem>>) attributes {dimension_semantics = [#tpu.dimension_semantics<core_parallel>, #tpu.dimension_semantics<subcore_parallel>], iteration_bounds = array<i64: 2, 16>, scalar_prefetch = 0 : i64, scratch_operands = 6 : i64, tpu.core_type = #tpu.core_type<sc_vector_subcore>, window_params = [{transform_indices = #map}, {transform_indices = #map1}, {transform_indices = #map1}, {transform_indices = #map1}]} {
    %mul3A = arith.constant 2 : i32
    %mul3A_0 = arith.muli %arg1, %mul3A : i32
    %add3A = arith.addi %mul3A_0, %arg0 : i32
    %scan3A = arith.constant 0 : i32
    %scan3A_1 = arith.constant 0 : i32
    %scan3A_2 = arith.constant 0 : i32
    %scan3A_3 = arith.constant 128 : i32
    %scan3A_4 = arith.addi %scan3A_2, %scan3A_3 : i32
    %scan3A_5 = arith.constant 1 : i32
    %scan3A_6 = scf.for %scan3A_162 = %scan3A_2 to %scan3A_4 step %scan3A_5 iter_args(%scan3A_163 = %scan3A_1) -> (i32)  : i32 {
      %scan3A_164 = arith.constant 0 : i32
      %scan3A_165 = arith.constant 0 : i32
      %scan3A_166 = arith.constant 8 : i32
      %scan3A_167 = arith.addi %scan3A_165, %scan3A_166 : i32
      %scan3A_168 = arith.constant 1 : i32
      %scan3A_169 = scf.for %scan3A_171 = %scan3A_165 to %scan3A_167 step %scan3A_168 iter_args(%scan3A_172 = %scan3A_164) -> (i32)  : i32 {
        %broadcast_in_dim3A = arith.constant 0.000000e+00 : f32
        %broadcast_in_dim3A_173 = vector.broadcast %broadcast_in_dim3A : f32 to vector<16xf32>
        %mul3A_174 = arith.constant 16 : i32
        %mul3A_175 = arith.muli %scan3A_171, %mul3A_174 : i32
        %swap3A = arith.constant 0 : i32
        %swap3A_176 = arith.constant 0 : i32
        %swap3A_177 = tpu.memref_slice %arg8[%scan3A, %swap3A, %swap3A_176] : memref<2x128x128xf32, #tpu.memory_space<vmem>> -> memref<1x128x128xf32, #tpu.memory_space<vmem>>
        %swap3A_178 = tpu.memref_squeeze %swap3A_177 : memref<1x128x128xf32, #tpu.memory_space<vmem>> -> memref<128x128xf32, #tpu.memory_space<vmem>>
        %swap3A_179 = arith.index_cast %scan3A_162 : i32 to index
        %swap3A_180 = arith.index_cast %mul3A_175 : i32 to index
        %swap3A_181 = tpu.vector_load %swap3A_178[%swap3A_179, %swap3A_180] {strides = array<i32>} : memref<128x128xf32, #tpu.memory_space<vmem>>, vector<1x16xf32>,
        %swap3A_182 = vector.shape_cast %swap3A_181 : vector<1x16xf32> to vector<16xf32>
        %swap3A_183 = vector.shape_cast %broadcast_in_dim3A_173 : vector<16xf32> to vector<1x16xf32>
        tpu.vector_store %swap3A_178[%swap3A_179, %swap3A_180], %swap3A_183 {strides = array<i32>} : memref<128x128xf32, #tpu.memory_space<vmem>>, vector<1x16xf32>,
        %scan3A_184 = arith.constant 0 : i32
        scf.yield %scan3A_184 : i32
      }
      %scan3A_170 = arith.constant 8 : i32
      scf.yield %scan3A_169 : i32
    }
    %scan3A_7 = arith.constant 128 : i32
    %mul3A_8 = arith.constant 640 : i32
    %mul3A_9 = arith.muli %arg1, %mul3A_8 : i32
    %add3A_10 = arith.constant 0 : i32
    %add3A_11 = arith.addi %mul3A_9, %add3A_10 : i32
    %run_scoped3A = arith.constant 0 : i32
    "tpu.region"() ({
      %run_scoped3A_162 = tpu.sem_alloc : memref<!tpu.dma_semaphore, #tpu.memory_space<semaphore_mem>>
      %dma_start3A_163 = arith.constant 0 : i32
      %dma_start3A_164 = arith.constant 0 : i32
      %dma_start3A_165 = tpu.memref_slice %arg8[%run_scoped3A, %dma_start3A_163, %dma_start3A_164] : memref<2x128x128xf32, #tpu.memory_space<vmem>> -> memref<1x128x128xf32, #tpu.memory_space<vmem>>
      %dma_start3A_166 = tpu.memref_squeeze %dma_start3A_165 : memref<1x128x128xf32, #tpu.memory_space<vmem>> -> memref<128x128xf32, #tpu.memory_space<vmem>>
      %dma_start3A_167 = arith.constant 0 : i32
      %dma_start3A_168 = tpu.memref_slice %arg9[%add3A_11, %dma_start3A_167] : memref<10240x128xf32, #tpu.memory_space<vmem_shared>> -> memref<128x128xf32, #tpu.memory_space<vmem_shared>>
      %dma_start3A_169 = arith.constant 0 : i32
      %dma_start3A_170 = tpu.memref_slice %arg9[%add3A_11, %dma_start3A_169] : memref<10240x128xf32, #tpu.memory_space<vmem_shared>> -> memref<128x128xf32, #tpu.memory_space<vmem_shared>>
      %dma_start3A_171 = arith.constant 0 : i32
      %dma_start3A_172 = arith.constant 0 : i32
      %dma_start3A_173 = tpu.memref_slice %arg8[%run_scoped3A, %dma_start3A_171, %dma_start3A_172] : memref<2x128x128xf32, #tpu.memory_space<vmem>> -> memref<1x128x128xf32, #tpu.memory_space<vmem>>
      %dma_start3A_174 = tpu.memref_squeeze %dma_start3A_173 : memref<1x128x128xf32, #tpu.memory_space<vmem>> -> memref<128x128xf32, #tpu.memory_space<vmem>>
      tpu.enqueue_dma source(%dma_start3A_174 : memref<128x128xf32, #tpu.memory_space<vmem>>) target(%dma_start3A_170 : memref<128x128xf32, #tpu.memory_space<vmem_shared>>) target_semaphore(%run_scoped3A_162 : memref<!tpu.dma_semaphore, #tpu.memory_space<semaphore_mem>>)
      %dma_wait3A_175 = arith.constant 0 : i32
      %dma_wait3A_176 = arith.constant 0 : i32
      %dma_wait3A_177 = tpu.memref_slice %arg8[%run_scoped3A, %dma_wait3A_175, %dma_wait3A_176] : memref<2x128x128xf32, #tpu.memory_space<vmem>> -> memref<1x128x128xf32, #tpu.memory_space<vmem>>
      %dma_wait3A_178 = tpu.memref_squeeze %dma_wait3A_177 : memref<1x128x128xf32, #tpu.memory_space<vmem>> -> memref<128x128xf32, #tpu.memory_space<vmem>>
      %dma_wait3A_179 = arith.constant 0 : i32
      %dma_wait3A_180 = tpu.memref_slice %arg9[%add3A_11, %dma_wait3A_179] : memref<10240x128xf32, #tpu.memory_space<vmem_shared>> -> memref<128x128xf32, #tpu.memory_space<vmem_shared>>
      %dma_wait3A_181 = arith.constant 0 : i32
      %dma_wait3A_182 = tpu.memref_slice %arg9[%add3A_11, %dma_wait3A_181] : memref<10240x128xf32, #tpu.memory_space<vmem_shared>> -> memref<128x128xf32, #tpu.memory_space<vmem_shared>>
      %dma_wait3A_183 = arith.constant 0 : i32
      %dma_wait3A_184 = arith.constant 0 : i32
      %dma_wait3A_185 = tpu.memref_slice %arg8[%run_scoped3A, %dma_wait3A_183, %dma_wait3A_184] : memref<2x128x128xf32, #tpu.memory_space<vmem>> -> memref<1x128x128xf32, #tpu.memory_space<vmem>>
      %dma_wait3A_186 = tpu.memref_squeeze %dma_wait3A_185 : memref<1x128x128xf32, #tpu.memory_space<vmem>> -> memref<128x128xf32, #tpu.memory_space<vmem>>
      tpu.wait_dma2 semaphore(%run_scoped3A_162 : memref<!tpu.dma_semaphore, #tpu.memory_space<semaphore_mem>>) src(%dma_wait3A_186 : memref<128x128xf32, #tpu.memory_space<vmem>>) dst(%dma_wait3A_182 : memref<128x128xf32, #tpu.memory_space<vmem_shared>>)
      tpu.yield
    }) : () -> ()
    %add3A_12 = arith.constant 128 : i32
    %add3A_13 = arith.addi %mul3A_9, %add3A_12 : i32
    %run_scoped3A_14 = arith.constant 0 : i32
    "tpu.region"() ({
      %run_scoped3A_162 = tpu.sem_alloc : memref<!tpu.dma_semaphore, #tpu.memory_space<semaphore_mem>>
      %dma_start3A_163 = arith.constant 0 : i32
      %dma_start3A_164 = arith.constant 0 : i32
      %dma_start3A_165 = tpu.memref_slice %arg8[%run_scoped3A_14, %dma_start3A_163, %dma_start3A_164] : memref<2x128x128xf32, #tpu.memory_space<vmem>> -> memref<1x128x128xf32, #tpu.memory_space<vmem>>
      %dma_start3A_166 = tpu.memref_squeeze %dma_start3A_165 : memref<1x128x128xf32, #tpu.memory_space<vmem>> -> memref<128x128xf32, #tpu.memory_space<vmem>>
      %dma_start3A_167 = arith.constant 0 : i32
      %dma_start3A_168 = tpu.memref_slice %arg9[%add3A_13, %dma_start3A_167] : memref<10240x128xf32, #tpu.memory_space<vmem_shared>> -> memref<128x128xf32, #tpu.memory_space<vmem_shared>>
      %dma_start3A_169 = arith.constant 0 : i32
      %dma_start3A_170 = tpu.memref_slice %arg9[%add3A_13, %dma_start3A_169] : memref<10240x128xf32, #tpu.memory_space<vmem_shared>> -> memref<128x128xf32, #tpu.memory_space<vmem_shared>>
      %dma_start3A_171 = arith.constant 0 : i32
      %dma_start3A_172 = arith.constant 0 : i32
      %dma_start3A_173 = tpu.memref_slice %arg8[%run_scoped3A_14, %dma_start3A_171, %dma_start3A_172] : memref<2x128x128xf32, #tpu.memory_space<vmem>> -> memref<1x128x128xf32, #tpu.memory_space<vmem>>
      %dma_start3A_174 = tpu.memref_squeeze %dma_start3A_173 : memref<1x128x128xf32, #tpu.memory_space<vmem>> -> memref<128x128xf32, #tpu.memory_space<vmem>>
      tpu.enqueue_dma source(%dma_start3A_174 : memref<128x128xf32, #tpu.memory_space<vmem>>) target(%dma_start3A_170 : memref<128x128xf32, #tpu.memory_space<vmem_shared>>) target_semaphore(%run_scoped3A_162 : memref<!tpu.dma_semaphore, #tpu.memory_space<semaphore_mem>>)
      %dma_wait3A_175 = arith.constant 0 : i32
      %dma_wait3A_176 = arith.constant 0 : i32
      %dma_wait3A_177 = tpu.memref_slice %arg8[%run_scoped3A_14, %dma_wait3A_175, %dma_wait3A_176] : memref<2x128x128xf32, #tpu.memory_space<vmem>> -> memref<1x128x128xf32, #tpu.memory_space<vmem>>
      %dma_wait3A_178 = tpu.memref_squeeze %dma_wait3A_177 : memref<1x128x128xf32, #tpu.memory_space<vmem>> -> memref<128x128xf32, #tpu.memory_space<vmem>>
      %dma_wait3A_179 = arith.constant 0 : i32
      %dma_wait3A_180 = tpu.memref_slice %arg9[%add3A_13, %dma_wait3A_179] : memref<10240x128xf32, #tpu.memory_space<vmem_shared>> -> memref<128x128xf32, #tpu.memory_space<vmem_shared>>
      %dma_wait3A_181 = arith.constant 0 : i32
      %dma_wait3A_182 = tpu.memref_slice %arg9[%add3A_13, %dma_wait3A_181] : memref<10240x128xf32, #tpu.memory_space<vmem_shared>> -> memref<128x128xf32, #tpu.memory_space<vmem_shared>>
      %dma_wait3A_183 = arith.constant 0 : i32
      %dma_wait3A_184 = arith.constant 0 : i32
      %dma_wait3A_185 = tpu.memref_slice %arg8[%run_scoped3A_14, %dma_wait3A_183, %dma_wait3A_184] : memref<2x128x128xf32, #tpu.memory_space<vmem>> -> memref<1x128x128xf32, #tpu.memory_space<vmem>>
      %dma_wait3A_186 = tpu.memref_squeeze %dma_wait3A_185 : memref<1x128x128xf32, #tpu.memory_space<vmem>> -> memref<128x128xf32, #tpu.memory_space<vmem>>
      tpu.wait_dma2 semaphore(%run_scoped3A_162 : memref<!tpu.dma_semaphore, #tpu.memory_space<semaphore_mem>>) src(%dma_wait3A_186 : memref<128x128xf32, #tpu.memory_space<vmem>>) dst(%dma_wait3A_182 : memref<128x128xf32, #tpu.memory_space<vmem_shared>>)
      tpu.yield
    }) : () -> ()
    %add3A_15 = arith.constant 256 : i32
    %add3A_16 = arith.addi %mul3A_9, %add3A_15 : i32
    %run_scoped3A_17 = arith.constant 0 : i32
    "tpu.region"() ({
      %run_scoped3A_162 = tpu.sem_alloc : memref<!tpu.dma_semaphore, #tpu.memory_space<semaphore_mem>>
      %dma_start3A_163 = arith.constant 0 : i32
      %dma_start3A_164 = arith.constant 0 : i32
      %dma_start3A_165 = tpu.memref_slice %arg8[%run_scoped3A_17, %dma_start3A_163, %dma_start3A_164] : memref<2x128x128xf32, #tpu.memory_space<vmem>> -> memref<1x128x128xf32, #tpu.memory_space<vmem>>
      %dma_start3A_166 = tpu.memref_squeeze %dma_start3A_165 : memref<1x128x128xf32, #tpu.memory_space<vmem>> -> memref<128x128xf32, #tpu.memory_space<vmem>>
      %dma_start3A_167 = arith.constant 0 : i32
      %dma_start3A_168 = tpu.memref_slice %arg9[%add3A_16, %dma_start3A_167] : memref<10240x128xf32, #tpu.memory_space<vmem_shared>> -> memref<128x128xf32, #tpu.memory_space<vmem_shared>>
      %dma_start3A_169 = arith.constant 0 : i32
      %dma_start3A_170 = tpu.memref_slice %arg9[%add3A_16, %dma_start3A_169] : memref<10240x128xf32, #tpu.memory_space<vmem_shared>> -> memref<128x128xf32, #tpu.memory_space<vmem_shared>>
      %dma_start3A_171 = arith.constant 0 : i32
      %dma_start3A_172 = arith.constant 0 : i32
      %dma_start3A_173 = tpu.memref_slice %arg8[%run_scoped3A_17, %dma_start3A_171, %dma_start3A_172] : memref<2x128x128xf32, #tpu.memory_space<vmem>> -> memref<1x128x128xf32, #tpu.memory_space<vmem>>
      %dma_start3A_174 = tpu.memref_squeeze %dma_start3A_173 : memref<1x128x128xf32, #tpu.memory_space<vmem>> -> memref<128x128xf32, #tpu.memory_space<vmem>>
      tpu.enqueue_dma source(%dma_start3A_174 : memref<128x128xf32, #tpu.memory_space<vmem>>) target(%dma_start3A_170 : memref<128x128xf32, #tpu.memory_space<vmem_shared>>) target_semaphore(%run_scoped3A_162 : memref<!tpu.dma_semaphore, #tpu.memory_space<semaphore_mem>>)
      %dma_wait3A_175 = arith.constant 0 : i32
      %dma_wait3A_176 = arith.constant 0 : i32
      %dma_wait3A_177 = tpu.memref_slice %arg8[%run_scoped3A_17, %dma_wait3A_175, %dma_wait3A_176] : memref<2x128x128xf32, #tpu.memory_space<vmem>> -> memref<1x128x128xf32, #tpu.memory_space<vmem>>
      %dma_wait3A_178 = tpu.memref_squeeze %dma_wait3A_177 : memref<1x128x128xf32, #tpu.memory_space<vmem>> -> memref<128x128xf32, #tpu.memory_space<vmem>>
      %dma_wait3A_179 = arith.constant 0 : i32
      %dma_wait3A_180 = tpu.memref_slice %arg9[%add3A_16, %dma_wait3A_179] : memref<10240x128xf32, #tpu.memory_space<vmem_shared>> -> memref<128x128xf32, #tpu.memory_space<vmem_shared>>
      %dma_wait3A_181 = arith.constant 0 : i32
      %dma_wait3A_182 = tpu.memref_slice %arg9[%add3A_16, %dma_wait3A_181] : memref<10240x128xf32, #tpu.memory_space<vmem_shared>> -> memref<128x128xf32, #tpu.memory_space<vmem_shared>>
      %dma_wait3A_183 = arith.constant 0 : i32
      %dma_wait3A_184 = arith.constant 0 : i32
      %dma_wait3A_185 = tpu.memref_slice %arg8[%run_scoped3A_17, %dma_wait3A_183, %dma_wait3A_184] : memref<2x128x128xf32, #tpu.memory_space<vmem>> -> memref<1x128x128xf32, #tpu.memory_space<vmem>>
      %dma_wait3A_186 = tpu.memref_squeeze %dma_wait3A_185 : memref<1x128x128xf32, #tpu.memory_space<vmem>> -> memref<128x128xf32, #tpu.memory_space<vmem>>
      tpu.wait_dma2 semaphore(%run_scoped3A_162 : memref<!tpu.dma_semaphore, #tpu.memory_space<semaphore_mem>>) src(%dma_wait3A_186 : memref<128x128xf32, #tpu.memory_space<vmem>>) dst(%dma_wait3A_182 : memref<128x128xf32, #tpu.memory_space<vmem_shared>>)
      tpu.yield
    }) : () -> ()
    %add3A_18 = arith.constant 384 : i32
    %add3A_19 = arith.addi %mul3A_9, %add3A_18 : i32
    %run_scoped3A_20 = arith.constant 0 : i32
    "tpu.region"() ({
      %run_scoped3A_162 = tpu.sem_alloc : memref<!tpu.dma_semaphore, #tpu.memory_space<semaphore_mem>>
      %dma_start3A_163 = arith.constant 0 : i32
      %dma_start3A_164 = arith.constant 0 : i32
      %dma_start3A_165 = tpu.memref_slice %arg8[%run_scoped3A_20, %dma_start3A_163, %dma_start3A_164] : memref<2x128x128xf32, #tpu.memory_space<vmem>> -> memref<1x128x128xf32, #tpu.memory_space<vmem>>
      %dma_start3A_166 = tpu.memref_squeeze %dma_start3A_165 : memref<1x128x128xf32, #tpu.memory_space<vmem>> -> memref<128x128xf32, #tpu.memory_space<vmem>>
      %dma_start3A_167 = arith.constant 0 : i32
      %dma_start3A_168 = tpu.memref_slice %arg9[%add3A_19, %dma_start3A_167] : memref<10240x128xf32, #tpu.memory_space<vmem_shared>> -> memref<128x128xf32, #tpu.memory_space<vmem_shared>>
      %dma_start3A_169 = arith.constant 0 : i32
      %dma_start3A_170 = tpu.memref_slice %arg9[%add3A_19, %dma_start3A_169] : memref<10240x128xf32, #tpu.memory_space<vmem_shared>> -> memref<128x128xf32, #tpu.memory_space<vmem_shared>>
      %dma_start3A_171 = arith.constant 0 : i32
      %dma_start3A_172 = arith.constant 0 : i32
      %dma_start3A_173 = tpu.memref_slice %arg8[%run_scoped3A_20, %dma_start3A_171, %dma_start3A_172] : memref<2x128x128xf32, #tpu.memory_space<vmem>> -> memref<1x128x128xf32, #tpu.memory_space<vmem>>
      %dma_start3A_174 = tpu.memref_squeeze %dma_start3A_173 : memref<1x128x128xf32, #tpu.memory_space<vmem>> -> memref<128x128xf32, #tpu.memory_space<vmem>>
      tpu.enqueue_dma source(%dma_start3A_174 : memref<128x128xf32, #tpu.memory_space<vmem>>) target(%dma_start3A_170 : memref<128x128xf32, #tpu.memory_space<vmem_shared>>) target_semaphore(%run_scoped3A_162 : memref<!tpu.dma_semaphore, #tpu.memory_space<semaphore_mem>>)
      %dma_wait3A_175 = arith.constant 0 : i32
      %dma_wait3A_176 = arith.constant 0 : i32
      %dma_wait3A_177 = tpu.memref_slice %arg8[%run_scoped3A_20, %dma_wait3A_175, %dma_wait3A_176] : memref<2x128x128xf32, #tpu.memory_space<vmem>> -> memref<1x128x128xf32, #tpu.memory_space<vmem>>
      %dma_wait3A_178 = tpu.memref_squeeze %dma_wait3A_177 : memref<1x128x128xf32, #tpu.memory_space<vmem>> -> memref<128x128xf32, #tpu.memory_space<vmem>>
      %dma_wait3A_179 = arith.constant 0 : i32
      %dma_wait3A_180 = tpu.memref_slice %arg9[%add3A_19, %dma_wait3A_179] : memref<10240x128xf32, #tpu.memory_space<vmem_shared>> -> memref<128x128xf32, #tpu.memory_space<vmem_shared>>
      %dma_wait3A_181 = arith.constant 0 : i32
      %dma_wait3A_182 = tpu.memref_slice %arg9[%add3A_19, %dma_wait3A_181] : memref<10240x128xf32, #tpu.memory_space<vmem_shared>> -> memref<128x128xf32, #tpu.memory_space<vmem_shared>>
      %dma_wait3A_183 = arith.constant 0 : i32
      %dma_wait3A_184 = arith.constant 0 : i32
      %dma_wait3A_185 = tpu.memref_slice %arg8[%run_scoped3A_20, %dma_wait3A_183, %dma_wait3A_184] : memref<2x128x128xf32, #tpu.memory_space<vmem>> -> memref<1x128x128xf32, #tpu.memory_space<vmem>>
      %dma_wait3A_186 = tpu.memref_squeeze %dma_wait3A_185 : memref<1x128x128xf32, #tpu.memory_space<vmem>> -> memref<128x128xf32, #tpu.memory_space<vmem>>
      tpu.wait_dma2 semaphore(%run_scoped3A_162 : memref<!tpu.dma_semaphore, #tpu.memory_space<semaphore_mem>>) src(%dma_wait3A_186 : memref<128x128xf32, #tpu.memory_space<vmem>>) dst(%dma_wait3A_182 : memref<128x128xf32, #tpu.memory_space<vmem_shared>>)
      tpu.yield
    }) : () -> ()
    %add3A_21 = arith.constant 512 : i32
    %add3A_22 = arith.addi %mul3A_9, %add3A_21 : i32
    %run_scoped3A_23 = arith.constant 0 : i32
    "tpu.region"() ({
      %run_scoped3A_162 = tpu.sem_alloc : memref<!tpu.dma_semaphore, #tpu.memory_space<semaphore_mem>>
      %dma_start3A_163 = arith.constant 0 : i32
      %dma_start3A_164 = arith.constant 0 : i32
      %dma_start3A_165 = tpu.memref_slice %arg8[%run_scoped3A_23, %dma_start3A_163, %dma_start3A_164] : memref<2x128x128xf32, #tpu.memory_space<vmem>> -> memref<1x128x128xf32, #tpu.memory_space<vmem>>
      %dma_start3A_166 = tpu.memref_squeeze %dma_start3A_165 : memref<1x128x128xf32, #tpu.memory_space<vmem>> -> memref<128x128xf32, #tpu.memory_space<vmem>>
      %dma_start3A_167 = arith.constant 0 : i32
      %dma_start3A_168 = tpu.memref_slice %arg9[%add3A_22, %dma_start3A_167] : memref<10240x128xf32, #tpu.memory_space<vmem_shared>> -> memref<128x128xf32, #tpu.memory_space<vmem_shared>>
      %dma_start3A_169 = arith.constant 0 : i32
      %dma_start3A_170 = tpu.memref_slice %arg9[%add3A_22, %dma_start3A_169] : memref<10240x128xf32, #tpu.memory_space<vmem_shared>> -> memref<128x128xf32, #tpu.memory_space<vmem_shared>>
      %dma_start3A_171 = arith.constant 0 : i32
      %dma_start3A_172 = arith.constant 0 : i32
      %dma_start3A_173 = tpu.memref_slice %arg8[%run_scoped3A_23, %dma_start3A_171, %dma_start3A_172] : memref<2x128x128xf32, #tpu.memory_space<vmem>> -> memref<1x128x128xf32, #tpu.memory_space<vmem>>
      %dma_start3A_174 = tpu.memref_squeeze %dma_start3A_173 : memref<1x128x128xf32, #tpu.memory_space<vmem>> -> memref<128x128xf32, #tpu.memory_space<vmem>>
      tpu.enqueue_dma source(%dma_start3A_174 : memref<128x128xf32, #tpu.memory_space<vmem>>) target(%dma_start3A_170 : memref<128x128xf32, #tpu.memory_space<vmem_shared>>) target_semaphore(%run_scoped3A_162 : memref<!tpu.dma_semaphore, #tpu.memory_space<semaphore_mem>>)
      %dma_wait3A_175 = arith.constant 0 : i32
      %dma_wait3A_176 = arith.constant 0 : i32
      %dma_wait3A_177 = tpu.memref_slice %arg8[%run_scoped3A_23, %dma_wait3A_175, %dma_wait3A_176] : memref<2x128x128xf32, #tpu.memory_space<vmem>> -> memref<1x128x128xf32, #tpu.memory_space<vmem>>
      %dma_wait3A_178 = tpu.memref_squeeze %dma_wait3A_177 : memref<1x128x128xf32, #tpu.memory_space<vmem>> -> memref<128x128xf32, #tpu.memory_space<vmem>>
      %dma_wait3A_179 = arith.constant 0 : i32
      %dma_wait3A_180 = tpu.memref_slice %arg9[%add3A_22, %dma_wait3A_179] : memref<10240x128xf32, #tpu.memory_space<vmem_shared>> -> memref<128x128xf32, #tpu.memory_space<vmem_shared>>
      %dma_wait3A_181 = arith.constant 0 : i32
      %dma_wait3A_182 = tpu.memref_slice %arg9[%add3A_22, %dma_wait3A_181] : memref<10240x128xf32, #tpu.memory_space<vmem_shared>> -> memref<128x128xf32, #tpu.memory_space<vmem_shared>>
      %dma_wait3A_183 = arith.constant 0 : i32
      %dma_wait3A_184 = arith.constant 0 : i32
      %dma_wait3A_185 = tpu.memref_slice %arg8[%run_scoped3A_23, %dma_wait3A_183, %dma_wait3A_184] : memref<2x128x128xf32, #tpu.memory_space<vmem>> -> memref<1x128x128xf32, #tpu.memory_space<vmem>>
      %dma_wait3A_186 = tpu.memref_squeeze %dma_wait3A_185 : memref<1x128x128xf32, #tpu.memory_space<vmem>> -> memref<128x128xf32, #tpu.memory_space<vmem>>
      tpu.wait_dma2 semaphore(%run_scoped3A_162 : memref<!tpu.dma_semaphore, #tpu.memory_space<semaphore_mem>>) src(%dma_wait3A_186 : memref<128x128xf32, #tpu.memory_space<vmem>>) dst(%dma_wait3A_182 : memref<128x128xf32, #tpu.memory_space<vmem_shared>>)
      tpu.yield
    }) : () -> ()
    "tpu.region"() ({
      %run_scoped3A_162 = tpu.sem_alloc : memref<!tpu.dma_semaphore, #tpu.memory_space<semaphore_mem>>
      %dma_start3A_163 = arith.constant 0 : i32
      %dma_start3A_164 = arith.constant 0 : i32
      %dma_start3A_165 = tpu.memref_slice %arg4[%add3A, %dma_start3A_163, %dma_start3A_164] : memref<32x80x128xi32, #tpu.memory_space<hbm>> -> memref<1x80x128xi32, #tpu.memory_space<hbm>>
      %dma_start3A_166 = tpu.memref_squeeze %dma_start3A_165 : memref<1x80x128xi32, #tpu.memory_space<hbm>> -> memref<80x128xi32, #tpu.memory_space<hbm>>
      %dma_start3A_167 = arith.constant 0 : i32
      %dma_start3A_168 = arith.constant 0 : i32
      %dma_start3A_169 = tpu.memref_slice %arg4[%add3A, %dma_start3A_167, %dma_start3A_168] : memref<32x80x128xi32, #tpu.memory_space<hbm>> -> memref<1x80x128xi32, #tpu.memory_space<hbm>>
      %dma_start3A_170 = tpu.memref_squeeze %dma_start3A_169 : memref<1x80x128xi32, #tpu.memory_space<hbm>> -> memref<80x128xi32, #tpu.memory_space<hbm>>
      tpu.enqueue_dma source(%dma_start3A_170 : memref<80x128xi32, #tpu.memory_space<hbm>>) target(%arg7 : memref<80x128xi32, #tpu.memory_space<vmem>>) target_semaphore(%run_scoped3A_162 : memref<!tpu.dma_semaphore, #tpu.memory_space<semaphore_mem>>)
      %dma_wait3A_171 = arith.constant 0 : i32
      %dma_wait3A_172 = arith.constant 0 : i32
      %dma_wait3A_173 = tpu.memref_slice %arg4[%add3A, %dma_wait3A_171, %dma_wait3A_172] : memref<32x80x128xi32, #tpu.memory_space<hbm>> -> memref<1x80x128xi32, #tpu.memory_space<hbm>>
      %dma_wait3A_174 = tpu.memref_squeeze %dma_wait3A_173 : memref<1x80x128xi32, #tpu.memory_space<hbm>> -> memref<80x128xi32, #tpu.memory_space<hbm>>
      %dma_wait3A_175 = arith.constant 0 : i32
      %dma_wait3A_176 = arith.constant 0 : i32
      %dma_wait3A_177 = tpu.memref_slice %arg4[%add3A, %dma_wait3A_175, %dma_wait3A_176] : memref<32x80x128xi32, #tpu.memory_space<hbm>> -> memref<1x80x128xi32, #tpu.memory_space<hbm>>
      %dma_wait3A_178 = tpu.memref_squeeze %dma_wait3A_177 : memref<1x80x128xi32, #tpu.memory_space<hbm>> -> memref<80x128xi32, #tpu.memory_space<hbm>>
      tpu.wait_dma2 semaphore(%run_scoped3A_162 : memref<!tpu.dma_semaphore, #tpu.memory_space<semaphore_mem>>) src(%dma_wait3A_178 : memref<80x128xi32, #tpu.memory_space<hbm>>) dst(%arg7 : memref<80x128xi32, #tpu.memory_space<vmem>>)
      tpu.yield
    }) : () -> ()
    %dma_start3A = arith.constant 0 : i32
    %dma_start3A_24 = arith.constant 0 : i32
    %dma_start3A_25 = arith.constant 0 : i32
    %dma_start3A_26 = arith.constant 0 : i32
    %dma_start3A_27 = tpu.memref_slice %arg6[%dma_start3A_24, %dma_start3A_26] : memref<4x128xi32, #tpu.memory_space<vmem>> -> memref<1x128xi32, #tpu.memory_space<vmem>>
    %dma_start3A_28 = tpu.memref_squeeze %dma_start3A_27 : memref<1x128xi32, #tpu.memory_space<vmem>> -> memref<128xi32, #tpu.memory_space<vmem>>
    %dma_start3A_29 = arith.constant 0 : i32
    %dma_start3A_30 = tpu.memref_slice %arg3[%add3A, %dma_start3A, %dma_start3A_29] : memref<32x80x128xi32, #tpu.memory_space<hbm>> -> memref<1x1x128xi32, #tpu.memory_space<hbm>>
    %dma_start3A_31 = tpu.memref_squeeze %dma_start3A_30 : memref<1x1x128xi32, #tpu.memory_space<hbm>> -> memref<128xi32, #tpu.memory_space<hbm>>
    %dma_start3A_32 = tpu.memref_slice %arg11[%dma_start3A_25] : memref<4x!tpu.dma_semaphore, #tpu.memory_space<semaphore_mem>> -> memref<1x!tpu.dma_semaphore, #tpu.memory_space<semaphore_mem>>
    %dma_start3A_33 = tpu.memref_squeeze %dma_start3A_32 : memref<1x!tpu.dma_semaphore, #tpu.memory_space<semaphore_mem>> -> memref<!tpu.dma_semaphore, #tpu.memory_space<semaphore_mem>>
    %dma_start3A_34 = arith.constant 0 : i32
    %dma_start3A_35 = tpu.memref_slice %arg6[%dma_start3A_24, %dma_start3A_34] : memref<4x128xi32, #tpu.memory_space<vmem>> -> memref<1x128xi32, #tpu.memory_space<vmem>>
    %dma_start3A_36 = tpu.memref_squeeze %dma_start3A_35 : memref<1x128xi32, #tpu.memory_space<vmem>> -> memref<128xi32, #tpu.memory_space<vmem>>
    %dma_start3A_37 = arith.constant 0 : i32
    %dma_start3A_38 = tpu.memref_slice %arg3[%add3A, %dma_start3A, %dma_start3A_37] : memref<32x80x128xi32, #tpu.memory_space<hbm>> -> memref<1x1x128xi32, #tpu.memory_space<hbm>>
    %dma_start3A_39 = tpu.memref_squeeze %dma_start3A_38 : memref<1x1x128xi32, #tpu.memory_space<hbm>> -> memref<128xi32, #tpu.memory_space<hbm>>
    tpu.enqueue_dma source(%dma_start3A_39 : memref<128xi32, #tpu.memory_space<hbm>>) target(%dma_start3A_36 : memref<128xi32, #tpu.memory_space<vmem>>) target_semaphore(%dma_start3A_33 : memref<!tpu.dma_semaphore, #tpu.memory_space<semaphore_mem>>)
    %dma_start3A_40 = arith.constant 1 : i32
    %dma_start3A_41 = arith.constant 1 : i32
    %dma_start3A_42 = arith.constant 1 : i32
    %dma_start3A_43 = arith.constant 0 : i32
    %dma_start3A_44 = tpu.memref_slice %arg6[%dma_start3A_41, %dma_start3A_43] : memref<4x128xi32, #tpu.memory_space<vmem>> -> memref<1x128xi32, #tpu.memory_space<vmem>>
    %dma_start3A_45 = tpu.memref_squeeze %dma_start3A_44 : memref<1x128xi32, #tpu.memory_space<vmem>> -> memref<128xi32, #tpu.memory_space<vmem>>
    %dma_start3A_46 = arith.constant 0 : i32
    %dma_start3A_47 = tpu.memref_slice %arg3[%add3A, %dma_start3A_40, %dma_start3A_46] : memref<32x80x128xi32, #tpu.memory_space<hbm>> -> memref<1x1x128xi32, #tpu.memory_space<hbm>>
    %dma_start3A_48 = tpu.memref_squeeze %dma_start3A_47 : memref<1x1x128xi32, #tpu.memory_space<hbm>> -> memref<128xi32, #tpu.memory_space<hbm>>
    %dma_start3A_49 = tpu.memref_slice %arg11[%dma_start3A_42] : memref<4x!tpu.dma_semaphore, #tpu.memory_space<semaphore_mem>> -> memref<1x!tpu.dma_semaphore, #tpu.memory_space<semaphore_mem>>
    %dma_start3A_50 = tpu.memref_squeeze %dma_start3A_49 : memref<1x!tpu.dma_semaphore, #tpu.memory_space<semaphore_mem>> -> memref<!tpu.dma_semaphore, #tpu.memory_space<semaphore_mem>>
    %dma_start3A_51 = arith.constant 0 : i32
    %dma_start3A_52 = tpu.memref_slice %arg6[%dma_start3A_41, %dma_start3A_51] : memref<4x128xi32, #tpu.memory_space<vmem>> -> memref<1x128xi32, #tpu.memory_space<vmem>>
    %dma_start3A_53 = tpu.memref_squeeze %dma_start3A_52 : memref<1x128xi32, #tpu.memory_space<vmem>> -> memref<128xi32, #tpu.memory_space<vmem>>
    %dma_start3A_54 = arith.constant 0 : i32
    %dma_start3A_55 = tpu.memref_slice %arg3[%add3A, %dma_start3A_40, %dma_start3A_54] : memref<32x80x128xi32, #tpu.memory_space<hbm>> -> memref<1x1x128xi32, #tpu.memory_space<hbm>>
    %dma_start3A_56 = tpu.memref_squeeze %dma_start3A_55 : memref<1x1x128xi32, #tpu.memory_space<hbm>> -> memref<128xi32, #tpu.memory_space<hbm>>
    tpu.enqueue_dma source(%dma_start3A_56 : memref<128xi32, #tpu.memory_space<hbm>>) target(%dma_start3A_53 : memref<128xi32, #tpu.memory_space<vmem>>) target_semaphore(%dma_start3A_50 : memref<!tpu.dma_semaphore, #tpu.memory_space<semaphore_mem>>)
    %dma_start3A_57 = arith.constant 2 : i32
    %dma_start3A_58 = arith.constant 2 : i32
    %dma_start3A_59 = arith.constant 2 : i32
    %dma_start3A_60 = arith.constant 0 : i32
    %dma_start3A_61 = tpu.memref_slice %arg6[%dma_start3A_58, %dma_start3A_60] : memref<4x128xi32, #tpu.memory_space<vmem>> -> memref<1x128xi32, #tpu.memory_space<vmem>>
    %dma_start3A_62 = tpu.memref_squeeze %dma_start3A_61 : memref<1x128xi32, #tpu.memory_space<vmem>> -> memref<128xi32, #tpu.memory_space<vmem>>
    %dma_start3A_63 = arith.constant 0 : i32
    %dma_start3A_64 = tpu.memref_slice %arg3[%add3A, %dma_start3A_57, %dma_start3A_63] : memref<32x80x128xi32, #tpu.memory_space<hbm>> -> memref<1x1x128xi32, #tpu.memory_space<hbm>>
    %dma_start3A_65 = tpu.memref_squeeze %dma_start3A_64 : memref<1x1x128xi32, #tpu.memory_space<hbm>> -> memref<128xi32, #tpu.memory_space<hbm>>
    %dma_start3A_66 = tpu.memref_slice %arg11[%dma_start3A_59] : memref<4x!tpu.dma_semaphore, #tpu.memory_space<semaphore_mem>> -> memref<1x!tpu.dma_semaphore, #tpu.memory_space<semaphore_mem>>
    %dma_start3A_67 = tpu.memref_squeeze %dma_start3A_66 : memref<1x!tpu.dma_semaphore, #tpu.memory_space<semaphore_mem>> -> memref<!tpu.dma_semaphore, #tpu.memory_space<semaphore_mem>>
    %dma_start3A_68 = arith.constant 0 : i32
    %dma_start3A_69 = tpu.memref_slice %arg6[%dma_start3A_58, %dma_start3A_68] : memref<4x128xi32, #tpu.memory_space<vmem>> -> memref<1x128xi32, #tpu.memory_space<vmem>>
    %dma_start3A_70 = tpu.memref_squeeze %dma_start3A_69 : memref<1x128xi32, #tpu.memory_space<vmem>> -> memref<128xi32, #tpu.memory_space<vmem>>
    %dma_start3A_71 = arith.constant 0 : i32
    %dma_start3A_72 = tpu.memref_slice %arg3[%add3A, %dma_start3A_57, %dma_start3A_71] : memref<32x80x128xi32, #tpu.memory_space<hbm>> -> memref<1x1x128xi32, #tpu.memory_space<hbm>>
    %dma_start3A_73 = tpu.memref_squeeze %dma_start3A_72 : memref<1x1x128xi32, #tpu.memory_space<hbm>> -> memref<128xi32, #tpu.memory_space<hbm>>
    tpu.enqueue_dma source(%dma_start3A_73 : memref<128xi32, #tpu.memory_space<hbm>>) target(%dma_start3A_70 : memref<128xi32, #tpu.memory_space<vmem>>) target_semaphore(%dma_start3A_67 : memref<!tpu.dma_semaphore, #tpu.memory_space<semaphore_mem>>)
    %dma_start3A_74 = arith.constant 3 : i32
    %dma_start3A_75 = arith.constant 3 : i32
    %dma_start3A_76 = arith.constant 3 : i32
    %dma_start3A_77 = arith.constant 0 : i32
    %dma_start3A_78 = tpu.memref_slice %arg6[%dma_start3A_75, %dma_start3A_77] : memref<4x128xi32, #tpu.memory_space<vmem>> -> memref<1x128xi32, #tpu.memory_space<vmem>>
    %dma_start3A_79 = tpu.memref_squeeze %dma_start3A_78 : memref<1x128xi32, #tpu.memory_space<vmem>> -> memref<128xi32, #tpu.memory_space<vmem>>
    %dma_start3A_80 = arith.constant 0 : i32
    %dma_start3A_81 = tpu.memref_slice %arg3[%add3A, %dma_start3A_74, %dma_start3A_80] : memref<32x80x128xi32, #tpu.memory_space<hbm>> -> memref<1x1x128xi32, #tpu.memory_space<hbm>>
    %dma_start3A_82 = tpu.memref_squeeze %dma_start3A_81 : memref<1x1x128xi32, #tpu.memory_space<hbm>> -> memref<128xi32, #tpu.memory_space<hbm>>
    %dma_start3A_83 = tpu.memref_slice %arg11[%dma_start3A_76] : memref<4x!tpu.dma_semaphore, #tpu.memory_space<semaphore_mem>> -> memref<1x!tpu.dma_semaphore, #tpu.memory_space<semaphore_mem>>
    %dma_start3A_84 = tpu.memref_squeeze %dma_start3A_83 : memref<1x!tpu.dma_semaphore, #tpu.memory_space<semaphore_mem>> -> memref<!tpu.dma_semaphore, #tpu.memory_space<semaphore_mem>>
    %dma_start3A_85 = arith.constant 0 : i32
    %dma_start3A_86 = tpu.memref_slice %arg6[%dma_start3A_75, %dma_start3A_85] : memref<4x128xi32, #tpu.memory_space<vmem>> -> memref<1x128xi32, #tpu.memory_space<vmem>>
    %dma_start3A_87 = tpu.memref_squeeze %dma_start3A_86 : memref<1x128xi32, #tpu.memory_space<vmem>> -> memref<128xi32, #tpu.memory_space<vmem>>
    %dma_start3A_88 = arith.constant 0 : i32
    %dma_start3A_89 = tpu.memref_slice %arg3[%add3A, %dma_start3A_74, %dma_start3A_88] : memref<32x80x128xi32, #tpu.memory_space<hbm>> -> memref<1x1x128xi32, #tpu.memory_space<hbm>>
    %dma_start3A_90 = tpu.memref_squeeze %dma_start3A_89 : memref<1x1x128xi32, #tpu.memory_space<hbm>> -> memref<128xi32, #tpu.memory_space<hbm>>
    tpu.enqueue_dma source(%dma_start3A_90 : memref<128xi32, #tpu.memory_space<hbm>>) target(%dma_start3A_87 : memref<128xi32, #tpu.memory_space<vmem>>) target_semaphore(%dma_start3A_84 : memref<!tpu.dma_semaphore, #tpu.memory_space<semaphore_mem>>)
    %barrier3A = arith.constant 0 : index
    tpu.barrier barrier_id(%barrier3A)
    %dma_wait3A = arith.constant 0 : i32
    %dma_wait3A_91 = arith.constant 0 : i32
    %dma_wait3A_92 = arith.constant 0 : i32
    %dma_wait3A_93 = arith.constant 0 : i32
    %dma_wait3A_94 = tpu.memref_slice %arg6[%dma_wait3A_91, %dma_wait3A_93] : memref<4x128xi32, #tpu.memory_space<vmem>> -> memref<1x128xi32, #tpu.memory_space<vmem>>
    %dma_wait3A_95 = tpu.memref_squeeze %dma_wait3A_94 : memref<1x128xi32, #tpu.memory_space<vmem>> -> memref<128xi32, #tpu.memory_space<vmem>>
    %dma_wait3A_96 = arith.constant 0 : i32
    %dma_wait3A_97 = tpu.memref_slice %arg3[%add3A, %dma_wait3A, %dma_wait3A_96] : memref<32x80x128xi32, #tpu.memory_space<hbm>> -> memref<1x1x128xi32, #tpu.memory_space<hbm>>
    %dma_wait3A_98 = tpu.memref_squeeze %dma_wait3A_97 : memref<1x1x128xi32, #tpu.memory_space<hbm>> -> memref<128xi32, #tpu.memory_space<hbm>>
    %dma_wait3A_99 = tpu.memref_slice %arg11[%dma_wait3A_92] : memref<4x!tpu.dma_semaphore, #tpu.memory_space<semaphore_mem>> -> memref<1x!tpu.dma_semaphore, #tpu.memory_space<semaphore_mem>>
    %dma_wait3A_100 = tpu.memref_squeeze %dma_wait3A_99 : memref<1x!tpu.dma_semaphore, #tpu.memory_space<semaphore_mem>> -> memref<!tpu.dma_semaphore, #tpu.memory_space<semaphore_mem>>
    %dma_wait3A_101 = arith.constant 0 : i32
    %dma_wait3A_102 = tpu.memref_slice %arg6[%dma_wait3A_91, %dma_wait3A_101] : memref<4x128xi32, #tpu.memory_space<vmem>> -> memref<1x128xi32, #tpu.memory_space<vmem>>
    %dma_wait3A_103 = tpu.memref_squeeze %dma_wait3A_102 : memref<1x128xi32, #tpu.memory_space<vmem>> -> memref<128xi32, #tpu.memory_space<vmem>>
    %dma_wait3A_104 = arith.constant 0 : i32
    %dma_wait3A_105 = tpu.memref_slice %arg3[%add3A, %dma_wait3A, %dma_wait3A_104] : memref<32x80x128xi32, #tpu.memory_space<hbm>> -> memref<1x1x128xi32, #tpu.memory_space<hbm>>
    %dma_wait3A_106 = tpu.memref_squeeze %dma_wait3A_105 : memref<1x1x128xi32, #tpu.memory_space<hbm>> -> memref<128xi32, #tpu.memory_space<hbm>>
    tpu.wait_dma2 semaphore(%dma_wait3A_100 : memref<!tpu.dma_semaphore, #tpu.memory_space<semaphore_mem>>) src(%dma_wait3A_106 : memref<128xi32, #tpu.memory_space<hbm>>) dst(%dma_wait3A_103 : memref<128xi32, #tpu.memory_space<vmem>>)
    %dma_start3A_107 = arith.constant 0 : i32
    %dma_start3A_108 = arith.constant 0 : i32
    %dma_start3A_109 = arith.constant 0 : i32
    %dma_start3A_110 = arith.constant 0 : i32
    %dma_start3A_111 = arith.constant 0 : i32
    %dma_start3A_112 = tpu.memref_slice %arg8[%dma_start3A_108, %dma_start3A_110, %dma_start3A_111] : memref<2x128x128xf32, #tpu.memory_space<vmem>> -> memref<1x128x128xf32, #tpu.memory_space<vmem>>
    %dma_start3A_113 = tpu.memref_squeeze %dma_start3A_112 : memref<1x128x128xf32, #tpu.memory_space<vmem>> -> memref<128x128xf32, #tpu.memory_space<vmem>>
    %dma_start3A_114 = arith.constant 0 : i32
    %dma_start3A_115 = tpu.memref_slice %arg6[%dma_start3A_107, %dma_start3A_114] : memref<4x128xi32, #tpu.memory_space<vmem>> -> memref<1x128xi32, #tpu.memory_space<vmem>>
    %dma_start3A_116 = tpu.memref_squeeze %dma_start3A_115 : memref<1x128xi32, #tpu.memory_space<vmem>> -> memref<128xi32, #tpu.memory_space<vmem>>
    %dma_start3A_117 = arith.constant 0 : i32
    %dma_start3A_118 = arith.constant 0 : i32
    %dma_start3A_119 = tpu.memref_slice %arg2[%dma_start3A_117, %dma_start3A_118] : memref<10000x128xf32, #tpu.memory_space<hbm>> -> memref<10000x128xf32, #tpu.memory_space<hbm>>
    %dma_start3A_120 = tpu.memref_slice %arg10[%dma_start3A_109] : memref<2x!tpu.dma_semaphore, #tpu.memory_space<semaphore_mem>> -> memref<1x!tpu.dma_semaphore, #tpu.memory_space<semaphore_mem>>
    %dma_start3A_121 = tpu.memref_squeeze %dma_start3A_120 : memref<1x!tpu.dma_semaphore, #tpu.memory_space<semaphore_mem>> -> memref<!tpu.dma_semaphore, #tpu.memory_space<semaphore_mem>>
    tpu.enqueue_indirect_dma source(%dma_start3A_119 : memref<10000x128xf32, #tpu.memory_space<hbm>>) target(%dma_start3A_113 : memref<128x128xf32, #tpu.memory_space<vmem>>) offsets(%dma_start3A_116 : memref<128xi32, #tpu.memory_space<vmem>>) semaphore(%dma_start3A_121 : memref<!tpu.dma_semaphore, #tpu.memory_space<semaphore_mem>>)
    %dma_wait3A_122 = arith.constant 1 : i32
    %dma_wait3A_123 = arith.constant 1 : i32
    %dma_wait3A_124 = arith.constant 1 : i32
    %dma_wait3A_125 = arith.constant 0 : i32
    %dma_wait3A_126 = tpu.memref_slice %arg6[%dma_wait3A_123, %dma_wait3A_125] : memref<4x128xi32, #tpu.memory_space<vmem>> -> memref<1x128xi32, #tpu.memory_space<vmem>>
    %dma_wait3A_127 = tpu.memref_squeeze %dma_wait3A_126 : memref<1x128xi32, #tpu.memory_space<vmem>> -> memref<128xi32, #tpu.memory_space<vmem>>
    %dma_wait3A_128 = arith.constant 0 : i32
    %dma_wait3A_129 = tpu.memref_slice %arg3[%add3A, %dma_wait3A_122, %dma_wait3A_128] : memref<32x80x128xi32, #tpu.memory_space<hbm>> -> memref<1x1x128xi32, #tpu.memory_space<hbm>>
    %dma_wait3A_130 = tpu.memref_squeeze %dma_wait3A_129 : memref<1x1x128xi32, #tpu.memory_space<hbm>> -> memref<128xi32, #tpu.memory_space<hbm>>
    %dma_wait3A_131 = tpu.memref_slice %arg11[%dma_wait3A_124] : memref<4x!tpu.dma_semaphore, #tpu.memory_space<semaphore_mem>> -> memref<1x!tpu.dma_semaphore, #tpu.memory_space<semaphore_mem>>
    %dma_wait3A_132 = tpu.memref_squeeze %dma_wait3A_131 : memref<1x!tpu.dma_semaphore, #tpu.memory_space<semaphore_mem>> -> memref<!tpu.dma_semaphore, #tpu.memory_space<semaphore_mem>>
    %dma_wait3A_133 = arith.constant 0 : i32
    %dma_wait3A_134 = tpu.memref_slice %arg6[%dma_wait3A_123, %dma_wait3A_133] : memref<4x128xi32, #tpu.memory_space<vmem>> -> memref<1x128xi32, #tpu.memory_space<vmem>>
    %dma_wait3A_135 = tpu.memref_squeeze %dma_wait3A_134 : memref<1x128xi32, #tpu.memory_space<vmem>> -> memref<128xi32, #tpu.memory_space<vmem>>
    %dma_wait3A_136 = arith.constant 0 : i32
    %dma_wait3A_137 = tpu.memref_slice %arg3[%add3A, %dma_wait3A_122, %dma_wait3A_136] : memref<32x80x128xi32, #tpu.memory_space<hbm>> -> memref<1x1x128xi32, #tpu.memory_space<hbm>>
    %dma_wait3A_138 = tpu.memref_squeeze %dma_wait3A_137 : memref<1x1x128xi32, #tpu.memory_space<hbm>> -> memref<128xi32, #tpu.memory_space<hbm>>
    tpu.wait_dma2 semaphore(%dma_wait3A_132 : memref<!tpu.dma_semaphore, #tpu.memory_space<semaphore_mem>>) src(%dma_wait3A_138 : memref<128xi32, #tpu.memory_space<hbm>>) dst(%dma_wait3A_135 : memref<128xi32, #tpu.memory_space<vmem>>)
    %dma_start3A_139 = arith.constant 1 : i32
    %dma_start3A_140 = arith.constant 1 : i32
    %dma_start3A_141 = arith.constant 1 : i32
    %dma_start3A_142 = arith.constant 0 : i32
    %dma_start3A_143 = arith.constant 0 : i32
    %dma_start3A_144 = tpu.memref_slice %arg8[%dma_start3A_140, %dma_start3A_142, %dma_start3A_143] : memref<2x128x128xf32, #tpu.memory_space<vmem>> -> memref<1x128x128xf32, #tpu.memory_space<vmem>>
    %dma_start3A_145 = tpu.memref_squeeze %dma_start3A_144 : memref<1x128x128xf32, #tpu.memory_space<vmem>> -> memref<128x128xf32, #tpu.memory_space<vmem>>
    %dma_start3A_146 = arith.constant 0 : i32
    %dma_start3A_147 = tpu.memref_slice %arg6[%dma_start3A_139, %dma_start3A_146] : memref<4x128xi32, #tpu.memory_space<vmem>> -> memref<1x128xi32, #tpu.memory_space<vmem>>
    %dma_start3A_148 = tpu.memref_squeeze %dma_start3A_147 : memref<1x128xi32, #tpu.memory_space<vmem>> -> memref<128xi32, #tpu.memory_space<vmem>>
    %dma_start3A_149 = arith.constant 0 : i32
    %dma_start3A_150 = arith.constant 0 : i32
    %dma_start3A_151 = tpu.memref_slice %arg2[%dma_start3A_149, %dma_start3A_150] : memref<10000x128xf32, #tpu.memory_space<hbm>> -> memref<10000x128xf32, #tpu.memory_space<hbm>>
    %dma_start3A_152 = tpu.memref_slice %arg10[%dma_start3A_141] : memref<2x!tpu.dma_semaphore, #tpu.memory_space<semaphore_mem>> -> memref<1x!tpu.dma_semaphore, #tpu.memory_space<semaphore_mem>>
    %dma_start3A_153 = tpu.memref_squeeze %dma_start3A_152 : memref<1x!tpu.dma_semaphore, #tpu.memory_space<semaphore_mem>> -> memref<!tpu.dma_semaphore, #tpu.memory_space<semaphore_mem>>
    tpu.enqueue_indirect_dma source(%dma_start3A_151 : memref<10000x128xf32, #tpu.memory_space<hbm>>) target(%dma_start3A_145 : memref<128x128xf32, #tpu.memory_space<vmem>>) offsets(%dma_start3A_148 : memref<128xi32, #tpu.memory_space<vmem>>) semaphore(%dma_start3A_153 : memref<!tpu.dma_semaphore, #tpu.memory_space<semaphore_mem>>)
    %scan3A_154 = arith.constant 0 : i32
    %scan3A_155 = arith.constant 0 : i32
    %scan3A_156 = arith.constant 20 : i32
    %scan3A_157 = arith.addi %scan3A_155, %scan3A_156 : i32
    %scan3A_158 = arith.constant 1 : i32
    %scan3A_159 = scf.for %scan3A_162 = %scan3A_155 to %scan3A_157 step %scan3A_158 iter_args(%scan3A_163 = %scan3A_154) -> (i32)  : i32 {
      %mul3A_164 = arith.constant 4 : i32
      %mul3A_165 = arith.muli %scan3A_162, %mul3A_164 : i32
      %add3A_166 = arith.constant 0 : i32
      %add3A_167 = arith.addi %mul3A_165, %add3A_166 : i32
      %dma_wait3A_168 = arith.constant 0 : i32
      %dma_wait3A_169 = arith.constant 0 : i32
      %dma_wait3A_170 = arith.constant 0 : i32
      %dma_wait3A_171 = arith.constant 0 : i32
      %dma_wait3A_172 = arith.constant 0 : i32
      %dma_wait3A_173 = tpu.memref_slice %arg8[%dma_wait3A_169, %dma_wait3A_171, %dma_wait3A_172] : memref<2x128x128xf32, #tpu.memory_space<vmem>> -> memref<1x128x128xf32, #tpu.memory_space<vmem>>
      %dma_wait3A_174 = tpu.memref_squeeze %dma_wait3A_173 : memref<1x128x128xf32, #tpu.memory_space<vmem>> -> memref<128x128xf32, #tpu.memory_space<vmem>>
      %dma_wait3A_175 = arith.constant 0 : i32
      %dma_wait3A_176 = tpu.memref_slice %arg6[%dma_wait3A_168, %dma_wait3A_175] : memref<4x128xi32, #tpu.memory_space<vmem>> -> memref<1x128xi32, #tpu.memory_space<vmem>>
      %dma_wait3A_177 = tpu.memref_squeeze %dma_wait3A_176 : memref<1x128xi32, #tpu.memory_space<vmem>> -> memref<128xi32, #tpu.memory_space<vmem>>
      %dma_wait3A_178 = arith.constant 0 : i32
      %dma_wait3A_179 = arith.constant 0 : i32
      %dma_wait3A_180 = tpu.memref_slice %arg2[%dma_wait3A_178, %dma_wait3A_179] : memref<10000x128xf32, #tpu.memory_space<hbm>> -> memref<10000x128xf32, #tpu.memory_space<hbm>>
      %dma_wait3A_181 = tpu.memref_slice %arg10[%dma_wait3A_170] : memref<2x!tpu.dma_semaphore, #tpu.memory_space<semaphore_mem>> -> memref<1x!tpu.dma_semaphore, #tpu.memory_space<semaphore_mem>>
      %dma_wait3A_182 = tpu.memref_squeeze %dma_wait3A_181 : memref<1x!tpu.dma_semaphore, #tpu.memory_space<semaphore_mem>> -> memref<!tpu.dma_semaphore, #tpu.memory_space<semaphore_mem>>
      tpu.wait_indirect_dma semaphore(%dma_wait3A_182 : memref<!tpu.dma_semaphore, #tpu.memory_space<semaphore_mem>>) src(%dma_wait3A_180 : memref<10000x128xf32, #tpu.memory_space<hbm>>) dst(%dma_wait3A_174 : memref<128x128xf32, #tpu.memory_space<vmem>>)
      %run_scoped3A_183 = arith.constant 0 : i32
      "tpu.region"() ({
        %run_scoped3A_290 = tpu.sem_alloc : memref<!tpu.dma_semaphore, #tpu.memory_space<semaphore_mem>>
        %dma_start3A_291 = arith.constant 0 : i32
        %dma_start3A_292 = arith.constant 0 : i32
        %dma_start3A_293 = tpu.memref_slice %arg8[%run_scoped3A_183, %dma_start3A_291, %dma_start3A_292] : memref<2x128x128xf32, #tpu.memory_space<vmem>> -> memref<1x128x128xf32, #tpu.memory_space<vmem>>
        %dma_start3A_294 = tpu.memref_squeeze %dma_start3A_293 : memref<1x128x128xf32, #tpu.memory_space<vmem>> -> memref<128x128xf32, #tpu.memory_space<vmem>>
        %dma_start3A_295 = arith.constant 0 : i32
        %dma_start3A_296 = tpu.memref_slice %arg7[%add3A_167, %dma_start3A_295] : memref<80x128xi32, #tpu.memory_space<vmem>> -> memref<1x128xi32, #tpu.memory_space<vmem>>
        %dma_start3A_297 = tpu.memref_squeeze %dma_start3A_296 : memref<1x128xi32, #tpu.memory_space<vmem>> -> memref<128xi32, #tpu.memory_space<vmem>>
        %dma_start3A_298 = arith.constant 0 : i32
        %dma_start3A_299 = arith.constant 0 : i32
        %dma_start3A_300 = tpu.memref_slice %arg9[%dma_start3A_298, %dma_start3A_299] : memref<10240x128xf32, #tpu.memory_space<vmem_shared>> -> memref<10240x128xf32, #tpu.memory_space<vmem_shared>>
        tpu.enqueue_indirect_dma source(%dma_start3A_294 : memref<128x128xf32, #tpu.memory_space<vmem>>) target(%dma_start3A_300 : memref<10240x128xf32, #tpu.memory_space<vmem_shared>>) offsets(%dma_start3A_297 : memref<128xi32, #tpu.memory_space<vmem>>) semaphore(%run_scoped3A_290 : memref<!tpu.dma_semaphore, #tpu.memory_space<semaphore_mem>>) {add = true}
        %dma_wait3A_301 = arith.constant 0 : i32
        %dma_wait3A_302 = arith.constant 0 : i32
        %dma_wait3A_303 = tpu.memref_slice %arg8[%run_scoped3A_183, %dma_wait3A_301, %dma_wait3A_302] : memref<2x128x128xf32, #tpu.memory_space<vmem>> -> memref<1x128x128xf32, #tpu.memory_space<vmem>>
        %dma_wait3A_304 = tpu.memref_squeeze %dma_wait3A_303 : memref<1x128x128xf32, #tpu.memory_space<vmem>> -> memref<128x128xf32, #tpu.memory_space<vmem>>
        %dma_wait3A_305 = arith.constant 0 : i32
        %dma_wait3A_306 = tpu.memref_slice %arg7[%add3A_167, %dma_wait3A_305] : memref<80x128xi32, #tpu.memory_space<vmem>> -> memref<1x128xi32, #tpu.memory_space<vmem>>
        %dma_wait3A_307 = tpu.memref_squeeze %dma_wait3A_306 : memref<1x128xi32, #tpu.memory_space<vmem>> -> memref<128xi32, #tpu.memory_space<vmem>>
        %dma_wait3A_308 = arith.constant 0 : i32
        %dma_wait3A_309 = arith.constant 0 : i32
        %dma_wait3A_310 = tpu.memref_slice %arg9[%dma_wait3A_308, %dma_wait3A_309] : memref<10240x128xf32, #tpu.memory_space<vmem_shared>> -> memref<10240x128xf32, #tpu.memory_space<vmem_shared>>
        tpu.wait_indirect_dma semaphore(%run_scoped3A_290 : memref<!tpu.dma_semaphore, #tpu.memory_space<semaphore_mem>>) src(%dma_wait3A_304 : memref<128x128xf32, #tpu.memory_space<vmem>>) dst(%dma_wait3A_310 : memref<10240x128xf32, #tpu.memory_space<vmem_shared>>)
        tpu.yield
      }) : () -> ()
      %lt3A = arith.constant 19 : i32
      %lt3A_184 = arith.cmpi slt, %scan3A_162, %lt3A : i32
      %convert_element_type3A = arith.extui %lt3A_184 : i1 to i32
      %cond3A = arith.constant 0 : i32
      %cond3A_185 = arith.cmpi ne, %convert_element_type3A, %cond3A : i32
      scf.if %cond3A_185 {
        %add3A_290 = arith.constant 4 : i32
        %add3A_291 = arith.addi %add3A_167, %add3A_290 : i32
        %dma_start3A_292 = arith.constant 0 : i32
        %dma_start3A_293 = arith.constant 0 : i32
        %dma_start3A_294 = arith.constant 0 : i32
        %dma_start3A_295 = tpu.memref_slice %arg6[%dma_start3A_292, %dma_start3A_294] : memref<4x128xi32, #tpu.memory_space<vmem>> -> memref<1x128xi32, #tpu.memory_space<vmem>>
        %dma_start3A_296 = tpu.memref_squeeze %dma_start3A_295 : memref<1x128xi32, #tpu.memory_space<vmem>> -> memref<128xi32, #tpu.memory_space<vmem>>
        %dma_start3A_297 = arith.constant 0 : i32
        %dma_start3A_298 = tpu.memref_slice %arg3[%add3A, %add3A_291, %dma_start3A_297] : memref<32x80x128xi32, #tpu.memory_space<hbm>> -> memref<1x1x128xi32, #tpu.memory_space<hbm>>
        %dma_start3A_299 = tpu.memref_squeeze %dma_start3A_298 : memref<1x1x128xi32, #tpu.memory_space<hbm>> -> memref<128xi32, #tpu.memory_space<hbm>>
        %dma_start3A_300 = tpu.memref_slice %arg11[%dma_start3A_293] : memref<4x!tpu.dma_semaphore, #tpu.memory_space<semaphore_mem>> -> memref<1x!tpu.dma_semaphore, #tpu.memory_space<semaphore_mem>>
        %dma_start3A_301 = tpu.memref_squeeze %dma_start3A_300 : memref<1x!tpu.dma_semaphore, #tpu.memory_space<semaphore_mem>> -> memref<!tpu.dma_semaphore, #tpu.memory_space<semaphore_mem>>
        %dma_start3A_302 = arith.constant 0 : i32
        %dma_start3A_303 = tpu.memref_slice %arg6[%dma_start3A_292, %dma_start3A_302] : memref<4x128xi32, #tpu.memory_space<vmem>> -> memref<1x128xi32, #tpu.memory_space<vmem>>
        %dma_start3A_304 = tpu.memref_squeeze %dma_start3A_303 : memref<1x128xi32, #tpu.memory_space<vmem>> -> memref<128xi32, #tpu.memory_space<vmem>>
        %dma_start3A_305 = arith.constant 0 : i32
        %dma_start3A_306 = tpu.memref_slice %arg3[%add3A, %add3A_291, %dma_start3A_305] : memref<32x80x128xi32, #tpu.memory_space<hbm>> -> memref<1x1x128xi32, #tpu.memory_space<hbm>>
        %dma_start3A_307 = tpu.memref_squeeze %dma_start3A_306 : memref<1x1x128xi32, #tpu.memory_space<hbm>> -> memref<128xi32, #tpu.memory_space<hbm>>
        tpu.enqueue_dma source(%dma_start3A_307 : memref<128xi32, #tpu.memory_space<hbm>>) target(%dma_start3A_304 : memref<128xi32, #tpu.memory_space<vmem>>) target_semaphore(%dma_start3A_301 : memref<!tpu.dma_semaphore, #tpu.memory_space<semaphore_mem>>)
      } else {
      }
      %add3A_186 = arith.constant 2 : i32
      %add3A_187 = arith.addi %add3A_167, %add3A_186 : i32
      %lt3A_188 = arith.constant 80 : i32
      %lt3A_189 = arith.cmpi slt, %add3A_187, %lt3A_188 : i32
      %convert_element_type3A_190 = arith.extui %lt3A_189 : i1 to i32
      %cond3A_191 = arith.constant 0 : i32
      %cond3A_192 = arith.cmpi ne, %convert_element_type3A_190, %cond3A_191 : i32
      scf.if %cond3A_192 {
        %dma_wait3A_290 = arith.constant 2 : i32
        %dma_wait3A_291 = arith.constant 2 : i32
        %dma_wait3A_292 = arith.constant 2 : i32
        %dma_wait3A_293 = arith.constant 0 : i32
        %dma_wait3A_294 = tpu.memref_slice %arg6[%dma_wait3A_291, %dma_wait3A_293] : memref<4x128xi32, #tpu.memory_space<vmem>> -> memref<1x128xi32, #tpu.memory_space<vmem>>
        %dma_wait3A_295 = tpu.memref_squeeze %dma_wait3A_294 : memref<1x128xi32, #tpu.memory_space<vmem>> -> memref<128xi32, #tpu.memory_space<vmem>>
        %dma_wait3A_296 = arith.constant 0 : i32
        %dma_wait3A_297 = tpu.memref_slice %arg3[%add3A, %dma_wait3A_290, %dma_wait3A_296] : memref<32x80x128xi32, #tpu.memory_space<hbm>> -> memref<1x1x128xi32, #tpu.memory_space<hbm>>
        %dma_wait3A_298 = tpu.memref_squeeze %dma_wait3A_297 : memref<1x1x128xi32, #tpu.memory_space<hbm>> -> memref<128xi32, #tpu.memory_space<hbm>>
        %dma_wait3A_299 = tpu.memref_slice %arg11[%dma_wait3A_292] : memref<4x!tpu.dma_semaphore, #tpu.memory_space<semaphore_mem>> -> memref<1x!tpu.dma_semaphore, #tpu.memory_space<semaphore_mem>>
        %dma_wait3A_300 = tpu.memref_squeeze %dma_wait3A_299 : memref<1x!tpu.dma_semaphore, #tpu.memory_space<semaphore_mem>> -> memref<!tpu.dma_semaphore, #tpu.memory_space<semaphore_mem>>
        %dma_wait3A_301 = arith.constant 0 : i32
        %dma_wait3A_302 = tpu.memref_slice %arg6[%dma_wait3A_291, %dma_wait3A_301] : memref<4x128xi32, #tpu.memory_space<vmem>> -> memref<1x128xi32, #tpu.memory_space<vmem>>
        %dma_wait3A_303 = tpu.memref_squeeze %dma_wait3A_302 : memref<1x128xi32, #tpu.memory_space<vmem>> -> memref<128xi32, #tpu.memory_space<vmem>>
        %dma_wait3A_304 = arith.constant 0 : i32
        %dma_wait3A_305 = tpu.memref_slice %arg3[%add3A, %dma_wait3A_290, %dma_wait3A_304] : memref<32x80x128xi32, #tpu.memory_space<hbm>> -> memref<1x1x128xi32, #tpu.memory_space<hbm>>
        %dma_wait3A_306 = tpu.memref_squeeze %dma_wait3A_305 : memref<1x1x128xi32, #tpu.memory_space<hbm>> -> memref<128xi32, #tpu.memory_space<hbm>>
        tpu.wait_dma2 semaphore(%dma_wait3A_300 : memref<!tpu.dma_semaphore, #tpu.memory_space<semaphore_mem>>) src(%dma_wait3A_306 : memref<128xi32, #tpu.memory_space<hbm>>) dst(%dma_wait3A_303 : memref<128xi32, #tpu.memory_space<vmem>>)
        %dma_start3A_307 = arith.constant 2 : i32
        %dma_start3A_308 = arith.constant 0 : i32
        %dma_start3A_309 = arith.constant 0 : i32
        %dma_start3A_310 = arith.constant 0 : i32
        %dma_start3A_311 = arith.constant 0 : i32
        %dma_start3A_312 = tpu.memref_slice %arg8[%dma_start3A_308, %dma_start3A_310, %dma_start3A_311] : memref<2x128x128xf32, #tpu.memory_space<vmem>> -> memref<1x128x128xf32, #tpu.memory_space<vmem>>
        %dma_start3A_313 = tpu.memref_squeeze %dma_start3A_312 : memref<1x128x128xf32, #tpu.memory_space<vmem>> -> memref<128x128xf32, #tpu.memory_space<vmem>>
        %dma_start3A_314 = arith.constant 0 : i32
        %dma_start3A_315 = tpu.memref_slice %arg6[%dma_start3A_307, %dma_start3A_314] : memref<4x128xi32, #tpu.memory_space<vmem>> -> memref<1x128xi32, #tpu.memory_space<vmem>>
        %dma_start3A_316 = tpu.memref_squeeze %dma_start3A_315 : memref<1x128xi32, #tpu.memory_space<vmem>> -> memref<128xi32, #tpu.memory_space<vmem>>
        %dma_start3A_317 = arith.constant 0 : i32
        %dma_start3A_318 = arith.constant 0 : i32
        %dma_start3A_319 = tpu.memref_slice %arg2[%dma_start3A_317, %dma_start3A_318] : memref<10000x128xf32, #tpu.memory_space<hbm>> -> memref<10000x128xf32, #tpu.memory_space<hbm>>
        %dma_start3A_320 = tpu.memref_slice %arg10[%dma_start3A_309] : memref<2x!tpu.dma_semaphore, #tpu.memory_space<semaphore_mem>> -> memref<1x!tpu.dma_semaphore, #tpu.memory_space<semaphore_mem>>
        %dma_start3A_321 = tpu.memref_squeeze %dma_start3A_320 : memref<1x!tpu.dma_semaphore, #tpu.memory_space<semaphore_mem>> -> memref<!tpu.dma_semaphore, #tpu.memory_space<semaphore_mem>>
        tpu.enqueue_indirect_dma source(%dma_start3A_319 : memref<10000x128xf32, #tpu.memory_space<hbm>>) target(%dma_start3A_313 : memref<128x128xf32, #tpu.memory_space<vmem>>) offsets(%dma_start3A_316 : memref<128xi32, #tpu.memory_space<vmem>>) semaphore(%dma_start3A_321 : memref<!tpu.dma_semaphore, #tpu.memory_space<semaphore_mem>>)
      } else {
      }
      %mul3A_193 = arith.constant 4 : i32
      %mul3A_194 = arith.muli %scan3A_162, %mul3A_193 : i32
      %add3A_195 = arith.constant 1 : i32
      %add3A_196 = arith.addi %mul3A_194, %add3A_195 : i32
      %dma_wait3A_197 = arith.constant 1 : i32
      %dma_wait3A_198 = arith.constant 1 : i32
      %dma_wait3A_199 = arith.constant 1 : i32
      %dma_wait3A_200 = arith.constant 0 : i32
      %dma_wait3A_201 = arith.constant 0 : i32
      %dma_wait3A_202 = tpu.memref_slice %arg8[%dma_wait3A_198, %dma_wait3A_200, %dma_wait3A_201] : memref<2x128x128xf32, #tpu.memory_space<vmem>> -> memref<1x128x128xf32, #tpu.memory_space<vmem>>
      %dma_wait3A_203 = tpu.memref_squeeze %dma_wait3A_202 : memref<1x128x128xf32, #tpu.memory_space<vmem>> -> memref<128x128xf32, #tpu.memory_space<vmem>>
      %dma_wait3A_204 = arith.constant 0 : i32
      %dma_wait3A_205 = tpu.memref_slice %arg6[%dma_wait3A_197, %dma_wait3A_204] : memref<4x128xi32, #tpu.memory_space<vmem>> -> memref<1x128xi32, #tpu.memory_space<vmem>>
      %dma_wait3A_206 = tpu.memref_squeeze %dma_wait3A_205 : memref<1x128xi32, #tpu.memory_space<vmem>> -> memref<128xi32, #tpu.memory_space<vmem>>
      %dma_wait3A_207 = arith.constant 0 : i32
      %dma_wait3A_208 = arith.constant 0 : i32
      %dma_wait3A_209 = tpu.memref_slice %arg2[%dma_wait3A_207, %dma_wait3A_208] : memref<10000x128xf32, #tpu.memory_space<hbm>> -> memref<10000x128xf32, #tpu.memory_space<hbm>>
      %dma_wait3A_210 = tpu.memref_slice %arg10[%dma_wait3A_199] : memref<2x!tpu.dma_semaphore, #tpu.memory_space<semaphore_mem>> -> memref<1x!tpu.dma_semaphore, #tpu.memory_space<semaphore_mem>>
      %dma_wait3A_211 = tpu.memref_squeeze %dma_wait3A_210 : memref<1x!tpu.dma_semaphore, #tpu.memory_space<semaphore_mem>> -> memref<!tpu.dma_semaphore, #tpu.memory_space<semaphore_mem>>
      tpu.wait_indirect_dma semaphore(%dma_wait3A_211 : memref<!tpu.dma_semaphore, #tpu.memory_space<semaphore_mem>>) src(%dma_wait3A_209 : memref<10000x128xf32, #tpu.memory_space<hbm>>) dst(%dma_wait3A_203 : memref<128x128xf32, #tpu.memory_space<vmem>>)
      %run_scoped3A_212 = arith.constant 1 : i32
      "tpu.region"() ({
        %run_scoped3A_290 = tpu.sem_alloc : memref<!tpu.dma_semaphore, #tpu.memory_space<semaphore_mem>>
        %dma_start3A_291 = arith.constant 0 : i32
        %dma_start3A_292 = arith.constant 0 : i32
        %dma_start3A_293 = tpu.memref_slice %arg8[%run_scoped3A_212, %dma_start3A_291, %dma_start3A_292] : memref<2x128x128xf32, #tpu.memory_space<vmem>> -> memref<1x128x128xf32, #tpu.memory_space<vmem>>
        %dma_start3A_294 = tpu.memref_squeeze %dma_start3A_293 : memref<1x128x128xf32, #tpu.memory_space<vmem>> -> memref<128x128xf32, #tpu.memory_space<vmem>>
        %dma_start3A_295 = arith.constant 0 : i32
        %dma_start3A_296 = tpu.memref_slice %arg7[%add3A_196, %dma_start3A_295] : memref<80x128xi32, #tpu.memory_space<vmem>> -> memref<1x128xi32, #tpu.memory_space<vmem>>
        %dma_start3A_297 = tpu.memref_squeeze %dma_start3A_296 : memref<1x128xi32, #tpu.memory_space<vmem>> -> memref<128xi32, #tpu.memory_space<vmem>>
        %dma_start3A_298 = arith.constant 0 : i32
        %dma_start3A_299 = arith.constant 0 : i32
        %dma_start3A_300 = tpu.memref_slice %arg9[%dma_start3A_298, %dma_start3A_299] : memref<10240x128xf32, #tpu.memory_space<vmem_shared>> -> memref<10240x128xf32, #tpu.memory_space<vmem_shared>>
        tpu.enqueue_indirect_dma source(%dma_start3A_294 : memref<128x128xf32, #tpu.memory_space<vmem>>) target(%dma_start3A_300 : memref<10240x128xf32, #tpu.memory_space<vmem_shared>>) offsets(%dma_start3A_297 : memref<128xi32, #tpu.memory_space<vmem>>) semaphore(%run_scoped3A_290 : memref<!tpu.dma_semaphore, #tpu.memory_space<semaphore_mem>>) {add = true}
        %dma_wait3A_301 = arith.constant 0 : i32
        %dma_wait3A_302 = arith.constant 0 : i32
        %dma_wait3A_303 = tpu.memref_slice %arg8[%run_scoped3A_212, %dma_wait3A_301, %dma_wait3A_302] : memref<2x128x128xf32, #tpu.memory_space<vmem>> -> memref<1x128x128xf32, #tpu.memory_space<vmem>>
        %dma_wait3A_304 = tpu.memref_squeeze %dma_wait3A_303 : memref<1x128x128xf32, #tpu.memory_space<vmem>> -> memref<128x128xf32, #tpu.memory_space<vmem>>
        %dma_wait3A_305 = arith.constant 0 : i32
        %dma_wait3A_306 = tpu.memref_slice %arg7[%add3A_196, %dma_wait3A_305] : memref<80x128xi32, #tpu.memory_space<vmem>> -> memref<1x128xi32, #tpu.memory_space<vmem>>
        %dma_wait3A_307 = tpu.memref_squeeze %dma_wait3A_306 : memref<1x128xi32, #tpu.memory_space<vmem>> -> memref<128xi32, #tpu.memory_space<vmem>>
        %dma_wait3A_308 = arith.constant 0 : i32
        %dma_wait3A_309 = arith.constant 0 : i32
        %dma_wait3A_310 = tpu.memref_slice %arg9[%dma_wait3A_308, %dma_wait3A_309] : memref<10240x128xf32, #tpu.memory_space<vmem_shared>> -> memref<10240x128xf32, #tpu.memory_space<vmem_shared>>
        tpu.wait_indirect_dma semaphore(%run_scoped3A_290 : memref<!tpu.dma_semaphore, #tpu.memory_space<semaphore_mem>>) src(%dma_wait3A_304 : memref<128x128xf32, #tpu.memory_space<vmem>>) dst(%dma_wait3A_310 : memref<10240x128xf32, #tpu.memory_space<vmem_shared>>)
        tpu.yield
      }) : () -> ()
      %lt3A_213 = arith.constant 19 : i32
      %lt3A_214 = arith.cmpi slt, %scan3A_162, %lt3A_213 : i32
      %convert_element_type3A_215 = arith.extui %lt3A_214 : i1 to i32
      %cond3A_216 = arith.constant 0 : i32
      %cond3A_217 = arith.cmpi ne, %convert_element_type3A_215, %cond3A_216 : i32
      scf.if %cond3A_217 {
        %add3A_290 = arith.constant 4 : i32
        %add3A_291 = arith.addi %add3A_196, %add3A_290 : i32
        %dma_start3A_292 = arith.constant 1 : i32
        %dma_start3A_293 = arith.constant 1 : i32
        %dma_start3A_294 = arith.constant 0 : i32
        %dma_start3A_295 = tpu.memref_slice %arg6[%dma_start3A_292, %dma_start3A_294] : memref<4x128xi32, #tpu.memory_space<vmem>> -> memref<1x128xi32, #tpu.memory_space<vmem>>
        %dma_start3A_296 = tpu.memref_squeeze %dma_start3A_295 : memref<1x128xi32, #tpu.memory_space<vmem>> -> memref<128xi32, #tpu.memory_space<vmem>>
        %dma_start3A_297 = arith.constant 0 : i32
        %dma_start3A_298 = tpu.memref_slice %arg3[%add3A, %add3A_291, %dma_start3A_297] : memref<32x80x128xi32, #tpu.memory_space<hbm>> -> memref<1x1x128xi32, #tpu.memory_space<hbm>>
        %dma_start3A_299 = tpu.memref_squeeze %dma_start3A_298 : memref<1x1x128xi32, #tpu.memory_space<hbm>> -> memref<128xi32, #tpu.memory_space<hbm>>
        %dma_start3A_300 = tpu.memref_slice %arg11[%dma_start3A_293] : memref<4x!tpu.dma_semaphore, #tpu.memory_space<semaphore_mem>> -> memref<1x!tpu.dma_semaphore, #tpu.memory_space<semaphore_mem>>
        %dma_start3A_301 = tpu.memref_squeeze %dma_start3A_300 : memref<1x!tpu.dma_semaphore, #tpu.memory_space<semaphore_mem>> -> memref<!tpu.dma_semaphore, #tpu.memory_space<semaphore_mem>>
        %dma_start3A_302 = arith.constant 0 : i32
        %dma_start3A_303 = tpu.memref_slice %arg6[%dma_start3A_292, %dma_start3A_302] : memref<4x128xi32, #tpu.memory_space<vmem>> -> memref<1x128xi32, #tpu.memory_space<vmem>>
        %dma_start3A_304 = tpu.memref_squeeze %dma_start3A_303 : memref<1x128xi32, #tpu.memory_space<vmem>> -> memref<128xi32, #tpu.memory_space<vmem>>
        %dma_start3A_305 = arith.constant 0 : i32
        %dma_start3A_306 = tpu.memref_slice %arg3[%add3A, %add3A_291, %dma_start3A_305] : memref<32x80x128xi32, #tpu.memory_space<hbm>> -> memref<1x1x128xi32, #tpu.memory_space<hbm>>
        %dma_start3A_307 = tpu.memref_squeeze %dma_start3A_306 : memref<1x1x128xi32, #tpu.memory_space<hbm>> -> memref<128xi32, #tpu.memory_space<hbm>>
        tpu.enqueue_dma source(%dma_start3A_307 : memref<128xi32, #tpu.memory_space<hbm>>) target(%dma_start3A_304 : memref<128xi32, #tpu.memory_space<vmem>>) target_semaphore(%dma_start3A_301 : memref<!tpu.dma_semaphore, #tpu.memory_space<semaphore_mem>>)
      } else {
      }
      %add3A_218 = arith.constant 2 : i32
      %add3A_219 = arith.addi %add3A_196, %add3A_218 : i32
      %lt3A_220 = arith.constant 80 : i32
      %lt3A_221 = arith.cmpi slt, %add3A_219, %lt3A_220 : i32
      %convert_element_type3A_222 = arith.extui %lt3A_221 : i1 to i32
      %cond3A_223 = arith.constant 0 : i32
      %cond3A_224 = arith.cmpi ne, %convert_element_type3A_222, %cond3A_223 : i32
      scf.if %cond3A_224 {
        %dma_wait3A_290 = arith.constant 3 : i32
        %dma_wait3A_291 = arith.constant 3 : i32
        %dma_wait3A_292 = arith.constant 3 : i32
        %dma_wait3A_293 = arith.constant 0 : i32
        %dma_wait3A_294 = tpu.memref_slice %arg6[%dma_wait3A_291, %dma_wait3A_293] : memref<4x128xi32, #tpu.memory_space<vmem>> -> memref<1x128xi32, #tpu.memory_space<vmem>>
        %dma_wait3A_295 = tpu.memref_squeeze %dma_wait3A_294 : memref<1x128xi32, #tpu.memory_space<vmem>> -> memref<128xi32, #tpu.memory_space<vmem>>
        %dma_wait3A_296 = arith.constant 0 : i32
        %dma_wait3A_297 = tpu.memref_slice %arg3[%add3A, %dma_wait3A_290, %dma_wait3A_296] : memref<32x80x128xi32, #tpu.memory_space<hbm>> -> memref<1x1x128xi32, #tpu.memory_space<hbm>>
        %dma_wait3A_298 = tpu.memref_squeeze %dma_wait3A_297 : memref<1x1x128xi32, #tpu.memory_space<hbm>> -> memref<128xi32, #tpu.memory_space<hbm>>
        %dma_wait3A_299 = tpu.memref_slice %arg11[%dma_wait3A_292] : memref<4x!tpu.dma_semaphore, #tpu.memory_space<semaphore_mem>> -> memref<1x!tpu.dma_semaphore, #tpu.memory_space<semaphore_mem>>
        %dma_wait3A_300 = tpu.memref_squeeze %dma_wait3A_299 : memref<1x!tpu.dma_semaphore, #tpu.memory_space<semaphore_mem>> -> memref<!tpu.dma_semaphore, #tpu.memory_space<semaphore_mem>>
        %dma_wait3A_301 = arith.constant 0 : i32
        %dma_wait3A_302 = tpu.memref_slice %arg6[%dma_wait3A_291, %dma_wait3A_301] : memref<4x128xi32, #tpu.memory_space<vmem>> -> memref<1x128xi32, #tpu.memory_space<vmem>>
        %dma_wait3A_303 = tpu.memref_squeeze %dma_wait3A_302 : memref<1x128xi32, #tpu.memory_space<vmem>> -> memref<128xi32, #tpu.memory_space<vmem>>
        %dma_wait3A_304 = arith.constant 0 : i32
        %dma_wait3A_305 = tpu.memref_slice %arg3[%add3A, %dma_wait3A_290, %dma_wait3A_304] : memref<32x80x128xi32, #tpu.memory_space<hbm>> -> memref<1x1x128xi32, #tpu.memory_space<hbm>>
        %dma_wait3A_306 = tpu.memref_squeeze %dma_wait3A_305 : memref<1x1x128xi32, #tpu.memory_space<hbm>> -> memref<128xi32, #tpu.memory_space<hbm>>
        tpu.wait_dma2 semaphore(%dma_wait3A_300 : memref<!tpu.dma_semaphore, #tpu.memory_space<semaphore_mem>>) src(%dma_wait3A_306 : memref<128xi32, #tpu.memory_space<hbm>>) dst(%dma_wait3A_303 : memref<128xi32, #tpu.memory_space<vmem>>)
        %dma_start3A_307 = arith.constant 3 : i32
        %dma_start3A_308 = arith.constant 1 : i32
        %dma_start3A_309 = arith.constant 1 : i32
        %dma_start3A_310 = arith.constant 0 : i32
        %dma_start3A_311 = arith.constant 0 : i32
        %dma_start3A_312 = tpu.memref_slice %arg8[%dma_start3A_308, %dma_start3A_310, %dma_start3A_311] : memref<2x128x128xf32, #tpu.memory_space<vmem>> -> memref<1x128x128xf32, #tpu.memory_space<vmem>>
        %dma_start3A_313 = tpu.memref_squeeze %dma_start3A_312 : memref<1x128x128xf32, #tpu.memory_space<vmem>> -> memref<128x128xf32, #tpu.memory_space<vmem>>
        %dma_start3A_314 = arith.constant 0 : i32
        %dma_start3A_315 = tpu.memref_slice %arg6[%dma_start3A_307, %dma_start3A_314] : memref<4x128xi32, #tpu.memory_space<vmem>> -> memref<1x128xi32, #tpu.memory_space<vmem>>
        %dma_start3A_316 = tpu.memref_squeeze %dma_start3A_315 : memref<1x128xi32, #tpu.memory_space<vmem>> -> memref<128xi32, #tpu.memory_space<vmem>>
        %dma_start3A_317 = arith.constant 0 : i32
        %dma_start3A_318 = arith.constant 0 : i32
        %dma_start3A_319 = tpu.memref_slice %arg2[%dma_start3A_317, %dma_start3A_318] : memref<10000x128xf32, #tpu.memory_space<hbm>> -> memref<10000x128xf32, #tpu.memory_space<hbm>>
        %dma_start3A_320 = tpu.memref_slice %arg10[%dma_start3A_309] : memref<2x!tpu.dma_semaphore, #tpu.memory_space<semaphore_mem>> -> memref<1x!tpu.dma_semaphore, #tpu.memory_space<semaphore_mem>>
        %dma_start3A_321 = tpu.memref_squeeze %dma_start3A_320 : memref<1x!tpu.dma_semaphore, #tpu.memory_space<semaphore_mem>> -> memref<!tpu.dma_semaphore, #tpu.memory_space<semaphore_mem>>
        tpu.enqueue_indirect_dma source(%dma_start3A_319 : memref<10000x128xf32, #tpu.memory_space<hbm>>) target(%dma_start3A_313 : memref<128x128xf32, #tpu.memory_space<vmem>>) offsets(%dma_start3A_316 : memref<128xi32, #tpu.memory_space<vmem>>) semaphore(%dma_start3A_321 : memref<!tpu.dma_semaphore, #tpu.memory_space<semaphore_mem>>)
      } else {
      }
      %mul3A_225 = arith.constant 4 : i32
      %mul3A_226 = arith.muli %scan3A_162, %mul3A_225 : i32
      %add3A_227 = arith.constant 2 : i32
      %add3A_228 = arith.addi %mul3A_226, %add3A_227 : i32
      %dma_wait3A_229 = arith.constant 2 : i32
      %dma_wait3A_230 = arith.constant 0 : i32
      %dma_wait3A_231 = arith.constant 0 : i32
      %dma_wait3A_232 = arith.constant 0 : i32
      %dma_wait3A_233 = arith.constant 0 : i32
      %dma_wait3A_234 = tpu.memref_slice %arg8[%dma_wait3A_230, %dma_wait3A_232, %dma_wait3A_233] : memref<2x128x128xf32, #tpu.memory_space<vmem>> -> memref<1x128x128xf32, #tpu.memory_space<vmem>>
      %dma_wait3A_235 = tpu.memref_squeeze %dma_wait3A_234 : memref<1x128x128xf32, #tpu.memory_space<vmem>> -> memref<128x128xf32, #tpu.memory_space<vmem>>
      %dma_wait3A_236 = arith.constant 0 : i32
      %dma_wait3A_237 = tpu.memref_slice %arg6[%dma_wait3A_229, %dma_wait3A_236] : memref<4x128xi32, #tpu.memory_space<vmem>> -> memref<1x128xi32, #tpu.memory_space<vmem>>
      %dma_wait3A_238 = tpu.memref_squeeze %dma_wait3A_237 : memref<1x128xi32, #tpu.memory_space<vmem>> -> memref<128xi32, #tpu.memory_space<vmem>>
      %dma_wait3A_239 = arith.constant 0 : i32
      %dma_wait3A_240 = arith.constant 0 : i32
      %dma_wait3A_241 = tpu.memref_slice %arg2[%dma_wait3A_239, %dma_wait3A_240] : memref<10000x128xf32, #tpu.memory_space<hbm>> -> memref<10000x128xf32, #tpu.memory_space<hbm>>
      %dma_wait3A_242 = tpu.memref_slice %arg10[%dma_wait3A_231] : memref<2x!tpu.dma_semaphore, #tpu.memory_space<semaphore_mem>> -> memref<1x!tpu.dma_semaphore, #tpu.memory_space<semaphore_mem>>
      %dma_wait3A_243 = tpu.memref_squeeze %dma_wait3A_242 : memref<1x!tpu.dma_semaphore, #tpu.memory_space<semaphore_mem>> -> memref<!tpu.dma_semaphore, #tpu.memory_space<semaphore_mem>>
      tpu.wait_indirect_dma semaphore(%dma_wait3A_243 : memref<!tpu.dma_semaphore, #tpu.memory_space<semaphore_mem>>) src(%dma_wait3A_241 : memref<10000x128xf32, #tpu.memory_space<hbm>>) dst(%dma_wait3A_235 : memref<128x128xf32, #tpu.memory_space<vmem>>)
      %run_scoped3A_244 = arith.constant 0 : i32
      "tpu.region"() ({
        %run_scoped3A_290 = tpu.sem_alloc : memref<!tpu.dma_semaphore, #tpu.memory_space<semaphore_mem>>
        %dma_start3A_291 = arith.constant 0 : i32
        %dma_start3A_292 = arith.constant 0 : i32
        %dma_start3A_293 = tpu.memref_slice %arg8[%run_scoped3A_244, %dma_start3A_291, %dma_start3A_292] : memref<2x128x128xf32, #tpu.memory_space<vmem>> -> memref<1x128x128xf32, #tpu.memory_space<vmem>>
        %dma_start3A_294 = tpu.memref_squeeze %dma_start3A_293 : memref<1x128x128xf32, #tpu.memory_space<vmem>> -> memref<128x128xf32, #tpu.memory_space<vmem>>
        %dma_start3A_295 = arith.constant 0 : i32
        %dma_start3A_296 = tpu.memref_slice %arg7[%add3A_228, %dma_start3A_295] : memref<80x128xi32, #tpu.memory_space<vmem>> -> memref<1x128xi32, #tpu.memory_space<vmem>>
        %dma_start3A_297 = tpu.memref_squeeze %dma_start3A_296 : memref<1x128xi32, #tpu.memory_space<vmem>> -> memref<128xi32, #tpu.memory_space<vmem>>
        %dma_start3A_298 = arith.constant 0 : i32
        %dma_start3A_299 = arith.constant 0 : i32
        %dma_start3A_300 = tpu.memref_slice %arg9[%dma_start3A_298, %dma_start3A_299] : memref<10240x128xf32, #tpu.memory_space<vmem_shared>> -> memref<10240x128xf32, #tpu.memory_space<vmem_shared>>
        tpu.enqueue_indirect_dma source(%dma_start3A_294 : memref<128x128xf32, #tpu.memory_space<vmem>>) target(%dma_start3A_300 : memref<10240x128xf32, #tpu.memory_space<vmem_shared>>) offsets(%dma_start3A_297 : memref<128xi32, #tpu.memory_space<vmem>>) semaphore(%run_scoped3A_290 : memref<!tpu.dma_semaphore, #tpu.memory_space<semaphore_mem>>) {add = true}
        %dma_wait3A_301 = arith.constant 0 : i32
        %dma_wait3A_302 = arith.constant 0 : i32
        %dma_wait3A_303 = tpu.memref_slice %arg8[%run_scoped3A_244, %dma_wait3A_301, %dma_wait3A_302] : memref<2x128x128xf32, #tpu.memory_space<vmem>> -> memref<1x128x128xf32, #tpu.memory_space<vmem>>
        %dma_wait3A_304 = tpu.memref_squeeze %dma_wait3A_303 : memref<1x128x128xf32, #tpu.memory_space<vmem>> -> memref<128x128xf32, #tpu.memory_space<vmem>>
        %dma_wait3A_305 = arith.constant 0 : i32
        %dma_wait3A_306 = tpu.memref_slice %arg7[%add3A_228, %dma_wait3A_305] : memref<80x128xi32, #tpu.memory_space<vmem>> -> memref<1x128xi32, #tpu.memory_space<vmem>>
        %dma_wait3A_307 = tpu.memref_squeeze %dma_wait3A_306 : memref<1x128xi32, #tpu.memory_space<vmem>> -> memref<128xi32, #tpu.memory_space<vmem>>
        %dma_wait3A_308 = arith.constant 0 : i32
        %dma_wait3A_309 = arith.constant 0 : i32
        %dma_wait3A_310 = tpu.memref_slice %arg9[%dma_wait3A_308, %dma_wait3A_309] : memref<10240x128xf32, #tpu.memory_space<vmem_shared>> -> memref<10240x128xf32, #tpu.memory_space<vmem_shared>>
        tpu.wait_indirect_dma semaphore(%run_scoped3A_290 : memref<!tpu.dma_semaphore, #tpu.memory_space<semaphore_mem>>) src(%dma_wait3A_304 : memref<128x128xf32, #tpu.memory_space<vmem>>) dst(%dma_wait3A_310 : memref<10240x128xf32, #tpu.memory_space<vmem_shared>>)
        tpu.yield
      }) : () -> ()
      %lt3A_245 = arith.constant 19 : i32
      %lt3A_246 = arith.cmpi slt, %scan3A_162, %lt3A_245 : i32
      %convert_element_type3A_247 = arith.extui %lt3A_246 : i1 to i32
      %cond3A_248 = arith.constant 0 : i32
      %cond3A_249 = arith.cmpi ne, %convert_element_type3A_247, %cond3A_248 : i32
      scf.if %cond3A_249 {
        %add3A_290 = arith.constant 4 : i32
        %add3A_291 = arith.addi %add3A_228, %add3A_290 : i32
        %dma_start3A_292 = arith.constant 2 : i32
        %dma_start3A_293 = arith.constant 2 : i32
        %dma_start3A_294 = arith.constant 0 : i32
        %dma_start3A_295 = tpu.memref_slice %arg6[%dma_start3A_292, %dma_start3A_294] : memref<4x128xi32, #tpu.memory_space<vmem>> -> memref<1x128xi32, #tpu.memory_space<vmem>>
        %dma_start3A_296 = tpu.memref_squeeze %dma_start3A_295 : memref<1x128xi32, #tpu.memory_space<vmem>> -> memref<128xi32, #tpu.memory_space<vmem>>
        %dma_start3A_297 = arith.constant 0 : i32
        %dma_start3A_298 = tpu.memref_slice %arg3[%add3A, %add3A_291, %dma_start3A_297] : memref<32x80x128xi32, #tpu.memory_space<hbm>> -> memref<1x1x128xi32, #tpu.memory_space<hbm>>
        %dma_start3A_299 = tpu.memref_squeeze %dma_start3A_298 : memref<1x1x128xi32, #tpu.memory_space<hbm>> -> memref<128xi32, #tpu.memory_space<hbm>>
        %dma_start3A_300 = tpu.memref_slice %arg11[%dma_start3A_293] : memref<4x!tpu.dma_semaphore, #tpu.memory_space<semaphore_mem>> -> memref<1x!tpu.dma_semaphore, #tpu.memory_space<semaphore_mem>>
        %dma_start3A_301 = tpu.memref_squeeze %dma_start3A_300 : memref<1x!tpu.dma_semaphore, #tpu.memory_space<semaphore_mem>> -> memref<!tpu.dma_semaphore, #tpu.memory_space<semaphore_mem>>
        %dma_start3A_302 = arith.constant 0 : i32
        %dma_start3A_303 = tpu.memref_slice %arg6[%dma_start3A_292, %dma_start3A_302] : memref<4x128xi32, #tpu.memory_space<vmem>> -> memref<1x128xi32, #tpu.memory_space<vmem>>
        %dma_start3A_304 = tpu.memref_squeeze %dma_start3A_303 : memref<1x128xi32, #tpu.memory_space<vmem>> -> memref<128xi32, #tpu.memory_space<vmem>>
        %dma_start3A_305 = arith.constant 0 : i32
        %dma_start3A_306 = tpu.memref_slice %arg3[%add3A, %add3A_291, %dma_start3A_305] : memref<32x80x128xi32, #tpu.memory_space<hbm>> -> memref<1x1x128xi32, #tpu.memory_space<hbm>>
        %dma_start3A_307 = tpu.memref_squeeze %dma_start3A_306 : memref<1x1x128xi32, #tpu.memory_space<hbm>> -> memref<128xi32, #tpu.memory_space<hbm>>
        tpu.enqueue_dma source(%dma_start3A_307 : memref<128xi32, #tpu.memory_space<hbm>>) target(%dma_start3A_304 : memref<128xi32, #tpu.memory_space<vmem>>) target_semaphore(%dma_start3A_301 : memref<!tpu.dma_semaphore, #tpu.memory_space<semaphore_mem>>)
      } else {
      }
      %add3A_250 = arith.constant 2 : i32
      %add3A_251 = arith.addi %add3A_228, %add3A_250 : i32
      %lt3A_252 = arith.constant 80 : i32
      %lt3A_253 = arith.cmpi slt, %add3A_251, %lt3A_252 : i32
      %convert_element_type3A_254 = arith.extui %lt3A_253 : i1 to i32
      %cond3A_255 = arith.constant 0 : i32
      %cond3A_256 = arith.cmpi ne, %convert_element_type3A_254, %cond3A_255 : i32
      scf.if %cond3A_256 {
        %dma_wait3A_290 = arith.constant 0 : i32
        %dma_wait3A_291 = arith.constant 0 : i32
        %dma_wait3A_292 = arith.constant 0 : i32
        %dma_wait3A_293 = arith.constant 0 : i32
        %dma_wait3A_294 = tpu.memref_slice %arg6[%dma_wait3A_291, %dma_wait3A_293] : memref<4x128xi32, #tpu.memory_space<vmem>> -> memref<1x128xi32, #tpu.memory_space<vmem>>
        %dma_wait3A_295 = tpu.memref_squeeze %dma_wait3A_294 : memref<1x128xi32, #tpu.memory_space<vmem>> -> memref<128xi32, #tpu.memory_space<vmem>>
        %dma_wait3A_296 = arith.constant 0 : i32
        %dma_wait3A_297 = tpu.memref_slice %arg3[%add3A, %dma_wait3A_290, %dma_wait3A_296] : memref<32x80x128xi32, #tpu.memory_space<hbm>> -> memref<1x1x128xi32, #tpu.memory_space<hbm>>
        %dma_wait3A_298 = tpu.memref_squeeze %dma_wait3A_297 : memref<1x1x128xi32, #tpu.memory_space<hbm>> -> memref<128xi32, #tpu.memory_space<hbm>>
        %dma_wait3A_299 = tpu.memref_slice %arg11[%dma_wait3A_292] : memref<4x!tpu.dma_semaphore, #tpu.memory_space<semaphore_mem>> -> memref<1x!tpu.dma_semaphore, #tpu.memory_space<semaphore_mem>>
        %dma_wait3A_300 = tpu.memref_squeeze %dma_wait3A_299 : memref<1x!tpu.dma_semaphore, #tpu.memory_space<semaphore_mem>> -> memref<!tpu.dma_semaphore, #tpu.memory_space<semaphore_mem>>
        %dma_wait3A_301 = arith.constant 0 : i32
        %dma_wait3A_302 = tpu.memref_slice %arg6[%dma_wait3A_291, %dma_wait3A_301] : memref<4x128xi32, #tpu.memory_space<vmem>> -> memref<1x128xi32, #tpu.memory_space<vmem>>
        %dma_wait3A_303 = tpu.memref_squeeze %dma_wait3A_302 : memref<1x128xi32, #tpu.memory_space<vmem>> -> memref<128xi32, #tpu.memory_space<vmem>>
        %dma_wait3A_304 = arith.constant 0 : i32
        %dma_wait3A_305 = tpu.memref_slice %arg3[%add3A, %dma_wait3A_290, %dma_wait3A_304] : memref<32x80x128xi32, #tpu.memory_space<hbm>> -> memref<1x1x128xi32, #tpu.memory_space<hbm>>
        %dma_wait3A_306 = tpu.memref_squeeze %dma_wait3A_305 : memref<1x1x128xi32, #tpu.memory_space<hbm>> -> memref<128xi32, #tpu.memory_space<hbm>>
        tpu.wait_dma2 semaphore(%dma_wait3A_300 : memref<!tpu.dma_semaphore, #tpu.memory_space<semaphore_mem>>) src(%dma_wait3A_306 : memref<128xi32, #tpu.memory_space<hbm>>) dst(%dma_wait3A_303 : memref<128xi32, #tpu.memory_space<vmem>>)
        %dma_start3A_307 = arith.constant 0 : i32
        %dma_start3A_308 = arith.constant 0 : i32
        %dma_start3A_309 = arith.constant 0 : i32
        %dma_start3A_310 = arith.constant 0 : i32
        %dma_start3A_311 = arith.constant 0 : i32
        %dma_start3A_312 = tpu.memref_slice %arg8[%dma_start3A_308, %dma_start3A_310, %dma_start3A_311] : memref<2x128x128xf32, #tpu.memory_space<vmem>> -> memref<1x128x128xf32, #tpu.memory_space<vmem>>
        %dma_start3A_313 = tpu.memref_squeeze %dma_start3A_312 : memref<1x128x128xf32, #tpu.memory_space<vmem>> -> memref<128x128xf32, #tpu.memory_space<vmem>>
        %dma_start3A_314 = arith.constant 0 : i32
        %dma_start3A_315 = tpu.memref_slice %arg6[%dma_start3A_307, %dma_start3A_314] : memref<4x128xi32, #tpu.memory_space<vmem>> -> memref<1x128xi32, #tpu.memory_space<vmem>>
        %dma_start3A_316 = tpu.memref_squeeze %dma_start3A_315 : memref<1x128xi32, #tpu.memory_space<vmem>> -> memref<128xi32, #tpu.memory_space<vmem>>
        %dma_start3A_317 = arith.constant 0 : i32
        %dma_start3A_318 = arith.constant 0 : i32
        %dma_start3A_319 = tpu.memref_slice %arg2[%dma_start3A_317, %dma_start3A_318] : memref<10000x128xf32, #tpu.memory_space<hbm>> -> memref<10000x128xf32, #tpu.memory_space<hbm>>
        %dma_start3A_320 = tpu.memref_slice %arg10[%dma_start3A_309] : memref<2x!tpu.dma_semaphore, #tpu.memory_space<semaphore_mem>> -> memref<1x!tpu.dma_semaphore, #tpu.memory_space<semaphore_mem>>
        %dma_start3A_321 = tpu.memref_squeeze %dma_start3A_320 : memref<1x!tpu.dma_semaphore, #tpu.memory_space<semaphore_mem>> -> memref<!tpu.dma_semaphore, #tpu.memory_space<semaphore_mem>>
        tpu.enqueue_indirect_dma source(%dma_start3A_319 : memref<10000x128xf32, #tpu.memory_space<hbm>>) target(%dma_start3A_313 : memref<128x128xf32, #tpu.memory_space<vmem>>) offsets(%dma_start3A_316 : memref<128xi32, #tpu.memory_space<vmem>>) semaphore(%dma_start3A_321 : memref<!tpu.dma_semaphore, #tpu.memory_space<semaphore_mem>>)
      } else {
      }
      %mul3A_257 = arith.constant 4 : i32
      %mul3A_258 = arith.muli %scan3A_162, %mul3A_257 : i32
      %add3A_259 = arith.constant 3 : i32
      %add3A_260 = arith.addi %mul3A_258, %add3A_259 : i32
      %dma_wait3A_261 = arith.constant 3 : i32
      %dma_wait3A_262 = arith.constant 1 : i32
      %dma_wait3A_263 = arith.constant 1 : i32
      %dma_wait3A_264 = arith.constant 0 : i32
      %dma_wait3A_265 = arith.constant 0 : i32
      %dma_wait3A_266 = tpu.memref_slice %arg8[%dma_wait3A_262, %dma_wait3A_264, %dma_wait3A_265] : memref<2x128x128xf32, #tpu.memory_space<vmem>> -> memref<1x128x128xf32, #tpu.memory_space<vmem>>
      %dma_wait3A_267 = tpu.memref_squeeze %dma_wait3A_266 : memref<1x128x128xf32, #tpu.memory_space<vmem>> -> memref<128x128xf32, #tpu.memory_space<vmem>>
      %dma_wait3A_268 = arith.constant 0 : i32
      %dma_wait3A_269 = tpu.memref_slice %arg6[%dma_wait3A_261, %dma_wait3A_268] : memref<4x128xi32, #tpu.memory_space<vmem>> -> memref<1x128xi32, #tpu.memory_space<vmem>>
      %dma_wait3A_270 = tpu.memref_squeeze %dma_wait3A_269 : memref<1x128xi32, #tpu.memory_space<vmem>> -> memref<128xi32, #tpu.memory_space<vmem>>
      %dma_wait3A_271 = arith.constant 0 : i32
      %dma_wait3A_272 = arith.constant 0 : i32
      %dma_wait3A_273 = tpu.memref_slice %arg2[%dma_wait3A_271, %dma_wait3A_272] : memref<10000x128xf32, #tpu.memory_space<hbm>> -> memref<10000x128xf32, #tpu.memory_space<hbm>>
      %dma_wait3A_274 = tpu.memref_slice %arg10[%dma_wait3A_263] : memref<2x!tpu.dma_semaphore, #tpu.memory_space<semaphore_mem>> -> memref<1x!tpu.dma_semaphore, #tpu.memory_space<semaphore_mem>>
      %dma_wait3A_275 = tpu.memref_squeeze %dma_wait3A_274 : memref<1x!tpu.dma_semaphore, #tpu.memory_space<semaphore_mem>> -> memref<!tpu.dma_semaphore, #tpu.memory_space<semaphore_mem>>
      tpu.wait_indirect_dma semaphore(%dma_wait3A_275 : memref<!tpu.dma_semaphore, #tpu.memory_space<semaphore_mem>>) src(%dma_wait3A_273 : memref<10000x128xf32, #tpu.memory_space<hbm>>) dst(%dma_wait3A_267 : memref<128x128xf32, #tpu.memory_space<vmem>>)
      %run_scoped3A_276 = arith.constant 1 : i32
      "tpu.region"() ({
        %run_scoped3A_290 = tpu.sem_alloc : memref<!tpu.dma_semaphore, #tpu.memory_space<semaphore_mem>>
        %dma_start3A_291 = arith.constant 0 : i32
        %dma_start3A_292 = arith.constant 0 : i32
        %dma_start3A_293 = tpu.memref_slice %arg8[%run_scoped3A_276, %dma_start3A_291, %dma_start3A_292] : memref<2x128x128xf32, #tpu.memory_space<vmem>> -> memref<1x128x128xf32, #tpu.memory_space<vmem>>
        %dma_start3A_294 = tpu.memref_squeeze %dma_start3A_293 : memref<1x128x128xf32, #tpu.memory_space<vmem>> -> memref<128x128xf32, #tpu.memory_space<vmem>>
        %dma_start3A_295 = arith.constant 0 : i32
        %dma_start3A_296 = tpu.memref_slice %arg7[%add3A_260, %dma_start3A_295] : memref<80x128xi32, #tpu.memory_space<vmem>> -> memref<1x128xi32, #tpu.memory_space<vmem>>
        %dma_start3A_297 = tpu.memref_squeeze %dma_start3A_296 : memref<1x128xi32, #tpu.memory_space<vmem>> -> memref<128xi32, #tpu.memory_space<vmem>>
        %dma_start3A_298 = arith.constant 0 : i32
        %dma_start3A_299 = arith.constant 0 : i32
        %dma_start3A_300 = tpu.memref_slice %arg9[%dma_start3A_298, %dma_start3A_299] : memref<10240x128xf32, #tpu.memory_space<vmem_shared>> -> memref<10240x128xf32, #tpu.memory_space<vmem_shared>>
        tpu.enqueue_indirect_dma source(%dma_start3A_294 : memref<128x128xf32, #tpu.memory_space<vmem>>) target(%dma_start3A_300 : memref<10240x128xf32, #tpu.memory_space<vmem_shared>>) offsets(%dma_start3A_297 : memref<128xi32, #tpu.memory_space<vmem>>) semaphore(%run_scoped3A_290 : memref<!tpu.dma_semaphore, #tpu.memory_space<semaphore_mem>>) {add = true}
        %dma_wait3A_301 = arith.constant 0 : i32
        %dma_wait3A_302 = arith.constant 0 : i32
        %dma_wait3A_303 = tpu.memref_slice %arg8[%run_scoped3A_276, %dma_wait3A_301, %dma_wait3A_302] : memref<2x128x128xf32, #tpu.memory_space<vmem>> -> memref<1x128x128xf32, #tpu.memory_space<vmem>>
        %dma_wait3A_304 = tpu.memref_squeeze %dma_wait3A_303 : memref<1x128x128xf32, #tpu.memory_space<vmem>> -> memref<128x128xf32, #tpu.memory_space<vmem>>
        %dma_wait3A_305 = arith.constant 0 : i32
        %dma_wait3A_306 = tpu.memref_slice %arg7[%add3A_260, %dma_wait3A_305] : memref<80x128xi32, #tpu.memory_space<vmem>> -> memref<1x128xi32, #tpu.memory_space<vmem>>
        %dma_wait3A_307 = tpu.memref_squeeze %dma_wait3A_306 : memref<1x128xi32, #tpu.memory_space<vmem>> -> memref<128xi32, #tpu.memory_space<vmem>>
        %dma_wait3A_308 = arith.constant 0 : i32
        %dma_wait3A_309 = arith.constant 0 : i32
        %dma_wait3A_310 = tpu.memref_slice %arg9[%dma_wait3A_308, %dma_wait3A_309] : memref<10240x128xf32, #tpu.memory_space<vmem_shared>> -> memref<10240x128xf32, #tpu.memory_space<vmem_shared>>
        tpu.wait_indirect_dma semaphore(%run_scoped3A_290 : memref<!tpu.dma_semaphore, #tpu.memory_space<semaphore_mem>>) src(%dma_wait3A_304 : memref<128x128xf32, #tpu.memory_space<vmem>>) dst(%dma_wait3A_310 : memref<10240x128xf32, #tpu.memory_space<vmem_shared>>)
        tpu.yield
      }) : () -> ()
      %lt3A_277 = arith.constant 19 : i32
      %lt3A_278 = arith.cmpi slt, %scan3A_162, %lt3A_277 : i32
      %convert_element_type3A_279 = arith.extui %lt3A_278 : i1 to i32
      %cond3A_280 = arith.constant 0 : i32
      %cond3A_281 = arith.cmpi ne, %convert_element_type3A_279, %cond3A_280 : i32
      scf.if %cond3A_281 {
        %add3A_290 = arith.constant 4 : i32
        %add3A_291 = arith.addi %add3A_260, %add3A_290 : i32
        %dma_start3A_292 = arith.constant 3 : i32
        %dma_start3A_293 = arith.constant 3 : i32
        %dma_start3A_294 = arith.constant 0 : i32
        %dma_start3A_295 = tpu.memref_slice %arg6[%dma_start3A_292, %dma_start3A_294] : memref<4x128xi32, #tpu.memory_space<vmem>> -> memref<1x128xi32, #tpu.memory_space<vmem>>
        %dma_start3A_296 = tpu.memref_squeeze %dma_start3A_295 : memref<1x128xi32, #tpu.memory_space<vmem>> -> memref<128xi32, #tpu.memory_space<vmem>>
        %dma_start3A_297 = arith.constant 0 : i32
        %dma_start3A_298 = tpu.memref_slice %arg3[%add3A, %add3A_291, %dma_start3A_297] : memref<32x80x128xi32, #tpu.memory_space<hbm>> -> memref<1x1x128xi32, #tpu.memory_space<hbm>>
        %dma_start3A_299 = tpu.memref_squeeze %dma_start3A_298 : memref<1x1x128xi32, #tpu.memory_space<hbm>> -> memref<128xi32, #tpu.memory_space<hbm>>
        %dma_start3A_300 = tpu.memref_slice %arg11[%dma_start3A_293] : memref<4x!tpu.dma_semaphore, #tpu.memory_space<semaphore_mem>> -> memref<1x!tpu.dma_semaphore, #tpu.memory_space<semaphore_mem>>
        %dma_start3A_301 = tpu.memref_squeeze %dma_start3A_300 : memref<1x!tpu.dma_semaphore, #tpu.memory_space<semaphore_mem>> -> memref<!tpu.dma_semaphore, #tpu.memory_space<semaphore_mem>>
        %dma_start3A_302 = arith.constant 0 : i32
        %dma_start3A_303 = tpu.memref_slice %arg6[%dma_start3A_292, %dma_start3A_302] : memref<4x128xi32, #tpu.memory_space<vmem>> -> memref<1x128xi32, #tpu.memory_space<vmem>>
        %dma_start3A_304 = tpu.memref_squeeze %dma_start3A_303 : memref<1x128xi32, #tpu.memory_space<vmem>> -> memref<128xi32, #tpu.memory_space<vmem>>
        %dma_start3A_305 = arith.constant 0 : i32
        %dma_start3A_306 = tpu.memref_slice %arg3[%add3A, %add3A_291, %dma_start3A_305] : memref<32x80x128xi32, #tpu.memory_space<hbm>> -> memref<1x1x128xi32, #tpu.memory_space<hbm>>
        %dma_start3A_307 = tpu.memref_squeeze %dma_start3A_306 : memref<1x1x128xi32, #tpu.memory_space<hbm>> -> memref<128xi32, #tpu.memory_space<hbm>>
        tpu.enqueue_dma source(%dma_start3A_307 : memref<128xi32, #tpu.memory_space<hbm>>) target(%dma_start3A_304 : memref<128xi32, #tpu.memory_space<vmem>>) target_semaphore(%dma_start3A_301 : memref<!tpu.dma_semaphore, #tpu.memory_space<semaphore_mem>>)
      } else {
      }
      %add3A_282 = arith.constant 2 : i32
      %add3A_283 = arith.addi %add3A_260, %add3A_282 : i32
      %lt3A_284 = arith.constant 80 : i32
      %lt3A_285 = arith.cmpi slt, %add3A_283, %lt3A_284 : i32
      %convert_element_type3A_286 = arith.extui %lt3A_285 : i1 to i32
      %cond3A_287 = arith.constant 0 : i32
      %cond3A_288 = arith.cmpi ne, %convert_element_type3A_286, %cond3A_287 : i32
      scf.if %cond3A_288 {
        %dma_wait3A_290 = arith.constant 1 : i32
        %dma_wait3A_291 = arith.constant 1 : i32
        %dma_wait3A_292 = arith.constant 1 : i32
        %dma_wait3A_293 = arith.constant 0 : i32
        %dma_wait3A_294 = tpu.memref_slice %arg6[%dma_wait3A_291, %dma_wait3A_293] : memref<4x128xi32, #tpu.memory_space<vmem>> -> memref<1x128xi32, #tpu.memory_space<vmem>>
        %dma_wait3A_295 = tpu.memref_squeeze %dma_wait3A_294 : memref<1x128xi32, #tpu.memory_space<vmem>> -> memref<128xi32, #tpu.memory_space<vmem>>
        %dma_wait3A_296 = arith.constant 0 : i32
        %dma_wait3A_297 = tpu.memref_slice %arg3[%add3A, %dma_wait3A_290, %dma_wait3A_296] : memref<32x80x128xi32, #tpu.memory_space<hbm>> -> memref<1x1x128xi32, #tpu.memory_space<hbm>>
        %dma_wait3A_298 = tpu.memref_squeeze %dma_wait3A_297 : memref<1x1x128xi32, #tpu.memory_space<hbm>> -> memref<128xi32, #tpu.memory_space<hbm>>
        %dma_wait3A_299 = tpu.memref_slice %arg11[%dma_wait3A_292] : memref<4x!tpu.dma_semaphore, #tpu.memory_space<semaphore_mem>> -> memref<1x!tpu.dma_semaphore, #tpu.memory_space<semaphore_mem>>
        %dma_wait3A_300 = tpu.memref_squeeze %dma_wait3A_299 : memref<1x!tpu.dma_semaphore, #tpu.memory_space<semaphore_mem>> -> memref<!tpu.dma_semaphore, #tpu.memory_space<semaphore_mem>>
        %dma_wait3A_301 = arith.constant 0 : i32
        %dma_wait3A_302 = tpu.memref_slice %arg6[%dma_wait3A_291, %dma_wait3A_301] : memref<4x128xi32, #tpu.memory_space<vmem>> -> memref<1x128xi32, #tpu.memory_space<vmem>>
        %dma_wait3A_303 = tpu.memref_squeeze %dma_wait3A_302 : memref<1x128xi32, #tpu.memory_space<vmem>> -> memref<128xi32, #tpu.memory_space<vmem>>
        %dma_wait3A_304 = arith.constant 0 : i32
        %dma_wait3A_305 = tpu.memref_slice %arg3[%add3A, %dma_wait3A_290, %dma_wait3A_304] : memref<32x80x128xi32, #tpu.memory_space<hbm>> -> memref<1x1x128xi32, #tpu.memory_space<hbm>>
        %dma_wait3A_306 = tpu.memref_squeeze %dma_wait3A_305 : memref<1x1x128xi32, #tpu.memory_space<hbm>> -> memref<128xi32, #tpu.memory_space<hbm>>
        tpu.wait_dma2 semaphore(%dma_wait3A_300 : memref<!tpu.dma_semaphore, #tpu.memory_space<semaphore_mem>>) src(%dma_wait3A_306 : memref<128xi32, #tpu.memory_space<hbm>>) dst(%dma_wait3A_303 : memref<128xi32, #tpu.memory_space<vmem>>)
        %dma_start3A_307 = arith.constant 1 : i32
        %dma_start3A_308 = arith.constant 1 : i32
        %dma_start3A_309 = arith.constant 1 : i32
        %dma_start3A_310 = arith.constant 0 : i32
        %dma_start3A_311 = arith.constant 0 : i32
        %dma_start3A_312 = tpu.memref_slice %arg8[%dma_start3A_308, %dma_start3A_310, %dma_start3A_311] : memref<2x128x128xf32, #tpu.memory_space<vmem>> -> memref<1x128x128xf32, #tpu.memory_space<vmem>>
        %dma_start3A_313 = tpu.memref_squeeze %dma_start3A_312 : memref<1x128x128xf32, #tpu.memory_space<vmem>> -> memref<128x128xf32, #tpu.memory_space<vmem>>
        %dma_start3A_314 = arith.constant 0 : i32
        %dma_start3A_315 = tpu.memref_slice %arg6[%dma_start3A_307, %dma_start3A_314] : memref<4x128xi32, #tpu.memory_space<vmem>> -> memref<1x128xi32, #tpu.memory_space<vmem>>
        %dma_start3A_316 = tpu.memref_squeeze %dma_start3A_315 : memref<1x128xi32, #tpu.memory_space<vmem>> -> memref<128xi32, #tpu.memory_space<vmem>>
        %dma_start3A_317 = arith.constant 0 : i32
        %dma_start3A_318 = arith.constant 0 : i32
        %dma_start3A_319 = tpu.memref_slice %arg2[%dma_start3A_317, %dma_start3A_318] : memref<10000x128xf32, #tpu.memory_space<hbm>> -> memref<10000x128xf32, #tpu.memory_space<hbm>>
        %dma_start3A_320 = tpu.memref_slice %arg10[%dma_start3A_309] : memref<2x!tpu.dma_semaphore, #tpu.memory_space<semaphore_mem>> -> memref<1x!tpu.dma_semaphore, #tpu.memory_space<semaphore_mem>>
        %dma_start3A_321 = tpu.memref_squeeze %dma_start3A_320 : memref<1x!tpu.dma_semaphore, #tpu.memory_space<semaphore_mem>> -> memref<!tpu.dma_semaphore, #tpu.memory_space<semaphore_mem>>
        tpu.enqueue_indirect_dma source(%dma_start3A_319 : memref<10000x128xf32, #tpu.memory_space<hbm>>) target(%dma_start3A_313 : memref<128x128xf32, #tpu.memory_space<vmem>>) offsets(%dma_start3A_316 : memref<128xi32, #tpu.memory_space<vmem>>) semaphore(%dma_start3A_321 : memref<!tpu.dma_semaphore, #tpu.memory_space<semaphore_mem>>)
      } else {
      }
      %scan3A_289 = arith.constant 0 : i32
      scf.yield %scan3A_289 : i32
    }
    %scan3A_160 = arith.constant 20 : i32
    %barrier3A_161 = arith.constant 0 : index
    tpu.barrier barrier_id(%barrier3A_161)
    "tpu.region"() ({
      %run_scoped3A_162 = tpu.sem_alloc : memref<!tpu.dma_semaphore, #tpu.memory_space<semaphore_mem>>
      %dma_start3A_163 = arith.constant 0 : i32
      %dma_start3A_164 = tpu.memref_slice %arg5[%arg0, %mul3A_9, %dma_start3A_163] : memref<2x10240x128xf32, #tpu.memory_space<hbm>> -> memref<1x640x128xf32, #tpu.memory_space<hbm>>
      %dma_start3A_165 = tpu.memref_squeeze %dma_start3A_164 : memref<1x640x128xf32, #tpu.memory_space<hbm>> -> memref<640x128xf32, #tpu.memory_space<hbm>>
      %dma_start3A_166 = arith.constant 0 : i32
      %dma_start3A_167 = tpu.memref_slice %arg9[%mul3A_9, %dma_start3A_166] : memref<10240x128xf32, #tpu.memory_space<vmem_shared>> -> memref<640x128xf32, #tpu.memory_space<vmem_shared>>
      tpu.enqueue_dma source(%dma_start3A_167 : memref<640x128xf32, #tpu.memory_space<vmem_shared>>) target(%dma_start3A_165 : memref<640x128xf32, #tpu.memory_space<hbm>>) target_semaphore(%run_scoped3A_162 : memref<!tpu.dma_semaphore, #tpu.memory_space<semaphore_mem>>)
      %dma_wait3A_168 = arith.constant 0 : i32
      %dma_wait3A_169 = tpu.memref_slice %arg5[%arg0, %mul3A_9, %dma_wait3A_168] : memref<2x10240x128xf32, #tpu.memory_space<hbm>> -> memref<1x640x128xf32, #tpu.memory_space<hbm>>
      %dma_wait3A_170 = tpu.memref_squeeze %dma_wait3A_169 : memref<1x640x128xf32, #tpu.memory_space<hbm>> -> memref<640x128xf32, #tpu.memory_space<hbm>>
      %dma_wait3A_171 = arith.constant 0 : i32
      %dma_wait3A_172 = tpu.memref_slice %arg9[%mul3A_9, %dma_wait3A_171] : memref<10240x128xf32, #tpu.memory_space<vmem_shared>> -> memref<640x128xf32, #tpu.memory_space<vmem_shared>>
      tpu.wait_dma2 semaphore(%run_scoped3A_162 : memref<!tpu.dma_semaphore, #tpu.memory_space<semaphore_mem>>) src(%dma_wait3A_172 : memref<640x128xf32, #tpu.memory_space<vmem_shared>>) dst(%dma_wait3A_170 : memref<640x128xf32, #tpu.memory_space<hbm>>)
      tpu.yield
    }) : () -> ()
    return
  }
}

#map = affine_map<(d0, d1) -> (0, 0)>
#map1 = affine_map<(d0, d1) -> (0, 0, 0)>
module attributes {stable_mosaic.version = 14 : i64} {
  func.func @_sc_agg_body(%arg0: i32, %arg1: i32, %arg2: memref<10000x128xf32, #tpu.memory_space<hbm>>, %arg3: memref<32x80x128xi32, #tpu.memory_space<hbm>>, %arg4: memref<32x80x128xi32, #tpu.memory_space<hbm>>, %arg5: memref<2x10240x128xf32, #tpu.memory_space<hbm>>, %arg6: memref<4x128xi32, #tpu.memory_space<vmem>>, %arg7: memref<80x128xi32, #tpu.memory_space<vmem>>, %arg8: memref<2x128x128xf32, #tpu.memory_space<vmem>>, %arg9: memref<10240x128xf32, #tpu.memory_space<vmem_shared>>, %arg10: memref<2x!tpu.dma_semaphore, #tpu.memory_space<semaphore_mem>>, %arg11: memref<4x!tpu.dma_semaphore, #tpu.memory_space<semaphore_mem>>) attributes {dimension_semantics = [#tpu.dimension_semantics<core_parallel>, #tpu.dimension_semantics<subcore_parallel>], iteration_bounds = array<i64: 2, 16>, scalar_prefetch = 0 : i64, scratch_operands = 6 : i64, tpu.core_type = #tpu.core_type<sc_vector_subcore>, window_params = [{transform_indices = #map}, {transform_indices = #map1}, {transform_indices = #map1}, {transform_indices = #map1}]} {
    %mul3A = arith.constant 2 : i32
    %mul3A_0 = arith.muli %arg1, %mul3A : i32
    %add3A = arith.addi %mul3A_0, %arg0 : i32
    %scan3A = arith.constant 0 : i32
    %scan3A_1 = arith.constant 0 : i32
    %scan3A_2 = arith.constant 0 : i32
    %scan3A_3 = arith.constant 128 : i32
    %scan3A_4 = arith.addi %scan3A_2, %scan3A_3 : i32
    %scan3A_5 = arith.constant 1 : i32
    %scan3A_6 = scf.for %scan3A_162 = %scan3A_2 to %scan3A_4 step %scan3A_5 iter_args(%scan3A_163 = %scan3A_1) -> (i32)  : i32 {
      %scan3A_164 = arith.constant 0 : i32
      %scan3A_165 = arith.constant 0 : i32
      %scan3A_166 = arith.constant 8 : i32
      %scan3A_167 = arith.addi %scan3A_165, %scan3A_166 : i32
      %scan3A_168 = arith.constant 1 : i32
      %scan3A_169 = scf.for %scan3A_171 = %scan3A_165 to %scan3A_167 step %scan3A_168 iter_args(%scan3A_172 = %scan3A_164) -> (i32)  : i32 {
        %broadcast_in_dim3A = arith.constant 0.000000e+00 : f32
        %broadcast_in_dim3A_173 = vector.broadcast %broadcast_in_dim3A : f32 to vector<16xf32>
        %mul3A_174 = arith.constant 16 : i32
        %mul3A_175 = arith.muli %scan3A_171, %mul3A_174 : i32
        %swap3A = arith.constant 0 : i32
        %swap3A_176 = arith.constant 0 : i32
        %swap3A_177 = tpu.memref_slice %arg8[%scan3A, %swap3A, %swap3A_176] : memref<2x128x128xf32, #tpu.memory_space<vmem>> -> memref<1x128x128xf32, #tpu.memory_space<vmem>>
        %swap3A_178 = tpu.memref_squeeze %swap3A_177 : memref<1x128x128xf32, #tpu.memory_space<vmem>> -> memref<128x128xf32, #tpu.memory_space<vmem>>
        %swap3A_179 = arith.index_cast %scan3A_162 : i32 to index
        %swap3A_180 = arith.index_cast %mul3A_175 : i32 to index
        %swap3A_181 = tpu.vector_load %swap3A_178[%swap3A_179, %swap3A_180] {strides = array<i32>} : memref<128x128xf32, #tpu.memory_space<vmem>>, vector<1x16xf32>,
        %swap3A_182 = vector.shape_cast %swap3A_181 : vector<1x16xf32> to vector<16xf32>
        %swap3A_183 = vector.shape_cast %broadcast_in_dim3A_173 : vector<16xf32> to vector<1x16xf32>
        tpu.vector_store %swap3A_178[%swap3A_179, %swap3A_180], %swap3A_183 {strides = array<i32>} : memref<128x128xf32, #tpu.memory_space<vmem>>, vector<1x16xf32>,
        %scan3A_184 = arith.constant 0 : i32
        scf.yield %scan3A_184 : i32
      }
      %scan3A_170 = arith.constant 8 : i32
      scf.yield %scan3A_169 : i32
    }
    %scan3A_7 = arith.constant 128 : i32
    %mul3A_8 = arith.constant 640 : i32
    %mul3A_9 = arith.muli %arg1, %mul3A_8 : i32
    %add3A_10 = arith.constant 0 : i32
    %add3A_11 = arith.addi %mul3A_9, %add3A_10 : i32
    %run_scoped3A = arith.constant 0 : i32
    "tpu.region"() ({
      %run_scoped3A_162 = tpu.sem_alloc : memref<!tpu.dma_semaphore, #tpu.memory_space<semaphore_mem>>
      %dma_start3A_163 = arith.constant 0 : i32
      %dma_start3A_164 = arith.constant 0 : i32
      %dma_start3A_165 = tpu.memref_slice %arg8[%run_scoped3A, %dma_start3A_163, %dma_start3A_164] : memref<2x128x128xf32, #tpu.memory_space<vmem>> -> memref<1x128x128xf32, #tpu.memory_space<vmem>>
      %dma_start3A_166 = tpu.memref_squeeze %dma_start3A_165 : memref<1x128x128xf32, #tpu.memory_space<vmem>> -> memref<128x128xf32, #tpu.memory_space<vmem>>
      %dma_start3A_167 = arith.constant 0 : i32
      %dma_start3A_168 = tpu.memref_slice %arg9[%add3A_11, %dma_start3A_167] : memref<10240x128xf32, #tpu.memory_space<vmem_shared>> -> memref<128x128xf32, #tpu.memory_space<vmem_shared>>
      %dma_start3A_169 = arith.constant 0 : i32
      %dma_start3A_170 = tpu.memref_slice %arg9[%add3A_11, %dma_start3A_169] : memref<10240x128xf32, #tpu.memory_space<vmem_shared>> -> memref<128x128xf32, #tpu.memory_space<vmem_shared>>
      %dma_start3A_171 = arith.constant 0 : i32
      %dma_start3A_172 = arith.constant 0 : i32
      %dma_start3A_173 = tpu.memref_slice %arg8[%run_scoped3A, %dma_start3A_171, %dma_start3A_172] : memref<2x128x128xf32, #tpu.memory_space<vmem>> -> memref<1x128x128xf32, #tpu.memory_space<vmem>>
      %dma_start3A_174 = tpu.memref_squeeze %dma_start3A_173 : memref<1x128x128xf32, #tpu.memory_space<vmem>> -> memref<128x128xf32, #tpu.memory_space<vmem>>
      tpu.enqueue_dma source(%dma_start3A_174 : memref<128x128xf32, #tpu.memory_space<vmem>>) target(%dma_start3A_170 : memref<128x128xf32, #tpu.memory_space<vmem_shared>>) target_semaphore(%run_scoped3A_162 : memref<!tpu.dma_semaphore, #tpu.memory_space<semaphore_mem>>)
      %dma_wait3A_175 = arith.constant 0 : i32
      %dma_wait3A_176 = arith.constant 0 : i32
      %dma_wait3A_177 = tpu.memref_slice %arg8[%run_scoped3A, %dma_wait3A_175, %dma_wait3A_176] : memref<2x128x128xf32, #tpu.memory_space<vmem>> -> memref<1x128x128xf32, #tpu.memory_space<vmem>>
      %dma_wait3A_178 = tpu.memref_squeeze %dma_wait3A_177 : memref<1x128x128xf32, #tpu.memory_space<vmem>> -> memref<128x128xf32, #tpu.memory_space<vmem>>
      %dma_wait3A_179 = arith.constant 0 : i32
      %dma_wait3A_180 = tpu.memref_slice %arg9[%add3A_11, %dma_wait3A_179] : memref<10240x128xf32, #tpu.memory_space<vmem_shared>> -> memref<128x128xf32, #tpu.memory_space<vmem_shared>>
      %dma_wait3A_181 = arith.constant 0 : i32
      %dma_wait3A_182 = tpu.memref_slice %arg9[%add3A_11, %dma_wait3A_181] : memref<10240x128xf32, #tpu.memory_space<vmem_shared>> -> memref<128x128xf32, #tpu.memory_space<vmem_shared>>
      %dma_wait3A_183 = arith.constant 0 : i32
      %dma_wait3A_184 = arith.constant 0 : i32
      %dma_wait3A_185 = tpu.memref_slice %arg8[%run_scoped3A, %dma_wait3A_183, %dma_wait3A_184] : memref<2x128x128xf32, #tpu.memory_space<vmem>> -> memref<1x128x128xf32, #tpu.memory_space<vmem>>
      %dma_wait3A_186 = tpu.memref_squeeze %dma_wait3A_185 : memref<1x128x128xf32, #tpu.memory_space<vmem>> -> memref<128x128xf32, #tpu.memory_space<vmem>>
      tpu.wait_dma2 semaphore(%run_scoped3A_162 : memref<!tpu.dma_semaphore, #tpu.memory_space<semaphore_mem>>) src(%dma_wait3A_186 : memref<128x128xf32, #tpu.memory_space<vmem>>) dst(%dma_wait3A_182 : memref<128x128xf32, #tpu.memory_space<vmem_shared>>)
      tpu.yield
    }) : () -> ()
    %add3A_12 = arith.constant 128 : i32
    %add3A_13 = arith.addi %mul3A_9, %add3A_12 : i32
    %run_scoped3A_14 = arith.constant 0 : i32
    "tpu.region"() ({
      %run_scoped3A_162 = tpu.sem_alloc : memref<!tpu.dma_semaphore, #tpu.memory_space<semaphore_mem>>
      %dma_start3A_163 = arith.constant 0 : i32
      %dma_start3A_164 = arith.constant 0 : i32
      %dma_start3A_165 = tpu.memref_slice %arg8[%run_scoped3A_14, %dma_start3A_163, %dma_start3A_164] : memref<2x128x128xf32, #tpu.memory_space<vmem>> -> memref<1x128x128xf32, #tpu.memory_space<vmem>>
      %dma_start3A_166 = tpu.memref_squeeze %dma_start3A_165 : memref<1x128x128xf32, #tpu.memory_space<vmem>> -> memref<128x128xf32, #tpu.memory_space<vmem>>
      %dma_start3A_167 = arith.constant 0 : i32
      %dma_start3A_168 = tpu.memref_slice %arg9[%add3A_13, %dma_start3A_167] : memref<10240x128xf32, #tpu.memory_space<vmem_shared>> -> memref<128x128xf32, #tpu.memory_space<vmem_shared>>
      %dma_start3A_169 = arith.constant 0 : i32
      %dma_start3A_170 = tpu.memref_slice %arg9[%add3A_13, %dma_start3A_169] : memref<10240x128xf32, #tpu.memory_space<vmem_shared>> -> memref<128x128xf32, #tpu.memory_space<vmem_shared>>
      %dma_start3A_171 = arith.constant 0 : i32
      %dma_start3A_172 = arith.constant 0 : i32
      %dma_start3A_173 = tpu.memref_slice %arg8[%run_scoped3A_14, %dma_start3A_171, %dma_start3A_172] : memref<2x128x128xf32, #tpu.memory_space<vmem>> -> memref<1x128x128xf32, #tpu.memory_space<vmem>>
      %dma_start3A_174 = tpu.memref_squeeze %dma_start3A_173 : memref<1x128x128xf32, #tpu.memory_space<vmem>> -> memref<128x128xf32, #tpu.memory_space<vmem>>
      tpu.enqueue_dma source(%dma_start3A_174 : memref<128x128xf32, #tpu.memory_space<vmem>>) target(%dma_start3A_170 : memref<128x128xf32, #tpu.memory_space<vmem_shared>>) target_semaphore(%run_scoped3A_162 : memref<!tpu.dma_semaphore, #tpu.memory_space<semaphore_mem>>)
      %dma_wait3A_175 = arith.constant 0 : i32
      %dma_wait3A_176 = arith.constant 0 : i32
      %dma_wait3A_177 = tpu.memref_slice %arg8[%run_scoped3A_14, %dma_wait3A_175, %dma_wait3A_176] : memref<2x128x128xf32, #tpu.memory_space<vmem>> -> memref<1x128x128xf32, #tpu.memory_space<vmem>>
      %dma_wait3A_178 = tpu.memref_squeeze %dma_wait3A_177 : memref<1x128x128xf32, #tpu.memory_space<vmem>> -> memref<128x128xf32, #tpu.memory_space<vmem>>
      %dma_wait3A_179 = arith.constant 0 : i32
      %dma_wait3A_180 = tpu.memref_slice %arg9[%add3A_13, %dma_wait3A_179] : memref<10240x128xf32, #tpu.memory_space<vmem_shared>> -> memref<128x128xf32, #tpu.memory_space<vmem_shared>>
      %dma_wait3A_181 = arith.constant 0 : i32
      %dma_wait3A_182 = tpu.memref_slice %arg9[%add3A_13, %dma_wait3A_181] : memref<10240x128xf32, #tpu.memory_space<vmem_shared>> -> memref<128x128xf32, #tpu.memory_space<vmem_shared>>
      %dma_wait3A_183 = arith.constant 0 : i32
      %dma_wait3A_184 = arith.constant 0 : i32
      %dma_wait3A_185 = tpu.memref_slice %arg8[%run_scoped3A_14, %dma_wait3A_183, %dma_wait3A_184] : memref<2x128x128xf32, #tpu.memory_space<vmem>> -> memref<1x128x128xf32, #tpu.memory_space<vmem>>
      %dma_wait3A_186 = tpu.memref_squeeze %dma_wait3A_185 : memref<1x128x128xf32, #tpu.memory_space<vmem>> -> memref<128x128xf32, #tpu.memory_space<vmem>>
      tpu.wait_dma2 semaphore(%run_scoped3A_162 : memref<!tpu.dma_semaphore, #tpu.memory_space<semaphore_mem>>) src(%dma_wait3A_186 : memref<128x128xf32, #tpu.memory_space<vmem>>) dst(%dma_wait3A_182 : memref<128x128xf32, #tpu.memory_space<vmem_shared>>)
      tpu.yield
    }) : () -> ()
    %add3A_15 = arith.constant 256 : i32
    %add3A_16 = arith.addi %mul3A_9, %add3A_15 : i32
    %run_scoped3A_17 = arith.constant 0 : i32
    "tpu.region"() ({
      %run_scoped3A_162 = tpu.sem_alloc : memref<!tpu.dma_semaphore, #tpu.memory_space<semaphore_mem>>
      %dma_start3A_163 = arith.constant 0 : i32
      %dma_start3A_164 = arith.constant 0 : i32
      %dma_start3A_165 = tpu.memref_slice %arg8[%run_scoped3A_17, %dma_start3A_163, %dma_start3A_164] : memref<2x128x128xf32, #tpu.memory_space<vmem>> -> memref<1x128x128xf32, #tpu.memory_space<vmem>>
      %dma_start3A_166 = tpu.memref_squeeze %dma_start3A_165 : memref<1x128x128xf32, #tpu.memory_space<vmem>> -> memref<128x128xf32, #tpu.memory_space<vmem>>
      %dma_start3A_167 = arith.constant 0 : i32
      %dma_start3A_168 = tpu.memref_slice %arg9[%add3A_16, %dma_start3A_167] : memref<10240x128xf32, #tpu.memory_space<vmem_shared>> -> memref<128x128xf32, #tpu.memory_space<vmem_shared>>
      %dma_start3A_169 = arith.constant 0 : i32
      %dma_start3A_170 = tpu.memref_slice %arg9[%add3A_16, %dma_start3A_169] : memref<10240x128xf32, #tpu.memory_space<vmem_shared>> -> memref<128x128xf32, #tpu.memory_space<vmem_shared>>
      %dma_start3A_171 = arith.constant 0 : i32
      %dma_start3A_172 = arith.constant 0 : i32
      %dma_start3A_173 = tpu.memref_slice %arg8[%run_scoped3A_17, %dma_start3A_171, %dma_start3A_172] : memref<2x128x128xf32, #tpu.memory_space<vmem>> -> memref<1x128x128xf32, #tpu.memory_space<vmem>>
      %dma_start3A_174 = tpu.memref_squeeze %dma_start3A_173 : memref<1x128x128xf32, #tpu.memory_space<vmem>> -> memref<128x128xf32, #tpu.memory_space<vmem>>
      tpu.enqueue_dma source(%dma_start3A_174 : memref<128x128xf32, #tpu.memory_space<vmem>>) target(%dma_start3A_170 : memref<128x128xf32, #tpu.memory_space<vmem_shared>>) target_semaphore(%run_scoped3A_162 : memref<!tpu.dma_semaphore, #tpu.memory_space<semaphore_mem>>)
      %dma_wait3A_175 = arith.constant 0 : i32
      %dma_wait3A_176 = arith.constant 0 : i32
      %dma_wait3A_177 = tpu.memref_slice %arg8[%run_scoped3A_17, %dma_wait3A_175, %dma_wait3A_176] : memref<2x128x128xf32, #tpu.memory_space<vmem>> -> memref<1x128x128xf32, #tpu.memory_space<vmem>>
      %dma_wait3A_178 = tpu.memref_squeeze %dma_wait3A_177 : memref<1x128x128xf32, #tpu.memory_space<vmem>> -> memref<128x128xf32, #tpu.memory_space<vmem>>
      %dma_wait3A_179 = arith.constant 0 : i32
      %dma_wait3A_180 = tpu.memref_slice %arg9[%add3A_16, %dma_wait3A_179] : memref<10240x128xf32, #tpu.memory_space<vmem_shared>> -> memref<128x128xf32, #tpu.memory_space<vmem_shared>>
      %dma_wait3A_181 = arith.constant 0 : i32
      %dma_wait3A_182 = tpu.memref_slice %arg9[%add3A_16, %dma_wait3A_181] : memref<10240x128xf32, #tpu.memory_space<vmem_shared>> -> memref<128x128xf32, #tpu.memory_space<vmem_shared>>
      %dma_wait3A_183 = arith.constant 0 : i32
      %dma_wait3A_184 = arith.constant 0 : i32
      %dma_wait3A_185 = tpu.memref_slice %arg8[%run_scoped3A_17, %dma_wait3A_183, %dma_wait3A_184] : memref<2x128x128xf32, #tpu.memory_space<vmem>> -> memref<1x128x128xf32, #tpu.memory_space<vmem>>
      %dma_wait3A_186 = tpu.memref_squeeze %dma_wait3A_185 : memref<1x128x128xf32, #tpu.memory_space<vmem>> -> memref<128x128xf32, #tpu.memory_space<vmem>>
      tpu.wait_dma2 semaphore(%run_scoped3A_162 : memref<!tpu.dma_semaphore, #tpu.memory_space<semaphore_mem>>) src(%dma_wait3A_186 : memref<128x128xf32, #tpu.memory_space<vmem>>) dst(%dma_wait3A_182 : memref<128x128xf32, #tpu.memory_space<vmem_shared>>)
      tpu.yield
    }) : () -> ()
    %add3A_18 = arith.constant 384 : i32
    %add3A_19 = arith.addi %mul3A_9, %add3A_18 : i32
    %run_scoped3A_20 = arith.constant 0 : i32
    "tpu.region"() ({
      %run_scoped3A_162 = tpu.sem_alloc : memref<!tpu.dma_semaphore, #tpu.memory_space<semaphore_mem>>
      %dma_start3A_163 = arith.constant 0 : i32
      %dma_start3A_164 = arith.constant 0 : i32
      %dma_start3A_165 = tpu.memref_slice %arg8[%run_scoped3A_20, %dma_start3A_163, %dma_start3A_164] : memref<2x128x128xf32, #tpu.memory_space<vmem>> -> memref<1x128x128xf32, #tpu.memory_space<vmem>>
      %dma_start3A_166 = tpu.memref_squeeze %dma_start3A_165 : memref<1x128x128xf32, #tpu.memory_space<vmem>> -> memref<128x128xf32, #tpu.memory_space<vmem>>
      %dma_start3A_167 = arith.constant 0 : i32
      %dma_start3A_168 = tpu.memref_slice %arg9[%add3A_19, %dma_start3A_167] : memref<10240x128xf32, #tpu.memory_space<vmem_shared>> -> memref<128x128xf32, #tpu.memory_space<vmem_shared>>
      %dma_start3A_169 = arith.constant 0 : i32
      %dma_start3A_170 = tpu.memref_slice %arg9[%add3A_19, %dma_start3A_169] : memref<10240x128xf32, #tpu.memory_space<vmem_shared>> -> memref<128x128xf32, #tpu.memory_space<vmem_shared>>
      %dma_start3A_171 = arith.constant 0 : i32
      %dma_start3A_172 = arith.constant 0 : i32
      %dma_start3A_173 = tpu.memref_slice %arg8[%run_scoped3A_20, %dma_start3A_171, %dma_start3A_172] : memref<2x128x128xf32, #tpu.memory_space<vmem>> -> memref<1x128x128xf32, #tpu.memory_space<vmem>>
      %dma_start3A_174 = tpu.memref_squeeze %dma_start3A_173 : memref<1x128x128xf32, #tpu.memory_space<vmem>> -> memref<128x128xf32, #tpu.memory_space<vmem>>
      tpu.enqueue_dma source(%dma_start3A_174 : memref<128x128xf32, #tpu.memory_space<vmem>>) target(%dma_start3A_170 : memref<128x128xf32, #tpu.memory_space<vmem_shared>>) target_semaphore(%run_scoped3A_162 : memref<!tpu.dma_semaphore, #tpu.memory_space<semaphore_mem>>)
      %dma_wait3A_175 = arith.constant 0 : i32
      %dma_wait3A_176 = arith.constant 0 : i32
      %dma_wait3A_177 = tpu.memref_slice %arg8[%run_scoped3A_20, %dma_wait3A_175, %dma_wait3A_176] : memref<2x128x128xf32, #tpu.memory_space<vmem>> -> memref<1x128x128xf32, #tpu.memory_space<vmem>>
      %dma_wait3A_178 = tpu.memref_squeeze %dma_wait3A_177 : memref<1x128x128xf32, #tpu.memory_space<vmem>> -> memref<128x128xf32, #tpu.memory_space<vmem>>
      %dma_wait3A_179 = arith.constant 0 : i32
      %dma_wait3A_180 = tpu.memref_slice %arg9[%add3A_19, %dma_wait3A_179] : memref<10240x128xf32, #tpu.memory_space<vmem_shared>> -> memref<128x128xf32, #tpu.memory_space<vmem_shared>>
      %dma_wait3A_181 = arith.constant 0 : i32
      %dma_wait3A_182 = tpu.memref_slice %arg9[%add3A_19, %dma_wait3A_181] : memref<10240x128xf32, #tpu.memory_space<vmem_shared>> -> memref<128x128xf32, #tpu.memory_space<vmem_shared>>
      %dma_wait3A_183 = arith.constant 0 : i32
      %dma_wait3A_184 = arith.constant 0 : i32
      %dma_wait3A_185 = tpu.memref_slice %arg8[%run_scoped3A_20, %dma_wait3A_183, %dma_wait3A_184] : memref<2x128x128xf32, #tpu.memory_space<vmem>> -> memref<1x128x128xf32, #tpu.memory_space<vmem>>
      %dma_wait3A_186 = tpu.memref_squeeze %dma_wait3A_185 : memref<1x128x128xf32, #tpu.memory_space<vmem>> -> memref<128x128xf32, #tpu.memory_space<vmem>>
      tpu.wait_dma2 semaphore(%run_scoped3A_162 : memref<!tpu.dma_semaphore, #tpu.memory_space<semaphore_mem>>) src(%dma_wait3A_186 : memref<128x128xf32, #tpu.memory_space<vmem>>) dst(%dma_wait3A_182 : memref<128x128xf32, #tpu.memory_space<vmem_shared>>)
      tpu.yield
    }) : () -> ()
    %add3A_21 = arith.constant 512 : i32
    %add3A_22 = arith.addi %mul3A_9, %add3A_21 : i32
    %run_scoped3A_23 = arith.constant 0 : i32
    "tpu.region"() ({
      %run_scoped3A_162 = tpu.sem_alloc : memref<!tpu.dma_semaphore, #tpu.memory_space<semaphore_mem>>
      %dma_start3A_163 = arith.constant 0 : i32
      %dma_start3A_164 = arith.constant 0 : i32
      %dma_start3A_165 = tpu.memref_slice %arg8[%run_scoped3A_23, %dma_start3A_163, %dma_start3A_164] : memref<2x128x128xf32, #tpu.memory_space<vmem>> -> memref<1x128x128xf32, #tpu.memory_space<vmem>>
      %dma_start3A_166 = tpu.memref_squeeze %dma_start3A_165 : memref<1x128x128xf32, #tpu.memory_space<vmem>> -> memref<128x128xf32, #tpu.memory_space<vmem>>
      %dma_start3A_167 = arith.constant 0 : i32
      %dma_start3A_168 = tpu.memref_slice %arg9[%add3A_22, %dma_start3A_167] : memref<10240x128xf32, #tpu.memory_space<vmem_shared>> -> memref<128x128xf32, #tpu.memory_space<vmem_shared>>
      %dma_start3A_169 = arith.constant 0 : i32
      %dma_start3A_170 = tpu.memref_slice %arg9[%add3A_22, %dma_start3A_169] : memref<10240x128xf32, #tpu.memory_space<vmem_shared>> -> memref<128x128xf32, #tpu.memory_space<vmem_shared>>
      %dma_start3A_171 = arith.constant 0 : i32
      %dma_start3A_172 = arith.constant 0 : i32
      %dma_start3A_173 = tpu.memref_slice %arg8[%run_scoped3A_23, %dma_start3A_171, %dma_start3A_172] : memref<2x128x128xf32, #tpu.memory_space<vmem>> -> memref<1x128x128xf32, #tpu.memory_space<vmem>>
      %dma_start3A_174 = tpu.memref_squeeze %dma_start3A_173 : memref<1x128x128xf32, #tpu.memory_space<vmem>> -> memref<128x128xf32, #tpu.memory_space<vmem>>
      tpu.enqueue_dma source(%dma_start3A_174 : memref<128x128xf32, #tpu.memory_space<vmem>>) target(%dma_start3A_170 : memref<128x128xf32, #tpu.memory_space<vmem_shared>>) target_semaphore(%run_scoped3A_162 : memref<!tpu.dma_semaphore, #tpu.memory_space<semaphore_mem>>)
      %dma_wait3A_175 = arith.constant 0 : i32
      %dma_wait3A_176 = arith.constant 0 : i32
      %dma_wait3A_177 = tpu.memref_slice %arg8[%run_scoped3A_23, %dma_wait3A_175, %dma_wait3A_176] : memref<2x128x128xf32, #tpu.memory_space<vmem>> -> memref<1x128x128xf32, #tpu.memory_space<vmem>>
      %dma_wait3A_178 = tpu.memref_squeeze %dma_wait3A_177 : memref<1x128x128xf32, #tpu.memory_space<vmem>> -> memref<128x128xf32, #tpu.memory_space<vmem>>
      %dma_wait3A_179 = arith.constant 0 : i32
      %dma_wait3A_180 = tpu.memref_slice %arg9[%add3A_22, %dma_wait3A_179] : memref<10240x128xf32, #tpu.memory_space<vmem_shared>> -> memref<128x128xf32, #tpu.memory_space<vmem_shared>>
      %dma_wait3A_181 = arith.constant 0 : i32
      %dma_wait3A_182 = tpu.memref_slice %arg9[%add3A_22, %dma_wait3A_181] : memref<10240x128xf32, #tpu.memory_space<vmem_shared>> -> memref<128x128xf32, #tpu.memory_space<vmem_shared>>
      %dma_wait3A_183 = arith.constant 0 : i32
      %dma_wait3A_184 = arith.constant 0 : i32
      %dma_wait3A_185 = tpu.memref_slice %arg8[%run_scoped3A_23, %dma_wait3A_183, %dma_wait3A_184] : memref<2x128x128xf32, #tpu.memory_space<vmem>> -> memref<1x128x128xf32, #tpu.memory_space<vmem>>
      %dma_wait3A_186 = tpu.memref_squeeze %dma_wait3A_185 : memref<1x128x128xf32, #tpu.memory_space<vmem>> -> memref<128x128xf32, #tpu.memory_space<vmem>>
      tpu.wait_dma2 semaphore(%run_scoped3A_162 : memref<!tpu.dma_semaphore, #tpu.memory_space<semaphore_mem>>) src(%dma_wait3A_186 : memref<128x128xf32, #tpu.memory_space<vmem>>) dst(%dma_wait3A_182 : memref<128x128xf32, #tpu.memory_space<vmem_shared>>)
      tpu.yield
    }) : () -> ()
    "tpu.region"() ({
      %run_scoped3A_162 = tpu.sem_alloc : memref<!tpu.dma_semaphore, #tpu.memory_space<semaphore_mem>>
      %dma_start3A_163 = arith.constant 0 : i32
      %dma_start3A_164 = arith.constant 0 : i32
      %dma_start3A_165 = tpu.memref_slice %arg4[%add3A, %dma_start3A_163, %dma_start3A_164] : memref<32x80x128xi32, #tpu.memory_space<hbm>> -> memref<1x80x128xi32, #tpu.memory_space<hbm>>
      %dma_start3A_166 = tpu.memref_squeeze %dma_start3A_165 : memref<1x80x128xi32, #tpu.memory_space<hbm>> -> memref<80x128xi32, #tpu.memory_space<hbm>>
      %dma_start3A_167 = arith.constant 0 : i32
      %dma_start3A_168 = arith.constant 0 : i32
      %dma_start3A_169 = tpu.memref_slice %arg4[%add3A, %dma_start3A_167, %dma_start3A_168] : memref<32x80x128xi32, #tpu.memory_space<hbm>> -> memref<1x80x128xi32, #tpu.memory_space<hbm>>
      %dma_start3A_170 = tpu.memref_squeeze %dma_start3A_169 : memref<1x80x128xi32, #tpu.memory_space<hbm>> -> memref<80x128xi32, #tpu.memory_space<hbm>>
      tpu.enqueue_dma source(%dma_start3A_170 : memref<80x128xi32, #tpu.memory_space<hbm>>) target(%arg7 : memref<80x128xi32, #tpu.memory_space<vmem>>) target_semaphore(%run_scoped3A_162 : memref<!tpu.dma_semaphore, #tpu.memory_space<semaphore_mem>>)
      %dma_wait3A_171 = arith.constant 0 : i32
      %dma_wait3A_172 = arith.constant 0 : i32
      %dma_wait3A_173 = tpu.memref_slice %arg4[%add3A, %dma_wait3A_171, %dma_wait3A_172] : memref<32x80x128xi32, #tpu.memory_space<hbm>> -> memref<1x80x128xi32, #tpu.memory_space<hbm>>
      %dma_wait3A_174 = tpu.memref_squeeze %dma_wait3A_173 : memref<1x80x128xi32, #tpu.memory_space<hbm>> -> memref<80x128xi32, #tpu.memory_space<hbm>>
      %dma_wait3A_175 = arith.constant 0 : i32
      %dma_wait3A_176 = arith.constant 0 : i32
      %dma_wait3A_177 = tpu.memref_slice %arg4[%add3A, %dma_wait3A_175, %dma_wait3A_176] : memref<32x80x128xi32, #tpu.memory_space<hbm>> -> memref<1x80x128xi32, #tpu.memory_space<hbm>>
      %dma_wait3A_178 = tpu.memref_squeeze %dma_wait3A_177 : memref<1x80x128xi32, #tpu.memory_space<hbm>> -> memref<80x128xi32, #tpu.memory_space<hbm>>
      tpu.wait_dma2 semaphore(%run_scoped3A_162 : memref<!tpu.dma_semaphore, #tpu.memory_space<semaphore_mem>>) src(%dma_wait3A_178 : memref<80x128xi32, #tpu.memory_space<hbm>>) dst(%arg7 : memref<80x128xi32, #tpu.memory_space<vmem>>)
      tpu.yield
    }) : () -> ()
    %dma_start3A = arith.constant 0 : i32
    %dma_start3A_24 = arith.constant 0 : i32
    %dma_start3A_25 = arith.constant 0 : i32
    %dma_start3A_26 = arith.constant 0 : i32
    %dma_start3A_27 = tpu.memref_slice %arg6[%dma_start3A_24, %dma_start3A_26] : memref<4x128xi32, #tpu.memory_space<vmem>> -> memref<1x128xi32, #tpu.memory_space<vmem>>
    %dma_start3A_28 = tpu.memref_squeeze %dma_start3A_27 : memref<1x128xi32, #tpu.memory_space<vmem>> -> memref<128xi32, #tpu.memory_space<vmem>>
    %dma_start3A_29 = arith.constant 0 : i32
    %dma_start3A_30 = tpu.memref_slice %arg3[%add3A, %dma_start3A, %dma_start3A_29] : memref<32x80x128xi32, #tpu.memory_space<hbm>> -> memref<1x1x128xi32, #tpu.memory_space<hbm>>
    %dma_start3A_31 = tpu.memref_squeeze %dma_start3A_30 : memref<1x1x128xi32, #tpu.memory_space<hbm>> -> memref<128xi32, #tpu.memory_space<hbm>>
    %dma_start3A_32 = tpu.memref_slice %arg11[%dma_start3A_25] : memref<4x!tpu.dma_semaphore, #tpu.memory_space<semaphore_mem>> -> memref<1x!tpu.dma_semaphore, #tpu.memory_space<semaphore_mem>>
    %dma_start3A_33 = tpu.memref_squeeze %dma_start3A_32 : memref<1x!tpu.dma_semaphore, #tpu.memory_space<semaphore_mem>> -> memref<!tpu.dma_semaphore, #tpu.memory_space<semaphore_mem>>
    %dma_start3A_34 = arith.constant 0 : i32
    %dma_start3A_35 = tpu.memref_slice %arg6[%dma_start3A_24, %dma_start3A_34] : memref<4x128xi32, #tpu.memory_space<vmem>> -> memref<1x128xi32, #tpu.memory_space<vmem>>
    %dma_start3A_36 = tpu.memref_squeeze %dma_start3A_35 : memref<1x128xi32, #tpu.memory_space<vmem>> -> memref<128xi32, #tpu.memory_space<vmem>>
    %dma_start3A_37 = arith.constant 0 : i32
    %dma_start3A_38 = tpu.memref_slice %arg3[%add3A, %dma_start3A, %dma_start3A_37] : memref<32x80x128xi32, #tpu.memory_space<hbm>> -> memref<1x1x128xi32, #tpu.memory_space<hbm>>
    %dma_start3A_39 = tpu.memref_squeeze %dma_start3A_38 : memref<1x1x128xi32, #tpu.memory_space<hbm>> -> memref<128xi32, #tpu.memory_space<hbm>>
    tpu.enqueue_dma source(%dma_start3A_39 : memref<128xi32, #tpu.memory_space<hbm>>) target(%dma_start3A_36 : memref<128xi32, #tpu.memory_space<vmem>>) target_semaphore(%dma_start3A_33 : memref<!tpu.dma_semaphore, #tpu.memory_space<semaphore_mem>>)
    %dma_start3A_40 = arith.constant 1 : i32
    %dma_start3A_41 = arith.constant 1 : i32
    %dma_start3A_42 = arith.constant 1 : i32
    %dma_start3A_43 = arith.constant 0 : i32
    %dma_start3A_44 = tpu.memref_slice %arg6[%dma_start3A_41, %dma_start3A_43] : memref<4x128xi32, #tpu.memory_space<vmem>> -> memref<1x128xi32, #tpu.memory_space<vmem>>
    %dma_start3A_45 = tpu.memref_squeeze %dma_start3A_44 : memref<1x128xi32, #tpu.memory_space<vmem>> -> memref<128xi32, #tpu.memory_space<vmem>>
    %dma_start3A_46 = arith.constant 0 : i32
    %dma_start3A_47 = tpu.memref_slice %arg3[%add3A, %dma_start3A_40, %dma_start3A_46] : memref<32x80x128xi32, #tpu.memory_space<hbm>> -> memref<1x1x128xi32, #tpu.memory_space<hbm>>
    %dma_start3A_48 = tpu.memref_squeeze %dma_start3A_47 : memref<1x1x128xi32, #tpu.memory_space<hbm>> -> memref<128xi32, #tpu.memory_space<hbm>>
    %dma_start3A_49 = tpu.memref_slice %arg11[%dma_start3A_42] : memref<4x!tpu.dma_semaphore, #tpu.memory_space<semaphore_mem>> -> memref<1x!tpu.dma_semaphore, #tpu.memory_space<semaphore_mem>>
    %dma_start3A_50 = tpu.memref_squeeze %dma_start3A_49 : memref<1x!tpu.dma_semaphore, #tpu.memory_space<semaphore_mem>> -> memref<!tpu.dma_semaphore, #tpu.memory_space<semaphore_mem>>
    %dma_start3A_51 = arith.constant 0 : i32
    %dma_start3A_52 = tpu.memref_slice %arg6[%dma_start3A_41, %dma_start3A_51] : memref<4x128xi32, #tpu.memory_space<vmem>> -> memref<1x128xi32, #tpu.memory_space<vmem>>
    %dma_start3A_53 = tpu.memref_squeeze %dma_start3A_52 : memref<1x128xi32, #tpu.memory_space<vmem>> -> memref<128xi32, #tpu.memory_space<vmem>>
    %dma_start3A_54 = arith.constant 0 : i32
    %dma_start3A_55 = tpu.memref_slice %arg3[%add3A, %dma_start3A_40, %dma_start3A_54] : memref<32x80x128xi32, #tpu.memory_space<hbm>> -> memref<1x1x128xi32, #tpu.memory_space<hbm>>
    %dma_start3A_56 = tpu.memref_squeeze %dma_start3A_55 : memref<1x1x128xi32, #tpu.memory_space<hbm>> -> memref<128xi32, #tpu.memory_space<hbm>>
    tpu.enqueue_dma source(%dma_start3A_56 : memref<128xi32, #tpu.memory_space<hbm>>) target(%dma_start3A_53 : memref<128xi32, #tpu.memory_space<vmem>>) target_semaphore(%dma_start3A_50 : memref<!tpu.dma_semaphore, #tpu.memory_space<semaphore_mem>>)
    %dma_start3A_57 = arith.constant 2 : i32
    %dma_start3A_58 = arith.constant 2 : i32
    %dma_start3A_59 = arith.constant 2 : i32
    %dma_start3A_60 = arith.constant 0 : i32
    %dma_start3A_61 = tpu.memref_slice %arg6[%dma_start3A_58, %dma_start3A_60] : memref<4x128xi32, #tpu.memory_space<vmem>> -> memref<1x128xi32, #tpu.memory_space<vmem>>
    %dma_start3A_62 = tpu.memref_squeeze %dma_start3A_61 : memref<1x128xi32, #tpu.memory_space<vmem>> -> memref<128xi32, #tpu.memory_space<vmem>>
    %dma_start3A_63 = arith.constant 0 : i32
    %dma_start3A_64 = tpu.memref_slice %arg3[%add3A, %dma_start3A_57, %dma_start3A_63] : memref<32x80x128xi32, #tpu.memory_space<hbm>> -> memref<1x1x128xi32, #tpu.memory_space<hbm>>
    %dma_start3A_65 = tpu.memref_squeeze %dma_start3A_64 : memref<1x1x128xi32, #tpu.memory_space<hbm>> -> memref<128xi32, #tpu.memory_space<hbm>>
    %dma_start3A_66 = tpu.memref_slice %arg11[%dma_start3A_59] : memref<4x!tpu.dma_semaphore, #tpu.memory_space<semaphore_mem>> -> memref<1x!tpu.dma_semaphore, #tpu.memory_space<semaphore_mem>>
    %dma_start3A_67 = tpu.memref_squeeze %dma_start3A_66 : memref<1x!tpu.dma_semaphore, #tpu.memory_space<semaphore_mem>> -> memref<!tpu.dma_semaphore, #tpu.memory_space<semaphore_mem>>
    %dma_start3A_68 = arith.constant 0 : i32
    %dma_start3A_69 = tpu.memref_slice %arg6[%dma_start3A_58, %dma_start3A_68] : memref<4x128xi32, #tpu.memory_space<vmem>> -> memref<1x128xi32, #tpu.memory_space<vmem>>
    %dma_start3A_70 = tpu.memref_squeeze %dma_start3A_69 : memref<1x128xi32, #tpu.memory_space<vmem>> -> memref<128xi32, #tpu.memory_space<vmem>>
    %dma_start3A_71 = arith.constant 0 : i32
    %dma_start3A_72 = tpu.memref_slice %arg3[%add3A, %dma_start3A_57, %dma_start3A_71] : memref<32x80x128xi32, #tpu.memory_space<hbm>> -> memref<1x1x128xi32, #tpu.memory_space<hbm>>
    %dma_start3A_73 = tpu.memref_squeeze %dma_start3A_72 : memref<1x1x128xi32, #tpu.memory_space<hbm>> -> memref<128xi32, #tpu.memory_space<hbm>>
    tpu.enqueue_dma source(%dma_start3A_73 : memref<128xi32, #tpu.memory_space<hbm>>) target(%dma_start3A_70 : memref<128xi32, #tpu.memory_space<vmem>>) target_semaphore(%dma_start3A_67 : memref<!tpu.dma_semaphore, #tpu.memory_space<semaphore_mem>>)
    %dma_start3A_74 = arith.constant 3 : i32
    %dma_start3A_75 = arith.constant 3 : i32
    %dma_start3A_76 = arith.constant 3 : i32
    %dma_start3A_77 = arith.constant 0 : i32
    %dma_start3A_78 = tpu.memref_slice %arg6[%dma_start3A_75, %dma_start3A_77] : memref<4x128xi32, #tpu.memory_space<vmem>> -> memref<1x128xi32, #tpu.memory_space<vmem>>
    %dma_start3A_79 = tpu.memref_squeeze %dma_start3A_78 : memref<1x128xi32, #tpu.memory_space<vmem>> -> memref<128xi32, #tpu.memory_space<vmem>>
    %dma_start3A_80 = arith.constant 0 : i32
    %dma_start3A_81 = tpu.memref_slice %arg3[%add3A, %dma_start3A_74, %dma_start3A_80] : memref<32x80x128xi32, #tpu.memory_space<hbm>> -> memref<1x1x128xi32, #tpu.memory_space<hbm>>
    %dma_start3A_82 = tpu.memref_squeeze %dma_start3A_81 : memref<1x1x128xi32, #tpu.memory_space<hbm>> -> memref<128xi32, #tpu.memory_space<hbm>>
    %dma_start3A_83 = tpu.memref_slice %arg11[%dma_start3A_76] : memref<4x!tpu.dma_semaphore, #tpu.memory_space<semaphore_mem>> -> memref<1x!tpu.dma_semaphore, #tpu.memory_space<semaphore_mem>>
    %dma_start3A_84 = tpu.memref_squeeze %dma_start3A_83 : memref<1x!tpu.dma_semaphore, #tpu.memory_space<semaphore_mem>> -> memref<!tpu.dma_semaphore, #tpu.memory_space<semaphore_mem>>
    %dma_start3A_85 = arith.constant 0 : i32
    %dma_start3A_86 = tpu.memref_slice %arg6[%dma_start3A_75, %dma_start3A_85] : memref<4x128xi32, #tpu.memory_space<vmem>> -> memref<1x128xi32, #tpu.memory_space<vmem>>
    %dma_start3A_87 = tpu.memref_squeeze %dma_start3A_86 : memref<1x128xi32, #tpu.memory_space<vmem>> -> memref<128xi32, #tpu.memory_space<vmem>>
    %dma_start3A_88 = arith.constant 0 : i32
    %dma_start3A_89 = tpu.memref_slice %arg3[%add3A, %dma_start3A_74, %dma_start3A_88] : memref<32x80x128xi32, #tpu.memory_space<hbm>> -> memref<1x1x128xi32, #tpu.memory_space<hbm>>
    %dma_start3A_90 = tpu.memref_squeeze %dma_start3A_89 : memref<1x1x128xi32, #tpu.memory_space<hbm>> -> memref<128xi32, #tpu.memory_space<hbm>>
    tpu.enqueue_dma source(%dma_start3A_90 : memref<128xi32, #tpu.memory_space<hbm>>) target(%dma_start3A_87 : memref<128xi32, #tpu.memory_space<vmem>>) target_semaphore(%dma_start3A_84 : memref<!tpu.dma_semaphore, #tpu.memory_space<semaphore_mem>>)
    %barrier3A = arith.constant 0 : index
    tpu.barrier barrier_id(%barrier3A)
    %dma_wait3A = arith.constant 0 : i32
    %dma_wait3A_91 = arith.constant 0 : i32
    %dma_wait3A_92 = arith.constant 0 : i32
    %dma_wait3A_93 = arith.constant 0 : i32
    %dma_wait3A_94 = tpu.memref_slice %arg6[%dma_wait3A_91, %dma_wait3A_93] : memref<4x128xi32, #tpu.memory_space<vmem>> -> memref<1x128xi32, #tpu.memory_space<vmem>>
    %dma_wait3A_95 = tpu.memref_squeeze %dma_wait3A_94 : memref<1x128xi32, #tpu.memory_space<vmem>> -> memref<128xi32, #tpu.memory_space<vmem>>
    %dma_wait3A_96 = arith.constant 0 : i32
    %dma_wait3A_97 = tpu.memref_slice %arg3[%add3A, %dma_wait3A, %dma_wait3A_96] : memref<32x80x128xi32, #tpu.memory_space<hbm>> -> memref<1x1x128xi32, #tpu.memory_space<hbm>>
    %dma_wait3A_98 = tpu.memref_squeeze %dma_wait3A_97 : memref<1x1x128xi32, #tpu.memory_space<hbm>> -> memref<128xi32, #tpu.memory_space<hbm>>
    %dma_wait3A_99 = tpu.memref_slice %arg11[%dma_wait3A_92] : memref<4x!tpu.dma_semaphore, #tpu.memory_space<semaphore_mem>> -> memref<1x!tpu.dma_semaphore, #tpu.memory_space<semaphore_mem>>
    %dma_wait3A_100 = tpu.memref_squeeze %dma_wait3A_99 : memref<1x!tpu.dma_semaphore, #tpu.memory_space<semaphore_mem>> -> memref<!tpu.dma_semaphore, #tpu.memory_space<semaphore_mem>>
    %dma_wait3A_101 = arith.constant 0 : i32
    %dma_wait3A_102 = tpu.memref_slice %arg6[%dma_wait3A_91, %dma_wait3A_101] : memref<4x128xi32, #tpu.memory_space<vmem>> -> memref<1x128xi32, #tpu.memory_space<vmem>>
    %dma_wait3A_103 = tpu.memref_squeeze %dma_wait3A_102 : memref<1x128xi32, #tpu.memory_space<vmem>> -> memref<128xi32, #tpu.memory_space<vmem>>
    %dma_wait3A_104 = arith.constant 0 : i32
    %dma_wait3A_105 = tpu.memref_slice %arg3[%add3A, %dma_wait3A, %dma_wait3A_104] : memref<32x80x128xi32, #tpu.memory_space<hbm>> -> memref<1x1x128xi32, #tpu.memory_space<hbm>>
    %dma_wait3A_106 = tpu.memref_squeeze %dma_wait3A_105 : memref<1x1x128xi32, #tpu.memory_space<hbm>> -> memref<128xi32, #tpu.memory_space<hbm>>
    tpu.wait_dma2 semaphore(%dma_wait3A_100 : memref<!tpu.dma_semaphore, #tpu.memory_space<semaphore_mem>>) src(%dma_wait3A_106 : memref<128xi32, #tpu.memory_space<hbm>>) dst(%dma_wait3A_103 : memref<128xi32, #tpu.memory_space<vmem>>)
    %dma_start3A_107 = arith.constant 0 : i32
    %dma_start3A_108 = arith.constant 0 : i32
    %dma_start3A_109 = arith.constant 0 : i32
    %dma_start3A_110 = arith.constant 0 : i32
    %dma_start3A_111 = arith.constant 0 : i32
    %dma_start3A_112 = tpu.memref_slice %arg8[%dma_start3A_108, %dma_start3A_110, %dma_start3A_111] : memref<2x128x128xf32, #tpu.memory_space<vmem>> -> memref<1x128x128xf32, #tpu.memory_space<vmem>>
    %dma_start3A_113 = tpu.memref_squeeze %dma_start3A_112 : memref<1x128x128xf32, #tpu.memory_space<vmem>> -> memref<128x128xf32, #tpu.memory_space<vmem>>
    %dma_start3A_114 = arith.constant 0 : i32
    %dma_start3A_115 = tpu.memref_slice %arg6[%dma_start3A_107, %dma_start3A_114] : memref<4x128xi32, #tpu.memory_space<vmem>> -> memref<1x128xi32, #tpu.memory_space<vmem>>
    %dma_start3A_116 = tpu.memref_squeeze %dma_start3A_115 : memref<1x128xi32, #tpu.memory_space<vmem>> -> memref<128xi32, #tpu.memory_space<vmem>>
    %dma_start3A_117 = arith.constant 0 : i32
    %dma_start3A_118 = arith.constant 0 : i32
    %dma_start3A_119 = tpu.memref_slice %arg2[%dma_start3A_117, %dma_start3A_118] : memref<10000x128xf32, #tpu.memory_space<hbm>> -> memref<10000x128xf32, #tpu.memory_space<hbm>>
    %dma_start3A_120 = tpu.memref_slice %arg10[%dma_start3A_109] : memref<2x!tpu.dma_semaphore, #tpu.memory_space<semaphore_mem>> -> memref<1x!tpu.dma_semaphore, #tpu.memory_space<semaphore_mem>>
    %dma_start3A_121 = tpu.memref_squeeze %dma_start3A_120 : memref<1x!tpu.dma_semaphore, #tpu.memory_space<semaphore_mem>> -> memref<!tpu.dma_semaphore, #tpu.memory_space<semaphore_mem>>
    tpu.enqueue_indirect_dma source(%dma_start3A_119 : memref<10000x128xf32, #tpu.memory_space<hbm>>) target(%dma_start3A_113 : memref<128x128xf32, #tpu.memory_space<vmem>>) offsets(%dma_start3A_116 : memref<128xi32, #tpu.memory_space<vmem>>) semaphore(%dma_start3A_121 : memref<!tpu.dma_semaphore, #tpu.memory_space<semaphore_mem>>)
    %dma_wait3A_122 = arith.constant 1 : i32
    %dma_wait3A_123 = arith.constant 1 : i32
    %dma_wait3A_124 = arith.constant 1 : i32
    %dma_wait3A_125 = arith.constant 0 : i32
    %dma_wait3A_126 = tpu.memref_slice %arg6[%dma_wait3A_123, %dma_wait3A_125] : memref<4x128xi32, #tpu.memory_space<vmem>> -> memref<1x128xi32, #tpu.memory_space<vmem>>
    %dma_wait3A_127 = tpu.memref_squeeze %dma_wait3A_126 : memref<1x128xi32, #tpu.memory_space<vmem>> -> memref<128xi32, #tpu.memory_space<vmem>>
    %dma_wait3A_128 = arith.constant 0 : i32
    %dma_wait3A_129 = tpu.memref_slice %arg3[%add3A, %dma_wait3A_122, %dma_wait3A_128] : memref<32x80x128xi32, #tpu.memory_space<hbm>> -> memref<1x1x128xi32, #tpu.memory_space<hbm>>
    %dma_wait3A_130 = tpu.memref_squeeze %dma_wait3A_129 : memref<1x1x128xi32, #tpu.memory_space<hbm>> -> memref<128xi32, #tpu.memory_space<hbm>>
    %dma_wait3A_131 = tpu.memref_slice %arg11[%dma_wait3A_124] : memref<4x!tpu.dma_semaphore, #tpu.memory_space<semaphore_mem>> -> memref<1x!tpu.dma_semaphore, #tpu.memory_space<semaphore_mem>>
    %dma_wait3A_132 = tpu.memref_squeeze %dma_wait3A_131 : memref<1x!tpu.dma_semaphore, #tpu.memory_space<semaphore_mem>> -> memref<!tpu.dma_semaphore, #tpu.memory_space<semaphore_mem>>
    %dma_wait3A_133 = arith.constant 0 : i32
    %dma_wait3A_134 = tpu.memref_slice %arg6[%dma_wait3A_123, %dma_wait3A_133] : memref<4x128xi32, #tpu.memory_space<vmem>> -> memref<1x128xi32, #tpu.memory_space<vmem>>
    %dma_wait3A_135 = tpu.memref_squeeze %dma_wait3A_134 : memref<1x128xi32, #tpu.memory_space<vmem>> -> memref<128xi32, #tpu.memory_space<vmem>>
    %dma_wait3A_136 = arith.constant 0 : i32
    %dma_wait3A_137 = tpu.memref_slice %arg3[%add3A, %dma_wait3A_122, %dma_wait3A_136] : memref<32x80x128xi32, #tpu.memory_space<hbm>> -> memref<1x1x128xi32, #tpu.memory_space<hbm>>
    %dma_wait3A_138 = tpu.memref_squeeze %dma_wait3A_137 : memref<1x1x128xi32, #tpu.memory_space<hbm>> -> memref<128xi32, #tpu.memory_space<hbm>>
    tpu.wait_dma2 semaphore(%dma_wait3A_132 : memref<!tpu.dma_semaphore, #tpu.memory_space<semaphore_mem>>) src(%dma_wait3A_138 : memref<128xi32, #tpu.memory_space<hbm>>) dst(%dma_wait3A_135 : memref<128xi32, #tpu.memory_space<vmem>>)
    %dma_start3A_139 = arith.constant 1 : i32
    %dma_start3A_140 = arith.constant 1 : i32
    %dma_start3A_141 = arith.constant 1 : i32
    %dma_start3A_142 = arith.constant 0 : i32
    %dma_start3A_143 = arith.constant 0 : i32
    %dma_start3A_144 = tpu.memref_slice %arg8[%dma_start3A_140, %dma_start3A_142, %dma_start3A_143] : memref<2x128x128xf32, #tpu.memory_space<vmem>> -> memref<1x128x128xf32, #tpu.memory_space<vmem>>
    %dma_start3A_145 = tpu.memref_squeeze %dma_start3A_144 : memref<1x128x128xf32, #tpu.memory_space<vmem>> -> memref<128x128xf32, #tpu.memory_space<vmem>>
    %dma_start3A_146 = arith.constant 0 : i32
    %dma_start3A_147 = tpu.memref_slice %arg6[%dma_start3A_139, %dma_start3A_146] : memref<4x128xi32, #tpu.memory_space<vmem>> -> memref<1x128xi32, #tpu.memory_space<vmem>>
    %dma_start3A_148 = tpu.memref_squeeze %dma_start3A_147 : memref<1x128xi32, #tpu.memory_space<vmem>> -> memref<128xi32, #tpu.memory_space<vmem>>
    %dma_start3A_149 = arith.constant 0 : i32
    %dma_start3A_150 = arith.constant 0 : i32
    %dma_start3A_151 = tpu.memref_slice %arg2[%dma_start3A_149, %dma_start3A_150] : memref<10000x128xf32, #tpu.memory_space<hbm>> -> memref<10000x128xf32, #tpu.memory_space<hbm>>
    %dma_start3A_152 = tpu.memref_slice %arg10[%dma_start3A_141] : memref<2x!tpu.dma_semaphore, #tpu.memory_space<semaphore_mem>> -> memref<1x!tpu.dma_semaphore, #tpu.memory_space<semaphore_mem>>
    %dma_start3A_153 = tpu.memref_squeeze %dma_start3A_152 : memref<1x!tpu.dma_semaphore, #tpu.memory_space<semaphore_mem>> -> memref<!tpu.dma_semaphore, #tpu.memory_space<semaphore_mem>>
    tpu.enqueue_indirect_dma source(%dma_start3A_151 : memref<10000x128xf32, #tpu.memory_space<hbm>>) target(%dma_start3A_145 : memref<128x128xf32, #tpu.memory_space<vmem>>) offsets(%dma_start3A_148 : memref<128xi32, #tpu.memory_space<vmem>>) semaphore(%dma_start3A_153 : memref<!tpu.dma_semaphore, #tpu.memory_space<semaphore_mem>>)
    %scan3A_154 = arith.constant 0 : i32
    %scan3A_155 = arith.constant 0 : i32
    %scan3A_156 = arith.constant 20 : i32
    %scan3A_157 = arith.addi %scan3A_155, %scan3A_156 : i32
    %scan3A_158 = arith.constant 1 : i32
    %scan3A_159 = scf.for %scan3A_162 = %scan3A_155 to %scan3A_157 step %scan3A_158 iter_args(%scan3A_163 = %scan3A_154) -> (i32)  : i32 {
      %mul3A_164 = arith.constant 4 : i32
      %mul3A_165 = arith.muli %scan3A_162, %mul3A_164 : i32
      %add3A_166 = arith.constant 0 : i32
      %add3A_167 = arith.addi %mul3A_165, %add3A_166 : i32
      %dma_wait3A_168 = arith.constant 0 : i32
      %dma_wait3A_169 = arith.constant 0 : i32
      %dma_wait3A_170 = arith.constant 0 : i32
      %dma_wait3A_171 = arith.constant 0 : i32
      %dma_wait3A_172 = arith.constant 0 : i32
      %dma_wait3A_173 = tpu.memref_slice %arg8[%dma_wait3A_169, %dma_wait3A_171, %dma_wait3A_172] : memref<2x128x128xf32, #tpu.memory_space<vmem>> -> memref<1x128x128xf32, #tpu.memory_space<vmem>>
      %dma_wait3A_174 = tpu.memref_squeeze %dma_wait3A_173 : memref<1x128x128xf32, #tpu.memory_space<vmem>> -> memref<128x128xf32, #tpu.memory_space<vmem>>
      %dma_wait3A_175 = arith.constant 0 : i32
      %dma_wait3A_176 = tpu.memref_slice %arg6[%dma_wait3A_168, %dma_wait3A_175] : memref<4x128xi32, #tpu.memory_space<vmem>> -> memref<1x128xi32, #tpu.memory_space<vmem>>
      %dma_wait3A_177 = tpu.memref_squeeze %dma_wait3A_176 : memref<1x128xi32, #tpu.memory_space<vmem>> -> memref<128xi32, #tpu.memory_space<vmem>>
      %dma_wait3A_178 = arith.constant 0 : i32
      %dma_wait3A_179 = arith.constant 0 : i32
      %dma_wait3A_180 = tpu.memref_slice %arg2[%dma_wait3A_178, %dma_wait3A_179] : memref<10000x128xf32, #tpu.memory_space<hbm>> -> memref<10000x128xf32, #tpu.memory_space<hbm>>
      %dma_wait3A_181 = tpu.memref_slice %arg10[%dma_wait3A_170] : memref<2x!tpu.dma_semaphore, #tpu.memory_space<semaphore_mem>> -> memref<1x!tpu.dma_semaphore, #tpu.memory_space<semaphore_mem>>
      %dma_wait3A_182 = tpu.memref_squeeze %dma_wait3A_181 : memref<1x!tpu.dma_semaphore, #tpu.memory_space<semaphore_mem>> -> memref<!tpu.dma_semaphore, #tpu.memory_space<semaphore_mem>>
      tpu.wait_indirect_dma semaphore(%dma_wait3A_182 : memref<!tpu.dma_semaphore, #tpu.memory_space<semaphore_mem>>) src(%dma_wait3A_180 : memref<10000x128xf32, #tpu.memory_space<hbm>>) dst(%dma_wait3A_174 : memref<128x128xf32, #tpu.memory_space<vmem>>)
      %run_scoped3A_183 = arith.constant 0 : i32
      "tpu.region"() ({
        %run_scoped3A_290 = tpu.sem_alloc : memref<!tpu.dma_semaphore, #tpu.memory_space<semaphore_mem>>
        %dma_start3A_291 = arith.constant 0 : i32
        %dma_start3A_292 = arith.constant 0 : i32
        %dma_start3A_293 = tpu.memref_slice %arg8[%run_scoped3A_183, %dma_start3A_291, %dma_start3A_292] : memref<2x128x128xf32, #tpu.memory_space<vmem>> -> memref<1x128x128xf32, #tpu.memory_space<vmem>>
        %dma_start3A_294 = tpu.memref_squeeze %dma_start3A_293 : memref<1x128x128xf32, #tpu.memory_space<vmem>> -> memref<128x128xf32, #tpu.memory_space<vmem>>
        %dma_start3A_295 = arith.constant 0 : i32
        %dma_start3A_296 = tpu.memref_slice %arg7[%add3A_167, %dma_start3A_295] : memref<80x128xi32, #tpu.memory_space<vmem>> -> memref<1x128xi32, #tpu.memory_space<vmem>>
        %dma_start3A_297 = tpu.memref_squeeze %dma_start3A_296 : memref<1x128xi32, #tpu.memory_space<vmem>> -> memref<128xi32, #tpu.memory_space<vmem>>
        %dma_start3A_298 = arith.constant 0 : i32
        %dma_start3A_299 = arith.constant 0 : i32
        %dma_start3A_300 = tpu.memref_slice %arg9[%dma_start3A_298, %dma_start3A_299] : memref<10240x128xf32, #tpu.memory_space<vmem_shared>> -> memref<10240x128xf32, #tpu.memory_space<vmem_shared>>
        tpu.enqueue_indirect_dma source(%dma_start3A_294 : memref<128x128xf32, #tpu.memory_space<vmem>>) target(%dma_start3A_300 : memref<10240x128xf32, #tpu.memory_space<vmem_shared>>) offsets(%dma_start3A_297 : memref<128xi32, #tpu.memory_space<vmem>>) semaphore(%run_scoped3A_290 : memref<!tpu.dma_semaphore, #tpu.memory_space<semaphore_mem>>) {add = true}
        %dma_wait3A_301 = arith.constant 0 : i32
        %dma_wait3A_302 = arith.constant 0 : i32
        %dma_wait3A_303 = tpu.memref_slice %arg8[%run_scoped3A_183, %dma_wait3A_301, %dma_wait3A_302] : memref<2x128x128xf32, #tpu.memory_space<vmem>> -> memref<1x128x128xf32, #tpu.memory_space<vmem>>
        %dma_wait3A_304 = tpu.memref_squeeze %dma_wait3A_303 : memref<1x128x128xf32, #tpu.memory_space<vmem>> -> memref<128x128xf32, #tpu.memory_space<vmem>>
        %dma_wait3A_305 = arith.constant 0 : i32
        %dma_wait3A_306 = tpu.memref_slice %arg7[%add3A_167, %dma_wait3A_305] : memref<80x128xi32, #tpu.memory_space<vmem>> -> memref<1x128xi32, #tpu.memory_space<vmem>>
        %dma_wait3A_307 = tpu.memref_squeeze %dma_wait3A_306 : memref<1x128xi32, #tpu.memory_space<vmem>> -> memref<128xi32, #tpu.memory_space<vmem>>
        %dma_wait3A_308 = arith.constant 0 : i32
        %dma_wait3A_309 = arith.constant 0 : i32
        %dma_wait3A_310 = tpu.memref_slice %arg9[%dma_wait3A_308, %dma_wait3A_309] : memref<10240x128xf32, #tpu.memory_space<vmem_shared>> -> memref<10240x128xf32, #tpu.memory_space<vmem_shared>>
        tpu.wait_indirect_dma semaphore(%run_scoped3A_290 : memref<!tpu.dma_semaphore, #tpu.memory_space<semaphore_mem>>) src(%dma_wait3A_304 : memref<128x128xf32, #tpu.memory_space<vmem>>) dst(%dma_wait3A_310 : memref<10240x128xf32, #tpu.memory_space<vmem_shared>>)
        tpu.yield
      }) : () -> ()
      %lt3A = arith.constant 19 : i32
      %lt3A_184 = arith.cmpi slt, %scan3A_162, %lt3A : i32
      %convert_element_type3A = arith.extui %lt3A_184 : i1 to i32
      %cond3A = arith.constant 0 : i32
      %cond3A_185 = arith.cmpi ne, %convert_element_type3A, %cond3A : i32
      scf.if %cond3A_185 {
        %add3A_290 = arith.constant 4 : i32
        %add3A_291 = arith.addi %add3A_167, %add3A_290 : i32
        %dma_start3A_292 = arith.constant 0 : i32
        %dma_start3A_293 = arith.constant 0 : i32
        %dma_start3A_294 = arith.constant 0 : i32
        %dma_start3A_295 = tpu.memref_slice %arg6[%dma_start3A_292, %dma_start3A_294] : memref<4x128xi32, #tpu.memory_space<vmem>> -> memref<1x128xi32, #tpu.memory_space<vmem>>
        %dma_start3A_296 = tpu.memref_squeeze %dma_start3A_295 : memref<1x128xi32, #tpu.memory_space<vmem>> -> memref<128xi32, #tpu.memory_space<vmem>>
        %dma_start3A_297 = arith.constant 0 : i32
        %dma_start3A_298 = tpu.memref_slice %arg3[%add3A, %add3A_291, %dma_start3A_297] : memref<32x80x128xi32, #tpu.memory_space<hbm>> -> memref<1x1x128xi32, #tpu.memory_space<hbm>>
        %dma_start3A_299 = tpu.memref_squeeze %dma_start3A_298 : memref<1x1x128xi32, #tpu.memory_space<hbm>> -> memref<128xi32, #tpu.memory_space<hbm>>
        %dma_start3A_300 = tpu.memref_slice %arg11[%dma_start3A_293] : memref<4x!tpu.dma_semaphore, #tpu.memory_space<semaphore_mem>> -> memref<1x!tpu.dma_semaphore, #tpu.memory_space<semaphore_mem>>
        %dma_start3A_301 = tpu.memref_squeeze %dma_start3A_300 : memref<1x!tpu.dma_semaphore, #tpu.memory_space<semaphore_mem>> -> memref<!tpu.dma_semaphore, #tpu.memory_space<semaphore_mem>>
        %dma_start3A_302 = arith.constant 0 : i32
        %dma_start3A_303 = tpu.memref_slice %arg6[%dma_start3A_292, %dma_start3A_302] : memref<4x128xi32, #tpu.memory_space<vmem>> -> memref<1x128xi32, #tpu.memory_space<vmem>>
        %dma_start3A_304 = tpu.memref_squeeze %dma_start3A_303 : memref<1x128xi32, #tpu.memory_space<vmem>> -> memref<128xi32, #tpu.memory_space<vmem>>
        %dma_start3A_305 = arith.constant 0 : i32
        %dma_start3A_306 = tpu.memref_slice %arg3[%add3A, %add3A_291, %dma_start3A_305] : memref<32x80x128xi32, #tpu.memory_space<hbm>> -> memref<1x1x128xi32, #tpu.memory_space<hbm>>
        %dma_start3A_307 = tpu.memref_squeeze %dma_start3A_306 : memref<1x1x128xi32, #tpu.memory_space<hbm>> -> memref<128xi32, #tpu.memory_space<hbm>>
        tpu.enqueue_dma source(%dma_start3A_307 : memref<128xi32, #tpu.memory_space<hbm>>) target(%dma_start3A_304 : memref<128xi32, #tpu.memory_space<vmem>>) target_semaphore(%dma_start3A_301 : memref<!tpu.dma_semaphore, #tpu.memory_space<semaphore_mem>>)
      } else {
      }
      %add3A_186 = arith.constant 2 : i32
      %add3A_187 = arith.addi %add3A_167, %add3A_186 : i32
      %lt3A_188 = arith.constant 80 : i32
      %lt3A_189 = arith.cmpi slt, %add3A_187, %lt3A_188 : i32
      %convert_element_type3A_190 = arith.extui %lt3A_189 : i1 to i32
      %cond3A_191 = arith.constant 0 : i32
      %cond3A_192 = arith.cmpi ne, %convert_element_type3A_190, %cond3A_191 : i32
      scf.if %cond3A_192 {
        %dma_wait3A_290 = arith.constant 2 : i32
        %dma_wait3A_291 = arith.constant 2 : i32
        %dma_wait3A_292 = arith.constant 2 : i32
        %dma_wait3A_293 = arith.constant 0 : i32
        %dma_wait3A_294 = tpu.memref_slice %arg6[%dma_wait3A_291, %dma_wait3A_293] : memref<4x128xi32, #tpu.memory_space<vmem>> -> memref<1x128xi32, #tpu.memory_space<vmem>>
        %dma_wait3A_295 = tpu.memref_squeeze %dma_wait3A_294 : memref<1x128xi32, #tpu.memory_space<vmem>> -> memref<128xi32, #tpu.memory_space<vmem>>
        %dma_wait3A_296 = arith.constant 0 : i32
        %dma_wait3A_297 = tpu.memref_slice %arg3[%add3A, %dma_wait3A_290, %dma_wait3A_296] : memref<32x80x128xi32, #tpu.memory_space<hbm>> -> memref<1x1x128xi32, #tpu.memory_space<hbm>>
        %dma_wait3A_298 = tpu.memref_squeeze %dma_wait3A_297 : memref<1x1x128xi32, #tpu.memory_space<hbm>> -> memref<128xi32, #tpu.memory_space<hbm>>
        %dma_wait3A_299 = tpu.memref_slice %arg11[%dma_wait3A_292] : memref<4x!tpu.dma_semaphore, #tpu.memory_space<semaphore_mem>> -> memref<1x!tpu.dma_semaphore, #tpu.memory_space<semaphore_mem>>
        %dma_wait3A_300 = tpu.memref_squeeze %dma_wait3A_299 : memref<1x!tpu.dma_semaphore, #tpu.memory_space<semaphore_mem>> -> memref<!tpu.dma_semaphore, #tpu.memory_space<semaphore_mem>>
        %dma_wait3A_301 = arith.constant 0 : i32
        %dma_wait3A_302 = tpu.memref_slice %arg6[%dma_wait3A_291, %dma_wait3A_301] : memref<4x128xi32, #tpu.memory_space<vmem>> -> memref<1x128xi32, #tpu.memory_space<vmem>>
        %dma_wait3A_303 = tpu.memref_squeeze %dma_wait3A_302 : memref<1x128xi32, #tpu.memory_space<vmem>> -> memref<128xi32, #tpu.memory_space<vmem>>
        %dma_wait3A_304 = arith.constant 0 : i32
        %dma_wait3A_305 = tpu.memref_slice %arg3[%add3A, %dma_wait3A_290, %dma_wait3A_304] : memref<32x80x128xi32, #tpu.memory_space<hbm>> -> memref<1x1x128xi32, #tpu.memory_space<hbm>>
        %dma_wait3A_306 = tpu.memref_squeeze %dma_wait3A_305 : memref<1x1x128xi32, #tpu.memory_space<hbm>> -> memref<128xi32, #tpu.memory_space<hbm>>
        tpu.wait_dma2 semaphore(%dma_wait3A_300 : memref<!tpu.dma_semaphore, #tpu.memory_space<semaphore_mem>>) src(%dma_wait3A_306 : memref<128xi32, #tpu.memory_space<hbm>>) dst(%dma_wait3A_303 : memref<128xi32, #tpu.memory_space<vmem>>)
        %dma_start3A_307 = arith.constant 2 : i32
        %dma_start3A_308 = arith.constant 0 : i32
        %dma_start3A_309 = arith.constant 0 : i32
        %dma_start3A_310 = arith.constant 0 : i32
        %dma_start3A_311 = arith.constant 0 : i32
        %dma_start3A_312 = tpu.memref_slice %arg8[%dma_start3A_308, %dma_start3A_310, %dma_start3A_311] : memref<2x128x128xf32, #tpu.memory_space<vmem>> -> memref<1x128x128xf32, #tpu.memory_space<vmem>>
        %dma_start3A_313 = tpu.memref_squeeze %dma_start3A_312 : memref<1x128x128xf32, #tpu.memory_space<vmem>> -> memref<128x128xf32, #tpu.memory_space<vmem>>
        %dma_start3A_314 = arith.constant 0 : i32
        %dma_start3A_315 = tpu.memref_slice %arg6[%dma_start3A_307, %dma_start3A_314] : memref<4x128xi32, #tpu.memory_space<vmem>> -> memref<1x128xi32, #tpu.memory_space<vmem>>
        %dma_start3A_316 = tpu.memref_squeeze %dma_start3A_315 : memref<1x128xi32, #tpu.memory_space<vmem>> -> memref<128xi32, #tpu.memory_space<vmem>>
        %dma_start3A_317 = arith.constant 0 : i32
        %dma_start3A_318 = arith.constant 0 : i32
        %dma_start3A_319 = tpu.memref_slice %arg2[%dma_start3A_317, %dma_start3A_318] : memref<10000x128xf32, #tpu.memory_space<hbm>> -> memref<10000x128xf32, #tpu.memory_space<hbm>>
        %dma_start3A_320 = tpu.memref_slice %arg10[%dma_start3A_309] : memref<2x!tpu.dma_semaphore, #tpu.memory_space<semaphore_mem>> -> memref<1x!tpu.dma_semaphore, #tpu.memory_space<semaphore_mem>>
        %dma_start3A_321 = tpu.memref_squeeze %dma_start3A_320 : memref<1x!tpu.dma_semaphore, #tpu.memory_space<semaphore_mem>> -> memref<!tpu.dma_semaphore, #tpu.memory_space<semaphore_mem>>
        tpu.enqueue_indirect_dma source(%dma_start3A_319 : memref<10000x128xf32, #tpu.memory_space<hbm>>) target(%dma_start3A_313 : memref<128x128xf32, #tpu.memory_space<vmem>>) offsets(%dma_start3A_316 : memref<128xi32, #tpu.memory_space<vmem>>) semaphore(%dma_start3A_321 : memref<!tpu.dma_semaphore, #tpu.memory_space<semaphore_mem>>)
      } else {
      }
      %mul3A_193 = arith.constant 4 : i32
      %mul3A_194 = arith.muli %scan3A_162, %mul3A_193 : i32
      %add3A_195 = arith.constant 1 : i32
      %add3A_196 = arith.addi %mul3A_194, %add3A_195 : i32
      %dma_wait3A_197 = arith.constant 1 : i32
      %dma_wait3A_198 = arith.constant 1 : i32
      %dma_wait3A_199 = arith.constant 1 : i32
      %dma_wait3A_200 = arith.constant 0 : i32
      %dma_wait3A_201 = arith.constant 0 : i32
      %dma_wait3A_202 = tpu.memref_slice %arg8[%dma_wait3A_198, %dma_wait3A_200, %dma_wait3A_201] : memref<2x128x128xf32, #tpu.memory_space<vmem>> -> memref<1x128x128xf32, #tpu.memory_space<vmem>>
      %dma_wait3A_203 = tpu.memref_squeeze %dma_wait3A_202 : memref<1x128x128xf32, #tpu.memory_space<vmem>> -> memref<128x128xf32, #tpu.memory_space<vmem>>
      %dma_wait3A_204 = arith.constant 0 : i32
      %dma_wait3A_205 = tpu.memref_slice %arg6[%dma_wait3A_197, %dma_wait3A_204] : memref<4x128xi32, #tpu.memory_space<vmem>> -> memref<1x128xi32, #tpu.memory_space<vmem>>
      %dma_wait3A_206 = tpu.memref_squeeze %dma_wait3A_205 : memref<1x128xi32, #tpu.memory_space<vmem>> -> memref<128xi32, #tpu.memory_space<vmem>>
      %dma_wait3A_207 = arith.constant 0 : i32
      %dma_wait3A_208 = arith.constant 0 : i32
      %dma_wait3A_209 = tpu.memref_slice %arg2[%dma_wait3A_207, %dma_wait3A_208] : memref<10000x128xf32, #tpu.memory_space<hbm>> -> memref<10000x128xf32, #tpu.memory_space<hbm>>
      %dma_wait3A_210 = tpu.memref_slice %arg10[%dma_wait3A_199] : memref<2x!tpu.dma_semaphore, #tpu.memory_space<semaphore_mem>> -> memref<1x!tpu.dma_semaphore, #tpu.memory_space<semaphore_mem>>
      %dma_wait3A_211 = tpu.memref_squeeze %dma_wait3A_210 : memref<1x!tpu.dma_semaphore, #tpu.memory_space<semaphore_mem>> -> memref<!tpu.dma_semaphore, #tpu.memory_space<semaphore_mem>>
      tpu.wait_indirect_dma semaphore(%dma_wait3A_211 : memref<!tpu.dma_semaphore, #tpu.memory_space<semaphore_mem>>) src(%dma_wait3A_209 : memref<10000x128xf32, #tpu.memory_space<hbm>>) dst(%dma_wait3A_203 : memref<128x128xf32, #tpu.memory_space<vmem>>)
      %run_scoped3A_212 = arith.constant 1 : i32
      "tpu.region"() ({
        %run_scoped3A_290 = tpu.sem_alloc : memref<!tpu.dma_semaphore, #tpu.memory_space<semaphore_mem>>
        %dma_start3A_291 = arith.constant 0 : i32
        %dma_start3A_292 = arith.constant 0 : i32
        %dma_start3A_293 = tpu.memref_slice %arg8[%run_scoped3A_212, %dma_start3A_291, %dma_start3A_292] : memref<2x128x128xf32, #tpu.memory_space<vmem>> -> memref<1x128x128xf32, #tpu.memory_space<vmem>>
        %dma_start3A_294 = tpu.memref_squeeze %dma_start3A_293 : memref<1x128x128xf32, #tpu.memory_space<vmem>> -> memref<128x128xf32, #tpu.memory_space<vmem>>
        %dma_start3A_295 = arith.constant 0 : i32
        %dma_start3A_296 = tpu.memref_slice %arg7[%add3A_196, %dma_start3A_295] : memref<80x128xi32, #tpu.memory_space<vmem>> -> memref<1x128xi32, #tpu.memory_space<vmem>>
        %dma_start3A_297 = tpu.memref_squeeze %dma_start3A_296 : memref<1x128xi32, #tpu.memory_space<vmem>> -> memref<128xi32, #tpu.memory_space<vmem>>
        %dma_start3A_298 = arith.constant 0 : i32
        %dma_start3A_299 = arith.constant 0 : i32
        %dma_start3A_300 = tpu.memref_slice %arg9[%dma_start3A_298, %dma_start3A_299] : memref<10240x128xf32, #tpu.memory_space<vmem_shared>> -> memref<10240x128xf32, #tpu.memory_space<vmem_shared>>
        tpu.enqueue_indirect_dma source(%dma_start3A_294 : memref<128x128xf32, #tpu.memory_space<vmem>>) target(%dma_start3A_300 : memref<10240x128xf32, #tpu.memory_space<vmem_shared>>) offsets(%dma_start3A_297 : memref<128xi32, #tpu.memory_space<vmem>>) semaphore(%run_scoped3A_290 : memref<!tpu.dma_semaphore, #tpu.memory_space<semaphore_mem>>) {add = true}
        %dma_wait3A_301 = arith.constant 0 : i32
        %dma_wait3A_302 = arith.constant 0 : i32
        %dma_wait3A_303 = tpu.memref_slice %arg8[%run_scoped3A_212, %dma_wait3A_301, %dma_wait3A_302] : memref<2x128x128xf32, #tpu.memory_space<vmem>> -> memref<1x128x128xf32, #tpu.memory_space<vmem>>
        %dma_wait3A_304 = tpu.memref_squeeze %dma_wait3A_303 : memref<1x128x128xf32, #tpu.memory_space<vmem>> -> memref<128x128xf32, #tpu.memory_space<vmem>>
        %dma_wait3A_305 = arith.constant 0 : i32
        %dma_wait3A_306 = tpu.memref_slice %arg7[%add3A_196, %dma_wait3A_305] : memref<80x128xi32, #tpu.memory_space<vmem>> -> memref<1x128xi32, #tpu.memory_space<vmem>>
        %dma_wait3A_307 = tpu.memref_squeeze %dma_wait3A_306 : memref<1x128xi32, #tpu.memory_space<vmem>> -> memref<128xi32, #tpu.memory_space<vmem>>
        %dma_wait3A_308 = arith.constant 0 : i32
        %dma_wait3A_309 = arith.constant 0 : i32
        %dma_wait3A_310 = tpu.memref_slice %arg9[%dma_wait3A_308, %dma_wait3A_309] : memref<10240x128xf32, #tpu.memory_space<vmem_shared>> -> memref<10240x128xf32, #tpu.memory_space<vmem_shared>>
        tpu.wait_indirect_dma semaphore(%run_scoped3A_290 : memref<!tpu.dma_semaphore, #tpu.memory_space<semaphore_mem>>) src(%dma_wait3A_304 : memref<128x128xf32, #tpu.memory_space<vmem>>) dst(%dma_wait3A_310 : memref<10240x128xf32, #tpu.memory_space<vmem_shared>>)
        tpu.yield
      }) : () -> ()
      %lt3A_213 = arith.constant 19 : i32
      %lt3A_214 = arith.cmpi slt, %scan3A_162, %lt3A_213 : i32
      %convert_element_type3A_215 = arith.extui %lt3A_214 : i1 to i32
      %cond3A_216 = arith.constant 0 : i32
      %cond3A_217 = arith.cmpi ne, %convert_element_type3A_215, %cond3A_216 : i32
      scf.if %cond3A_217 {
        %add3A_290 = arith.constant 4 : i32
        %add3A_291 = arith.addi %add3A_196, %add3A_290 : i32
        %dma_start3A_292 = arith.constant 1 : i32
        %dma_start3A_293 = arith.constant 1 : i32
        %dma_start3A_294 = arith.constant 0 : i32
        %dma_start3A_295 = tpu.memref_slice %arg6[%dma_start3A_292, %dma_start3A_294] : memref<4x128xi32, #tpu.memory_space<vmem>> -> memref<1x128xi32, #tpu.memory_space<vmem>>
        %dma_start3A_296 = tpu.memref_squeeze %dma_start3A_295 : memref<1x128xi32, #tpu.memory_space<vmem>> -> memref<128xi32, #tpu.memory_space<vmem>>
        %dma_start3A_297 = arith.constant 0 : i32
        %dma_start3A_298 = tpu.memref_slice %arg3[%add3A, %add3A_291, %dma_start3A_297] : memref<32x80x128xi32, #tpu.memory_space<hbm>> -> memref<1x1x128xi32, #tpu.memory_space<hbm>>
        %dma_start3A_299 = tpu.memref_squeeze %dma_start3A_298 : memref<1x1x128xi32, #tpu.memory_space<hbm>> -> memref<128xi32, #tpu.memory_space<hbm>>
        %dma_start3A_300 = tpu.memref_slice %arg11[%dma_start3A_293] : memref<4x!tpu.dma_semaphore, #tpu.memory_space<semaphore_mem>> -> memref<1x!tpu.dma_semaphore, #tpu.memory_space<semaphore_mem>>
        %dma_start3A_301 = tpu.memref_squeeze %dma_start3A_300 : memref<1x!tpu.dma_semaphore, #tpu.memory_space<semaphore_mem>> -> memref<!tpu.dma_semaphore, #tpu.memory_space<semaphore_mem>>
        %dma_start3A_302 = arith.constant 0 : i32
        %dma_start3A_303 = tpu.memref_slice %arg6[%dma_start3A_292, %dma_start3A_302] : memref<4x128xi32, #tpu.memory_space<vmem>> -> memref<1x128xi32, #tpu.memory_space<vmem>>
        %dma_start3A_304 = tpu.memref_squeeze %dma_start3A_303 : memref<1x128xi32, #tpu.memory_space<vmem>> -> memref<128xi32, #tpu.memory_space<vmem>>
        %dma_start3A_305 = arith.constant 0 : i32
        %dma_start3A_306 = tpu.memref_slice %arg3[%add3A, %add3A_291, %dma_start3A_305] : memref<32x80x128xi32, #tpu.memory_space<hbm>> -> memref<1x1x128xi32, #tpu.memory_space<hbm>>
        %dma_start3A_307 = tpu.memref_squeeze %dma_start3A_306 : memref<1x1x128xi32, #tpu.memory_space<hbm>> -> memref<128xi32, #tpu.memory_space<hbm>>
        tpu.enqueue_dma source(%dma_start3A_307 : memref<128xi32, #tpu.memory_space<hbm>>) target(%dma_start3A_304 : memref<128xi32, #tpu.memory_space<vmem>>) target_semaphore(%dma_start3A_301 : memref<!tpu.dma_semaphore, #tpu.memory_space<semaphore_mem>>)
      } else {
      }
      %add3A_218 = arith.constant 2 : i32
      %add3A_219 = arith.addi %add3A_196, %add3A_218 : i32
      %lt3A_220 = arith.constant 80 : i32
      %lt3A_221 = arith.cmpi slt, %add3A_219, %lt3A_220 : i32
      %convert_element_type3A_222 = arith.extui %lt3A_221 : i1 to i32
      %cond3A_223 = arith.constant 0 : i32
      %cond3A_224 = arith.cmpi ne, %convert_element_type3A_222, %cond3A_223 : i32
      scf.if %cond3A_224 {
        %dma_wait3A_290 = arith.constant 3 : i32
        %dma_wait3A_291 = arith.constant 3 : i32
        %dma_wait3A_292 = arith.constant 3 : i32
        %dma_wait3A_293 = arith.constant 0 : i32
        %dma_wait3A_294 = tpu.memref_slice %arg6[%dma_wait3A_291, %dma_wait3A_293] : memref<4x128xi32, #tpu.memory_space<vmem>> -> memref<1x128xi32, #tpu.memory_space<vmem>>
        %dma_wait3A_295 = tpu.memref_squeeze %dma_wait3A_294 : memref<1x128xi32, #tpu.memory_space<vmem>> -> memref<128xi32, #tpu.memory_space<vmem>>
        %dma_wait3A_296 = arith.constant 0 : i32
        %dma_wait3A_297 = tpu.memref_slice %arg3[%add3A, %dma_wait3A_290, %dma_wait3A_296] : memref<32x80x128xi32, #tpu.memory_space<hbm>> -> memref<1x1x128xi32, #tpu.memory_space<hbm>>
        %dma_wait3A_298 = tpu.memref_squeeze %dma_wait3A_297 : memref<1x1x128xi32, #tpu.memory_space<hbm>> -> memref<128xi32, #tpu.memory_space<hbm>>
        %dma_wait3A_299 = tpu.memref_slice %arg11[%dma_wait3A_292] : memref<4x!tpu.dma_semaphore, #tpu.memory_space<semaphore_mem>> -> memref<1x!tpu.dma_semaphore, #tpu.memory_space<semaphore_mem>>
        %dma_wait3A_300 = tpu.memref_squeeze %dma_wait3A_299 : memref<1x!tpu.dma_semaphore, #tpu.memory_space<semaphore_mem>> -> memref<!tpu.dma_semaphore, #tpu.memory_space<semaphore_mem>>
        %dma_wait3A_301 = arith.constant 0 : i32
        %dma_wait3A_302 = tpu.memref_slice %arg6[%dma_wait3A_291, %dma_wait3A_301] : memref<4x128xi32, #tpu.memory_space<vmem>> -> memref<1x128xi32, #tpu.memory_space<vmem>>
        %dma_wait3A_303 = tpu.memref_squeeze %dma_wait3A_302 : memref<1x128xi32, #tpu.memory_space<vmem>> -> memref<128xi32, #tpu.memory_space<vmem>>
        %dma_wait3A_304 = arith.constant 0 : i32
        %dma_wait3A_305 = tpu.memref_slice %arg3[%add3A, %dma_wait3A_290, %dma_wait3A_304] : memref<32x80x128xi32, #tpu.memory_space<hbm>> -> memref<1x1x128xi32, #tpu.memory_space<hbm>>
        %dma_wait3A_306 = tpu.memref_squeeze %dma_wait3A_305 : memref<1x1x128xi32, #tpu.memory_space<hbm>> -> memref<128xi32, #tpu.memory_space<hbm>>
        tpu.wait_dma2 semaphore(%dma_wait3A_300 : memref<!tpu.dma_semaphore, #tpu.memory_space<semaphore_mem>>) src(%dma_wait3A_306 : memref<128xi32, #tpu.memory_space<hbm>>) dst(%dma_wait3A_303 : memref<128xi32, #tpu.memory_space<vmem>>)
        %dma_start3A_307 = arith.constant 3 : i32
        %dma_start3A_308 = arith.constant 1 : i32
        %dma_start3A_309 = arith.constant 1 : i32
        %dma_start3A_310 = arith.constant 0 : i32
        %dma_start3A_311 = arith.constant 0 : i32
        %dma_start3A_312 = tpu.memref_slice %arg8[%dma_start3A_308, %dma_start3A_310, %dma_start3A_311] : memref<2x128x128xf32, #tpu.memory_space<vmem>> -> memref<1x128x128xf32, #tpu.memory_space<vmem>>
        %dma_start3A_313 = tpu.memref_squeeze %dma_start3A_312 : memref<1x128x128xf32, #tpu.memory_space<vmem>> -> memref<128x128xf32, #tpu.memory_space<vmem>>
        %dma_start3A_314 = arith.constant 0 : i32
        %dma_start3A_315 = tpu.memref_slice %arg6[%dma_start3A_307, %dma_start3A_314] : memref<4x128xi32, #tpu.memory_space<vmem>> -> memref<1x128xi32, #tpu.memory_space<vmem>>
        %dma_start3A_316 = tpu.memref_squeeze %dma_start3A_315 : memref<1x128xi32, #tpu.memory_space<vmem>> -> memref<128xi32, #tpu.memory_space<vmem>>
        %dma_start3A_317 = arith.constant 0 : i32
        %dma_start3A_318 = arith.constant 0 : i32
        %dma_start3A_319 = tpu.memref_slice %arg2[%dma_start3A_317, %dma_start3A_318] : memref<10000x128xf32, #tpu.memory_space<hbm>> -> memref<10000x128xf32, #tpu.memory_space<hbm>>
        %dma_start3A_320 = tpu.memref_slice %arg10[%dma_start3A_309] : memref<2x!tpu.dma_semaphore, #tpu.memory_space<semaphore_mem>> -> memref<1x!tpu.dma_semaphore, #tpu.memory_space<semaphore_mem>>
        %dma_start3A_321 = tpu.memref_squeeze %dma_start3A_320 : memref<1x!tpu.dma_semaphore, #tpu.memory_space<semaphore_mem>> -> memref<!tpu.dma_semaphore, #tpu.memory_space<semaphore_mem>>
        tpu.enqueue_indirect_dma source(%dma_start3A_319 : memref<10000x128xf32, #tpu.memory_space<hbm>>) target(%dma_start3A_313 : memref<128x128xf32, #tpu.memory_space<vmem>>) offsets(%dma_start3A_316 : memref<128xi32, #tpu.memory_space<vmem>>) semaphore(%dma_start3A_321 : memref<!tpu.dma_semaphore, #tpu.memory_space<semaphore_mem>>)
      } else {
      }
      %mul3A_225 = arith.constant 4 : i32
      %mul3A_226 = arith.muli %scan3A_162, %mul3A_225 : i32
      %add3A_227 = arith.constant 2 : i32
      %add3A_228 = arith.addi %mul3A_226, %add3A_227 : i32
      %dma_wait3A_229 = arith.constant 2 : i32
      %dma_wait3A_230 = arith.constant 0 : i32
      %dma_wait3A_231 = arith.constant 0 : i32
      %dma_wait3A_232 = arith.constant 0 : i32
      %dma_wait3A_233 = arith.constant 0 : i32
      %dma_wait3A_234 = tpu.memref_slice %arg8[%dma_wait3A_230, %dma_wait3A_232, %dma_wait3A_233] : memref<2x128x128xf32, #tpu.memory_space<vmem>> -> memref<1x128x128xf32, #tpu.memory_space<vmem>>
      %dma_wait3A_235 = tpu.memref_squeeze %dma_wait3A_234 : memref<1x128x128xf32, #tpu.memory_space<vmem>> -> memref<128x128xf32, #tpu.memory_space<vmem>>
      %dma_wait3A_236 = arith.constant 0 : i32
      %dma_wait3A_237 = tpu.memref_slice %arg6[%dma_wait3A_229, %dma_wait3A_236] : memref<4x128xi32, #tpu.memory_space<vmem>> -> memref<1x128xi32, #tpu.memory_space<vmem>>
      %dma_wait3A_238 = tpu.memref_squeeze %dma_wait3A_237 : memref<1x128xi32, #tpu.memory_space<vmem>> -> memref<128xi32, #tpu.memory_space<vmem>>
      %dma_wait3A_239 = arith.constant 0 : i32
      %dma_wait3A_240 = arith.constant 0 : i32
      %dma_wait3A_241 = tpu.memref_slice %arg2[%dma_wait3A_239, %dma_wait3A_240] : memref<10000x128xf32, #tpu.memory_space<hbm>> -> memref<10000x128xf32, #tpu.memory_space<hbm>>
      %dma_wait3A_242 = tpu.memref_slice %arg10[%dma_wait3A_231] : memref<2x!tpu.dma_semaphore, #tpu.memory_space<semaphore_mem>> -> memref<1x!tpu.dma_semaphore, #tpu.memory_space<semaphore_mem>>
      %dma_wait3A_243 = tpu.memref_squeeze %dma_wait3A_242 : memref<1x!tpu.dma_semaphore, #tpu.memory_space<semaphore_mem>> -> memref<!tpu.dma_semaphore, #tpu.memory_space<semaphore_mem>>
      tpu.wait_indirect_dma semaphore(%dma_wait3A_243 : memref<!tpu.dma_semaphore, #tpu.memory_space<semaphore_mem>>) src(%dma_wait3A_241 : memref<10000x128xf32, #tpu.memory_space<hbm>>) dst(%dma_wait3A_235 : memref<128x128xf32, #tpu.memory_space<vmem>>)
      %run_scoped3A_244 = arith.constant 0 : i32
      "tpu.region"() ({
        %run_scoped3A_290 = tpu.sem_alloc : memref<!tpu.dma_semaphore, #tpu.memory_space<semaphore_mem>>
        %dma_start3A_291 = arith.constant 0 : i32
        %dma_start3A_292 = arith.constant 0 : i32
        %dma_start3A_293 = tpu.memref_slice %arg8[%run_scoped3A_244, %dma_start3A_291, %dma_start3A_292] : memref<2x128x128xf32, #tpu.memory_space<vmem>> -> memref<1x128x128xf32, #tpu.memory_space<vmem>>
        %dma_start3A_294 = tpu.memref_squeeze %dma_start3A_293 : memref<1x128x128xf32, #tpu.memory_space<vmem>> -> memref<128x128xf32, #tpu.memory_space<vmem>>
        %dma_start3A_295 = arith.constant 0 : i32
        %dma_start3A_296 = tpu.memref_slice %arg7[%add3A_228, %dma_start3A_295] : memref<80x128xi32, #tpu.memory_space<vmem>> -> memref<1x128xi32, #tpu.memory_space<vmem>>
        %dma_start3A_297 = tpu.memref_squeeze %dma_start3A_296 : memref<1x128xi32, #tpu.memory_space<vmem>> -> memref<128xi32, #tpu.memory_space<vmem>>
        %dma_start3A_298 = arith.constant 0 : i32
        %dma_start3A_299 = arith.constant 0 : i32
        %dma_start3A_300 = tpu.memref_slice %arg9[%dma_start3A_298, %dma_start3A_299] : memref<10240x128xf32, #tpu.memory_space<vmem_shared>> -> memref<10240x128xf32, #tpu.memory_space<vmem_shared>>
        tpu.enqueue_indirect_dma source(%dma_start3A_294 : memref<128x128xf32, #tpu.memory_space<vmem>>) target(%dma_start3A_300 : memref<10240x128xf32, #tpu.memory_space<vmem_shared>>) offsets(%dma_start3A_297 : memref<128xi32, #tpu.memory_space<vmem>>) semaphore(%run_scoped3A_290 : memref<!tpu.dma_semaphore, #tpu.memory_space<semaphore_mem>>) {add = true}
        %dma_wait3A_301 = arith.constant 0 : i32
        %dma_wait3A_302 = arith.constant 0 : i32
        %dma_wait3A_303 = tpu.memref_slice %arg8[%run_scoped3A_244, %dma_wait3A_301, %dma_wait3A_302] : memref<2x128x128xf32, #tpu.memory_space<vmem>> -> memref<1x128x128xf32, #tpu.memory_space<vmem>>
        %dma_wait3A_304 = tpu.memref_squeeze %dma_wait3A_303 : memref<1x128x128xf32, #tpu.memory_space<vmem>> -> memref<128x128xf32, #tpu.memory_space<vmem>>
        %dma_wait3A_305 = arith.constant 0 : i32
        %dma_wait3A_306 = tpu.memref_slice %arg7[%add3A_228, %dma_wait3A_305] : memref<80x128xi32, #tpu.memory_space<vmem>> -> memref<1x128xi32, #tpu.memory_space<vmem>>
        %dma_wait3A_307 = tpu.memref_squeeze %dma_wait3A_306 : memref<1x128xi32, #tpu.memory_space<vmem>> -> memref<128xi32, #tpu.memory_space<vmem>>
        %dma_wait3A_308 = arith.constant 0 : i32
        %dma_wait3A_309 = arith.constant 0 : i32
        %dma_wait3A_310 = tpu.memref_slice %arg9[%dma_wait3A_308, %dma_wait3A_309] : memref<10240x128xf32, #tpu.memory_space<vmem_shared>> -> memref<10240x128xf32, #tpu.memory_space<vmem_shared>>
        tpu.wait_indirect_dma semaphore(%run_scoped3A_290 : memref<!tpu.dma_semaphore, #tpu.memory_space<semaphore_mem>>) src(%dma_wait3A_304 : memref<128x128xf32, #tpu.memory_space<vmem>>) dst(%dma_wait3A_310 : memref<10240x128xf32, #tpu.memory_space<vmem_shared>>)
        tpu.yield
      }) : () -> ()
      %lt3A_245 = arith.constant 19 : i32
      %lt3A_246 = arith.cmpi slt, %scan3A_162, %lt3A_245 : i32
      %convert_element_type3A_247 = arith.extui %lt3A_246 : i1 to i32
      %cond3A_248 = arith.constant 0 : i32
      %cond3A_249 = arith.cmpi ne, %convert_element_type3A_247, %cond3A_248 : i32
      scf.if %cond3A_249 {
        %add3A_290 = arith.constant 4 : i32
        %add3A_291 = arith.addi %add3A_228, %add3A_290 : i32
        %dma_start3A_292 = arith.constant 2 : i32
        %dma_start3A_293 = arith.constant 2 : i32
        %dma_start3A_294 = arith.constant 0 : i32
        %dma_start3A_295 = tpu.memref_slice %arg6[%dma_start3A_292, %dma_start3A_294] : memref<4x128xi32, #tpu.memory_space<vmem>> -> memref<1x128xi32, #tpu.memory_space<vmem>>
        %dma_start3A_296 = tpu.memref_squeeze %dma_start3A_295 : memref<1x128xi32, #tpu.memory_space<vmem>> -> memref<128xi32, #tpu.memory_space<vmem>>
        %dma_start3A_297 = arith.constant 0 : i32
        %dma_start3A_298 = tpu.memref_slice %arg3[%add3A, %add3A_291, %dma_start3A_297] : memref<32x80x128xi32, #tpu.memory_space<hbm>> -> memref<1x1x128xi32, #tpu.memory_space<hbm>>
        %dma_start3A_299 = tpu.memref_squeeze %dma_start3A_298 : memref<1x1x128xi32, #tpu.memory_space<hbm>> -> memref<128xi32, #tpu.memory_space<hbm>>
        %dma_start3A_300 = tpu.memref_slice %arg11[%dma_start3A_293] : memref<4x!tpu.dma_semaphore, #tpu.memory_space<semaphore_mem>> -> memref<1x!tpu.dma_semaphore, #tpu.memory_space<semaphore_mem>>
        %dma_start3A_301 = tpu.memref_squeeze %dma_start3A_300 : memref<1x!tpu.dma_semaphore, #tpu.memory_space<semaphore_mem>> -> memref<!tpu.dma_semaphore, #tpu.memory_space<semaphore_mem>>
        %dma_start3A_302 = arith.constant 0 : i32
        %dma_start3A_303 = tpu.memref_slice %arg6[%dma_start3A_292, %dma_start3A_302] : memref<4x128xi32, #tpu.memory_space<vmem>> -> memref<1x128xi32, #tpu.memory_space<vmem>>
        %dma_start3A_304 = tpu.memref_squeeze %dma_start3A_303 : memref<1x128xi32, #tpu.memory_space<vmem>> -> memref<128xi32, #tpu.memory_space<vmem>>
        %dma_start3A_305 = arith.constant 0 : i32
        %dma_start3A_306 = tpu.memref_slice %arg3[%add3A, %add3A_291, %dma_start3A_305] : memref<32x80x128xi32, #tpu.memory_space<hbm>> -> memref<1x1x128xi32, #tpu.memory_space<hbm>>
        %dma_start3A_307 = tpu.memref_squeeze %dma_start3A_306 : memref<1x1x128xi32, #tpu.memory_space<hbm>> -> memref<128xi32, #tpu.memory_space<hbm>>
        tpu.enqueue_dma source(%dma_start3A_307 : memref<128xi32, #tpu.memory_space<hbm>>) target(%dma_start3A_304 : memref<128xi32, #tpu.memory_space<vmem>>) target_semaphore(%dma_start3A_301 : memref<!tpu.dma_semaphore, #tpu.memory_space<semaphore_mem>>)
      } else {
      }
      %add3A_250 = arith.constant 2 : i32
      %add3A_251 = arith.addi %add3A_228, %add3A_250 : i32
      %lt3A_252 = arith.constant 80 : i32
      %lt3A_253 = arith.cmpi slt, %add3A_251, %lt3A_252 : i32
      %convert_element_type3A_254 = arith.extui %lt3A_253 : i1 to i32
      %cond3A_255 = arith.constant 0 : i32
      %cond3A_256 = arith.cmpi ne, %convert_element_type3A_254, %cond3A_255 : i32
      scf.if %cond3A_256 {
        %dma_wait3A_290 = arith.constant 0 : i32
        %dma_wait3A_291 = arith.constant 0 : i32
        %dma_wait3A_292 = arith.constant 0 : i32
        %dma_wait3A_293 = arith.constant 0 : i32
        %dma_wait3A_294 = tpu.memref_slice %arg6[%dma_wait3A_291, %dma_wait3A_293] : memref<4x128xi32, #tpu.memory_space<vmem>> -> memref<1x128xi32, #tpu.memory_space<vmem>>
        %dma_wait3A_295 = tpu.memref_squeeze %dma_wait3A_294 : memref<1x128xi32, #tpu.memory_space<vmem>> -> memref<128xi32, #tpu.memory_space<vmem>>
        %dma_wait3A_296 = arith.constant 0 : i32
        %dma_wait3A_297 = tpu.memref_slice %arg3[%add3A, %dma_wait3A_290, %dma_wait3A_296] : memref<32x80x128xi32, #tpu.memory_space<hbm>> -> memref<1x1x128xi32, #tpu.memory_space<hbm>>
        %dma_wait3A_298 = tpu.memref_squeeze %dma_wait3A_297 : memref<1x1x128xi32, #tpu.memory_space<hbm>> -> memref<128xi32, #tpu.memory_space<hbm>>
        %dma_wait3A_299 = tpu.memref_slice %arg11[%dma_wait3A_292] : memref<4x!tpu.dma_semaphore, #tpu.memory_space<semaphore_mem>> -> memref<1x!tpu.dma_semaphore, #tpu.memory_space<semaphore_mem>>
        %dma_wait3A_300 = tpu.memref_squeeze %dma_wait3A_299 : memref<1x!tpu.dma_semaphore, #tpu.memory_space<semaphore_mem>> -> memref<!tpu.dma_semaphore, #tpu.memory_space<semaphore_mem>>
        %dma_wait3A_301 = arith.constant 0 : i32
        %dma_wait3A_302 = tpu.memref_slice %arg6[%dma_wait3A_291, %dma_wait3A_301] : memref<4x128xi32, #tpu.memory_space<vmem>> -> memref<1x128xi32, #tpu.memory_space<vmem>>
        %dma_wait3A_303 = tpu.memref_squeeze %dma_wait3A_302 : memref<1x128xi32, #tpu.memory_space<vmem>> -> memref<128xi32, #tpu.memory_space<vmem>>
        %dma_wait3A_304 = arith.constant 0 : i32
        %dma_wait3A_305 = tpu.memref_slice %arg3[%add3A, %dma_wait3A_290, %dma_wait3A_304] : memref<32x80x128xi32, #tpu.memory_space<hbm>> -> memref<1x1x128xi32, #tpu.memory_space<hbm>>
        %dma_wait3A_306 = tpu.memref_squeeze %dma_wait3A_305 : memref<1x1x128xi32, #tpu.memory_space<hbm>> -> memref<128xi32, #tpu.memory_space<hbm>>
        tpu.wait_dma2 semaphore(%dma_wait3A_300 : memref<!tpu.dma_semaphore, #tpu.memory_space<semaphore_mem>>) src(%dma_wait3A_306 : memref<128xi32, #tpu.memory_space<hbm>>) dst(%dma_wait3A_303 : memref<128xi32, #tpu.memory_space<vmem>>)
        %dma_start3A_307 = arith.constant 0 : i32
        %dma_start3A_308 = arith.constant 0 : i32
        %dma_start3A_309 = arith.constant 0 : i32
        %dma_start3A_310 = arith.constant 0 : i32
        %dma_start3A_311 = arith.constant 0 : i32
        %dma_start3A_312 = tpu.memref_slice %arg8[%dma_start3A_308, %dma_start3A_310, %dma_start3A_311] : memref<2x128x128xf32, #tpu.memory_space<vmem>> -> memref<1x128x128xf32, #tpu.memory_space<vmem>>
        %dma_start3A_313 = tpu.memref_squeeze %dma_start3A_312 : memref<1x128x128xf32, #tpu.memory_space<vmem>> -> memref<128x128xf32, #tpu.memory_space<vmem>>
        %dma_start3A_314 = arith.constant 0 : i32
        %dma_start3A_315 = tpu.memref_slice %arg6[%dma_start3A_307, %dma_start3A_314] : memref<4x128xi32, #tpu.memory_space<vmem>> -> memref<1x128xi32, #tpu.memory_space<vmem>>
        %dma_start3A_316 = tpu.memref_squeeze %dma_start3A_315 : memref<1x128xi32, #tpu.memory_space<vmem>> -> memref<128xi32, #tpu.memory_space<vmem>>
        %dma_start3A_317 = arith.constant 0 : i32
        %dma_start3A_318 = arith.constant 0 : i32
        %dma_start3A_319 = tpu.memref_slice %arg2[%dma_start3A_317, %dma_start3A_318] : memref<10000x128xf32, #tpu.memory_space<hbm>> -> memref<10000x128xf32, #tpu.memory_space<hbm>>
        %dma_start3A_320 = tpu.memref_slice %arg10[%dma_start3A_309] : memref<2x!tpu.dma_semaphore, #tpu.memory_space<semaphore_mem>> -> memref<1x!tpu.dma_semaphore, #tpu.memory_space<semaphore_mem>>
        %dma_start3A_321 = tpu.memref_squeeze %dma_start3A_320 : memref<1x!tpu.dma_semaphore, #tpu.memory_space<semaphore_mem>> -> memref<!tpu.dma_semaphore, #tpu.memory_space<semaphore_mem>>
        tpu.enqueue_indirect_dma source(%dma_start3A_319 : memref<10000x128xf32, #tpu.memory_space<hbm>>) target(%dma_start3A_313 : memref<128x128xf32, #tpu.memory_space<vmem>>) offsets(%dma_start3A_316 : memref<128xi32, #tpu.memory_space<vmem>>) semaphore(%dma_start3A_321 : memref<!tpu.dma_semaphore, #tpu.memory_space<semaphore_mem>>)
      } else {
      }
      %mul3A_257 = arith.constant 4 : i32
      %mul3A_258 = arith.muli %scan3A_162, %mul3A_257 : i32
      %add3A_259 = arith.constant 3 : i32
      %add3A_260 = arith.addi %mul3A_258, %add3A_259 : i32
      %dma_wait3A_261 = arith.constant 3 : i32
      %dma_wait3A_262 = arith.constant 1 : i32
      %dma_wait3A_263 = arith.constant 1 : i32
      %dma_wait3A_264 = arith.constant 0 : i32
      %dma_wait3A_265 = arith.constant 0 : i32
      %dma_wait3A_266 = tpu.memref_slice %arg8[%dma_wait3A_262, %dma_wait3A_264, %dma_wait3A_265] : memref<2x128x128xf32, #tpu.memory_space<vmem>> -> memref<1x128x128xf32, #tpu.memory_space<vmem>>
      %dma_wait3A_267 = tpu.memref_squeeze %dma_wait3A_266 : memref<1x128x128xf32, #tpu.memory_space<vmem>> -> memref<128x128xf32, #tpu.memory_space<vmem>>
      %dma_wait3A_268 = arith.constant 0 : i32
      %dma_wait3A_269 = tpu.memref_slice %arg6[%dma_wait3A_261, %dma_wait3A_268] : memref<4x128xi32, #tpu.memory_space<vmem>> -> memref<1x128xi32, #tpu.memory_space<vmem>>
      %dma_wait3A_270 = tpu.memref_squeeze %dma_wait3A_269 : memref<1x128xi32, #tpu.memory_space<vmem>> -> memref<128xi32, #tpu.memory_space<vmem>>
      %dma_wait3A_271 = arith.constant 0 : i32
      %dma_wait3A_272 = arith.constant 0 : i32
      %dma_wait3A_273 = tpu.memref_slice %arg2[%dma_wait3A_271, %dma_wait3A_272] : memref<10000x128xf32, #tpu.memory_space<hbm>> -> memref<10000x128xf32, #tpu.memory_space<hbm>>
      %dma_wait3A_274 = tpu.memref_slice %arg10[%dma_wait3A_263] : memref<2x!tpu.dma_semaphore, #tpu.memory_space<semaphore_mem>> -> memref<1x!tpu.dma_semaphore, #tpu.memory_space<semaphore_mem>>
      %dma_wait3A_275 = tpu.memref_squeeze %dma_wait3A_274 : memref<1x!tpu.dma_semaphore, #tpu.memory_space<semaphore_mem>> -> memref<!tpu.dma_semaphore, #tpu.memory_space<semaphore_mem>>
      tpu.wait_indirect_dma semaphore(%dma_wait3A_275 : memref<!tpu.dma_semaphore, #tpu.memory_space<semaphore_mem>>) src(%dma_wait3A_273 : memref<10000x128xf32, #tpu.memory_space<hbm>>) dst(%dma_wait3A_267 : memref<128x128xf32, #tpu.memory_space<vmem>>)
      %run_scoped3A_276 = arith.constant 1 : i32
      "tpu.region"() ({
        %run_scoped3A_290 = tpu.sem_alloc : memref<!tpu.dma_semaphore, #tpu.memory_space<semaphore_mem>>
        %dma_start3A_291 = arith.constant 0 : i32
        %dma_start3A_292 = arith.constant 0 : i32
        %dma_start3A_293 = tpu.memref_slice %arg8[%run_scoped3A_276, %dma_start3A_291, %dma_start3A_292] : memref<2x128x128xf32, #tpu.memory_space<vmem>> -> memref<1x128x128xf32, #tpu.memory_space<vmem>>
        %dma_start3A_294 = tpu.memref_squeeze %dma_start3A_293 : memref<1x128x128xf32, #tpu.memory_space<vmem>> -> memref<128x128xf32, #tpu.memory_space<vmem>>
        %dma_start3A_295 = arith.constant 0 : i32
        %dma_start3A_296 = tpu.memref_slice %arg7[%add3A_260, %dma_start3A_295] : memref<80x128xi32, #tpu.memory_space<vmem>> -> memref<1x128xi32, #tpu.memory_space<vmem>>
        %dma_start3A_297 = tpu.memref_squeeze %dma_start3A_296 : memref<1x128xi32, #tpu.memory_space<vmem>> -> memref<128xi32, #tpu.memory_space<vmem>>
        %dma_start3A_298 = arith.constant 0 : i32
        %dma_start3A_299 = arith.constant 0 : i32
        %dma_start3A_300 = tpu.memref_slice %arg9[%dma_start3A_298, %dma_start3A_299] : memref<10240x128xf32, #tpu.memory_space<vmem_shared>> -> memref<10240x128xf32, #tpu.memory_space<vmem_shared>>
        tpu.enqueue_indirect_dma source(%dma_start3A_294 : memref<128x128xf32, #tpu.memory_space<vmem>>) target(%dma_start3A_300 : memref<10240x128xf32, #tpu.memory_space<vmem_shared>>) offsets(%dma_start3A_297 : memref<128xi32, #tpu.memory_space<vmem>>) semaphore(%run_scoped3A_290 : memref<!tpu.dma_semaphore, #tpu.memory_space<semaphore_mem>>) {add = true}
        %dma_wait3A_301 = arith.constant 0 : i32
        %dma_wait3A_302 = arith.constant 0 : i32
        %dma_wait3A_303 = tpu.memref_slice %arg8[%run_scoped3A_276, %dma_wait3A_301, %dma_wait3A_302] : memref<2x128x128xf32, #tpu.memory_space<vmem>> -> memref<1x128x128xf32, #tpu.memory_space<vmem>>
        %dma_wait3A_304 = tpu.memref_squeeze %dma_wait3A_303 : memref<1x128x128xf32, #tpu.memory_space<vmem>> -> memref<128x128xf32, #tpu.memory_space<vmem>>
        %dma_wait3A_305 = arith.constant 0 : i32
        %dma_wait3A_306 = tpu.memref_slice %arg7[%add3A_260, %dma_wait3A_305] : memref<80x128xi32, #tpu.memory_space<vmem>> -> memref<1x128xi32, #tpu.memory_space<vmem>>
        %dma_wait3A_307 = tpu.memref_squeeze %dma_wait3A_306 : memref<1x128xi32, #tpu.memory_space<vmem>> -> memref<128xi32, #tpu.memory_space<vmem>>
        %dma_wait3A_308 = arith.constant 0 : i32
        %dma_wait3A_309 = arith.constant 0 : i32
        %dma_wait3A_310 = tpu.memref_slice %arg9[%dma_wait3A_308, %dma_wait3A_309] : memref<10240x128xf32, #tpu.memory_space<vmem_shared>> -> memref<10240x128xf32, #tpu.memory_space<vmem_shared>>
        tpu.wait_indirect_dma semaphore(%run_scoped3A_290 : memref<!tpu.dma_semaphore, #tpu.memory_space<semaphore_mem>>) src(%dma_wait3A_304 : memref<128x128xf32, #tpu.memory_space<vmem>>) dst(%dma_wait3A_310 : memref<10240x128xf32, #tpu.memory_space<vmem_shared>>)
        tpu.yield
      }) : () -> ()
      %lt3A_277 = arith.constant 19 : i32
      %lt3A_278 = arith.cmpi slt, %scan3A_162, %lt3A_277 : i32
      %convert_element_type3A_279 = arith.extui %lt3A_278 : i1 to i32
      %cond3A_280 = arith.constant 0 : i32
      %cond3A_281 = arith.cmpi ne, %convert_element_type3A_279, %cond3A_280 : i32
      scf.if %cond3A_281 {
        %add3A_290 = arith.constant 4 : i32
        %add3A_291 = arith.addi %add3A_260, %add3A_290 : i32
        %dma_start3A_292 = arith.constant 3 : i32
        %dma_start3A_293 = arith.constant 3 : i32
        %dma_start3A_294 = arith.constant 0 : i32
        %dma_start3A_295 = tpu.memref_slice %arg6[%dma_start3A_292, %dma_start3A_294] : memref<4x128xi32, #tpu.memory_space<vmem>> -> memref<1x128xi32, #tpu.memory_space<vmem>>
        %dma_start3A_296 = tpu.memref_squeeze %dma_start3A_295 : memref<1x128xi32, #tpu.memory_space<vmem>> -> memref<128xi32, #tpu.memory_space<vmem>>
        %dma_start3A_297 = arith.constant 0 : i32
        %dma_start3A_298 = tpu.memref_slice %arg3[%add3A, %add3A_291, %dma_start3A_297] : memref<32x80x128xi32, #tpu.memory_space<hbm>> -> memref<1x1x128xi32, #tpu.memory_space<hbm>>
        %dma_start3A_299 = tpu.memref_squeeze %dma_start3A_298 : memref<1x1x128xi32, #tpu.memory_space<hbm>> -> memref<128xi32, #tpu.memory_space<hbm>>
        %dma_start3A_300 = tpu.memref_slice %arg11[%dma_start3A_293] : memref<4x!tpu.dma_semaphore, #tpu.memory_space<semaphore_mem>> -> memref<1x!tpu.dma_semaphore, #tpu.memory_space<semaphore_mem>>
        %dma_start3A_301 = tpu.memref_squeeze %dma_start3A_300 : memref<1x!tpu.dma_semaphore, #tpu.memory_space<semaphore_mem>> -> memref<!tpu.dma_semaphore, #tpu.memory_space<semaphore_mem>>
        %dma_start3A_302 = arith.constant 0 : i32
        %dma_start3A_303 = tpu.memref_slice %arg6[%dma_start3A_292, %dma_start3A_302] : memref<4x128xi32, #tpu.memory_space<vmem>> -> memref<1x128xi32, #tpu.memory_space<vmem>>
        %dma_start3A_304 = tpu.memref_squeeze %dma_start3A_303 : memref<1x128xi32, #tpu.memory_space<vmem>> -> memref<128xi32, #tpu.memory_space<vmem>>
        %dma_start3A_305 = arith.constant 0 : i32
        %dma_start3A_306 = tpu.memref_slice %arg3[%add3A, %add3A_291, %dma_start3A_305] : memref<32x80x128xi32, #tpu.memory_space<hbm>> -> memref<1x1x128xi32, #tpu.memory_space<hbm>>
        %dma_start3A_307 = tpu.memref_squeeze %dma_start3A_306 : memref<1x1x128xi32, #tpu.memory_space<hbm>> -> memref<128xi32, #tpu.memory_space<hbm>>
        tpu.enqueue_dma source(%dma_start3A_307 : memref<128xi32, #tpu.memory_space<hbm>>) target(%dma_start3A_304 : memref<128xi32, #tpu.memory_space<vmem>>) target_semaphore(%dma_start3A_301 : memref<!tpu.dma_semaphore, #tpu.memory_space<semaphore_mem>>)
      } else {
      }
      %add3A_282 = arith.constant 2 : i32
      %add3A_283 = arith.addi %add3A_260, %add3A_282 : i32
      %lt3A_284 = arith.constant 80 : i32
      %lt3A_285 = arith.cmpi slt, %add3A_283, %lt3A_284 : i32
      %convert_element_type3A_286 = arith.extui %lt3A_285 : i1 to i32
      %cond3A_287 = arith.constant 0 : i32
      %cond3A_288 = arith.cmpi ne, %convert_element_type3A_286, %cond3A_287 : i32
      scf.if %cond3A_288 {
        %dma_wait3A_290 = arith.constant 1 : i32
        %dma_wait3A_291 = arith.constant 1 : i32
        %dma_wait3A_292 = arith.constant 1 : i32
        %dma_wait3A_293 = arith.constant 0 : i32
        %dma_wait3A_294 = tpu.memref_slice %arg6[%dma_wait3A_291, %dma_wait3A_293] : memref<4x128xi32, #tpu.memory_space<vmem>> -> memref<1x128xi32, #tpu.memory_space<vmem>>
        %dma_wait3A_295 = tpu.memref_squeeze %dma_wait3A_294 : memref<1x128xi32, #tpu.memory_space<vmem>> -> memref<128xi32, #tpu.memory_space<vmem>>
        %dma_wait3A_296 = arith.constant 0 : i32
        %dma_wait3A_297 = tpu.memref_slice %arg3[%add3A, %dma_wait3A_290, %dma_wait3A_296] : memref<32x80x128xi32, #tpu.memory_space<hbm>> -> memref<1x1x128xi32, #tpu.memory_space<hbm>>
        %dma_wait3A_298 = tpu.memref_squeeze %dma_wait3A_297 : memref<1x1x128xi32, #tpu.memory_space<hbm>> -> memref<128xi32, #tpu.memory_space<hbm>>
        %dma_wait3A_299 = tpu.memref_slice %arg11[%dma_wait3A_292] : memref<4x!tpu.dma_semaphore, #tpu.memory_space<semaphore_mem>> -> memref<1x!tpu.dma_semaphore, #tpu.memory_space<semaphore_mem>>
        %dma_wait3A_300 = tpu.memref_squeeze %dma_wait3A_299 : memref<1x!tpu.dma_semaphore, #tpu.memory_space<semaphore_mem>> -> memref<!tpu.dma_semaphore, #tpu.memory_space<semaphore_mem>>
        %dma_wait3A_301 = arith.constant 0 : i32
        %dma_wait3A_302 = tpu.memref_slice %arg6[%dma_wait3A_291, %dma_wait3A_301] : memref<4x128xi32, #tpu.memory_space<vmem>> -> memref<1x128xi32, #tpu.memory_space<vmem>>
        %dma_wait3A_303 = tpu.memref_squeeze %dma_wait3A_302 : memref<1x128xi32, #tpu.memory_space<vmem>> -> memref<128xi32, #tpu.memory_space<vmem>>
        %dma_wait3A_304 = arith.constant 0 : i32
        %dma_wait3A_305 = tpu.memref_slice %arg3[%add3A, %dma_wait3A_290, %dma_wait3A_304] : memref<32x80x128xi32, #tpu.memory_space<hbm>> -> memref<1x1x128xi32, #tpu.memory_space<hbm>>
        %dma_wait3A_306 = tpu.memref_squeeze %dma_wait3A_305 : memref<1x1x128xi32, #tpu.memory_space<hbm>> -> memref<128xi32, #tpu.memory_space<hbm>>
        tpu.wait_dma2 semaphore(%dma_wait3A_300 : memref<!tpu.dma_semaphore, #tpu.memory_space<semaphore_mem>>) src(%dma_wait3A_306 : memref<128xi32, #tpu.memory_space<hbm>>) dst(%dma_wait3A_303 : memref<128xi32, #tpu.memory_space<vmem>>)
        %dma_start3A_307 = arith.constant 1 : i32
        %dma_start3A_308 = arith.constant 1 : i32
        %dma_start3A_309 = arith.constant 1 : i32
        %dma_start3A_310 = arith.constant 0 : i32
        %dma_start3A_311 = arith.constant 0 : i32
        %dma_start3A_312 = tpu.memref_slice %arg8[%dma_start3A_308, %dma_start3A_310, %dma_start3A_311] : memref<2x128x128xf32, #tpu.memory_space<vmem>> -> memref<1x128x128xf32, #tpu.memory_space<vmem>>
        %dma_start3A_313 = tpu.memref_squeeze %dma_start3A_312 : memref<1x128x128xf32, #tpu.memory_space<vmem>> -> memref<128x128xf32, #tpu.memory_space<vmem>>
        %dma_start3A_314 = arith.constant 0 : i32
        %dma_start3A_315 = tpu.memref_slice %arg6[%dma_start3A_307, %dma_start3A_314] : memref<4x128xi32, #tpu.memory_space<vmem>> -> memref<1x128xi32, #tpu.memory_space<vmem>>
        %dma_start3A_316 = tpu.memref_squeeze %dma_start3A_315 : memref<1x128xi32, #tpu.memory_space<vmem>> -> memref<128xi32, #tpu.memory_space<vmem>>
        %dma_start3A_317 = arith.constant 0 : i32
        %dma_start3A_318 = arith.constant 0 : i32
        %dma_start3A_319 = tpu.memref_slice %arg2[%dma_start3A_317, %dma_start3A_318] : memref<10000x128xf32, #tpu.memory_space<hbm>> -> memref<10000x128xf32, #tpu.memory_space<hbm>>
        %dma_start3A_320 = tpu.memref_slice %arg10[%dma_start3A_309] : memref<2x!tpu.dma_semaphore, #tpu.memory_space<semaphore_mem>> -> memref<1x!tpu.dma_semaphore, #tpu.memory_space<semaphore_mem>>
        %dma_start3A_321 = tpu.memref_squeeze %dma_start3A_320 : memref<1x!tpu.dma_semaphore, #tpu.memory_space<semaphore_mem>> -> memref<!tpu.dma_semaphore, #tpu.memory_space<semaphore_mem>>
        tpu.enqueue_indirect_dma source(%dma_start3A_319 : memref<10000x128xf32, #tpu.memory_space<hbm>>) target(%dma_start3A_313 : memref<128x128xf32, #tpu.memory_space<vmem>>) offsets(%dma_start3A_316 : memref<128xi32, #tpu.memory_space<vmem>>) semaphore(%dma_start3A_321 : memref<!tpu.dma_semaphore, #tpu.memory_space<semaphore_mem>>)
      } else {
      }
      %scan3A_289 = arith.constant 0 : i32
      scf.yield %scan3A_289 : i32
    }
    %scan3A_160 = arith.constant 20 : i32
    %barrier3A_161 = arith.constant 0 : index
    tpu.barrier barrier_id(%barrier3A_161)
    "tpu.region"() ({
      %run_scoped3A_162 = tpu.sem_alloc : memref<!tpu.dma_semaphore, #tpu.memory_space<semaphore_mem>>
      %dma_start3A_163 = arith.constant 0 : i32
      %dma_start3A_164 = tpu.memref_slice %arg5[%arg0, %mul3A_9, %dma_start3A_163] : memref<2x10240x128xf32, #tpu.memory_space<hbm>> -> memref<1x640x128xf32, #tpu.memory_space<hbm>>
      %dma_start3A_165 = tpu.memref_squeeze %dma_start3A_164 : memref<1x640x128xf32, #tpu.memory_space<hbm>> -> memref<640x128xf32, #tpu.memory_space<hbm>>
      %dma_start3A_166 = arith.constant 0 : i32
      %dma_start3A_167 = tpu.memref_slice %arg9[%mul3A_9, %dma_start3A_166] : memref<10240x128xf32, #tpu.memory_space<vmem_shared>> -> memref<640x128xf32, #tpu.memory_space<vmem_shared>>
      tpu.enqueue_dma source(%dma_start3A_167 : memref<640x128xf32, #tpu.memory_space<vmem_shared>>) target(%dma_start3A_165 : memref<640x128xf32, #tpu.memory_space<hbm>>) target_semaphore(%run_scoped3A_162 : memref<!tpu.dma_semaphore, #tpu.memory_space<semaphore_mem>>)
      %dma_wait3A_168 = arith.constant 0 : i32
      %dma_wait3A_169 = tpu.memref_slice %arg5[%arg0, %mul3A_9, %dma_wait3A_168] : memref<2x10240x128xf32, #tpu.memory_space<hbm>> -> memref<1x640x128xf32, #tpu.memory_space<hbm>>
      %dma_wait3A_170 = tpu.memref_squeeze %dma_wait3A_169 : memref<1x640x128xf32, #tpu.memory_space<hbm>> -> memref<640x128xf32, #tpu.memory_space<hbm>>
      %dma_wait3A_171 = arith.constant 0 : i32
      %dma_wait3A_172 = tpu.memref_slice %arg9[%mul3A_9, %dma_wait3A_171] : memref<10240x128xf32, #tpu.memory_space<vmem_shared>> -> memref<640x128xf32, #tpu.memory_space<vmem_shared>>
      tpu.wait_dma2 semaphore(%run_scoped3A_162 : memref<!tpu.dma_semaphore, #tpu.memory_space<semaphore_mem>>) src(%dma_wait3A_172 : memref<640x128xf32, #tpu.memory_space<vmem_shared>>) dst(%dma_wait3A_170 : memref<640x128xf32, #tpu.memory_space<hbm>>)
      tpu.yield
    }) : () -> ()
    return
  }
}

module attributes {stable_mosaic.version = 14 : i64} {
  func.func @_tc_layer_body(%arg0: i32, %arg1: memref<2x2000x128xf32, #tpu.memory_space<vmem>>, %arg2: memref<2x2000x128xf32, #tpu.memory_space<vmem>>, %arg3: memref<2000x128xf32, #tpu.memory_space<vmem>>, %arg4: memref<128x128xf32, #tpu.memory_space<vmem>>, %arg5: memref<128x128xf32, #tpu.memory_space<vmem>>, %arg6: memref<1x128xf32, #tpu.memory_space<vmem>>, %arg7: memref<1x128xf32, #tpu.memory_space<vmem>>, %arg8: memref<2000x128xf32, #tpu.memory_space<vmem>>) attributes {dimension_semantics = [#tpu.dimension_semantics<arbitrary>], iteration_bounds = array<i64: 5>, scalar_prefetch = 0 : i64, scratch_operands = 0 : i64, tpu.core_type = #tpu.core_type<tc>, window_params = [{transform_indices = @transform_0, window_bounds = array<i64: 2, 2000, 128>}, {transform_indices = @transform_1, window_bounds = array<i64: 2, 2000, 128>}, {transform_indices = @transform_2, window_bounds = array<i64: 2000, 128>}, {pipeline_mode = #tpu.pipeline_mode<synchronous>, transform_indices = @transform_3, window_bounds = array<i64: 128, 128>}, {pipeline_mode = #tpu.pipeline_mode<synchronous>, transform_indices = @transform_4, window_bounds = array<i64: 128, 128>}, {pipeline_mode = #tpu.pipeline_mode<synchronous>, transform_indices = @transform_5, window_bounds = array<i64: 1, 128>}, {pipeline_mode = #tpu.pipeline_mode<synchronous>, transform_indices = @transform_6, window_bounds = array<i64: 1, 128>}, {transform_indices = @transform_7, window_bounds = array<i64: 2000, 128>}]} {
    %get3A = arith.constant 0 : index
    %get3A_0 = arith.constant 0 : index
    %get3A_1 = arith.constant 0 : index
    %get3A_2 = vector.load %arg1[%get3A, %get3A_0, %get3A_1] : memref<2x2000x128xf32, #tpu.memory_space<vmem>>, vector<1x2000x128xf32>
    %get3A_3 = vector.shape_cast %get3A_2 : vector<1x2000x128xf32> to vector<2000x128xf32>
    %get3A_4 = arith.constant 1 : index
    %get3A_5 = arith.constant 0 : index
    %get3A_6 = arith.constant 0 : index
    %get3A_7 = vector.load %arg1[%get3A_4, %get3A_5, %get3A_6] : memref<2x2000x128xf32, #tpu.memory_space<vmem>>, vector<1x2000x128xf32>
    %get3A_8 = vector.shape_cast %get3A_7 : vector<1x2000x128xf32> to vector<2000x128xf32>
    %add3A = arith.addf %get3A_3, %get3A_8 : vector<2000x128xf32>
    %get3A_9 = arith.constant 0 : index
    %get3A_10 = arith.constant 0 : index
    %get3A_11 = arith.constant 0 : index
    %get3A_12 = vector.load %arg2[%get3A_9, %get3A_10, %get3A_11] : memref<2x2000x128xf32, #tpu.memory_space<vmem>>, vector<1x2000x1xf32>
    %get3A_13 = vector.shape_cast %get3A_12 : vector<1x2000x1xf32> to vector<2000x1xf32>
    %get3A_14 = arith.constant 1 : index
    %get3A_15 = arith.constant 0 : index
    %get3A_16 = arith.constant 0 : index
    %get3A_17 = vector.load %arg2[%get3A_14, %get3A_15, %get3A_16] : memref<2x2000x128xf32, #tpu.memory_space<vmem>>, vector<1x2000x1xf32>
    %get3A_18 = vector.shape_cast %get3A_17 : vector<1x2000x1xf32> to vector<2000x1xf32>
    %add3A_19 = arith.addf %get3A_13, %get3A_18 : vector<2000x1xf32>
    %max3A = arith.constant 1.000000e+00 : f32
    %max3A_20 = vector.broadcast %max3A : f32 to vector<2000x1xf32>
    %max3A_21 = arith.maximumf %add3A_19, %max3A_20 : vector<2000x1xf32>
    %div3A = arith.constant 1.000000e+00 : f32
    %div3A_22 = vector.broadcast %div3A : f32 to vector<2000x1xf32>
    %div3A_23 = arith.divf %div3A_22, %max3A_21 : vector<2000x1xf32>
    %mul3A = vector.broadcast %div3A_23 : vector<2000x1xf32> to vector<2000x128xf32>
    %mul3A_24 = arith.mulf %add3A, %mul3A : vector<2000x128xf32>
    %get3A_25 = arith.constant 0 : index
    %get3A_26 = arith.constant 0 : index
    %get3A_27 = vector.load %arg4[%get3A_25, %get3A_26] : memref<128x128xf32, #tpu.memory_space<vmem>>, vector<128x128xf32>
    %dot_general3A = arith.constant dense<0.000000e+00> : vector<2000x128xf32>
    %dot_general3A_28 = tpu.matmul %mul3A_24, %get3A_27, %dot_general3A {dimension_numbers = #tpu.dot_dimension_numbers<[1], [0], [0], [1], [0, 0, 1, 1], [], []>, transpose_lhs_hint = false} : vector<2000x128xf32>, vector<128x128xf32>, vector<2000x128xf32> -> vector<2000x128xf32>
    %get3A_29 = arith.constant 0 : index
    %get3A_30 = arith.constant 0 : index
    %get3A_31 = vector.load %arg3[%get3A_29, %get3A_30] : memref<2000x128xf32, #tpu.memory_space<vmem>>, vector<2000x128xf32>
    %get3A_32 = arith.constant 0 : index
    %get3A_33 = arith.constant 0 : index
    %get3A_34 = vector.load %arg5[%get3A_32, %get3A_33] : memref<128x128xf32, #tpu.memory_space<vmem>>, vector<128x128xf32>
    %dot_general3A_35 = arith.constant dense<0.000000e+00> : vector<2000x128xf32>
    %dot_general3A_36 = tpu.matmul %get3A_31, %get3A_34, %dot_general3A_35 {dimension_numbers = #tpu.dot_dimension_numbers<[1], [0], [0], [1], [0, 0, 1, 1], [], []>, transpose_lhs_hint = false} : vector<2000x128xf32>, vector<128x128xf32>, vector<2000x128xf32> -> vector<2000x128xf32>
    %add3A_37 = arith.addf %dot_general3A_28, %dot_general3A_36 : vector<2000x128xf32>
    %get3A_38 = arith.constant 0 : index
    %get3A_39 = arith.constant 0 : index
    %get3A_40 = vector.load %arg6[%get3A_38, %get3A_39] : memref<1x128xf32, #tpu.memory_space<vmem>>, vector<1x128xf32>
    %mul3A_41 = vector.broadcast %get3A_40 : vector<1x128xf32> to vector<2000x128xf32>
    %mul3A_42 = arith.mulf %add3A_37, %mul3A_41 : vector<2000x128xf32>
    %get3A_43 = arith.constant 0 : index
    %get3A_44 = arith.constant 0 : index
    %get3A_45 = vector.load %arg7[%get3A_43, %get3A_44] : memref<1x128xf32, #tpu.memory_space<vmem>>, vector<1x128xf32>
    %add3A_46 = vector.broadcast %get3A_45 : vector<1x128xf32> to vector<2000x128xf32>
    %add3A_47 = arith.addf %mul3A_42, %add3A_46 : vector<2000x128xf32>
    %max3A_48 = arith.constant 0.000000e+00 : f32
    %max3A_49 = vector.broadcast %max3A_48 : f32 to vector<2000x128xf32>
    %max3A_50 = arith.maximumf %add3A_47, %max3A_49 : vector<2000x128xf32>
    %swap3A = arith.constant 0 : index
    %swap3A_51 = arith.constant 0 : index
    %swap3A_52 = vector.load %arg8[%swap3A, %swap3A_51] : memref<2000x128xf32, #tpu.memory_space<vmem>>, vector<2000x128xf32>
    tpu.vector_store %arg8[%swap3A, %swap3A_51], %max3A_50 {strides = array<i32>} : memref<2000x128xf32, #tpu.memory_space<vmem>>, vector<2000x128xf32>,
    return
  }
  func.func @transform_0(%arg0: i32) -> (i32, i32, i32) {
    %c0_i32 = arith.constant 0 : i32
    %c0_i32_0 = arith.constant 0 : i32
    %c0_i32_1 = arith.constant 0 : i32
    return %c0_i32, %arg0, %c0_i32_0 : i32, i32, i32
  }
  func.func @transform_1(%arg0: i32) -> (i32, i32, i32) {
    %c0_i32 = arith.constant 0 : i32
    %c0_i32_0 = arith.constant 0 : i32
    %c0_i32_1 = arith.constant 0 : i32
    return %c0_i32, %arg0, %c0_i32_0 : i32, i32, i32
  }
  func.func @transform_2(%arg0: i32) -> (i32, i32) {
    %c0_i32 = arith.constant 0 : i32
    %c0_i32_0 = arith.constant 0 : i32
    return %arg0, %c0_i32 : i32, i32
  }
  func.func @transform_3(%arg0: i32) -> (i32, i32) {
    %c0_i32 = arith.constant 0 : i32
    %c0_i32_0 = arith.constant 0 : i32
    %c0_i32_1 = arith.constant 0 : i32
    return %c0_i32, %c0_i32_0 : i32, i32
  }
  func.func @transform_4(%arg0: i32) -> (i32, i32) {
    %c0_i32 = arith.constant 0 : i32
    %c0_i32_0 = arith.constant 0 : i32
    %c0_i32_1 = arith.constant 0 : i32
    return %c0_i32, %c0_i32_0 : i32, i32
  }
  func.func @transform_5(%arg0: i32) -> (i32, i32) {
    %c0_i32 = arith.constant 0 : i32
    %c0_i32_0 = arith.constant 0 : i32
    %c0_i32_1 = arith.constant 0 : i32
    return %c0_i32, %c0_i32_0 : i32, i32
  }
  func.func @transform_6(%arg0: i32) -> (i32, i32) {
    %c0_i32 = arith.constant 0 : i32
    %c0_i32_0 = arith.constant 0 : i32
    %c0_i32_1 = arith.constant 0 : i32
    return %c0_i32, %c0_i32_0 : i32, i32
  }
  func.func @transform_7(%arg0: i32) -> (i32, i32) {
    %c0_i32 = arith.constant 0 : i32
    %c0_i32_0 = arith.constant 0 : i32
    return %arg0, %c0_i32 : i32, i32
  }
}

module attributes {stable_mosaic.version = 14 : i64} {
  func.func @_tc_last_body(%arg0: i32, %arg1: memref<2x2000x128xf32, #tpu.memory_space<vmem>>, %arg2: memref<2x2000x128xf32, #tpu.memory_space<vmem>>, %arg3: memref<2000x128xf32, #tpu.memory_space<vmem>>, %arg4: memref<128x128xf32, #tpu.memory_space<vmem>>, %arg5: memref<128x128xf32, #tpu.memory_space<vmem>>, %arg6: memref<1x128xf32, #tpu.memory_space<vmem>>, %arg7: memref<1x128xf32, #tpu.memory_space<vmem>>, %arg8: memref<128x2xf32, #tpu.memory_space<vmem>>, %arg9: memref<1x2xf32, #tpu.memory_space<vmem>>, %arg10: memref<2000x2xf32, #tpu.memory_space<vmem>>) attributes {dimension_semantics = [#tpu.dimension_semantics<arbitrary>], iteration_bounds = array<i64: 5>, scalar_prefetch = 0 : i64, scratch_operands = 0 : i64, tpu.core_type = #tpu.core_type<tc>, window_params = [{transform_indices = @transform_0, window_bounds = array<i64: 2, 2000, 128>}, {transform_indices = @transform_1, window_bounds = array<i64: 2, 2000, 128>}, {transform_indices = @transform_2, window_bounds = array<i64: 2000, 128>}, {pipeline_mode = #tpu.pipeline_mode<synchronous>, transform_indices = @transform_3, window_bounds = array<i64: 128, 128>}, {pipeline_mode = #tpu.pipeline_mode<synchronous>, transform_indices = @transform_4, window_bounds = array<i64: 128, 128>}, {pipeline_mode = #tpu.pipeline_mode<synchronous>, transform_indices = @transform_5, window_bounds = array<i64: 1, 128>}, {pipeline_mode = #tpu.pipeline_mode<synchronous>, transform_indices = @transform_6, window_bounds = array<i64: 1, 128>}, {pipeline_mode = #tpu.pipeline_mode<synchronous>, transform_indices = @transform_7, window_bounds = array<i64: 128, 2>}, {pipeline_mode = #tpu.pipeline_mode<synchronous>, transform_indices = @transform_8, window_bounds = array<i64: 1, 2>}, {transform_indices = @transform_9, window_bounds = array<i64: 2000, 2>}]} {
    %get3A = arith.constant 0 : index
    %get3A_0 = arith.constant 0 : index
    %get3A_1 = arith.constant 0 : index
    %get3A_2 = vector.load %arg1[%get3A, %get3A_0, %get3A_1] : memref<2x2000x128xf32, #tpu.memory_space<vmem>>, vector<1x2000x128xf32>
    %get3A_3 = vector.shape_cast %get3A_2 : vector<1x2000x128xf32> to vector<2000x128xf32>
    %get3A_4 = arith.constant 1 : index
    %get3A_5 = arith.constant 0 : index
    %get3A_6 = arith.constant 0 : index
    %get3A_7 = vector.load %arg1[%get3A_4, %get3A_5, %get3A_6] : memref<2x2000x128xf32, #tpu.memory_space<vmem>>, vector<1x2000x128xf32>
    %get3A_8 = vector.shape_cast %get3A_7 : vector<1x2000x128xf32> to vector<2000x128xf32>
    %add3A = arith.addf %get3A_3, %get3A_8 : vector<2000x128xf32>
    %get3A_9 = arith.constant 0 : index
    %get3A_10 = arith.constant 0 : index
    %get3A_11 = arith.constant 0 : index
    %get3A_12 = vector.load %arg2[%get3A_9, %get3A_10, %get3A_11] : memref<2x2000x128xf32, #tpu.memory_space<vmem>>, vector<1x2000x1xf32>
    %get3A_13 = vector.shape_cast %get3A_12 : vector<1x2000x1xf32> to vector<2000x1xf32>
    %get3A_14 = arith.constant 1 : index
    %get3A_15 = arith.constant 0 : index
    %get3A_16 = arith.constant 0 : index
    %get3A_17 = vector.load %arg2[%get3A_14, %get3A_15, %get3A_16] : memref<2x2000x128xf32, #tpu.memory_space<vmem>>, vector<1x2000x1xf32>
    %get3A_18 = vector.shape_cast %get3A_17 : vector<1x2000x1xf32> to vector<2000x1xf32>
    %add3A_19 = arith.addf %get3A_13, %get3A_18 : vector<2000x1xf32>
    %max3A = arith.constant 1.000000e+00 : f32
    %max3A_20 = vector.broadcast %max3A : f32 to vector<2000x1xf32>
    %max3A_21 = arith.maximumf %add3A_19, %max3A_20 : vector<2000x1xf32>
    %div3A = arith.constant 1.000000e+00 : f32
    %div3A_22 = vector.broadcast %div3A : f32 to vector<2000x1xf32>
    %div3A_23 = arith.divf %div3A_22, %max3A_21 : vector<2000x1xf32>
    %mul3A = vector.broadcast %div3A_23 : vector<2000x1xf32> to vector<2000x128xf32>
    %mul3A_24 = arith.mulf %add3A, %mul3A : vector<2000x128xf32>
    %get3A_25 = arith.constant 0 : index
    %get3A_26 = arith.constant 0 : index
    %get3A_27 = vector.load %arg4[%get3A_25, %get3A_26] : memref<128x128xf32, #tpu.memory_space<vmem>>, vector<128x128xf32>
    %dot_general3A = arith.constant dense<0.000000e+00> : vector<2000x128xf32>
    %dot_general3A_28 = tpu.matmul %mul3A_24, %get3A_27, %dot_general3A {dimension_numbers = #tpu.dot_dimension_numbers<[1], [0], [0], [1], [0, 0, 1, 1], [], []>, transpose_lhs_hint = false} : vector<2000x128xf32>, vector<128x128xf32>, vector<2000x128xf32> -> vector<2000x128xf32>
    %get3A_29 = arith.constant 0 : index
    %get3A_30 = arith.constant 0 : index
    %get3A_31 = vector.load %arg3[%get3A_29, %get3A_30] : memref<2000x128xf32, #tpu.memory_space<vmem>>, vector<2000x128xf32>
    %get3A_32 = arith.constant 0 : index
    %get3A_33 = arith.constant 0 : index
    %get3A_34 = vector.load %arg5[%get3A_32, %get3A_33] : memref<128x128xf32, #tpu.memory_space<vmem>>, vector<128x128xf32>
    %dot_general3A_35 = arith.constant dense<0.000000e+00> : vector<2000x128xf32>
    %dot_general3A_36 = tpu.matmul %get3A_31, %get3A_34, %dot_general3A_35 {dimension_numbers = #tpu.dot_dimension_numbers<[1], [0], [0], [1], [0, 0, 1, 1], [], []>, transpose_lhs_hint = false} : vector<2000x128xf32>, vector<128x128xf32>, vector<2000x128xf32> -> vector<2000x128xf32>
    %add3A_37 = arith.addf %dot_general3A_28, %dot_general3A_36 : vector<2000x128xf32>
    %get3A_38 = arith.constant 0 : index
    %get3A_39 = arith.constant 0 : index
    %get3A_40 = vector.load %arg6[%get3A_38, %get3A_39] : memref<1x128xf32, #tpu.memory_space<vmem>>, vector<1x128xf32>
    %mul3A_41 = vector.broadcast %get3A_40 : vector<1x128xf32> to vector<2000x128xf32>
    %mul3A_42 = arith.mulf %add3A_37, %mul3A_41 : vector<2000x128xf32>
    %get3A_43 = arith.constant 0 : index
    %get3A_44 = arith.constant 0 : index
    %get3A_45 = vector.load %arg7[%get3A_43, %get3A_44] : memref<1x128xf32, #tpu.memory_space<vmem>>, vector<1x128xf32>
    %add3A_46 = vector.broadcast %get3A_45 : vector<1x128xf32> to vector<2000x128xf32>
    %add3A_47 = arith.addf %mul3A_42, %add3A_46 : vector<2000x128xf32>
    %max3A_48 = arith.constant 0.000000e+00 : f32
    %max3A_49 = vector.broadcast %max3A_48 : f32 to vector<2000x128xf32>
    %max3A_50 = arith.maximumf %add3A_47, %max3A_49 : vector<2000x128xf32>
    %get3A_51 = arith.constant 0 : index
    %get3A_52 = arith.constant 0 : index
    %get3A_53 = vector.load %arg8[%get3A_51, %get3A_52] : memref<128x2xf32, #tpu.memory_space<vmem>>, vector<128x2xf32>
    %dot_general3A_54 = arith.constant dense<0.000000e+00> : vector<2000x2xf32>
    %dot_general3A_55 = tpu.matmul %max3A_50, %get3A_53, %dot_general3A_54 {dimension_numbers = #tpu.dot_dimension_numbers<[1], [0], [0], [1], [0, 0, 1, 1], [], []>, transpose_lhs_hint = false} : vector<2000x128xf32>, vector<128x2xf32>, vector<2000x2xf32> -> vector<2000x2xf32>
    %get3A_56 = arith.constant 0 : index
    %get3A_57 = arith.constant 0 : index
    %get3A_58 = vector.load %arg9[%get3A_56, %get3A_57] : memref<1x2xf32, #tpu.memory_space<vmem>>, vector<1x2xf32>
    %add3A_59 = vector.broadcast %get3A_58 : vector<1x2xf32> to vector<2000x2xf32>
    %add3A_60 = arith.addf %dot_general3A_55, %add3A_59 : vector<2000x2xf32>
    %swap3A = arith.constant 0 : index
    %swap3A_61 = arith.constant 0 : index
    %swap3A_62 = vector.load %arg10[%swap3A, %swap3A_61] : memref<2000x2xf32, #tpu.memory_space<vmem>>, vector<2000x2xf32>
    tpu.vector_store %arg10[%swap3A, %swap3A_61], %add3A_60 {strides = array<i32>} : memref<2000x2xf32, #tpu.memory_space<vmem>>, vector<2000x2xf32>,
    return
  }
  func.func @transform_0(%arg0: i32) -> (i32, i32, i32) {
    %c0_i32 = arith.constant 0 : i32
    %c0_i32_0 = arith.constant 0 : i32
    %c0_i32_1 = arith.constant 0 : i32
    return %c0_i32, %arg0, %c0_i32_0 : i32, i32, i32
  }
  func.func @transform_1(%arg0: i32) -> (i32, i32, i32) {
    %c0_i32 = arith.constant 0 : i32
    %c0_i32_0 = arith.constant 0 : i32
    %c0_i32_1 = arith.constant 0 : i32
    return %c0_i32, %arg0, %c0_i32_0 : i32, i32, i32
  }
  func.func @transform_2(%arg0: i32) -> (i32, i32) {
    %c0_i32 = arith.constant 0 : i32
    %c0_i32_0 = arith.constant 0 : i32
    return %arg0, %c0_i32 : i32, i32
  }
  func.func @transform_3(%arg0: i32) -> (i32, i32) {
    %c0_i32 = arith.constant 0 : i32
    %c0_i32_0 = arith.constant 0 : i32
    %c0_i32_1 = arith.constant 0 : i32
    return %c0_i32, %c0_i32_0 : i32, i32
  }
  func.func @transform_4(%arg0: i32) -> (i32, i32) {
    %c0_i32 = arith.constant 0 : i32
    %c0_i32_0 = arith.constant 0 : i32
    %c0_i32_1 = arith.constant 0 : i32
    return %c0_i32, %c0_i32_0 : i32, i32
  }
  func.func @transform_5(%arg0: i32) -> (i32, i32) {
    %c0_i32 = arith.constant 0 : i32
    %c0_i32_0 = arith.constant 0 : i32
    %c0_i32_1 = arith.constant 0 : i32
    return %c0_i32, %c0_i32_0 : i32, i32
  }
  func.func @transform_6(%arg0: i32) -> (i32, i32) {
    %c0_i32 = arith.constant 0 : i32
    %c0_i32_0 = arith.constant 0 : i32
    %c0_i32_1 = arith.constant 0 : i32
    return %c0_i32, %c0_i32_0 : i32, i32
  }
  func.func @transform_7(%arg0: i32) -> (i32, i32) {
    %c0_i32 = arith.constant 0 : i32
    %c0_i32_0 = arith.constant 0 : i32
    %c0_i32_1 = arith.constant 0 : i32
    return %c0_i32, %c0_i32_0 : i32, i32
  }
  func.func @transform_8(%arg0: i32) -> (i32, i32) {
    %c0_i32 = arith.constant 0 : i32
    %c0_i32_0 = arith.constant 0 : i32
    %c0_i32_1 = arith.constant 0 : i32
    return %c0_i32, %c0_i32_0 : i32, i32
  }
  func.func @transform_9(%arg0: i32) -> (i32, i32) {
    %c0_i32 = arith.constant 0 : i32
    %c0_i32_0 = arith.constant 0 : i32
    return %arg0, %c0_i32 : i32, i32
  }
}

</mosaic_0001>

<sc_bundles>
// kernel: kernel.11.cloned.1.call-start
scs
__scs_entry_jumppad:
0x0: {  	(pc) =	sbr.rel $0x88, $3  }
0x1: {  	(tag) =	ssettag $0x0;
	lr =	simm.s32 $0x1  }
0x2: {  	[smem:$0x3F89] =	sst lr;
	_ =	strace $0xD0000000  }
0x3: {  	_ = 	snop  }
0x4: {  	_ = 	snop  }
0x5: {  	_ = 	snop  }
0x6: {  	_ = 	snop  }
0x7: {  	_ = 	snop  }
__scs_overlays_trampoline_lowered:
0x8: {  	[smem:$0x3F98] =	sst s0  }
0x9: {  	[smem:$0x3F99] =	sst s1  }
0xa: {  	[smem:$0x3F9A] =	sst s2  }
0xb: {  	[smem:$0x3F9B] =	sst s3  }
0xc: {  	[smem:$0x3F9C] =	sst s4  }
0xd: {  	[smem:$0x3F9D] =	sst s5  }
0xe: {  	[smem:$0x3F9E] =	sst s6  }
0xf: {  	[smem:$0x3F9F] =	sst s7  }
0x10: {  	[smem:$0x3FA0] =	sst s8  }
0x11: {  	[smem:$0x3FA1] =	sst s9;
	s0 =	simm.s32 @!p0 $0x0  }
0x12: {  	s1 =	sld [smem:$0x3F87];
	s0 =	simm.s32 @p0 $0x1  }
0x13: {  	[smem:$0x3FA2] =	sst s0;
	s0 =	simm.s32 @!p1 $0x0  }
0x14: {  	s2 =	sld [smem:$0x3F86];
	s0 =	simm.s32 @p1 $0x1  }
0x15: {  	[smem:$0x3FA3] =	sst s0;
	s0 =	simm.s32 @!p2 $0x0  }
0x16: {  	s3 =	sld [smem:$0x3FDB];
	s0 =	simm.s32 @p2 $0x1  }
0x17: {  	s4 =	simm.s32 $0x1BF5;
	[smem:$0x3FA5] =	sst s0  }
0x18: {  	s0 =	sld [smem:$0x3F88];
	_ =	swait.ge [sflag:s4], $0x0  }
0x19: {  	s7 =	sld [smem:$0x3F89]  }
0x1a: {  	s8 =	sadd.s32 $0xFFFFE003, lr  }
0x1b: {  	s9 =	sadd.s32 $0xFFFFFEF7, lr;
	s5 =	simm.s32 $0xFFFFFFFF;
	p2 =	slt.u32 s8, $0xFFFFF086  }
0x1c: {  	p1 =	slt.u32 s9, $0xF7A;
	s5 =	simm.s32 @!p2 $0x0  }
0x1d: {  	s5 =	simm.s32 @p1 $0x1;
	p0 =	seq.s32 s7, s2  }
0x1e: {  	s7 =	smul.u32 @!p0 $0xF7A, s2;
	p2 =	seq.s32 @!p0 s5, $0x0  }
0x1f: {  	s9 =	smul.u32 $0xF7A, s1;
	s8 =	simm.s32 @!p0 $0x1BF5;
	p2 =	por !p2, p0  }
0x20: {  	[sflag:s8] =	ssyncset.s32 @!p0 $0xFFFFF086;
	s6 =	sadd.s32 @!p0 s3, s7;
	s7 =	simm.s32 @!p0 $0x108  }
0x21: {  	s3 =	sadd.s32 s3, s9;
	s6 =	sadd.s32 @!p0 $0x88, s6;
	s7 =	simm.s32 @p2 $0x1082  }
0x22: {  	[simem:s7], [sflag:s8] =	dma.local @!p0 [hbm:s6], $0xF7A  }
0x23: {  	s9 =	sor.u32 $0xD0000000, s2;
	s6 =	simm.s32 $0x108;
	_ =	swait.ge @!p0 [sflag:s8], $0x0  }
0x24: {  	s3 =	sadd.s32 $0x88, s3;
	s6 =	simm.s32 @!p1 $0x1082;
	[sflag:s4] =	ssyncset.s32 $0xFFFFF086  }
0x25: {  	[simem:s6], [sflag:s4] =	dma.local [hbm:s3], $0xF7A  }
0x26: {  	[smem:$0x3F89] =	sst s1;
	(tag) =	ssettag s2;
	_ =	strace s9  }
0x27: {  	s1 =	sld [smem:$0x3F99]  }
0x28: {  	s2 =	sld [smem:$0x3F9A]  }
0x29: {  	s4 =	sld [smem:$0x3F9C]  }
0x2a: {  	p0 =	seq.s32 s5, $0x0;
	s5 =	sld [smem:$0x3F9D]  }
0x2b: {  	s6 =	sld [smem:$0x3F9E]  }
0x2c: {  	s7 =	sld [smem:$0x3F9F]  }
0x2d: {  	s3 =	simm.s32 $0x108;
	s8 =	sld [smem:$0x3FA0]  }
0x2e: {  	s3 =	simm.s32 @!p0 $0x1082;
	s9 =	sld [smem:$0x3FA1]  }
0x2f: {  	lr =	sadd.s32 s0, s3;
	s0 =	sld [smem:$0x3F98]  }
0x30: {  	s3 =	sld [smem:$0x3F9B]  }
0x31: {  	[smem:$0x3FA4] =	sst s10  }
0x32: {  	s10 =	sld [smem:$0x3FA2];
	_ =	sdelay $0x3  }
0x33: {  	p0 =	seq.s32 s10, $0x1;
	s10 =	sld [smem:$0x3FA4];
	_ =	sdelay $0x3  }
0x34: {  	[smem:$0x3FA4] =	sst s10  }
0x35: {  	s10 =	sld [smem:$0x3FA3];
	_ =	sdelay $0x3  }
0x36: {  	p1 =	seq.s32 s10, $0x1;
	s10 =	sld [smem:$0x3FA4];
	_ =	sdelay $0x3  }
0x37: {  	[smem:$0x3FA4] =	sst s10  }
0x38: {  	s10 =	sld [smem:$0x3FA5]  }
0x39: {  	_ = 	snop;
	(pc) =	sbr.ind lr, $3  }
0x3a: {  	_ = 	snop  }
0x3b: {  	_ = 	snop  }
0x3c: {  	p2 =	seq.s32 s10, $0x1;
	s10 =	sld [smem:$0x3FA4]  }
0x3d: {  	_ =	shalt  }
0x3e: {  	_ =	shalt  }
0x3f: {  	_ =	shalt  }
0x40: {  	_ =	shalt  }
0x41: {  	_ =	shalt  }
0x42: {  	_ =	shalt  }
0x43: {  	_ =	shalt  }
0x44: {  	_ =	shalt  }
0x45: {  	_ =	shalt  }
0x46: {  	_ =	shalt  }
0x47: {  	_ =	shalt  }
0x48: {  	_ =	shalt  }
0x49: {  	_ =	shalt  }
0x4a: {  	_ =	shalt  }
0x4b: {  	_ =	shalt  }
0x4c: {  	_ =	shalt  }
0x4d: {  	_ =	shalt  }
0x4e: {  	_ =	shalt  }
0x4f: {  	_ =	shalt  }
0x50: {  	_ =	shalt  }
0x51: {  	_ =	shalt  }
0x52: {  	_ =	shalt  }
0x53: {  	_ =	shalt  }
0x54: {  	_ =	shalt  }
0x55: {  	_ =	shalt  }
0x56: {  	_ =	shalt  }
0x57: {  	_ =	shalt  }
0x58: {  	_ =	shalt  }
0x59: {  	_ =	shalt  }
0x5a: {  	_ =	shalt  }
0x5b: {  	_ =	shalt  }
0x5c: {  	_ =	shalt  }
0x5d: {  	_ =	shalt  }
0x5e: {  	_ =	shalt  }
0x5f: {  	_ =	shalt  }
0x60: {  	_ =	shalt  }
0x61: {  	_ =	shalt  }
0x62: {  	_ =	shalt  }
0x63: {  	_ =	shalt  }
0x64: {  	_ =	shalt  }
0x65: {  	_ =	shalt  }
0x66: {  	_ =	shalt  }
0x67: {  	_ =	shalt  }
0x68: {  	_ =	shalt  }
0x69: {  	_ =	shalt  }
0x6a: {  	_ =	shalt  }
0x6b: {  	_ =	shalt  }
0x6c: {  	_ =	shalt  }
0x6d: {  	_ =	shalt  }
0x6e: {  	_ =	shalt  }
0x6f: {  	_ =	shalt  }
0x70: {  	_ =	shalt  }
0x71: {  	_ =	shalt  }
0x72: {  	_ =	shalt  }
0x73: {  	_ =	shalt  }
0x74: {  	_ =	shalt  }
0x75: {  	_ =	shalt  }
0x76: {  	_ =	shalt  }
0x77: {  	_ =	shalt  }
0x78: {  	_ =	shalt  }
0x79: {  	_ =	shalt  }
0x7a: {  	_ =	shalt  }
0x7b: {  	_ =	shalt  }
0x7c: {  	_ =	shalt  }
0x7d: {  	_ =	shalt  }
0x7e: {  	_ =	shalt  }
0x7f: {  	_ =	shalt  }
0x80: {  	_ =	shalt  }
0x81: {  	_ =	shalt  }
0x82: {  	_ =	shalt  }
0x83: {  	_ =	shalt  }
0x84: {  	_ =	shalt  }
0x85: {  	_ =	shalt  }
0x86: {  	_ =	shalt  }
0x87: {  	_ =	shalt  }
.Lfunc_end0:
.L_simem_size_0:
called_computation_lowered:
.L_overlay_start_0:
0x88: {  	s2 =	sld [smem:$0x3FD9]  }
0x89: {  	s3 =	sld [smem:$0x3FFE];
	_ =	sdelay $0x1  }
0x8a: {  	s1 =	srdreg.scid  }
0x8b: {  	s0 =	sand.u32 $0x1, s1  }
0x8c: {  	s17 =	sshll.u32 s0, $0xA;
	s2 =	sadd.s32 s3, s2  }
0x8d: {  	s2 =	sadd.s32 s2, s17  }
0x8e: {  	[smem:$0x3FB0] =	sst s2  }
0x8f: {  	_ = 	snop  }
0x90: {  	(tm) =	ssettm $0x1  }
0x91: {  	s18 =	sld [smem:$0x3FFB];
	_ =	sdelay $0x3  }
0x92: {  	_ =	strace s18  }
0x93: {  	s2 =	sld [smem:$0x3FFC];
	_ =	sdelay $0x3  }
0x94: {  	_ =	strace s2  }
0x95: {  	s2 =	sld [smem:$0x3FFD];
	_ =	sdelay $0x3  }
0x96: {  	_ =	strace s2  }
0x97: {  	_ =	strace $0x8FFFFFFF  }
0x98: {  	s19 =	sld [smem:$0x3FDB];
	_ =	sdelay $0x1  }
0x99: {  	s20 =	simm.s32 $_scs_section_size  }
0x9a: {  	s4 =	simm.s32 $_size__tile_overlayer_lowered;
	s5 =	simm.s32 $_tile_overlayer_lowered  }
0x9b: {  	s6 =	simm.s32 $0x1BFF;
	s21 =	sshll.u32 s5, $0x1;
	s3 =	sadd.s32 s20, s19  }
0x9c: {  	s22 =	simm.s32 $0x0;
	s4 =	sshll.u32 s4, $0x1;
	s5 =	sadd.s32 s21, s3  }
0x9d: {  	[timem:s22], [sflag:s6] =	dma.local [hbm:s5], s4  }
0x9e: {  	_ =	swait.ge [sflag:s6], s4  }
0x9f: {  	s4 =	ssub.s32 $0x0, s4;
	[sflag:s6] =	ssyncset.done $0x0  }
0xa0: {  	[sflag:s6] =	ssyncadd.s32 s4;
	_ =	sdelay $0x1  }
0xa1: {  	s23 =	simm.s32 $0x1B8B  }
0xa2: {  	_ =	swait.ge [sflag:s23], $0x1  }
0xa3: {  	[sflag:s23] =	ssyncset.done $0x0  }
0xa4: {  	[sflag:s23] =	ssyncadd.s32 $0xFFFFFFFF  }
0xa5: {  	s4 =	sld [smem:$0x0]  }
0xa6: {  	s5 =	sand.u32 $0xFFFFFFFE, s1  }
0xa7: {  	p0 =	sne.s32 s1, s5  }
0xa8: {  	s5 =	sshll.u32 @p0 s5, $0xE  }
0xa9: {  	s5 =	sadd.s32 @p0 $0x11B8D, s5;
	s6 =	sshll.u32 @p0 s4, $0x11  }
0xaa: {  	s5 =	sor.u32 @p0 s6, s5  }
0xab: {  	[sflag:s5] =	ssyncadd.remote.s32 @p0 $0x1;
	_ =	sdelay $0x1  }
0xac: {  	s5 =	simm.s32 @p0 $0x1B8D  }
0xad: {  	_ =	swait.eq @p0 [sflag:s5], $0x1  }
0xae: {  	[sflag:s5] =	ssyncadd.s32 @p0 $0xFFFFFFFF  }
0xaf: {  	s6 =	sshll.u32 @!p0 s1, $0xE  }
0xb0: {  	s6 =	sor.u32 @!p0 $0x4000, s6;
	s5 =	simm.s32 @!p0 $0x1B8D  }
0xb1: {  	s4 =	sshll.u32 @!p0 s4, $0x11;
	s6 =	sadd.s32 @!p0 $0x11B8D, s6;
	_ =	swait.eq @!p0 [sflag:s5], $0x1  }
0xb2: {  	s4 =	sor.u32 @!p0 s4, s6;
	[sflag:s5] =	ssyncadd.s32 @!p0 $0xFFFFFFFF  }
0xb3: {  	s25 =	simm.s32 $0x1B8E;
	s24 =	sld [smem:$0x3FFE];
	[sflag:s4] =	ssyncadd.remote.s32 @!p0 $0x1  }
0xb4: {  	s26 =	simm.s32 $execute0_lowered;
	[smem:$0x3FD2] =	sst s25  }
0xb5: {  	s5 =	sshll.u32 s26, $0x1;
	_ =	strace $0x80000049;
	[dreg:$0x1] =	wrdreg $0xFFFFFFFF  }
0xb6: {  	s28 =	simm.s32 $_size_execute0_lowered;
	s3 =	sadd.s32 s3, s5;
	[dreg:$0x0] =	wrdreg $0x0  }
0xb7: {  	s5 =	sshll.u32 s28, $0x1;
	[dreg:$0x2] =	wrdreg s3  }
0xb8: {  	[dreg:$0x3] =	wrdreg s5  }
0xb9: {  	[dreg:$0x4] =	wrdreg $0xC0  }
0xba: {  	_ =	task [dreg:s22], $0x5FFFF  }
0xbb: {  	[dreg:$0x1] =	wrdreg $0xFFFFFFFF  }
0xbc: {  	[dreg:$0x0] =	wrdreg $0x60  }
0xbd: {  	[dreg:$0x2] =	wrdreg s24  }
0xbe: {  	[dreg:$0x3] =	wrdreg $0x68000  }
0xbf: {  	[dreg:$0x4] =	wrdreg $0x9  }
0xc0: {  	_ =	task.clear_ibuf [dreg:s22], $0x5FFFF;
	_ =	strace $0x90000049  }
0xc1: {  	s29 =	simm.s32 $0x9;
	_ =	strace $0x8000004B  }
0xc2: {  	_ =	swait.ge [sflag:s29], $0x1  }
0xc3: {  	[sflag:s29] =	ssyncadd.s32 $0xFFFFFFFF  }
0xc4: {  	_ =	strace $0x9000004B  }
0xc5: {  	_ =	sfence  }
0xc6: {  	s30 =	sld [smem:$0x0];
	_ =	sdelay $0x2  }
0xc7: {  	s31 =	sshll.u32 s1, $0xD;
	s1 =	sshrl.u32 s1, $0x2  }
0xc8: {  	s4 =	sand.u32 $0x4000, s31;
	s1 =	sadd.s32 s1, s30  }
0xc9: {  	s0 =	sor.u32 s4, s0;
	s1 =	sshll.u32 s1, $0x11  }
0xca: {  	s0 =	sor.u32 s1, s0  }
0xcb: {  	s0 =	sadd.s32 $0x8F2B, s0  }
0xcc: {  	[sflag:s0] =	ssyncadd.remote.s32 $0x1  }
0xcd: {  	_ =	sfence.sel $0xFFFF  }
0xce: {  	[dreg:$0x0] =	wrdreg $0xFFFFFFFF;
	(pc) =	sbr.abs _section_cstart, $3  }
0xcf: {  	[dreg:$0x1] =	wrdreg $0xFFFFFFFF  }
0xd0: {  	_ =	task.clear_ibuf [dreg:s22], $0x2FFFF;
	_ =	strace $0x9FFFFFFF  }
0xd1: {  	(tm) =	ssettm $0x7FFFFFFF  }
tec
execute0_lowered:
.L_overlay_start_1:
0x0: {  	(tag) =	ssettag $0x1  }
0x1: {  	s1 =	srdreg.scid;
	s5 =	rddreg [dreg:$0x0]  }
0x2: {  	s0 =	stileid.u32;
	s2 =	rddreg [dreg:$0x1]  }
0x3: {  	s3 =	simm.s32 $0x0;
	s13 =	simm.s32 $0x1;
	s14 =	simm.s32 $0x80  }
0x4: {  	s4 =	sand.u32 $0x1, s1;
	s26 =	sshll.u32 s0, $0x1;
	s8 =	smul.u32 $0x14000, s0  }
0x5: {  	[smem:$0x7FF] =	sst s3;
	s9 =	smul.u32 $0x50000, s0;
	s15 =	sshll.u32 s0, $0x6  }
0x6: {  	s1 =	sor.u32 s4, s26;
	s7 =	smul.u32 $0x140000, s4;
	s29 =	ssub.s32 $0x2, s4  }
0x7: {  	s15 =	sor.u32 $0x1C01, s15;
	s6 =	smul.u32 $0x500, s1;
	s1 =	rddreg [dreg:$0x2]  }
0x8: {  	_ =	strace $0x8000004A;
	s30 =	sshrl.u32 s9, $0x2;
	s31 =	sshrl.u32 s29, $0x1  }
0x9: {  	s28 =	sadd.s32 s8, s7;
	s4 =	sadd.s32 s30, s2;
	s12 =	ssub.s32 s29, s31  }
0xa: {  	s10 =	sadd.s32 s6, s5;
	s6 =	sshrl.u32 s28, $0x3;
	s7 =	sadd.s32 $0xC000, s4  }
0xb: {  	s8 =	sadd.s32 $0x10000, s4;
	s16 =	sshrl.u32 s4, $0x3;
	s11 =	sadd.s32 s6, s5  }
0xc: {  	s5 =	sadd.s32 $0x4000, s4;
	s6 =	sadd.s32 $0x8000, s4;
	s9 =	sadd.s32 $0x5C00, s10  }
0xd: {  	v0 =	vimm.f32 $0.0e+00;
	v1 =	vimm.f32 $1.000000000e+00;
	s10 =	sadd.s32 $0x69C00, s11;
	s11 =	smax.u32 s12, $0x1;
	s12 =	simm.s32 $0x2800  }
.LBB2_1:
0xe: {  	s17 =	simm.s32 $0x0;
	s18 =	simm.s32 $0x200  }
.LBB2_2:
0xf: {  	p0 =	sne.s32 s18, $0xFE00;
	[tilespmem:s17+$0x2870] =	vst v0  }
0x10: {  	[tilespmem:s17+$0x2800] =	vst v0  }
0x11: {  	[tilespmem:s17+$0x2810] =	vst v0  }
.Ltmp0:
0x12: {  	[tilespmem:s17+$0x2820] =	vst v0;
	(pc) =	sbr.rel @p0 .LBB2_2-.Ltmp0, $4  }
0x13: {  	[tilespmem:s17+$0x2830] =	vst v0  }
0x14: {  	[tilespmem:s17+$0x2840] =	vst v0  }
0x15: {  	[tilespmem:s17+$0x2850] =	vst v0  }
0x16: {  	[tilespmem:s17+$0x2860] =	vst v0;
	s17 =	sshra.s32 s18, $0x2;
	s18 =	sadd.s32 $0x200, s18  }
0x17: {  	[tilespmem:s17+$0x2870] =	vst v0  }
0x18: {  	[tilespmem:s17+$0x2800] =	vst v0  }
0x19: {  	[tilespmem:s17+$0x2810] =	vst v0  }
0x1a: {  	[tilespmem:s17+$0x2820] =	vst v0  }
0x1b: {  	[tilespmem:s17+$0x2830] =	vst v0  }
0x1c: {  	[tilespmem:s17+$0x2840] =	vst v0  }
0x1d: {  	[tilespmem:s17+$0x2850] =	vst v0  }
0x1e: {  	[tilespmem:s17+$0x2860] =	vst v0  }
0x1f: {  	[spmem:s4] =	stream.linear.scatter [tilespmem:s12], [sflag:$0x1], $0x4000, $0x38;
	[tilespmem:$0x1A800] =	vst v63  }
0x20: {  	_ =	swait.ge [sflag:s13], $0x4000  }
0x21: {  	[sflag:s13] =	ssyncset.done $0x0  }
0x22: {  	[sflag:s13] =	ssyncadd.s32 $0xFFFFC000  }
0x23: {  	[spmem:s5] =	stream.linear.scatter [tilespmem:s12], [sflag:$0x1], $0x4000, $0x38;
	[tilespmem:$0x1A800] =	vst v63  }
0x24: {  	_ =	swait.ge [sflag:s13], $0x4000  }
0x25: {  	[sflag:s13] =	ssyncset.done $0x0  }
0x26: {  	[sflag:s13] =	ssyncadd.s32 $0xFFFFC000  }
0x27: {  	[spmem:s6] =	stream.linear.scatter [tilespmem:s12], [sflag:$0x1], $0x4000, $0x38;
	[tilespmem:$0x1A800] =	vst v63  }
0x28: {  	_ =	swait.ge [sflag:s13], $0x4000  }
0x29: {  	[sflag:s13] =	ssyncset.done $0x0  }
0x2a: {  	[sflag:s13] =	ssyncadd.s32 $0xFFFFC000  }
0x2b: {  	[spmem:s7] =	stream.linear.scatter [tilespmem:s12], [sflag:$0x1], $0x4000, $0x38;
	[tilespmem:$0x1A800] =	vst v63  }
0x2c: {  	_ =	swait.ge [sflag:s13], $0x4000  }
0x2d: {  	[sflag:s13] =	ssyncset.done $0x0  }
0x2e: {  	[sflag:s13] =	ssyncadd.s32 $0xFFFFC000  }
0x2f: {  	[spmem:s8] =	stream.linear.scatter [tilespmem:s12], [sflag:$0x1], $0x4000, $0x38;
	[tilespmem:$0x1A800] =	vst v63  }
0x30: {  	_ =	swait.ge [sflag:s13], $0x4000  }
0x31: {  	[sflag:s13] =	ssyncset.done $0x0  }
0x32: {  	s17 =	simm.s32 $0x0;
	s18 =	simm.s32 $0x200;
	[sflag:s13] =	ssyncadd.s32 $0xFFFFC000  }
.LBB2_4:
0x33: {  	p0 =	sne.s32 s18, $0xFE00;
	[tilespmem:s17+$0x2870] =	vst v1  }
0x34: {  	[tilespmem:s17+$0x2800] =	vst v1  }
0x35: {  	[tilespmem:s17+$0x2810] =	vst v1  }
.Ltmp1:
0x36: {  	[tilespmem:s17+$0x2820] =	vst v1;
	(pc) =	sbr.rel @p0 .LBB2_4-.Ltmp1, $4  }
0x37: {  	[tilespmem:s17+$0x2830] =	vst v1  }
0x38: {  	[tilespmem:s17+$0x2840] =	vst v1  }
0x39: {  	[tilespmem:s17+$0x2850] =	vst v1  }
0x3a: {  	[tilespmem:s17+$0x2860] =	vst v1;
	s17 =	sshra.s32 s18, $0x2;
	s18 =	sadd.s32 $0x200, s18  }
0x3b: {  	[tilespmem:s17+$0x2870] =	vst v1  }
0x3c: {  	[tilespmem:s17+$0x2800] =	vst v1  }
0x3d: {  	[tilespmem:s17+$0x2810] =	vst v1  }
0x3e: {  	[tilespmem:s17+$0x2820] =	vst v1  }
0x3f: {  	[tilespmem:s17+$0x2830] =	vst v1  }
0x40: {  	[tilespmem:s17+$0x2840] =	vst v1  }
0x41: {  	[tilespmem:s17+$0x2850] =	vst v1  }
0x42: {  	[tilespmem:s17+$0x2860] =	vst v1  }
0x43: {  	s30 =	simm.s32 $0x0;
	[bflag:$0x0] =	sbarrier.arrive $0xFFFF  }
0x44: {  	[tilespmem:s30], [sflag:$0x1] =	stream.linear.gather [hbm4b:s9+s30], $0x2800, $0x38;
	[tilespmem:$0x1A800] =	vst v63  }
0x45: {  	_ =	swait.ge [sflag:s13], $0x2800  }
0x46: {  	[sflag:s13] =	ssyncset.done $0x0  }
0x47: {  	s31 =	simm.s32 $0x0;
	[sflag:s13] =	ssyncadd.s32 $0xFFFFD800  }
0x48: {  	[spmem:s2] =	stream.indirect.scatter.add.f32 [tilespmem:s12], [sflag:$0x1], $0x80, s31, s14, $0xb8;
	[tilespmem:$0x1A800] =	vst v63  }
0x49: {  	_ =	swait.ge [sflag:s13], $0x4000  }
0x4a: {  	s17 =	simm.s32 $0x200;
	[sflag:s13] =	ssyncset.done $0x0  }
.LBB2_6:
0x4b: {  	s18 =	sshra.s32 s17, $0x2;
	[sflag:s13] =	ssyncadd.s32 $0xFFFFC000;
	p0 =	sne.s32 s17, $0x9E00  }
0x4c: {  	[spmem:s2] =	stream.indirect.scatter.add.f32 [tilespmem:s12], [sflag:$0x1], $0x80, s18, s14, $0xb8;
	[tilespmem:$0x1A800] =	vst v63  }
.Ltmp2:
0x4d: {  	_ = 	snop;
	(pc) =	sbr.rel @p0 .LBB2_6-.Ltmp2, $4  }
0x4e: {  	_ = 	snop  }
0x4f: {  	s17 =	sadd.s32 $0x200, s17  }
0x50: {  	_ =	swait.ge [sflag:s13], $0x4000  }
0x51: {  	[sflag:s13] =	ssyncset.done $0x0  }
0x52: {  	s3 =	sadd.s32 $0x1, s3  }
0x53: {  	[sflag:s13] =	ssyncadd.s32 $0xFFFFC000;
	p0 =	sne.s32 s3, s11  }
.Ltmp3:
0x54: {  	[bflag:$0x0] =	sbarrier.arrive $0xFFFF;
	(pc) =	sbr.rel @p0 .LBB2_1-.Ltmp3, $4  }
0x55: {  	[hbm:s10], [sflag:s15] =	dma.local [spmem:s16], $0x2800  }
0x56: {  	_ =	swait.ge [sflag:s13], $0x2800  }
0x57: {  	[sflag:s13] =	ssyncset.done $0x0  }
0x58: {  	[sflag:s13] =	ssyncadd.s32 $0xFFFFD800  }
0x59: {  	_ =	sfence.sel $0x180000  }
0x5a: {  	[bflag:$0x0] =	sbarrier.arrive $0xFFFF  }
0x5b: {  	p0 =	sne.s32 s0, $0x0;
	_ =	strace $0x9000004A  }
0x5c: {  	s0 =	sadd.s32 @!p0 $0x100000, s1;
	[bflag:$0x2] =	sbarrier.arrive $0xFFFF  }
0x5d: {  	[sflag:s0] =	ssyncadd.tile.s32 @!p0 $0x1;
	_ =	shalt  }
.Lfunc_end2:
_tile_overlayer_lowered:
.L_overlay_start_2:
0x5e: {  	(tag) =	ssettag $0x2  }
0x5f: {  	s0 =	rddreg [dreg:$0x0];
	s2 =	stileid.u32  }
0x60: {  	s1 =	rddreg [dreg:$0x1];
	p0 =	sne.s32 s2, $0x0  }
0x61: {  	s3 =	rddreg [dreg:$0x2];
	[bflag:$0x3] =	sbarrier.arrive $0xFFFF;
	s2 =	simm.s32 @!p0 $0x1C01  }
0x62: {  	[timem:s3], [sflag:s2] =	dma.local @!p0 [hbm:s0], s1  }
0x63: {  	s0 =	simm.s32 @!p0 $0x1  }
0x64: {  	_ =	swait.ge @!p0 [sflag:s0], s1  }
0x65: {  	s1 =	ssub.s32 @!p0 $0x0, s1;
	[sflag:s0] =	ssyncset.done @!p0 $0x0  }
0x66: {  	[sflag:s0] =	ssyncadd.s32 @!p0 s1  }
0x67: {  	[bflag:$0x3] =	sbarrier.arrive $0xFFFF  }
0x68: {  	_ =	shalt  }

// kernel: kernel.14.cloned.1.call-start
scs
__scs_entry_jumppad:
0x0: {  	(pc) =	sbr.rel $0x88, $3  }
0x1: {  	(tag) =	ssettag $0x0;
	lr =	simm.s32 $0x1  }
0x2: {  	[smem:$0x3F89] =	sst lr;
	_ =	strace $0xD0000000  }
0x3: {  	_ = 	snop  }
0x4: {  	_ = 	snop  }
0x5: {  	_ = 	snop  }
0x6: {  	_ = 	snop  }
0x7: {  	_ = 	snop  }
__scs_overlays_trampoline_lowered:
0x8: {  	[smem:$0x3F98] =	sst s0  }
0x9: {  	[smem:$0x3F99] =	sst s1  }
0xa: {  	[smem:$0x3F9A] =	sst s2  }
0xb: {  	[smem:$0x3F9B] =	sst s3  }
0xc: {  	[smem:$0x3F9C] =	sst s4  }
0xd: {  	[smem:$0x3F9D] =	sst s5  }
0xe: {  	[smem:$0x3F9E] =	sst s6  }
0xf: {  	[smem:$0x3F9F] =	sst s7  }
0x10: {  	[smem:$0x3FA0] =	sst s8  }
0x11: {  	[smem:$0x3FA1] =	sst s9;
	s0 =	simm.s32 @!p0 $0x0  }
0x12: {  	s1 =	sld [smem:$0x3F87];
	s0 =	simm.s32 @p0 $0x1  }
0x13: {  	[smem:$0x3FA2] =	sst s0;
	s0 =	simm.s32 @!p1 $0x0  }
0x14: {  	s2 =	sld [smem:$0x3F86];
	s0 =	simm.s32 @p1 $0x1  }
0x15: {  	[smem:$0x3FA3] =	sst s0;
	s0 =	simm.s32 @!p2 $0x0  }
0x16: {  	s3 =	sld [smem:$0x3FDB];
	s0 =	simm.s32 @p2 $0x1  }
0x17: {  	s4 =	simm.s32 $0x1BF5;
	[smem:$0x3FA5] =	sst s0  }
0x18: {  	s0 =	sld [smem:$0x3F88];
	_ =	swait.ge [sflag:s4], $0x0  }
0x19: {  	s7 =	sld [smem:$0x3F89]  }
0x1a: {  	s8 =	sadd.s32 $0xFFFFE003, lr  }
0x1b: {  	s9 =	sadd.s32 $0xFFFFFEF7, lr;
	s5 =	simm.s32 $0xFFFFFFFF;
	p2 =	slt.u32 s8, $0xFFFFF086  }
0x1c: {  	p1 =	slt.u32 s9, $0xF7A;
	s5 =	simm.s32 @!p2 $0x0  }
0x1d: {  	s5 =	simm.s32 @p1 $0x1;
	p0 =	seq.s32 s7, s2  }
0x1e: {  	s7 =	smul.u32 @!p0 $0xF7A, s2;
	p2 =	seq.s32 @!p0 s5, $0x0  }
0x1f: {  	s9 =	smul.u32 $0xF7A, s1;
	s8 =	simm.s32 @!p0 $0x1BF5;
	p2 =	por !p2, p0  }
0x20: {  	[sflag:s8] =	ssyncset.s32 @!p0 $0xFFFFF086;
	s6 =	sadd.s32 @!p0 s3, s7;
	s7 =	simm.s32 @!p0 $0x108  }
0x21: {  	s3 =	sadd.s32 s3, s9;
	s6 =	sadd.s32 @!p0 $0x88, s6;
	s7 =	simm.s32 @p2 $0x1082  }
0x22: {  	[simem:s7], [sflag:s8] =	dma.local @!p0 [hbm:s6], $0xF7A  }
0x23: {  	s9 =	sor.u32 $0xD0000000, s2;
	s6 =	simm.s32 $0x108;
	_ =	swait.ge @!p0 [sflag:s8], $0x0  }
0x24: {  	s3 =	sadd.s32 $0x88, s3;
	s6 =	simm.s32 @!p1 $0x1082;
	[sflag:s4] =	ssyncset.s32 $0xFFFFF086  }
0x25: {  	[simem:s6], [sflag:s4] =	dma.local [hbm:s3], $0xF7A  }
0x26: {  	[smem:$0x3F89] =	sst s1;
	(tag) =	ssettag s2;
	_ =	strace s9  }
0x27: {  	s1 =	sld [smem:$0x3F99]  }
0x28: {  	s2 =	sld [smem:$0x3F9A]  }
0x29: {  	s4 =	sld [smem:$0x3F9C]  }
0x2a: {  	p0 =	seq.s32 s5, $0x0;
	s5 =	sld [smem:$0x3F9D]  }
0x2b: {  	s6 =	sld [smem:$0x3F9E]  }
0x2c: {  	s7 =	sld [smem:$0x3F9F]  }
0x2d: {  	s3 =	simm.s32 $0x108;
	s8 =	sld [smem:$0x3FA0]  }
0x2e: {  	s3 =	simm.s32 @!p0 $0x1082;
	s9 =	sld [smem:$0x3FA1]  }
0x2f: {  	lr =	sadd.s32 s0, s3;
	s0 =	sld [smem:$0x3F98]  }
0x30: {  	s3 =	sld [smem:$0x3F9B]  }
0x31: {  	[smem:$0x3FA4] =	sst s10  }
0x32: {  	s10 =	sld [smem:$0x3FA2];
	_ =	sdelay $0x3  }
0x33: {  	p0 =	seq.s32 s10, $0x1;
	s10 =	sld [smem:$0x3FA4];
	_ =	sdelay $0x3  }
0x34: {  	[smem:$0x3FA4] =	sst s10  }
0x35: {  	s10 =	sld [smem:$0x3FA3];
	_ =	sdelay $0x3  }
0x36: {  	p1 =	seq.s32 s10, $0x1;
	s10 =	sld [smem:$0x3FA4];
	_ =	sdelay $0x3  }
0x37: {  	[smem:$0x3FA4] =	sst s10  }
0x38: {  	s10 =	sld [smem:$0x3FA5]  }
0x39: {  	_ = 	snop;
	(pc) =	sbr.ind lr, $3  }
0x3a: {  	_ = 	snop  }
0x3b: {  	_ = 	snop  }
0x3c: {  	p2 =	seq.s32 s10, $0x1;
	s10 =	sld [smem:$0x3FA4]  }
0x3d: {  	_ =	shalt  }
0x3e: {  	_ =	shalt  }
0x3f: {  	_ =	shalt  }
0x40: {  	_ =	shalt  }
0x41: {  	_ =	shalt  }
0x42: {  	_ =	shalt  }
0x43: {  	_ =	shalt  }
0x44: {  	_ =	shalt  }
0x45: {  	_ =	shalt  }
0x46: {  	_ =	shalt  }
0x47: {  	_ =	shalt  }
0x48: {  	_ =	shalt  }
0x49: {  	_ =	shalt  }
0x4a: {  	_ =	shalt  }
0x4b: {  	_ =	shalt  }
0x4c: {  	_ =	shalt  }
0x4d: {  	_ =	shalt  }
0x4e: {  	_ =	shalt  }
0x4f: {  	_ =	shalt  }
0x50: {  	_ =	shalt  }
0x51: {  	_ =	shalt  }
0x52: {  	_ =	shalt  }
0x53: {  	_ =	shalt  }
0x54: {  	_ =	shalt  }
0x55: {  	_ =	shalt  }
0x56: {  	_ =	shalt  }
0x57: {  	_ =	shalt  }
0x58: {  	_ =	shalt  }
0x59: {  	_ =	shalt  }
0x5a: {  	_ =	shalt  }
0x5b: {  	_ =	shalt  }
0x5c: {  	_ =	shalt  }
0x5d: {  	_ =	shalt  }
0x5e: {  	_ =	shalt  }
0x5f: {  	_ =	shalt  }
0x60: {  	_ =	shalt  }
0x61: {  	_ =	shalt  }
0x62: {  	_ =	shalt  }
0x63: {  	_ =	shalt  }
0x64: {  	_ =	shalt  }
0x65: {  	_ =	shalt  }
0x66: {  	_ =	shalt  }
0x67: {  	_ =	shalt  }
0x68: {  	_ =	shalt  }
0x69: {  	_ =	shalt  }
0x6a: {  	_ =	shalt  }
0x6b: {  	_ =	shalt  }
0x6c: {  	_ =	shalt  }
0x6d: {  	_ =	shalt  }
0x6e: {  	_ =	shalt  }
0x6f: {  	_ =	shalt  }
0x70: {  	_ =	shalt  }
0x71: {  	_ =	shalt  }
0x72: {  	_ =	shalt  }
0x73: {  	_ =	shalt  }
0x74: {  	_ =	shalt  }
0x75: {  	_ =	shalt  }
0x76: {  	_ =	shalt  }
0x77: {  	_ =	shalt  }
0x78: {  	_ =	shalt  }
0x79: {  	_ =	shalt  }
0x7a: {  	_ =	shalt  }
0x7b: {  	_ =	shalt  }
0x7c: {  	_ =	shalt  }
0x7d: {  	_ =	shalt  }
0x7e: {  	_ =	shalt  }
0x7f: {  	_ =	shalt  }
0x80: {  	_ =	shalt  }
0x81: {  	_ =	shalt  }
0x82: {  	_ =	shalt  }
0x83: {  	_ =	shalt  }
0x84: {  	_ =	shalt  }
0x85: {  	_ =	shalt  }
0x86: {  	_ =	shalt  }
0x87: {  	_ =	shalt  }
.Lfunc_end0:
.L_simem_size_0:
called_computation.1_lowered:
.L_overlay_start_0:
0x88: {  	s2 =	sld [smem:$0x3FD9]  }
0x89: {  	s3 =	sld [smem:$0x3FFE];
	_ =	sdelay $0x1  }
0x8a: {  	s1 =	srdreg.scid  }
0x8b: {  	s0 =	sand.u32 $0x1, s1  }
0x8c: {  	s17 =	sshll.u32 s0, $0xA;
	s2 =	sadd.s32 s3, s2  }
0x8d: {  	s2 =	sadd.s32 s2, s17  }
0x8e: {  	[smem:$0x3FB0] =	sst s2  }
0x8f: {  	_ = 	snop  }
0x90: {  	s2 =	sld [smem:$0x3FC9];
	(tm) =	ssettm $0x1  }
0x91: {  	s18 =	sld [smem:$0x3FFB];
	_ =	sdelay $0x3  }
0x92: {  	_ =	strace s18  }
0x93: {  	s3 =	sld [smem:$0x3FFC];
	_ =	sdelay $0x3  }
0x94: {  	_ =	strace s3  }
0x95: {  	s3 =	sld [smem:$0x3FFD];
	_ =	sdelay $0x3  }
0x96: {  	_ =	strace s3  }
0x97: {  	_ =	strace $0x8FFFFFFF  }
0x98: {  	s19 =	sld [smem:$0x3FDB];
	_ =	sdelay $0x1  }
0x99: {  	s4 =	simm.s32 $_scs_section_size  }
0x9a: {  	s5 =	simm.s32 $_size__tile_overlayer_lowered;
	s6 =	simm.s32 $_tile_overlayer_lowered  }
0x9b: {  	s22 =	simm.s32 $0x1BFF;
	s21 =	sshll.u32 s6, $0x1;
	s3 =	sadd.s32 s4, s19  }
0x9c: {  	s7 =	simm.s32 $0x0;
	s20 =	sshll.u32 s5, $0x1;
	s5 =	sadd.s32 s21, s3  }
0x9d: {  	[timem:s7], [sflag:s22] =	dma.local [hbm:s5], s20  }
0x9e: {  	_ =	swait.ge [sflag:s22], s20  }
0x9f: {  	s4 =	ssub.s32 $0x0, s20;
	[sflag:s22] =	ssyncset.done $0x0  }
0xa0: {  	[sflag:s22] =	ssyncadd.s32 s4;
	_ =	sdelay $0x1  }
0xa1: {  	s23 =	simm.s32 $0x1B8B  }
0xa2: {  	_ =	swait.ge [sflag:s23], $0x1  }
0xa3: {  	[sflag:s23] =	ssyncset.done $0x0  }
0xa4: {  	s25 =	simm.s32 $0x1B8E;
	s24 =	sld [smem:$0x3FFE];
	[sflag:s23] =	ssyncadd.s32 $0xFFFFFFFF  }
0xa5: {  	s26 =	simm.s32 $execute0_lowered;
	[smem:$0x3FD2] =	sst s25  }
0xa6: {  	s5 =	sshll.u32 s26, $0x1;
	_ =	strace $0x80000046;
	[dreg:$0x1] =	wrdreg $0xFFFFFFFF  }
0xa7: {  	s28 =	simm.s32 $_size_execute0_lowered;
	s3 =	sadd.s32 s3, s5;
	[dreg:$0x0] =	wrdreg $0x0  }
0xa8: {  	s5 =	sshll.u32 s28, $0x1;
	[dreg:$0x2] =	wrdreg s3  }
0xa9: {  	[dreg:$0x3] =	wrdreg s5  }
0xaa: {  	[dreg:$0x4] =	wrdreg $0xC0  }
0xab: {  	_ =	task [dreg:s7], $0x5FFFF  }
0xac: {  	[dreg:$0x1] =	wrdreg $0xFFFFFFFF  }
0xad: {  	[dreg:$0x0] =	wrdreg $0x60  }
0xae: {  	[dreg:$0x2] =	wrdreg s2  }
0xaf: {  	[dreg:$0x3] =	wrdreg s24  }
0xb0: {  	[dreg:$0x4] =	wrdreg $0xAA000  }
0xb1: {  	[dreg:$0x5] =	wrdreg $0xA  }
0xb2: {  	_ =	task.clear_ibuf [dreg:s7], $0x6FFFF;
	_ =	strace $0x90000046  }
0xb3: {  	s29 =	simm.s32 $0xA;
	_ =	strace $0x80000048  }
0xb4: {  	_ =	swait.ge [sflag:s29], $0x1  }
0xb5: {  	[sflag:s29] =	ssyncadd.s32 $0xFFFFFFFF  }
0xb6: {  	_ =	strace $0x90000048  }
0xb7: {  	_ =	sfence  }
0xb8: {  	s30 =	sld [smem:$0x0];
	_ =	sdelay $0x2  }
0xb9: {  	s31 =	sshll.u32 s1, $0xD;
	s1 =	sshrl.u32 s1, $0x2  }
0xba: {  	s3 =	sand.u32 $0x4000, s31;
	s1 =	sadd.s32 s1, s30  }
0xbb: {  	s0 =	sor.u32 s3, s0;
	s1 =	sshll.u32 s1, $0x11  }
0xbc: {  	s0 =	sor.u32 s1, s0  }
0xbd: {  	s0 =	sadd.s32 $0x8F2B, s0  }
0xbe: {  	[sflag:s0] =	ssyncadd.remote.s32 $0x1  }
0xbf: {  	_ =	sfence.sel $0xFFFF  }
0xc0: {  	[dreg:$0x0] =	wrdreg $0xFFFFFFFF;
	(pc) =	sbr.abs _section_cstart, $3  }
0xc1: {  	[dreg:$0x1] =	wrdreg $0xFFFFFFFF  }
0xc2: {  	_ =	task.clear_ibuf [dreg:s7], $0x2FFFF;
	_ =	strace $0x9FFFFFFF  }
0xc3: {  	(tm) =	ssettm $0x7FFFFFFF  }
tec
execute0_lowered:
.L_overlay_start_1:
0x0: {  	(tag) =	ssettag $0x1  }
0x1: {  	s0 =	srdreg.scid;
	s2 =	rddreg [dreg:$0x0]  }
0x2: {  	s6 =	stileid.u32;
	s8 =	rddreg [dreg:$0x1]  }
0x3: {  	s4 =	rddreg [dreg:$0x2];
	s5 =	simm.s32 $0x0;
	s19 =	simm.s32 $0x2A00  }
0x4: {  	s28 =	simm.s32 $0x6A00;
	s29 =	simm.s32 $0x1;
	s30 =	simm.s32 $0x5  }
0x5: {  	s31 =	simm.s32 $0x2;
	s0 =	sand.u32 $0x1, s0;
	s7 =	smul.u32 $0x14000, s6  }
0x6: {  	s1 =	sshll.u32 s6, $0x1;
	[smem:$0x7FF] =	sst s5;
	s9 =	smul.u32 $0x50000, s6  }
0x7: {  	s6 =	sadd.s32 $0xFC00, s8;
	s1 =	sor.u32 s0, s1;
	s20 =	smul.u32 $0x140000, s0  }
0x8: {  	_ =	strace $0x80000047;
	s0 =	ssub.s32 $0x2, s0;
	s3 =	smul.u32 $0x2800, s1  }
0x9: {  	s21 =	sshrl.u32 s9, $0x2;
	s22 =	sshrl.u32 s0, $0x1;
	s1 =	sadd.s32 s7, s20  }
0xa: {  	s7 =	sadd.s32 s21, s4;
	s0 =	ssub.s32 s0, s22;
	s20 =	simm.s32 $0x7  }
0xb: {  	s22 =	simm.s32 $0x80;
	s11 =	sshrl.u32 s3, $0x3;
	s1 =	sshrl.u32 s1, $0x3  }
0xc: {  	s23 =	sadd.s32 $0x4000, s7;
	s24 =	sadd.s32 $0x8000, s7;
	s25 =	sadd.s32 $0xC000, s7  }
0xd: {  	s26 =	sadd.s32 $0x10000, s7;
	s18 =	smax.u32 s0, $0x1;
	[dreg:$0x4] =	wrdreg s23  }
0xe: {  	s0 =	simm.s32 $0x0;
	s13 =	sadd.s32 s11, s8;
	[dreg:$0x5] =	wrdreg s24  }
.Ltmp0:
0xf: {  	s1 =	sadd.s32 s1, s8;
	[dreg:$0x6] =	wrdreg s25;
	(pc) =	sbr.rel .LBB2_1-.Ltmp0, $4  }
0x10: {  	s11 =	sadd.s32 s6, s11;
	[dreg:$0x7] =	wrdreg s26;
	s23 =	simm.s32 $0x100  }
0x11: {  	s24 =	simm.s32 $0x180;
	s25 =	simm.s32 $0x3;
	s26 =	simm.s32 $0x4  }
0x12: {  	s13 =	sadd.s32 $0x5C00, s13;
	s14 =	sadd.s32 $0x10, s11;
	s15 =	sadd.s32 $0x20, s11  }
0x13: {  	v0 =	vimm.f32 $0.0e+00;
	s16 =	sadd.s32 $0x30, s11;
	s17 =	sadd.s32 $0x19C00, s1;
	s1 =	simm.s32 $0x6  }
.LBB2_6:
0x14: {  	_ =	swait.ge [sflag:s31], $0x4000  }
0x15: {  	[sflag:s31] =	ssyncset.done $0x0  }
0x16: {  	[sflag:s31] =	ssyncadd.s32 $0xFFFFC000  }
0x17: {  	[spmem:s4] =	stream.indirect.scatter.add.f32 [tilespmem:s28], [sflag:$0x7], $0x80, s21, s22, $0xb8;
	[tilespmem:$0x1EA00] =	vst v63  }
0x18: {  	s8 =	stileid.u32;
	_ =	swait.ge [sflag:s20], $0x4000  }
0x19: {  	s9 =	sshrl.u32 s7, $0x3;
	s0 =	sadd.s32 $0x1, s0;
	[sflag:s20] =	ssyncset.done $0x0  }
0x1a: {  	s8 =	sshll.u32 s8, $0x6;
	p0 =	sne.s32 s0, s18;
	[sflag:s20] =	ssyncadd.s32 $0xFFFFC000  }
.Ltmp1:
0x1b: {  	s8 =	sor.u32 $0x1C07, s8;
	[bflag:$0x0] =	sbarrier.arrive $0xFFFF;
	(pc) =	sbr.rel @!p0 .LBB2_7-.Ltmp1, $4  }
0x1c: {  	[hbm:s17], [sflag:s8] =	dma.local [spmem:s9], $0x2800  }
0x1d: {  	_ =	swait.ge [sflag:s20], $0x2800  }
0x1e: {  	[sflag:s20] =	ssyncset.done $0x0  }
0x1f: {  	[sflag:s20] =	ssyncadd.s32 $0xFFFFD800  }
.LBB2_1:
0x20: {  	s8 =	simm.s32 $0x0;
	s21 =	simm.s32 $0x200  }
.LBB2_2:
0x21: {  	p0 =	sne.s32 s21, $0xFE00;
	[tilespmem:s8+$0x2A70] =	vst v0  }
0x22: {  	[tilespmem:s8+$0x2A00] =	vst v0  }
0x23: {  	[tilespmem:s8+$0x2A10] =	vst v0  }
.Ltmp2:
0x24: {  	[tilespmem:s8+$0x2A20] =	vst v0;
	(pc) =	sbr.rel @p0 .LBB2_2-.Ltmp2, $4  }
0x25: {  	[tilespmem:s8+$0x2A30] =	vst v0  }
0x26: {  	[tilespmem:s8+$0x2A40] =	vst v0  }
0x27: {  	[tilespmem:s8+$0x2A50] =	vst v0  }
0x28: {  	[tilespmem:s8+$0x2A60] =	vst v0;
	s8 =	sshra.s32 s21, $0x2;
	s21 =	sadd.s32 $0x200, s21  }
0x29: {  	[tilespmem:s8+$0x2A70] =	vst v0  }
0x2a: {  	[tilespmem:s8+$0x2A00] =	vst v0  }
0x2b: {  	[tilespmem:s8+$0x2A10] =	vst v0  }
0x2c: {  	[tilespmem:s8+$0x2A20] =	vst v0  }
0x2d: {  	[tilespmem:s8+$0x2A30] =	vst v0  }
0x2e: {  	[tilespmem:s8+$0x2A40] =	vst v0  }
0x2f: {  	[tilespmem:s8+$0x2A50] =	vst v0  }
0x30: {  	[tilespmem:s8+$0x2A60] =	vst v0  }
0x31: {  	[spmem:s7] =	stream.linear.scatter [tilespmem:s19], [sflag:$0x7], $0x4000, $0x38;
	[tilespmem:$0x1EA00] =	vst v63  }
0x32: {  	_ =	swait.ge [sflag:s20], $0x4000  }
0x33: {  	[sflag:s20] =	ssyncset.done $0x0  }
0x34: {  	s21 =	rddreg [dreg:$0x4];
	[sflag:s20] =	ssyncadd.s32 $0xFFFFC000  }
0x35: {  	[spmem:s21] =	stream.linear.scatter [tilespmem:s19], [sflag:$0x7], $0x4000, $0x38;
	[tilespmem:$0x1EA00] =	vst v63  }
0x36: {  	_ =	swait.ge [sflag:s20], $0x4000  }
0x37: {  	[sflag:s20] =	ssyncset.done $0x0  }
0x38: {  	s9 =	rddreg [dreg:$0x5];
	[sflag:s20] =	ssyncadd.s32 $0xFFFFC000  }
0x39: {  	[spmem:s9] =	stream.linear.scatter [tilespmem:s19], [sflag:$0x7], $0x4000, $0x38;
	[tilespmem:$0x1EA00] =	vst v63  }
0x3a: {  	_ =	swait.ge [sflag:s20], $0x4000  }
0x3b: {  	[sflag:s20] =	ssyncset.done $0x0  }
0x3c: {  	s10 =	rddreg [dreg:$0x6];
	[sflag:s20] =	ssyncadd.s32 $0xFFFFC000  }
0x3d: {  	[spmem:s10] =	stream.linear.scatter [tilespmem:s19], [sflag:$0x7], $0x4000, $0x38;
	[tilespmem:$0x1EA00] =	vst v63  }
0x3e: {  	_ =	swait.ge [sflag:s20], $0x4000  }
0x3f: {  	[sflag:s20] =	ssyncset.done $0x0  }
0x40: {  	s12 =	rddreg [dreg:$0x7];
	[sflag:s20] =	ssyncadd.s32 $0xFFFFC000  }
0x41: {  	[spmem:s12] =	stream.linear.scatter [tilespmem:s19], [sflag:$0x7], $0x4000, $0x38;
	[tilespmem:$0x1EA00] =	vst v63  }
0x42: {  	_ =	swait.ge [sflag:s20], $0x4000  }
0x43: {  	[sflag:s20] =	ssyncset.done $0x0  }
0x44: {  	s21 =	simm.s32 $0x200;
	[sflag:s20] =	ssyncadd.s32 $0xFFFFC000  }
0x45: {  	[tilespmem:s21], [sflag:$0x7] =	stream.linear.gather [hbm4b:s13+s5], $0x2800, $0x38;
	[tilespmem:$0x1EA00] =	vst v63  }
0x46: {  	_ =	swait.ge [sflag:s20], $0x2800  }
0x47: {  	[sflag:s20] =	ssyncset.done $0x0  }
0x48: {  	[sflag:s20] =	ssyncadd.s32 $0xFFFFD800  }
0x49: {  	[tilespmem:s5], [sflag:$0x3] =	stream.linear.gather [hbm4b:s11+s5], $0x80, $0x38;
	[tilespmem:$0x1EA00] =	vst v63  }
0x4a: {  	_ = 	snop  }
0x4b: {  	[tilespmem:s22], [sflag:$0x4] =	stream.linear.gather [hbm4b:s14+s5], $0x80, $0x38;
	[tilespmem:$0x1EA00] =	vst v63  }
0x4c: {  	_ = 	snop  }
0x4d: {  	[tilespmem:s23], [sflag:$0x5] =	stream.linear.gather [hbm4b:s15+s5], $0x80, $0x38;
	[tilespmem:$0x1EA00] =	vst v63  }
0x4e: {  	_ = 	snop  }
0x4f: {  	[tilespmem:s24], [sflag:$0x6] =	stream.linear.gather [hbm4b:s16+s5], $0x80, $0x38;
	[tilespmem:$0x1EA00] =	vst v63  }
0x50: {  	[bflag:$0x0] =	sbarrier.arrive $0xFFFF  }
0x51: {  	_ =	swait.ge [sflag:s25], $0x80  }
0x52: {  	[sflag:s25] =	ssyncset.done $0x0  }
0x53: {  	[sflag:s25] =	ssyncadd.s32 $0xFFFFFF80  }
0x54: {  	[tilespmem:s19], [sflag:$0x1] =	stream.indirect.gather [hbm4b:s2+s22], $0x80, s5, s22, $0xb8;
	[tilespmem:$0x1EA00] =	vst v63  }
0x55: {  	_ =	swait.ge [sflag:s26], $0x80  }
0x56: {  	[sflag:s26] =	ssyncset.done $0x0  }
0x57: {  	s8 =	simm.s32 $0x380;
	s21 =	simm.s32 $0x380;
	[sflag:s26] =	ssyncadd.s32 $0xFFFFFF80  }
0x58: {  	[tilespmem:s28], [sflag:$0x2] =	stream.indirect.gather [hbm4b:s2+s22], $0x80, s22, s22, $0xb8;
	[tilespmem:$0x1EA00] =	vst v63  }
.LBB2_4:
0x59: {  	_ =	swait.ge [sflag:s29], $0x4000  }
0x5a: {  	[sflag:s29] =	ssyncset.done $0x0  }
0x5b: {  	s9 =	sadd.s32 $0xFFFFFE80, s21;
	p0 =	seq.s32 s8, $0x2980;
	[sflag:s29] =	ssyncadd.s32 $0xFFFFC000  }
0x5c: {  	[spmem:s4] =	stream.indirect.scatter.add.f32 [tilespmem:s19], [sflag:$0x7], $0x80, s9, s22, $0xb8;
	[tilespmem:$0x1EA00] =	vst v63  }
0x5d: {  	s9 =	sadd.s32 @!p0 $0xFFFFFE80, s8  }
0x5e: {  	s10 =	sand.u32 @!p0 $0x7C00, s9  }
0x5f: {  	s9 =	sand.u32 @!p0 $0x200, s9;
	s10 =	sadd.s32 @!p0 s3, s10  }
0x60: {  	_ =	swait.ge [sflag:s20], $0x4000;
	s9 =	sor.u32 @!p0 s9, s10  }
0x61: {  	[sflag:s20] =	ssyncset.done $0x0;
	s9 =	sshrl.u32 @!p0 s9, $0x3  }
0x62: {  	[sflag:s20] =	ssyncadd.s32 $0xFFFFC000;
	s10 =	simm.s32 @!p0 $0x0;
	s9 =	sadd.s32 @!p0 s6, s9  }
0x63: {  	[tilespmem:s10], [sflag:$0x3] =	stream.linear.gather @!p0 [hbm4b:s9+s10], $0x80, $0x38;
	[tilespmem:$0x1EA00] =	vst v63  }
0x64: {  	_ =	swait.ge [sflag:s30], $0x80  }
0x65: {  	[sflag:s30] =	ssyncset.done $0x0  }
0x66: {  	[sflag:s30] =	ssyncadd.s32 $0xFFFFFF80  }
0x67: {  	[tilespmem:s19], [sflag:$0x1] =	stream.indirect.gather [hbm4b:s2+s22], $0x80, s23, s22, $0xb8;
	[tilespmem:$0x1EA00] =	vst v63  }
0x68: {  	_ =	swait.ge [sflag:s31], $0x4000  }
0x69: {  	[sflag:s31] =	ssyncset.done $0x0  }
0x6a: {  	s12 =	sadd.s32 $0xFFFFFF00, s21;
	s9 =	sadd.s32 @!p0 $0xFFFFFF00, s8;
	[sflag:s31] =	ssyncadd.s32 $0xFFFFC000  }
0x6b: {  	[spmem:s4] =	stream.indirect.scatter.add.f32 [tilespmem:s28], [sflag:$0x7], $0x80, s12, s22, $0xb8;
	[tilespmem:$0x1EA00] =	vst v63  }
0x6c: {  	s12 =	sand.u32 @!p0 $0x7C00, s9  }
0x6d: {  	s9 =	sand.u32 @!p0 $0x280, s9;
	s12 =	sadd.s32 @!p0 s3, s12  }
0x6e: {  	_ =	swait.ge [sflag:s20], $0x4000;
	s9 =	sor.u32 @!p0 s9, s12  }
0x6f: {  	[sflag:s20] =	ssyncset.done $0x0;
	s9 =	sshrl.u32 @!p0 s9, $0x3  }
0x70: {  	s12 =	simm.s32 @!p0 $0x80;
	[sflag:s20] =	ssyncadd.s32 $0xFFFFC000;
	s9 =	sadd.s32 @!p0 s6, s9  }
0x71: {  	[tilespmem:s12], [sflag:$0x4] =	stream.linear.gather @!p0 [hbm4b:s9+s10], $0x80, $0x38;
	[tilespmem:$0x1EA00] =	vst v63  }
0x72: {  	_ =	swait.ge [sflag:s1], $0x80  }
0x73: {  	[sflag:s1] =	ssyncset.done $0x0  }
0x74: {  	[sflag:s1] =	ssyncadd.s32 $0xFFFFFF80  }
0x75: {  	[tilespmem:s28], [sflag:$0x2] =	stream.indirect.gather [hbm4b:s2+s22], $0x80, s24, s22, $0xb8;
	[tilespmem:$0x1EA00] =	vst v63  }
0x76: {  	_ =	swait.ge [sflag:s29], $0x4000  }
0x77: {  	[sflag:s29] =	ssyncset.done $0x0  }
.Ltmp3:
0x78: {  	s12 =	sadd.s32 $0xFFFFFF80, s21;
	[sflag:s29] =	ssyncadd.s32 $0xFFFFC000;
	(pc) =	sbr.rel @p0 .LBB2_6-.Ltmp3, $4  }
0x79: {  	[spmem:s4] =	stream.indirect.scatter.add.f32 [tilespmem:s19], [sflag:$0x7], $0x80, s12, s22, $0xb8;
	[tilespmem:$0x1EA00] =	vst v63  }
0x7a: {  	_ =	swait.ge [sflag:s20], $0x4000  }
0x7b: {  	[sflag:s20] =	ssyncset.done $0x0  }
0x7c: {  	[sflag:s20] =	ssyncadd.s32 $0xFFFFC000  }
0x7d: {  	s9 =	sadd.s32 $0xFFFFFF80, s8  }
0x7e: {  	s10 =	sand.u32 $0x7C00, s9  }
0x7f: {  	s9 =	sand.u32 $0x300, s9;
	s10 =	sadd.s32 s3, s10  }
0x80: {  	s9 =	sor.u32 s9, s10  }
0x81: {  	s9 =	sshrl.u32 s9, $0x3  }
0x82: {  	s9 =	sadd.s32 s6, s9  }
0x83: {  	[tilespmem:s23], [sflag:$0x5] =	stream.linear.gather [hbm4b:s9+s5], $0x80, $0x38;
	[tilespmem:$0x1EA00] =	vst v63  }
0x84: {  	_ =	swait.ge [sflag:s25], $0x80  }
0x85: {  	[sflag:s25] =	ssyncset.done $0x0  }
0x86: {  	[sflag:s25] =	ssyncadd.s32 $0xFFFFFF80  }
0x87: {  	[tilespmem:s19], [sflag:$0x1] =	stream.indirect.gather [hbm4b:s2+s22], $0x80, s5, s22, $0xb8;
	[tilespmem:$0x1EA00] =	vst v63  }
0x88: {  	_ =	swait.ge [sflag:s31], $0x4000  }
0x89: {  	s10 =	sand.u32 $0x7C00, s8;
	[sflag:s31] =	ssyncset.done $0x0  }
0x8a: {  	s12 =	sand.u32 $0x380, s8;
	s9 =	sadd.s32 s3, s10;
	[sflag:s31] =	ssyncadd.s32 $0xFFFFC000  }
0x8b: {  	[spmem:s4] =	stream.indirect.scatter.add.f32 [tilespmem:s28], [sflag:$0x7], $0x80, s21, s22, $0xb8;
	[tilespmem:$0x1EA00] =	vst v63  }
0x8c: {  	s9 =	sor.u32 s12, s9;
	_ =	swait.ge [sflag:s20], $0x4000  }
0x8d: {  	s9 =	sshrl.u32 s9, $0x3;
	[sflag:s20] =	ssyncset.done $0x0  }
0x8e: {  	s9 =	sadd.s32 s6, s9;
	[sflag:s20] =	ssyncadd.s32 $0xFFFFC000  }
0x8f: {  	[tilespmem:s24], [sflag:$0x6] =	stream.linear.gather [hbm4b:s9+s5], $0x80, $0x38;
	[tilespmem:$0x1EA00] =	vst v63  }
.Ltmp4:
0x90: {  	_ = 	snop;
	(pc) =	sbr.rel .LBB2_4-.Ltmp4, $4  }
0x91: {  	_ =	swait.ge [sflag:s26], $0x80  }
0x92: {  	[sflag:s26] =	ssyncset.done $0x0  }
0x93: {  	s8 =	sadd.s32 $0x200, s8;
	s21 =	sadd.s32 $0x200, s21;
	[sflag:s26] =	ssyncadd.s32 $0xFFFFFF80  }
0x94: {  	[tilespmem:s28], [sflag:$0x2] =	stream.indirect.gather [hbm4b:s2+s22], $0x80, s22, s22, $0xb8;
	[tilespmem:$0x1EA00] =	vst v63  }
.LBB2_7:
0x95: {  	_ =	sfence.sel $0x180000  }
0x96: {  	[bflag:$0x0] =	sbarrier.arrive $0xFFFF  }
0x97: {  	_ =	strace $0x90000047  }
0x98: {  	s0 =	stileid.u32;
	[bflag:$0x2] =	sbarrier.arrive $0xFFFF  }
0x99: {  	p0 =	sne.s32 s0, $0x0;
	s0 =	rddreg [dreg:$0x3]  }
0x9a: {  	s0 =	sadd.s32 @!p0 $0x100000, s0  }
0x9b: {  	[sflag:s0] =	ssyncadd.tile.s32 @!p0 $0x1;
	_ =	shalt  }
.Lfunc_end2:
_tile_overlayer_lowered:
.L_overlay_start_2:
0x9c: {  	(tag) =	ssettag $0x2  }
0x9d: {  	s0 =	rddreg [dreg:$0x0];
	s2 =	stileid.u32  }
0x9e: {  	s1 =	rddreg [dreg:$0x1];
	p0 =	sne.s32 s2, $0x0  }
0x9f: {  	s3 =	rddreg [dreg:$0x2];
	[bflag:$0x3] =	sbarrier.arrive $0xFFFF;
	s2 =	simm.s32 @!p0 $0x1C07  }
0xa0: {  	[timem:s3], [sflag:s2] =	dma.local @!p0 [hbm:s0], s1  }
0xa1: {  	s0 =	simm.s32 @!p0 $0x7  }
0xa2: {  	_ =	swait.ge @!p0 [sflag:s0], s1  }
0xa3: {  	s1 =	ssub.s32 @!p0 $0x0, s1;
	[sflag:s0] =	ssyncset.done @!p0 $0x0  }
0xa4: {  	[sflag:s0] =	ssyncadd.s32 @!p0 s1  }
0xa5: {  	[bflag:$0x3] =	sbarrier.arrive $0xFFFF  }
0xa6: {  	_ =	shalt  }

// kernel: kernel.17.cloned.1.call-start
scs
__scs_entry_jumppad:
0x0: {  	(pc) =	sbr.rel $0x88, $3  }
0x1: {  	(tag) =	ssettag $0x0;
	lr =	simm.s32 $0x1  }
0x2: {  	[smem:$0x3F89] =	sst lr;
	_ =	strace $0xD0000000  }
0x3: {  	_ = 	snop  }
0x4: {  	_ = 	snop  }
0x5: {  	_ = 	snop  }
0x6: {  	_ = 	snop  }
0x7: {  	_ = 	snop  }
__scs_overlays_trampoline_lowered:
0x8: {  	[smem:$0x3F98] =	sst s0  }
0x9: {  	[smem:$0x3F99] =	sst s1  }
0xa: {  	[smem:$0x3F9A] =	sst s2  }
0xb: {  	[smem:$0x3F9B] =	sst s3  }
0xc: {  	[smem:$0x3F9C] =	sst s4  }
0xd: {  	[smem:$0x3F9D] =	sst s5  }
0xe: {  	[smem:$0x3F9E] =	sst s6  }
0xf: {  	[smem:$0x3F9F] =	sst s7  }
0x10: {  	[smem:$0x3FA0] =	sst s8  }
0x11: {  	[smem:$0x3FA1] =	sst s9;
	s0 =	simm.s32 @!p0 $0x0  }
0x12: {  	s1 =	sld [smem:$0x3F87];
	s0 =	simm.s32 @p0 $0x1  }
0x13: {  	[smem:$0x3FA2] =	sst s0;
	s0 =	simm.s32 @!p1 $0x0  }
0x14: {  	s2 =	sld [smem:$0x3F86];
	s0 =	simm.s32 @p1 $0x1  }
0x15: {  	[smem:$0x3FA3] =	sst s0;
	s0 =	simm.s32 @!p2 $0x0  }
0x16: {  	s3 =	sld [smem:$0x3FDB];
	s0 =	simm.s32 @p2 $0x1  }
0x17: {  	s4 =	simm.s32 $0x1BF5;
	[smem:$0x3FA5] =	sst s0  }
0x18: {  	s0 =	sld [smem:$0x3F88];
	_ =	swait.ge [sflag:s4], $0x0  }
0x19: {  	s7 =	sld [smem:$0x3F89]  }
0x1a: {  	s8 =	sadd.s32 $0xFFFFE003, lr  }
0x1b: {  	s9 =	sadd.s32 $0xFFFFFEF7, lr;
	s5 =	simm.s32 $0xFFFFFFFF;
	p2 =	slt.u32 s8, $0xFFFFF086  }
0x1c: {  	p1 =	slt.u32 s9, $0xF7A;
	s5 =	simm.s32 @!p2 $0x0  }
0x1d: {  	s5 =	simm.s32 @p1 $0x1;
	p0 =	seq.s32 s7, s2  }
0x1e: {  	s7 =	smul.u32 @!p0 $0xF7A, s2;
	p2 =	seq.s32 @!p0 s5, $0x0  }
0x1f: {  	s9 =	smul.u32 $0xF7A, s1;
	s8 =	simm.s32 @!p0 $0x1BF5;
	p2 =	por !p2, p0  }
0x20: {  	[sflag:s8] =	ssyncset.s32 @!p0 $0xFFFFF086;
	s6 =	sadd.s32 @!p0 s3, s7;
	s7 =	simm.s32 @!p0 $0x108  }
0x21: {  	s3 =	sadd.s32 s3, s9;
	s6 =	sadd.s32 @!p0 $0x88, s6;
	s7 =	simm.s32 @p2 $0x1082  }
0x22: {  	[simem:s7], [sflag:s8] =	dma.local @!p0 [hbm:s6], $0xF7A  }
0x23: {  	s9 =	sor.u32 $0xD0000000, s2;
	s6 =	simm.s32 $0x108;
	_ =	swait.ge @!p0 [sflag:s8], $0x0  }
0x24: {  	s3 =	sadd.s32 $0x88, s3;
	s6 =	simm.s32 @!p1 $0x1082;
	[sflag:s4] =	ssyncset.s32 $0xFFFFF086  }
0x25: {  	[simem:s6], [sflag:s4] =	dma.local [hbm:s3], $0xF7A  }
0x26: {  	[smem:$0x3F89] =	sst s1;
	(tag) =	ssettag s2;
	_ =	strace s9  }
0x27: {  	s1 =	sld [smem:$0x3F99]  }
0x28: {  	s2 =	sld [smem:$0x3F9A]  }
0x29: {  	s4 =	sld [smem:$0x3F9C]  }
0x2a: {  	p0 =	seq.s32 s5, $0x0;
	s5 =	sld [smem:$0x3F9D]  }
0x2b: {  	s6 =	sld [smem:$0x3F9E]  }
0x2c: {  	s7 =	sld [smem:$0x3F9F]  }
0x2d: {  	s3 =	simm.s32 $0x108;
	s8 =	sld [smem:$0x3FA0]  }
0x2e: {  	s3 =	simm.s32 @!p0 $0x1082;
	s9 =	sld [smem:$0x3FA1]  }
0x2f: {  	lr =	sadd.s32 s0, s3;
	s0 =	sld [smem:$0x3F98]  }
0x30: {  	s3 =	sld [smem:$0x3F9B]  }
0x31: {  	[smem:$0x3FA4] =	sst s10  }
0x32: {  	s10 =	sld [smem:$0x3FA2];
	_ =	sdelay $0x3  }
0x33: {  	p0 =	seq.s32 s10, $0x1;
	s10 =	sld [smem:$0x3FA4];
	_ =	sdelay $0x3  }
0x34: {  	[smem:$0x3FA4] =	sst s10  }
0x35: {  	s10 =	sld [smem:$0x3FA3];
	_ =	sdelay $0x3  }
0x36: {  	p1 =	seq.s32 s10, $0x1;
	s10 =	sld [smem:$0x3FA4];
	_ =	sdelay $0x3  }
0x37: {  	[smem:$0x3FA4] =	sst s10  }
0x38: {  	s10 =	sld [smem:$0x3FA5]  }
0x39: {  	_ = 	snop;
	(pc) =	sbr.ind lr, $3  }
0x3a: {  	_ = 	snop  }
0x3b: {  	_ = 	snop  }
0x3c: {  	p2 =	seq.s32 s10, $0x1;
	s10 =	sld [smem:$0x3FA4]  }
0x3d: {  	_ =	shalt  }
0x3e: {  	_ =	shalt  }
0x3f: {  	_ =	shalt  }
0x40: {  	_ =	shalt  }
0x41: {  	_ =	shalt  }
0x42: {  	_ =	shalt  }
0x43: {  	_ =	shalt  }
0x44: {  	_ =	shalt  }
0x45: {  	_ =	shalt  }
0x46: {  	_ =	shalt  }
0x47: {  	_ =	shalt  }
0x48: {  	_ =	shalt  }
0x49: {  	_ =	shalt  }
0x4a: {  	_ =	shalt  }
0x4b: {  	_ =	shalt  }
0x4c: {  	_ =	shalt  }
0x4d: {  	_ =	shalt  }
0x4e: {  	_ =	shalt  }
0x4f: {  	_ =	shalt  }
0x50: {  	_ =	shalt  }
0x51: {  	_ =	shalt  }
0x52: {  	_ =	shalt  }
0x53: {  	_ =	shalt  }
0x54: {  	_ =	shalt  }
0x55: {  	_ =	shalt  }
0x56: {  	_ =	shalt  }
0x57: {  	_ =	shalt  }
0x58: {  	_ =	shalt  }
0x59: {  	_ =	shalt  }
0x5a: {  	_ =	shalt  }
0x5b: {  	_ =	shalt  }
0x5c: {  	_ =	shalt  }
0x5d: {  	_ =	shalt  }
0x5e: {  	_ =	shalt  }
0x5f: {  	_ =	shalt  }
0x60: {  	_ =	shalt  }
0x61: {  	_ =	shalt  }
0x62: {  	_ =	shalt  }
0x63: {  	_ =	shalt  }
0x64: {  	_ =	shalt  }
0x65: {  	_ =	shalt  }
0x66: {  	_ =	shalt  }
0x67: {  	_ =	shalt  }
0x68: {  	_ =	shalt  }
0x69: {  	_ =	shalt  }
0x6a: {  	_ =	shalt  }
0x6b: {  	_ =	shalt  }
0x6c: {  	_ =	shalt  }
0x6d: {  	_ =	shalt  }
0x6e: {  	_ =	shalt  }
0x6f: {  	_ =	shalt  }
0x70: {  	_ =	shalt  }
0x71: {  	_ =	shalt  }
0x72: {  	_ =	shalt  }
0x73: {  	_ =	shalt  }
0x74: {  	_ =	shalt  }
0x75: {  	_ =	shalt  }
0x76: {  	_ =	shalt  }
0x77: {  	_ =	shalt  }
0x78: {  	_ =	shalt  }
0x79: {  	_ =	shalt  }
0x7a: {  	_ =	shalt  }
0x7b: {  	_ =	shalt  }
0x7c: {  	_ =	shalt  }
0x7d: {  	_ =	shalt  }
0x7e: {  	_ =	shalt  }
0x7f: {  	_ =	shalt  }
0x80: {  	_ =	shalt  }
0x81: {  	_ =	shalt  }
0x82: {  	_ =	shalt  }
0x83: {  	_ =	shalt  }
0x84: {  	_ =	shalt  }
0x85: {  	_ =	shalt  }
0x86: {  	_ =	shalt  }
0x87: {  	_ =	shalt  }
.Lfunc_end0:
.L_simem_size_0:
called_computation.2_lowered:
.L_overlay_start_0:
0x88: {  	s2 =	sld [smem:$0x3FD9]  }
0x89: {  	s3 =	sld [smem:$0x3FFE];
	_ =	sdelay $0x1  }
0x8a: {  	s1 =	srdreg.scid  }
0x8b: {  	s0 =	sand.u32 $0x1, s1  }
0x8c: {  	s16 =	sshll.u32 s0, $0xA;
	s2 =	sadd.s32 s3, s2  }
0x8d: {  	s2 =	sadd.s32 s2, s16  }
0x8e: {  	[smem:$0x3FB0] =	sst s2  }
0x8f: {  	_ = 	snop  }
0x90: {  	(tm) =	ssettm $0x1  }
0x91: {  	s17 =	sld [smem:$0x3FFB];
	_ =	sdelay $0x3  }
0x92: {  	_ =	strace s17  }
0x93: {  	s2 =	sld [smem:$0x3FFC];
	_ =	sdelay $0x3  }
0x94: {  	_ =	strace s2  }
0x95: {  	s2 =	sld [smem:$0x3FFD];
	_ =	sdelay $0x3  }
0x96: {  	_ =	strace s2  }
0x97: {  	_ =	strace $0x8FFFFFFF  }
0x98: {  	s18 =	sld [smem:$0x3FDB];
	_ =	sdelay $0x1  }
0x99: {  	s19 =	simm.s32 $_scs_section_size  }
0x9a: {  	s4 =	simm.s32 $_size__tile_overlayer_lowered;
	s5 =	simm.s32 $_tile_overlayer_lowered  }
0x9b: {  	s22 =	simm.s32 $0x1BFF;
	s21 =	sshll.u32 s5, $0x1;
	s2 =	sadd.s32 s19, s18  }
0x9c: {  	s6 =	simm.s32 $0x0;
	s20 =	sshll.u32 s4, $0x1;
	s4 =	sadd.s32 s21, s2  }
0x9d: {  	[timem:s6], [sflag:s22] =	dma.local [hbm:s4], s20  }
0x9e: {  	_ =	swait.ge [sflag:s22], s20  }
0x9f: {  	s3 =	ssub.s32 $0x0, s20;
	[sflag:s22] =	ssyncset.done $0x0  }
0xa0: {  	[sflag:s22] =	ssyncadd.s32 s3;
	_ =	sdelay $0x1  }
0xa1: {  	s23 =	simm.s32 $0x1B8B  }
0xa2: {  	_ =	swait.ge [sflag:s23], $0x1  }
0xa3: {  	[sflag:s23] =	ssyncset.done $0x0  }
0xa4: {  	s25 =	simm.s32 $0x1B8E;
	s24 =	sld [smem:$0x3FFE];
	[sflag:s23] =	ssyncadd.s32 $0xFFFFFFFF  }
0xa5: {  	s26 =	simm.s32 $execute0_lowered;
	[smem:$0x3FD2] =	sst s25  }
0xa6: {  	s4 =	sshll.u32 s26, $0x1;
	_ =	strace $0x8000004C;
	[dreg:$0x1] =	wrdreg $0xFFFFFFFF  }
0xa7: {  	s28 =	simm.s32 $_size_execute0_lowered;
	s2 =	sadd.s32 s2, s4;
	[dreg:$0x0] =	wrdreg $0x0  }
0xa8: {  	s4 =	sshll.u32 s28, $0x1;
	[dreg:$0x2] =	wrdreg s2  }
0xa9: {  	[dreg:$0x3] =	wrdreg s4  }
0xaa: {  	[dreg:$0x4] =	wrdreg $0xC0  }
0xab: {  	_ =	task [dreg:s6], $0x5FFFF  }
0xac: {  	[dreg:$0x1] =	wrdreg $0xFFFFFFFF  }
0xad: {  	[dreg:$0x0] =	wrdreg $0x60  }
0xae: {  	[dreg:$0x2] =	wrdreg s24  }
0xaf: {  	[dreg:$0x3] =	wrdreg $0xAA000  }
0xb0: {  	[dreg:$0x4] =	wrdreg $0x9  }
0xb1: {  	_ =	task.clear_ibuf [dreg:s6], $0x5FFFF;
	_ =	strace $0x9000004C  }
0xb2: {  	s29 =	simm.s32 $0x9;
	_ =	strace $0x8000004E  }
0xb3: {  	_ =	swait.ge [sflag:s29], $0x1  }
0xb4: {  	[sflag:s29] =	ssyncadd.s32 $0xFFFFFFFF  }
0xb5: {  	_ =	strace $0x9000004E  }
0xb6: {  	_ =	sfence  }
0xb7: {  	s30 =	sld [smem:$0x0];
	_ =	sdelay $0x2  }
0xb8: {  	s31 =	sshll.u32 s1, $0xD;
	s1 =	sshrl.u32 s1, $0x2  }
0xb9: {  	s3 =	sand.u32 $0x4000, s31;
	s1 =	sadd.s32 s1, s30  }
0xba: {  	s0 =	sor.u32 s3, s0;
	s1 =	sshll.u32 s1, $0x11  }
0xbb: {  	s0 =	sor.u32 s1, s0  }
0xbc: {  	s0 =	sadd.s32 $0x8F2B, s0  }
0xbd: {  	[sflag:s0] =	ssyncadd.remote.s32 $0x1  }
0xbe: {  	_ =	sfence.sel $0xFFFF  }
0xbf: {  	[dreg:$0x0] =	wrdreg $0xFFFFFFFF;
	(pc) =	sbr.abs _section_cstart, $3  }
0xc0: {  	[dreg:$0x1] =	wrdreg $0xFFFFFFFF  }
0xc1: {  	_ =	task.clear_ibuf [dreg:s6], $0x2FFFF;
	_ =	strace $0x9FFFFFFF  }
0xc2: {  	(tm) =	ssettm $0x7FFFFFFF  }
0xc3: {  	_ =	shalt  }
tec
execute0_lowered:
.L_overlay_start_1:
0x0: {  	(tag) =	ssettag $0x1  }
0x1: {  	s0 =	srdreg.scid;
	s8 =	rddreg [dreg:$0x0]  }
0x2: {  	s5 =	stileid.u32;
	s2 =	rddreg [dreg:$0x1]  }
0x3: {  	s4 =	simm.s32 $0x0;
	s19 =	simm.s32 $0x2A00;
	s28 =	simm.s32 $0x6A00  }
0x4: {  	s29 =	simm.s32 $0x1;
	s30 =	simm.s32 $0x5;
	s31 =	simm.s32 $0x2  }
0x5: {  	s0 =	sand.u32 $0x1, s0;
	s1 =	sshll.u32 s5, $0x1;
	s7 =	smul.u32 $0x14000, s5  }
0x6: {  	[smem:$0x7FF] =	sst s4;
	s9 =	smul.u32 $0x50000, s5;
	s5 =	sadd.s32 $0x19C00, s8  }
0x7: {  	s6 =	sadd.s32 $0xFC00, s8;
	s1 =	sor.u32 s0, s1;
	s20 =	smul.u32 $0x140000, s0  }
0x8: {  	_ =	strace $0x8000004D;
	s0 =	ssub.s32 $0x2, s0;
	s3 =	smul.u32 $0x2800, s1  }
0x9: {  	s21 =	sshrl.u32 s9, $0x2;
	s22 =	sshrl.u32 s0, $0x1;
	s1 =	sadd.s32 s7, s20  }
0xa: {  	s7 =	sadd.s32 s21, s2;
	s0 =	ssub.s32 s0, s22;
	s20 =	simm.s32 $0x7  }
0xb: {  	s22 =	simm.s32 $0x80;
	s11 =	sshrl.u32 s3, $0x3;
	s1 =	sshrl.u32 s1, $0x3  }
0xc: {  	s23 =	sadd.s32 $0x4000, s7;
	s24 =	sadd.s32 $0x8000, s7;
	s25 =	sadd.s32 $0xC000, s7  }
0xd: {  	s26 =	sadd.s32 $0x10000, s7;
	s18 =	smax.u32 s0, $0x1;
	[dreg:$0x3] =	wrdreg s23  }
0xe: {  	s0 =	simm.s32 $0x0;
	s13 =	sadd.s32 s11, s8;
	[dreg:$0x4] =	wrdreg s24  }
.Ltmp0:
0xf: {  	s1 =	sadd.s32 s1, s8;
	[dreg:$0x5] =	wrdreg s25;
	(pc) =	sbr.rel .LBB2_1-.Ltmp0, $4  }
0x10: {  	s11 =	sadd.s32 s6, s11;
	[dreg:$0x6] =	wrdreg s26;
	s23 =	simm.s32 $0x100  }
0x11: {  	s24 =	simm.s32 $0x180;
	s25 =	simm.s32 $0x3;
	s26 =	simm.s32 $0x4  }
0x12: {  	s13 =	sadd.s32 $0x5C00, s13;
	s14 =	sadd.s32 $0x10, s11;
	s15 =	sadd.s32 $0x20, s11  }
0x13: {  	v0 =	vimm.f32 $0.0e+00;
	s16 =	sadd.s32 $0x30, s11;
	s17 =	sadd.s32 $0xB9C00, s1;
	s1 =	simm.s32 $0x6  }
.LBB2_6:
0x14: {  	_ =	swait.ge [sflag:s31], $0x4000  }
0x15: {  	[sflag:s31] =	ssyncset.done $0x0  }
0x16: {  	[sflag:s31] =	ssyncadd.s32 $0xFFFFC000  }
0x17: {  	[spmem:s2] =	stream.indirect.scatter.add.f32 [tilespmem:s28], [sflag:$0x7], $0x80, s21, s22, $0xb8;
	[tilespmem:$0x1EA00] =	vst v63  }
0x18: {  	s8 =	stileid.u32;
	_ =	swait.ge [sflag:s20], $0x4000  }
0x19: {  	s9 =	sshrl.u32 s7, $0x3;
	s0 =	sadd.s32 $0x1, s0;
	[sflag:s20] =	ssyncset.done $0x0  }
0x1a: {  	s8 =	sshll.u32 s8, $0x6;
	p0 =	sne.s32 s0, s18;
	[sflag:s20] =	ssyncadd.s32 $0xFFFFC000  }
.Ltmp1:
0x1b: {  	s8 =	sor.u32 $0x1C07, s8;
	[bflag:$0x0] =	sbarrier.arrive $0xFFFF;
	(pc) =	sbr.rel @!p0 .LBB2_7-.Ltmp1, $4  }
0x1c: {  	[hbm:s17], [sflag:s8] =	dma.local [spmem:s9], $0x2800  }
0x1d: {  	_ =	swait.ge [sflag:s20], $0x2800  }
0x1e: {  	[sflag:s20] =	ssyncset.done $0x0  }
0x1f: {  	[sflag:s20] =	ssyncadd.s32 $0xFFFFD800  }
.LBB2_1:
0x20: {  	s8 =	simm.s32 $0x0;
	s21 =	simm.s32 $0x200  }
.LBB2_2:
0x21: {  	p0 =	sne.s32 s21, $0xFE00;
	[tilespmem:s8+$0x2A70] =	vst v0  }
0x22: {  	[tilespmem:s8+$0x2A00] =	vst v0  }
0x23: {  	[tilespmem:s8+$0x2A10] =	vst v0  }
.Ltmp2:
0x24: {  	[tilespmem:s8+$0x2A20] =	vst v0;
	(pc) =	sbr.rel @p0 .LBB2_2-.Ltmp2, $4  }
0x25: {  	[tilespmem:s8+$0x2A30] =	vst v0  }
0x26: {  	[tilespmem:s8+$0x2A40] =	vst v0  }
0x27: {  	[tilespmem:s8+$0x2A50] =	vst v0  }
0x28: {  	[tilespmem:s8+$0x2A60] =	vst v0;
	s8 =	sshra.s32 s21, $0x2;
	s21 =	sadd.s32 $0x200, s21  }
0x29: {  	[tilespmem:s8+$0x2A70] =	vst v0  }
0x2a: {  	[tilespmem:s8+$0x2A00] =	vst v0  }
0x2b: {  	[tilespmem:s8+$0x2A10] =	vst v0  }
0x2c: {  	[tilespmem:s8+$0x2A20] =	vst v0  }
0x2d: {  	[tilespmem:s8+$0x2A30] =	vst v0  }
0x2e: {  	[tilespmem:s8+$0x2A40] =	vst v0  }
0x2f: {  	[tilespmem:s8+$0x2A50] =	vst v0  }
0x30: {  	[tilespmem:s8+$0x2A60] =	vst v0  }
0x31: {  	[spmem:s7] =	stream.linear.scatter [tilespmem:s19], [sflag:$0x7], $0x4000, $0x38;
	[tilespmem:$0x1EA00] =	vst v63  }
0x32: {  	_ =	swait.ge [sflag:s20], $0x4000  }
0x33: {  	[sflag:s20] =	ssyncset.done $0x0  }
0x34: {  	s21 =	rddreg [dreg:$0x3];
	[sflag:s20] =	ssyncadd.s32 $0xFFFFC000  }
0x35: {  	[spmem:s21] =	stream.linear.scatter [tilespmem:s19], [sflag:$0x7], $0x4000, $0x38;
	[tilespmem:$0x1EA00] =	vst v63  }
0x36: {  	_ =	swait.ge [sflag:s20], $0x4000  }
0x37: {  	[sflag:s20] =	ssyncset.done $0x0  }
0x38: {  	s9 =	rddreg [dreg:$0x4];
	[sflag:s20] =	ssyncadd.s32 $0xFFFFC000  }
0x39: {  	[spmem:s9] =	stream.linear.scatter [tilespmem:s19], [sflag:$0x7], $0x4000, $0x38;
	[tilespmem:$0x1EA00] =	vst v63  }
0x3a: {  	_ =	swait.ge [sflag:s20], $0x4000  }
0x3b: {  	[sflag:s20] =	ssyncset.done $0x0  }
0x3c: {  	s10 =	rddreg [dreg:$0x5];
	[sflag:s20] =	ssyncadd.s32 $0xFFFFC000  }
0x3d: {  	[spmem:s10] =	stream.linear.scatter [tilespmem:s19], [sflag:$0x7], $0x4000, $0x38;
	[tilespmem:$0x1EA00] =	vst v63  }
0x3e: {  	_ =	swait.ge [sflag:s20], $0x4000  }
0x3f: {  	[sflag:s20] =	ssyncset.done $0x0  }
0x40: {  	s12 =	rddreg [dreg:$0x6];
	[sflag:s20] =	ssyncadd.s32 $0xFFFFC000  }
0x41: {  	[spmem:s12] =	stream.linear.scatter [tilespmem:s19], [sflag:$0x7], $0x4000, $0x38;
	[tilespmem:$0x1EA00] =	vst v63  }
0x42: {  	_ =	swait.ge [sflag:s20], $0x4000  }
0x43: {  	[sflag:s20] =	ssyncset.done $0x0  }
0x44: {  	s21 =	simm.s32 $0x200;
	[sflag:s20] =	ssyncadd.s32 $0xFFFFC000  }
0x45: {  	[tilespmem:s21], [sflag:$0x7] =	stream.linear.gather [hbm4b:s13+s4], $0x2800, $0x38;
	[tilespmem:$0x1EA00] =	vst v63  }
0x46: {  	_ =	swait.ge [sflag:s20], $0x2800  }
0x47: {  	[sflag:s20] =	ssyncset.done $0x0  }
0x48: {  	[sflag:s20] =	ssyncadd.s32 $0xFFFFD800  }
0x49: {  	[tilespmem:s4], [sflag:$0x3] =	stream.linear.gather [hbm4b:s11+s4], $0x80, $0x38;
	[tilespmem:$0x1EA00] =	vst v63  }
0x4a: {  	_ = 	snop  }
0x4b: {  	[tilespmem:s22], [sflag:$0x4] =	stream.linear.gather [hbm4b:s14+s4], $0x80, $0x38;
	[tilespmem:$0x1EA00] =	vst v63  }
0x4c: {  	_ = 	snop  }
0x4d: {  	[tilespmem:s23], [sflag:$0x5] =	stream.linear.gather [hbm4b:s15+s4], $0x80, $0x38;
	[tilespmem:$0x1EA00] =	vst v63  }
0x4e: {  	_ = 	snop  }
0x4f: {  	[tilespmem:s24], [sflag:$0x6] =	stream.linear.gather [hbm4b:s16+s4], $0x80, $0x38;
	[tilespmem:$0x1EA00] =	vst v63  }
0x50: {  	[bflag:$0x0] =	sbarrier.arrive $0xFFFF  }
0x51: {  	_ =	swait.ge [sflag:s25], $0x80  }
0x52: {  	[sflag:s25] =	ssyncset.done $0x0  }
0x53: {  	[sflag:s25] =	ssyncadd.s32 $0xFFFFFF80  }
0x54: {  	[tilespmem:s19], [sflag:$0x1] =	stream.indirect.gather [hbm4b:s5+s22], $0x80, s4, s22, $0xb8;
	[tilespmem:$0x1EA00] =	vst v63  }
0x55: {  	_ =	swait.ge [sflag:s26], $0x80  }
0x56: {  	[sflag:s26] =	ssyncset.done $0x0  }
0x57: {  	s8 =	simm.s32 $0x380;
	s21 =	simm.s32 $0x380;
	[sflag:s26] =	ssyncadd.s32 $0xFFFFFF80  }
0x58: {  	[tilespmem:s28], [sflag:$0x2] =	stream.indirect.gather [hbm4b:s5+s22], $0x80, s22, s22, $0xb8;
	[tilespmem:$0x1EA00] =	vst v63  }
.LBB2_4:
0x59: {  	_ =	swait.ge [sflag:s29], $0x4000  }
0x5a: {  	[sflag:s29] =	ssyncset.done $0x0  }
0x5b: {  	s9 =	sadd.s32 $0xFFFFFE80, s21;
	p0 =	seq.s32 s8, $0x2980;
	[sflag:s29] =	ssyncadd.s32 $0xFFFFC000  }
0x5c: {  	[spmem:s2] =	stream.indirect.scatter.add.f32 [tilespmem:s19], [sflag:$0x7], $0x80, s9, s22, $0xb8;
	[tilespmem:$0x1EA00] =	vst v63  }
0x5d: {  	s9 =	sadd.s32 @!p0 $0xFFFFFE80, s8  }
0x5e: {  	s10 =	sand.u32 @!p0 $0x7C00, s9  }
0x5f: {  	s9 =	sand.u32 @!p0 $0x200, s9;
	s10 =	sadd.s32 @!p0 s3, s10  }
0x60: {  	_ =	swait.ge [sflag:s20], $0x4000;
	s9 =	sor.u32 @!p0 s9, s10  }
0x61: {  	[sflag:s20] =	ssyncset.done $0x0;
	s9 =	sshrl.u32 @!p0 s9, $0x3  }
0x62: {  	[sflag:s20] =	ssyncadd.s32 $0xFFFFC000;
	s10 =	simm.s32 @!p0 $0x0;
	s9 =	sadd.s32 @!p0 s6, s9  }
0x63: {  	[tilespmem:s10], [sflag:$0x3] =	stream.linear.gather @!p0 [hbm4b:s9+s10], $0x80, $0x38;
	[tilespmem:$0x1EA00] =	vst v63  }
0x64: {  	_ =	swait.ge [sflag:s30], $0x80  }
0x65: {  	[sflag:s30] =	ssyncset.done $0x0  }
0x66: {  	[sflag:s30] =	ssyncadd.s32 $0xFFFFFF80  }
0x67: {  	[tilespmem:s19], [sflag:$0x1] =	stream.indirect.gather [hbm4b:s5+s22], $0x80, s23, s22, $0xb8;
	[tilespmem:$0x1EA00] =	vst v63  }
0x68: {  	_ =	swait.ge [sflag:s31], $0x4000  }
0x69: {  	[sflag:s31] =	ssyncset.done $0x0  }
0x6a: {  	s12 =	sadd.s32 $0xFFFFFF00, s21;
	s9 =	sadd.s32 @!p0 $0xFFFFFF00, s8;
	[sflag:s31] =	ssyncadd.s32 $0xFFFFC000  }
0x6b: {  	[spmem:s2] =	stream.indirect.scatter.add.f32 [tilespmem:s28], [sflag:$0x7], $0x80, s12, s22, $0xb8;
	[tilespmem:$0x1EA00] =	vst v63  }
0x6c: {  	s12 =	sand.u32 @!p0 $0x7C00, s9  }
0x6d: {  	s9 =	sand.u32 @!p0 $0x280, s9;
	s12 =	sadd.s32 @!p0 s3, s12  }
0x6e: {  	_ =	swait.ge [sflag:s20], $0x4000;
	s9 =	sor.u32 @!p0 s9, s12  }
0x6f: {  	[sflag:s20] =	ssyncset.done $0x0;
	s9 =	sshrl.u32 @!p0 s9, $0x3  }
0x70: {  	s12 =	simm.s32 @!p0 $0x80;
	[sflag:s20] =	ssyncadd.s32 $0xFFFFC000;
	s9 =	sadd.s32 @!p0 s6, s9  }
0x71: {  	[tilespmem:s12], [sflag:$0x4] =	stream.linear.gather @!p0 [hbm4b:s9+s10], $0x80, $0x38;
	[tilespmem:$0x1EA00] =	vst v63  }
0x72: {  	_ =	swait.ge [sflag:s1], $0x80  }
0x73: {  	[sflag:s1] =	ssyncset.done $0x0  }
0x74: {  	[sflag:s1] =	ssyncadd.s32 $0xFFFFFF80  }
0x75: {  	[tilespmem:s28], [sflag:$0x2] =	stream.indirect.gather [hbm4b:s5+s22], $0x80, s24, s22, $0xb8;
	[tilespmem:$0x1EA00] =	vst v63  }
0x76: {  	_ =	swait.ge [sflag:s29], $0x4000  }
0x77: {  	[sflag:s29] =	ssyncset.done $0x0  }
.Ltmp3:
0x78: {  	s12 =	sadd.s32 $0xFFFFFF80, s21;
	[sflag:s29] =	ssyncadd.s32 $0xFFFFC000;
	(pc) =	sbr.rel @p0 .LBB2_6-.Ltmp3, $4  }
0x79: {  	[spmem:s2] =	stream.indirect.scatter.add.f32 [tilespmem:s19], [sflag:$0x7], $0x80, s12, s22, $0xb8;
	[tilespmem:$0x1EA00] =	vst v63  }
0x7a: {  	_ =	swait.ge [sflag:s20], $0x4000  }
0x7b: {  	[sflag:s20] =	ssyncset.done $0x0  }
0x7c: {  	[sflag:s20] =	ssyncadd.s32 $0xFFFFC000  }
0x7d: {  	s9 =	sadd.s32 $0xFFFFFF80, s8  }
0x7e: {  	s10 =	sand.u32 $0x7C00, s9  }
0x7f: {  	s9 =	sand.u32 $0x300, s9;
	s10 =	sadd.s32 s3, s10  }
0x80: {  	s9 =	sor.u32 s9, s10  }
0x81: {  	s9 =	sshrl.u32 s9, $0x3  }
0x82: {  	s9 =	sadd.s32 s6, s9  }
0x83: {  	[tilespmem:s23], [sflag:$0x5] =	stream.linear.gather [hbm4b:s9+s4], $0x80, $0x38;
	[tilespmem:$0x1EA00] =	vst v63  }
0x84: {  	_ =	swait.ge [sflag:s25], $0x80  }
0x85: {  	[sflag:s25] =	ssyncset.done $0x0  }
0x86: {  	[sflag:s25] =	ssyncadd.s32 $0xFFFFFF80  }
0x87: {  	[tilespmem:s19], [sflag:$0x1] =	stream.indirect.gather [hbm4b:s5+s22], $0x80, s4, s22, $0xb8;
	[tilespmem:$0x1EA00] =	vst v63  }
0x88: {  	_ =	swait.ge [sflag:s31], $0x4000  }
0x89: {  	s10 =	sand.u32 $0x7C00, s8;
	[sflag:s31] =	ssyncset.done $0x0  }
0x8a: {  	s12 =	sand.u32 $0x380, s8;
	s9 =	sadd.s32 s3, s10;
	[sflag:s31] =	ssyncadd.s32 $0xFFFFC000  }
0x8b: {  	[spmem:s2] =	stream.indirect.scatter.add.f32 [tilespmem:s28], [sflag:$0x7], $0x80, s21, s22, $0xb8;
	[tilespmem:$0x1EA00] =	vst v63  }
0x8c: {  	s9 =	sor.u32 s12, s9;
	_ =	swait.ge [sflag:s20], $0x4000  }
0x8d: {  	s9 =	sshrl.u32 s9, $0x3;
	[sflag:s20] =	ssyncset.done $0x0  }
0x8e: {  	s9 =	sadd.s32 s6, s9;
	[sflag:s20] =	ssyncadd.s32 $0xFFFFC000  }
0x8f: {  	[tilespmem:s24], [sflag:$0x6] =	stream.linear.gather [hbm4b:s9+s4], $0x80, $0x38;
	[tilespmem:$0x1EA00] =	vst v63  }
.Ltmp4:
0x90: {  	_ = 	snop;
	(pc) =	sbr.rel .LBB2_4-.Ltmp4, $4  }
0x91: {  	_ =	swait.ge [sflag:s26], $0x80  }
0x92: {  	[sflag:s26] =	ssyncset.done $0x0  }
0x93: {  	s8 =	sadd.s32 $0x200, s8;
	s21 =	sadd.s32 $0x200, s21;
	[sflag:s26] =	ssyncadd.s32 $0xFFFFFF80  }
0x94: {  	[tilespmem:s28], [sflag:$0x2] =	stream.indirect.gather [hbm4b:s5+s22], $0x80, s22, s22, $0xb8;
	[tilespmem:$0x1EA00] =	vst v63  }
.LBB2_7:
0x95: {  	_ =	sfence.sel $0x180000  }
0x96: {  	[bflag:$0x0] =	sbarrier.arrive $0xFFFF  }
0x97: {  	_ =	strace $0x9000004D  }
0x98: {  	s0 =	stileid.u32;
	[bflag:$0x2] =	sbarrier.arrive $0xFFFF  }
0x99: {  	p0 =	sne.s32 s0, $0x0;
	s0 =	rddreg [dreg:$0x2]  }
0x9a: {  	s0 =	sadd.s32 @!p0 $0x100000, s0  }
0x9b: {  	[sflag:s0] =	ssyncadd.tile.s32 @!p0 $0x1;
	_ =	shalt  }
.Lfunc_end2:
_tile_overlayer_lowered:
.L_overlay_start_2:
0x9c: {  	(tag) =	ssettag $0x2  }
0x9d: {  	s0 =	rddreg [dreg:$0x0];
	s2 =	stileid.u32  }
0x9e: {  	s1 =	rddreg [dreg:$0x1];
	p0 =	sne.s32 s2, $0x0  }
0x9f: {  	s3 =	rddreg [dreg:$0x2];
	[bflag:$0x3] =	sbarrier.arrive $0xFFFF;
	s2 =	simm.s32 @!p0 $0x1C07  }
0xa0: {  	[timem:s3], [sflag:s2] =	dma.local @!p0 [hbm:s0], s1  }
0xa1: {  	s0 =	simm.s32 @!p0 $0x7  }
0xa2: {  	_ =	swait.ge @!p0 [sflag:s0], s1  }
0xa3: {  	s1 =	ssub.s32 @!p0 $0x0, s1;
	[sflag:s0] =	ssyncset.done @!p0 $0x0  }
0xa4: {  	[sflag:s0] =	ssyncadd.s32 @!p0 s1  }
0xa5: {  	[bflag:$0x3] =	sbarrier.arrive $0xFFFF  }
0xa6: {  	_ =	shalt  }

// kernel: kernel.20.cloned.1.call-start
scs
__scs_entry_jumppad:
0x0: {  	(pc) =	sbr.rel $0x88, $3  }
0x1: {  	(tag) =	ssettag $0x0;
	lr =	simm.s32 $0x1  }
0x2: {  	[smem:$0x3F89] =	sst lr;
	_ =	strace $0xD0000000  }
0x3: {  	_ = 	snop  }
0x4: {  	_ = 	snop  }
0x5: {  	_ = 	snop  }
0x6: {  	_ = 	snop  }
0x7: {  	_ = 	snop  }
__scs_overlays_trampoline_lowered:
0x8: {  	[smem:$0x3F98] =	sst s0  }
0x9: {  	[smem:$0x3F99] =	sst s1  }
0xa: {  	[smem:$0x3F9A] =	sst s2  }
0xb: {  	[smem:$0x3F9B] =	sst s3  }
0xc: {  	[smem:$0x3F9C] =	sst s4  }
0xd: {  	[smem:$0x3F9D] =	sst s5  }
0xe: {  	[smem:$0x3F9E] =	sst s6  }
0xf: {  	[smem:$0x3F9F] =	sst s7  }
0x10: {  	[smem:$0x3FA0] =	sst s8  }
0x11: {  	[smem:$0x3FA1] =	sst s9;
	s0 =	simm.s32 @!p0 $0x0  }
0x12: {  	s1 =	sld [smem:$0x3F87];
	s0 =	simm.s32 @p0 $0x1  }
0x13: {  	[smem:$0x3FA2] =	sst s0;
	s0 =	simm.s32 @!p1 $0x0  }
0x14: {  	s2 =	sld [smem:$0x3F86];
	s0 =	simm.s32 @p1 $0x1  }
0x15: {  	[smem:$0x3FA3] =	sst s0;
	s0 =	simm.s32 @!p2 $0x0  }
0x16: {  	s3 =	sld [smem:$0x3FDB];
	s0 =	simm.s32 @p2 $0x1  }
0x17: {  	s4 =	simm.s32 $0x1BF5;
	[smem:$0x3FA5] =	sst s0  }
0x18: {  	s0 =	sld [smem:$0x3F88];
	_ =	swait.ge [sflag:s4], $0x0  }
0x19: {  	s7 =	sld [smem:$0x3F89]  }
0x1a: {  	s8 =	sadd.s32 $0xFFFFE003, lr  }
0x1b: {  	s9 =	sadd.s32 $0xFFFFFEF7, lr;
	s5 =	simm.s32 $0xFFFFFFFF;
	p2 =	slt.u32 s8, $0xFFFFF086  }
0x1c: {  	p1 =	slt.u32 s9, $0xF7A;
	s5 =	simm.s32 @!p2 $0x0  }
0x1d: {  	s5 =	simm.s32 @p1 $0x1;
	p0 =	seq.s32 s7, s2  }
0x1e: {  	s7 =	smul.u32 @!p0 $0xF7A, s2;
	p2 =	seq.s32 @!p0 s5, $0x0  }
0x1f: {  	s9 =	smul.u32 $0xF7A, s1;
	s8 =	simm.s32 @!p0 $0x1BF5;
	p2 =	por !p2, p0  }
0x20: {  	[sflag:s8] =	ssyncset.s32 @!p0 $0xFFFFF086;
	s6 =	sadd.s32 @!p0 s3, s7;
	s7 =	simm.s32 @!p0 $0x108  }
0x21: {  	s3 =	sadd.s32 s3, s9;
	s6 =	sadd.s32 @!p0 $0x88, s6;
	s7 =	simm.s32 @p2 $0x1082  }
0x22: {  	[simem:s7], [sflag:s8] =	dma.local @!p0 [hbm:s6], $0xF7A  }
0x23: {  	s9 =	sor.u32 $0xD0000000, s2;
	s6 =	simm.s32 $0x108;
	_ =	swait.ge @!p0 [sflag:s8], $0x0  }
0x24: {  	s3 =	sadd.s32 $0x88, s3;
	s6 =	simm.s32 @!p1 $0x1082;
	[sflag:s4] =	ssyncset.s32 $0xFFFFF086  }
0x25: {  	[simem:s6], [sflag:s4] =	dma.local [hbm:s3], $0xF7A  }
0x26: {  	[smem:$0x3F89] =	sst s1;
	(tag) =	ssettag s2;
	_ =	strace s9  }
0x27: {  	s1 =	sld [smem:$0x3F99]  }
0x28: {  	s2 =	sld [smem:$0x3F9A]  }
0x29: {  	s4 =	sld [smem:$0x3F9C]  }
0x2a: {  	p0 =	seq.s32 s5, $0x0;
	s5 =	sld [smem:$0x3F9D]  }
0x2b: {  	s6 =	sld [smem:$0x3F9E]  }
0x2c: {  	s7 =	sld [smem:$0x3F9F]  }
0x2d: {  	s3 =	simm.s32 $0x108;
	s8 =	sld [smem:$0x3FA0]  }
0x2e: {  	s3 =	simm.s32 @!p0 $0x1082;
	s9 =	sld [smem:$0x3FA1]  }
0x2f: {  	lr =	sadd.s32 s0, s3;
	s0 =	sld [smem:$0x3F98]  }
0x30: {  	s3 =	sld [smem:$0x3F9B]  }
0x31: {  	[smem:$0x3FA4] =	sst s10  }
0x32: {  	s10 =	sld [smem:$0x3FA2];
	_ =	sdelay $0x3  }
0x33: {  	p0 =	seq.s32 s10, $0x1;
	s10 =	sld [smem:$0x3FA4];
	_ =	sdelay $0x3  }
0x34: {  	[smem:$0x3FA4] =	sst s10  }
0x35: {  	s10 =	sld [smem:$0x3FA3];
	_ =	sdelay $0x3  }
0x36: {  	p1 =	seq.s32 s10, $0x1;
	s10 =	sld [smem:$0x3FA4];
	_ =	sdelay $0x3  }
0x37: {  	[smem:$0x3FA4] =	sst s10  }
0x38: {  	s10 =	sld [smem:$0x3FA5]  }
0x39: {  	_ = 	snop;
	(pc) =	sbr.ind lr, $3  }
0x3a: {  	_ = 	snop  }
0x3b: {  	_ = 	snop  }
0x3c: {  	p2 =	seq.s32 s10, $0x1;
	s10 =	sld [smem:$0x3FA4]  }
0x3d: {  	_ =	shalt  }
0x3e: {  	_ =	shalt  }
0x3f: {  	_ =	shalt  }
0x40: {  	_ =	shalt  }
0x41: {  	_ =	shalt  }
0x42: {  	_ =	shalt  }
0x43: {  	_ =	shalt  }
0x44: {  	_ =	shalt  }
0x45: {  	_ =	shalt  }
0x46: {  	_ =	shalt  }
0x47: {  	_ =	shalt  }
0x48: {  	_ =	shalt  }
0x49: {  	_ =	shalt  }
0x4a: {  	_ =	shalt  }
0x4b: {  	_ =	shalt  }
0x4c: {  	_ =	shalt  }
0x4d: {  	_ =	shalt  }
0x4e: {  	_ =	shalt  }
0x4f: {  	_ =	shalt  }
0x50: {  	_ =	shalt  }
0x51: {  	_ =	shalt  }
0x52: {  	_ =	shalt  }
0x53: {  	_ =	shalt  }
0x54: {  	_ =	shalt  }
0x55: {  	_ =	shalt  }
0x56: {  	_ =	shalt  }
0x57: {  	_ =	shalt  }
0x58: {  	_ =	shalt  }
0x59: {  	_ =	shalt  }
0x5a: {  	_ =	shalt  }
0x5b: {  	_ =	shalt  }
0x5c: {  	_ =	shalt  }
0x5d: {  	_ =	shalt  }
0x5e: {  	_ =	shalt  }
0x5f: {  	_ =	shalt  }
0x60: {  	_ =	shalt  }
0x61: {  	_ =	shalt  }
0x62: {  	_ =	shalt  }
0x63: {  	_ =	shalt  }
0x64: {  	_ =	shalt  }
0x65: {  	_ =	shalt  }
0x66: {  	_ =	shalt  }
0x67: {  	_ =	shalt  }
0x68: {  	_ =	shalt  }
0x69: {  	_ =	shalt  }
0x6a: {  	_ =	shalt  }
0x6b: {  	_ =	shalt  }
0x6c: {  	_ =	shalt  }
0x6d: {  	_ =	shalt  }
0x6e: {  	_ =	shalt  }
0x6f: {  	_ =	shalt  }
0x70: {  	_ =	shalt  }
0x71: {  	_ =	shalt  }
0x72: {  	_ =	shalt  }
0x73: {  	_ =	shalt  }
0x74: {  	_ =	shalt  }
0x75: {  	_ =	shalt  }
0x76: {  	_ =	shalt  }
0x77: {  	_ =	shalt  }
0x78: {  	_ =	shalt  }
0x79: {  	_ =	shalt  }
0x7a: {  	_ =	shalt  }
0x7b: {  	_ =	shalt  }
0x7c: {  	_ =	shalt  }
0x7d: {  	_ =	shalt  }
0x7e: {  	_ =	shalt  }
0x7f: {  	_ =	shalt  }
0x80: {  	_ =	shalt  }
0x81: {  	_ =	shalt  }
0x82: {  	_ =	shalt  }
0x83: {  	_ =	shalt  }
0x84: {  	_ =	shalt  }
0x85: {  	_ =	shalt  }
0x86: {  	_ =	shalt  }
0x87: {  	_ =	shalt  }
.Lfunc_end0:
.L_simem_size_0:
called_computation.3_lowered:
.L_overlay_start_0:
0x88: {  	s2 =	sld [smem:$0x3FD9]  }
0x89: {  	s3 =	sld [smem:$0x3FFE];
	_ =	sdelay $0x1  }
0x8a: {  	s1 =	srdreg.scid  }
0x8b: {  	s0 =	sand.u32 $0x1, s1  }
0x8c: {  	s16 =	sshll.u32 s0, $0xA;
	s2 =	sadd.s32 s3, s2  }
0x8d: {  	s2 =	sadd.s32 s2, s16  }
0x8e: {  	[smem:$0x3FB0] =	sst s2  }
0x8f: {  	_ = 	snop  }
0x90: {  	(tm) =	ssettm $0x1  }
0x91: {  	s17 =	sld [smem:$0x3FFB];
	_ =	sdelay $0x3  }
0x92: {  	_ =	strace s17  }
0x93: {  	s2 =	sld [smem:$0x3FFC];
	_ =	sdelay $0x3  }
0x94: {  	_ =	strace s2  }
0x95: {  	s2 =	sld [smem:$0x3FFD];
	_ =	sdelay $0x3  }
0x96: {  	_ =	strace s2  }
0x97: {  	_ =	strace $0x8FFFFFFF  }
0x98: {  	s18 =	sld [smem:$0x3FDB];
	_ =	sdelay $0x1  }
0x99: {  	s19 =	simm.s32 $_scs_section_size  }
0x9a: {  	s4 =	simm.s32 $_size__tile_overlayer_lowered;
	s5 =	simm.s32 $_tile_overlayer_lowered  }
0x9b: {  	s22 =	simm.s32 $0x1BFF;
	s21 =	sshll.u32 s5, $0x1;
	s2 =	sadd.s32 s19, s18  }
0x9c: {  	s6 =	simm.s32 $0x0;
	s20 =	sshll.u32 s4, $0x1;
	s4 =	sadd.s32 s21, s2  }
0x9d: {  	[timem:s6], [sflag:s22] =	dma.local [hbm:s4], s20  }
0x9e: {  	_ =	swait.ge [sflag:s22], s20  }
0x9f: {  	s3 =	ssub.s32 $0x0, s20;
	[sflag:s22] =	ssyncset.done $0x0  }
0xa0: {  	[sflag:s22] =	ssyncadd.s32 s3;
	_ =	sdelay $0x1  }
0xa1: {  	s23 =	simm.s32 $0x1B8B  }
0xa2: {  	_ =	swait.ge [sflag:s23], $0x1  }
0xa3: {  	[sflag:s23] =	ssyncset.done $0x0  }
0xa4: {  	s25 =	simm.s32 $0x1B8E;
	s24 =	sld [smem:$0x3FFE];
	[sflag:s23] =	ssyncadd.s32 $0xFFFFFFFF  }
0xa5: {  	s26 =	simm.s32 $execute0_lowered;
	[smem:$0x3FD2] =	sst s25  }
0xa6: {  	s4 =	sshll.u32 s26, $0x1;
	_ =	strace $0x8000004F;
	[dreg:$0x1] =	wrdreg $0xFFFFFFFF  }
0xa7: {  	s28 =	simm.s32 $_size_execute0_lowered;
	s2 =	sadd.s32 s2, s4;
	[dreg:$0x0] =	wrdreg $0x0  }
0xa8: {  	s4 =	sshll.u32 s28, $0x1;
	[dreg:$0x2] =	wrdreg s2  }
0xa9: {  	[dreg:$0x3] =	wrdreg s4  }
0xaa: {  	[dreg:$0x4] =	wrdreg $0xC0  }
0xab: {  	_ =	task [dreg:s6], $0x5FFFF  }
0xac: {  	[dreg:$0x1] =	wrdreg $0xFFFFFFFF  }
0xad: {  	[dreg:$0x0] =	wrdreg $0x60  }
0xae: {  	[dreg:$0x2] =	wrdreg s24  }
0xaf: {  	[dreg:$0x3] =	wrdreg $0xAA000  }
0xb0: {  	[dreg:$0x4] =	wrdreg $0x9  }
0xb1: {  	_ =	task.clear_ibuf [dreg:s6], $0x5FFFF;
	_ =	strace $0x9000004F  }
0xb2: {  	s29 =	simm.s32 $0x9;
	_ =	strace $0x80000051  }
0xb3: {  	_ =	swait.ge [sflag:s29], $0x1  }
0xb4: {  	[sflag:s29] =	ssyncadd.s32 $0xFFFFFFFF  }
0xb5: {  	_ =	strace $0x90000051  }
0xb6: {  	_ =	sfence  }
0xb7: {  	s30 =	sld [smem:$0x0];
	_ =	sdelay $0x2  }
0xb8: {  	s31 =	sshll.u32 s1, $0xD;
	s1 =	sshrl.u32 s1, $0x2  }
0xb9: {  	s3 =	sand.u32 $0x4000, s31;
	s1 =	sadd.s32 s1, s30  }
0xba: {  	s0 =	sor.u32 s3, s0;
	s1 =	sshll.u32 s1, $0x11  }
0xbb: {  	s0 =	sor.u32 s1, s0  }
0xbc: {  	s0 =	sadd.s32 $0x8F2B, s0  }
0xbd: {  	[sflag:s0] =	ssyncadd.remote.s32 $0x1  }
0xbe: {  	_ =	sfence.sel $0xFFFF  }
0xbf: {  	[dreg:$0x0] =	wrdreg $0xFFFFFFFF;
	(pc) =	sbr.abs _section_cstart, $3  }
0xc0: {  	[dreg:$0x1] =	wrdreg $0xFFFFFFFF  }
0xc1: {  	_ =	task.clear_ibuf [dreg:s6], $0x2FFFF;
	_ =	strace $0x9FFFFFFF  }
0xc2: {  	(tm) =	ssettm $0x7FFFFFFF  }
0xc3: {  	_ =	shalt  }
tec
execute0_lowered:
.L_overlay_start_1:
0x0: {  	(tag) =	ssettag $0x1  }
0x1: {  	s0 =	srdreg.scid;
	s8 =	rddreg [dreg:$0x0]  }
0x2: {  	s5 =	stileid.u32;
	s2 =	rddreg [dreg:$0x1]  }
0x3: {  	s4 =	simm.s32 $0x0;
	s19 =	simm.s32 $0x2A00;
	s28 =	simm.s32 $0x6A00  }
0x4: {  	s29 =	simm.s32 $0x1;
	s30 =	simm.s32 $0x5;
	s31 =	simm.s32 $0x2  }
0x5: {  	s0 =	sand.u32 $0x1, s0;
	s1 =	sshll.u32 s5, $0x1;
	s7 =	smul.u32 $0x14000, s5  }
0x6: {  	[smem:$0x7FF] =	sst s4;
	s9 =	smul.u32 $0x50000, s5;
	s5 =	sadd.s32 $0x19C00, s8  }
0x7: {  	s6 =	sadd.s32 $0xFC00, s8;
	s1 =	sor.u32 s0, s1;
	s20 =	smul.u32 $0x140000, s0  }
0x8: {  	_ =	strace $0x80000050;
	s0 =	ssub.s32 $0x2, s0;
	s3 =	smul.u32 $0x2800, s1  }
0x9: {  	s21 =	sshrl.u32 s9, $0x2;
	s22 =	sshrl.u32 s0, $0x1;
	s1 =	sadd.s32 s7, s20  }
0xa: {  	s7 =	sadd.s32 s21, s2;
	s0 =	ssub.s32 s0, s22;
	s20 =	simm.s32 $0x7  }
0xb: {  	s22 =	simm.s32 $0x80;
	s11 =	sshrl.u32 s3, $0x3;
	s1 =	sshrl.u32 s1, $0x3  }
0xc: {  	s23 =	sadd.s32 $0x4000, s7;
	s24 =	sadd.s32 $0x8000, s7;
	s25 =	sadd.s32 $0xC000, s7  }
0xd: {  	s26 =	sadd.s32 $0x10000, s7;
	s18 =	smax.u32 s0, $0x1;
	[dreg:$0x3] =	wrdreg s23  }
0xe: {  	s0 =	simm.s32 $0x0;
	s13 =	sadd.s32 s11, s8;
	[dreg:$0x4] =	wrdreg s24  }
.Ltmp0:
0xf: {  	s1 =	sadd.s32 s1, s8;
	[dreg:$0x5] =	wrdreg s25;
	(pc) =	sbr.rel .LBB2_1-.Ltmp0, $4  }
0x10: {  	s11 =	sadd.s32 s6, s11;
	[dreg:$0x6] =	wrdreg s26;
	s23 =	simm.s32 $0x100  }
0x11: {  	s24 =	simm.s32 $0x180;
	s25 =	simm.s32 $0x3;
	s26 =	simm.s32 $0x4  }
0x12: {  	s13 =	sadd.s32 $0x5C00, s13;
	s14 =	sadd.s32 $0x10, s11;
	s15 =	sadd.s32 $0x20, s11  }
0x13: {  	v0 =	vimm.f32 $0.0e+00;
	s16 =	sadd.s32 $0x30, s11;
	s17 =	sadd.s32 $0xB9C00, s1;
	s1 =	simm.s32 $0x6  }
.LBB2_6:
0x14: {  	_ =	swait.ge [sflag:s31], $0x4000  }
0x15: {  	[sflag:s31] =	ssyncset.done $0x0  }
0x16: {  	[sflag:s31] =	ssyncadd.s32 $0xFFFFC000  }
0x17: {  	[spmem:s2] =	stream.indirect.scatter.add.f32 [tilespmem:s28], [sflag:$0x7], $0x80, s21, s22, $0xb8;
	[tilespmem:$0x1EA00] =	vst v63  }
0x18: {  	s8 =	stileid.u32;
	_ =	swait.ge [sflag:s20], $0x4000  }
0x19: {  	s9 =	sshrl.u32 s7, $0x3;
	s0 =	sadd.s32 $0x1, s0;
	[sflag:s20] =	ssyncset.done $0x0  }
0x1a: {  	s8 =	sshll.u32 s8, $0x6;
	p0 =	sne.s32 s0, s18;
	[sflag:s20] =	ssyncadd.s32 $0xFFFFC000  }
.Ltmp1:
0x1b: {  	s8 =	sor.u32 $0x1C07, s8;
	[bflag:$0x0] =	sbarrier.arrive $0xFFFF;
	(pc) =	sbr.rel @!p0 .LBB2_7-.Ltmp1, $4  }
0x1c: {  	[hbm:s17], [sflag:s8] =	dma.local [spmem:s9], $0x2800  }
0x1d: {  	_ =	swait.ge [sflag:s20], $0x2800  }
0x1e: {  	[sflag:s20] =	ssyncset.done $0x0  }
0x1f: {  	[sflag:s20] =	ssyncadd.s32 $0xFFFFD800  }
.LBB2_1:
0x20: {  	s8 =	simm.s32 $0x0;
	s21 =	simm.s32 $0x200  }
.LBB2_2:
0x21: {  	p0 =	sne.s32 s21, $0xFE00;
	[tilespmem:s8+$0x2A70] =	vst v0  }
0x22: {  	[tilespmem:s8+$0x2A00] =	vst v0  }
0x23: {  	[tilespmem:s8+$0x2A10] =	vst v0  }
.Ltmp2:
0x24: {  	[tilespmem:s8+$0x2A20] =	vst v0;
	(pc) =	sbr.rel @p0 .LBB2_2-.Ltmp2, $4  }
0x25: {  	[tilespmem:s8+$0x2A30] =	vst v0  }
0x26: {  	[tilespmem:s8+$0x2A40] =	vst v0  }
0x27: {  	[tilespmem:s8+$0x2A50] =	vst v0  }
0x28: {  	[tilespmem:s8+$0x2A60] =	vst v0;
	s8 =	sshra.s32 s21, $0x2;
	s21 =	sadd.s32 $0x200, s21  }
0x29: {  	[tilespmem:s8+$0x2A70] =	vst v0  }
0x2a: {  	[tilespmem:s8+$0x2A00] =	vst v0  }
0x2b: {  	[tilespmem:s8+$0x2A10] =	vst v0  }
0x2c: {  	[tilespmem:s8+$0x2A20] =	vst v0  }
0x2d: {  	[tilespmem:s8+$0x2A30] =	vst v0  }
0x2e: {  	[tilespmem:s8+$0x2A40] =	vst v0  }
0x2f: {  	[tilespmem:s8+$0x2A50] =	vst v0  }
0x30: {  	[tilespmem:s8+$0x2A60] =	vst v0  }
0x31: {  	[spmem:s7] =	stream.linear.scatter [tilespmem:s19], [sflag:$0x7], $0x4000, $0x38;
	[tilespmem:$0x1EA00] =	vst v63  }
0x32: {  	_ =	swait.ge [sflag:s20], $0x4000  }
0x33: {  	[sflag:s20] =	ssyncset.done $0x0  }
0x34: {  	s21 =	rddreg [dreg:$0x3];
	[sflag:s20] =	ssyncadd.s32 $0xFFFFC000  }
0x35: {  	[spmem:s21] =	stream.linear.scatter [tilespmem:s19], [sflag:$0x7], $0x4000, $0x38;
	[tilespmem:$0x1EA00] =	vst v63  }
0x36: {  	_ =	swait.ge [sflag:s20], $0x4000  }
0x37: {  	[sflag:s20] =	ssyncset.done $0x0  }
0x38: {  	s9 =	rddreg [dreg:$0x4];
	[sflag:s20] =	ssyncadd.s32 $0xFFFFC000  }
0x39: {  	[spmem:s9] =	stream.linear.scatter [tilespmem:s19], [sflag:$0x7], $0x4000, $0x38;
	[tilespmem:$0x1EA00] =	vst v63  }
0x3a: {  	_ =	swait.ge [sflag:s20], $0x4000  }
0x3b: {  	[sflag:s20] =	ssyncset.done $0x0  }
0x3c: {  	s10 =	rddreg [dreg:$0x5];
	[sflag:s20] =	ssyncadd.s32 $0xFFFFC000  }
0x3d: {  	[spmem:s10] =	stream.linear.scatter [tilespmem:s19], [sflag:$0x7], $0x4000, $0x38;
	[tilespmem:$0x1EA00] =	vst v63  }
0x3e: {  	_ =	swait.ge [sflag:s20], $0x4000  }
0x3f: {  	[sflag:s20] =	ssyncset.done $0x0  }
0x40: {  	s12 =	rddreg [dreg:$0x6];
	[sflag:s20] =	ssyncadd.s32 $0xFFFFC000  }
0x41: {  	[spmem:s12] =	stream.linear.scatter [tilespmem:s19], [sflag:$0x7], $0x4000, $0x38;
	[tilespmem:$0x1EA00] =	vst v63  }
0x42: {  	_ =	swait.ge [sflag:s20], $0x4000  }
0x43: {  	[sflag:s20] =	ssyncset.done $0x0  }
0x44: {  	s21 =	simm.s32 $0x200;
	[sflag:s20] =	ssyncadd.s32 $0xFFFFC000  }
0x45: {  	[tilespmem:s21], [sflag:$0x7] =	stream.linear.gather [hbm4b:s13+s4], $0x2800, $0x38;
	[tilespmem:$0x1EA00] =	vst v63  }
0x46: {  	_ =	swait.ge [sflag:s20], $0x2800  }
0x47: {  	[sflag:s20] =	ssyncset.done $0x0  }
0x48: {  	[sflag:s20] =	ssyncadd.s32 $0xFFFFD800  }
0x49: {  	[tilespmem:s4], [sflag:$0x3] =	stream.linear.gather [hbm4b:s11+s4], $0x80, $0x38;
	[tilespmem:$0x1EA00] =	vst v63  }
0x4a: {  	_ = 	snop  }
0x4b: {  	[tilespmem:s22], [sflag:$0x4] =	stream.linear.gather [hbm4b:s14+s4], $0x80, $0x38;
	[tilespmem:$0x1EA00] =	vst v63  }
0x4c: {  	_ = 	snop  }
0x4d: {  	[tilespmem:s23], [sflag:$0x5] =	stream.linear.gather [hbm4b:s15+s4], $0x80, $0x38;
	[tilespmem:$0x1EA00] =	vst v63  }
0x4e: {  	_ = 	snop  }
0x4f: {  	[tilespmem:s24], [sflag:$0x6] =	stream.linear.gather [hbm4b:s16+s4], $0x80, $0x38;
	[tilespmem:$0x1EA00] =	vst v63  }
0x50: {  	[bflag:$0x0] =	sbarrier.arrive $0xFFFF  }
0x51: {  	_ =	swait.ge [sflag:s25], $0x80  }
0x52: {  	[sflag:s25] =	ssyncset.done $0x0  }
0x53: {  	[sflag:s25] =	ssyncadd.s32 $0xFFFFFF80  }
0x54: {  	[tilespmem:s19], [sflag:$0x1] =	stream.indirect.gather [hbm4b:s5+s22], $0x80, s4, s22, $0xb8;
	[tilespmem:$0x1EA00] =	vst v63  }
0x55: {  	_ =	swait.ge [sflag:s26], $0x80  }
0x56: {  	[sflag:s26] =	ssyncset.done $0x0  }
0x57: {  	s8 =	simm.s32 $0x380;
	s21 =	simm.s32 $0x380;
	[sflag:s26] =	ssyncadd.s32 $0xFFFFFF80  }
0x58: {  	[tilespmem:s28], [sflag:$0x2] =	stream.indirect.gather [hbm4b:s5+s22], $0x80, s22, s22, $0xb8;
	[tilespmem:$0x1EA00] =	vst v63  }
.LBB2_4:
0x59: {  	_ =	swait.ge [sflag:s29], $0x4000  }
0x5a: {  	[sflag:s29] =	ssyncset.done $0x0  }
0x5b: {  	s9 =	sadd.s32 $0xFFFFFE80, s21;
	p0 =	seq.s32 s8, $0x2980;
	[sflag:s29] =	ssyncadd.s32 $0xFFFFC000  }
0x5c: {  	[spmem:s2] =	stream.indirect.scatter.add.f32 [tilespmem:s19], [sflag:$0x7], $0x80, s9, s22, $0xb8;
	[tilespmem:$0x1EA00] =	vst v63  }
0x5d: {  	s9 =	sadd.s32 @!p0 $0xFFFFFE80, s8  }
0x5e: {  	s10 =	sand.u32 @!p0 $0x7C00, s9  }
0x5f: {  	s9 =	sand.u32 @!p0 $0x200, s9;
	s10 =	sadd.s32 @!p0 s3, s10  }
0x60: {  	_ =	swait.ge [sflag:s20], $0x4000;
	s9 =	sor.u32 @!p0 s9, s10  }
0x61: {  	[sflag:s20] =	ssyncset.done $0x0;
	s9 =	sshrl.u32 @!p0 s9, $0x3  }
0x62: {  	[sflag:s20] =	ssyncadd.s32 $0xFFFFC000;
	s10 =	simm.s32 @!p0 $0x0;
	s9 =	sadd.s32 @!p0 s6, s9  }
0x63: {  	[tilespmem:s10], [sflag:$0x3] =	stream.linear.gather @!p0 [hbm4b:s9+s10], $0x80, $0x38;
	[tilespmem:$0x1EA00] =	vst v63  }
0x64: {  	_ =	swait.ge [sflag:s30], $0x80  }
0x65: {  	[sflag:s30] =	ssyncset.done $0x0  }
0x66: {  	[sflag:s30] =	ssyncadd.s32 $0xFFFFFF80  }
0x67: {  	[tilespmem:s19], [sflag:$0x1] =	stream.indirect.gather [hbm4b:s5+s22], $0x80, s23, s22, $0xb8;
	[tilespmem:$0x1EA00] =	vst v63  }
0x68: {  	_ =	swait.ge [sflag:s31], $0x4000  }
0x69: {  	[sflag:s31] =	ssyncset.done $0x0  }
0x6a: {  	s12 =	sadd.s32 $0xFFFFFF00, s21;
	s9 =	sadd.s32 @!p0 $0xFFFFFF00, s8;
	[sflag:s31] =	ssyncadd.s32 $0xFFFFC000  }
0x6b: {  	[spmem:s2] =	stream.indirect.scatter.add.f32 [tilespmem:s28], [sflag:$0x7], $0x80, s12, s22, $0xb8;
	[tilespmem:$0x1EA00] =	vst v63  }
0x6c: {  	s12 =	sand.u32 @!p0 $0x7C00, s9  }
0x6d: {  	s9 =	sand.u32 @!p0 $0x280, s9;
	s12 =	sadd.s32 @!p0 s3, s12  }
0x6e: {  	_ =	swait.ge [sflag:s20], $0x4000;
	s9 =	sor.u32 @!p0 s9, s12  }
0x6f: {  	[sflag:s20] =	ssyncset.done $0x0;
	s9 =	sshrl.u32 @!p0 s9, $0x3  }
0x70: {  	s12 =	simm.s32 @!p0 $0x80;
	[sflag:s20] =	ssyncadd.s32 $0xFFFFC000;
	s9 =	sadd.s32 @!p0 s6, s9  }
0x71: {  	[tilespmem:s12], [sflag:$0x4] =	stream.linear.gather @!p0 [hbm4b:s9+s10], $0x80, $0x38;
	[tilespmem:$0x1EA00] =	vst v63  }
0x72: {  	_ =	swait.ge [sflag:s1], $0x80  }
0x73: {  	[sflag:s1] =	ssyncset.done $0x0  }
0x74: {  	[sflag:s1] =	ssyncadd.s32 $0xFFFFFF80  }
0x75: {  	[tilespmem:s28], [sflag:$0x2] =	stream.indirect.gather [hbm4b:s5+s22], $0x80, s24, s22, $0xb8;
	[tilespmem:$0x1EA00] =	vst v63  }
0x76: {  	_ =	swait.ge [sflag:s29], $0x4000  }
0x77: {  	[sflag:s29] =	ssyncset.done $0x0  }
.Ltmp3:
0x78: {  	s12 =	sadd.s32 $0xFFFFFF80, s21;
	[sflag:s29] =	ssyncadd.s32 $0xFFFFC000;
	(pc) =	sbr.rel @p0 .LBB2_6-.Ltmp3, $4  }
0x79: {  	[spmem:s2] =	stream.indirect.scatter.add.f32 [tilespmem:s19], [sflag:$0x7], $0x80, s12, s22, $0xb8;
	[tilespmem:$0x1EA00] =	vst v63  }
0x7a: {  	_ =	swait.ge [sflag:s20], $0x4000  }
0x7b: {  	[sflag:s20] =	ssyncset.done $0x0  }
0x7c: {  	[sflag:s20] =	ssyncadd.s32 $0xFFFFC000  }
0x7d: {  	s9 =	sadd.s32 $0xFFFFFF80, s8  }
0x7e: {  	s10 =	sand.u32 $0x7C00, s9  }
0x7f: {  	s9 =	sand.u32 $0x300, s9;
	s10 =	sadd.s32 s3, s10  }
0x80: {  	s9 =	sor.u32 s9, s10  }
0x81: {  	s9 =	sshrl.u32 s9, $0x3  }
0x82: {  	s9 =	sadd.s32 s6, s9  }
0x83: {  	[tilespmem:s23], [sflag:$0x5] =	stream.linear.gather [hbm4b:s9+s4], $0x80, $0x38;
	[tilespmem:$0x1EA00] =	vst v63  }
0x84: {  	_ =	swait.ge [sflag:s25], $0x80  }
0x85: {  	[sflag:s25] =	ssyncset.done $0x0  }
0x86: {  	[sflag:s25] =	ssyncadd.s32 $0xFFFFFF80  }
0x87: {  	[tilespmem:s19], [sflag:$0x1] =	stream.indirect.gather [hbm4b:s5+s22], $0x80, s4, s22, $0xb8;
	[tilespmem:$0x1EA00] =	vst v63  }
0x88: {  	_ =	swait.ge [sflag:s31], $0x4000  }
0x89: {  	s10 =	sand.u32 $0x7C00, s8;
	[sflag:s31] =	ssyncset.done $0x0  }
0x8a: {  	s12 =	sand.u32 $0x380, s8;
	s9 =	sadd.s32 s3, s10;
	[sflag:s31] =	ssyncadd.s32 $0xFFFFC000  }
0x8b: {  	[spmem:s2] =	stream.indirect.scatter.add.f32 [tilespmem:s28], [sflag:$0x7], $0x80, s21, s22, $0xb8;
	[tilespmem:$0x1EA00] =	vst v63  }
0x8c: {  	s9 =	sor.u32 s12, s9;
	_ =	swait.ge [sflag:s20], $0x4000  }
0x8d: {  	s9 =	sshrl.u32 s9, $0x3;
	[sflag:s20] =	ssyncset.done $0x0  }
0x8e: {  	s9 =	sadd.s32 s6, s9;
	[sflag:s20] =	ssyncadd.s32 $0xFFFFC000  }
0x8f: {  	[tilespmem:s24], [sflag:$0x6] =	stream.linear.gather [hbm4b:s9+s4], $0x80, $0x38;
	[tilespmem:$0x1EA00] =	vst v63  }
.Ltmp4:
0x90: {  	_ = 	snop;
	(pc) =	sbr.rel .LBB2_4-.Ltmp4, $4  }
0x91: {  	_ =	swait.ge [sflag:s26], $0x80  }
0x92: {  	[sflag:s26] =	ssyncset.done $0x0  }
0x93: {  	s8 =	sadd.s32 $0x200, s8;
	s21 =	sadd.s32 $0x200, s21;
	[sflag:s26] =	ssyncadd.s32 $0xFFFFFF80  }
0x94: {  	[tilespmem:s28], [sflag:$0x2] =	stream.indirect.gather [hbm4b:s5+s22], $0x80, s22, s22, $0xb8;
	[tilespmem:$0x1EA00] =	vst v63  }
.LBB2_7:
0x95: {  	_ =	sfence.sel $0x180000  }
0x96: {  	[bflag:$0x0] =	sbarrier.arrive $0xFFFF  }
0x97: {  	_ =	strace $0x90000050  }
0x98: {  	s0 =	stileid.u32;
	[bflag:$0x2] =	sbarrier.arrive $0xFFFF  }
0x99: {  	p0 =	sne.s32 s0, $0x0;
	s0 =	rddreg [dreg:$0x2]  }
0x9a: {  	s0 =	sadd.s32 @!p0 $0x100000, s0  }
0x9b: {  	[sflag:s0] =	ssyncadd.tile.s32 @!p0 $0x1;
	_ =	shalt  }
.Lfunc_end2:
_tile_overlayer_lowered:
.L_overlay_start_2:
0x9c: {  	(tag) =	ssettag $0x2  }
0x9d: {  	s0 =	rddreg [dreg:$0x0];
	s2 =	stileid.u32  }
0x9e: {  	s1 =	rddreg [dreg:$0x1];
	p0 =	sne.s32 s2, $0x0  }
0x9f: {  	s3 =	rddreg [dreg:$0x2];
	[bflag:$0x3] =	sbarrier.arrive $0xFFFF;
	s2 =	simm.s32 @!p0 $0x1C07  }
0xa0: {  	[timem:s3], [sflag:s2] =	dma.local @!p0 [hbm:s0], s1  }
0xa1: {  	s0 =	simm.s32 @!p0 $0x7  }
0xa2: {  	_ =	swait.ge @!p0 [sflag:s0], s1  }
0xa3: {  	s1 =	ssub.s32 @!p0 $0x0, s1;
	[sflag:s0] =	ssyncset.done @!p0 $0x0  }
0xa4: {  	[sflag:s0] =	ssyncadd.s32 @!p0 s1  }
0xa5: {  	[bflag:$0x3] =	sbarrier.arrive $0xFFFF  }
0xa6: {  	_ =	shalt  }

// kernel: kernel.23.cloned.1.call-start
scs
__scs_entry_jumppad:
0x0: {  	(pc) =	sbr.rel $0x88, $3  }
0x1: {  	(tag) =	ssettag $0x0;
	lr =	simm.s32 $0x1  }
0x2: {  	[smem:$0x3F89] =	sst lr;
	_ =	strace $0xD0000000  }
0x3: {  	_ = 	snop  }
0x4: {  	_ = 	snop  }
0x5: {  	_ = 	snop  }
0x6: {  	_ = 	snop  }
0x7: {  	_ = 	snop  }
__scs_overlays_trampoline_lowered:
0x8: {  	[smem:$0x3F98] =	sst s0  }
0x9: {  	[smem:$0x3F99] =	sst s1  }
0xa: {  	[smem:$0x3F9A] =	sst s2  }
0xb: {  	[smem:$0x3F9B] =	sst s3  }
0xc: {  	[smem:$0x3F9C] =	sst s4  }
0xd: {  	[smem:$0x3F9D] =	sst s5  }
0xe: {  	[smem:$0x3F9E] =	sst s6  }
0xf: {  	[smem:$0x3F9F] =	sst s7  }
0x10: {  	[smem:$0x3FA0] =	sst s8  }
0x11: {  	[smem:$0x3FA1] =	sst s9;
	s0 =	simm.s32 @!p0 $0x0  }
0x12: {  	s1 =	sld [smem:$0x3F87];
	s0 =	simm.s32 @p0 $0x1  }
0x13: {  	[smem:$0x3FA2] =	sst s0;
	s0 =	simm.s32 @!p1 $0x0  }
0x14: {  	s2 =	sld [smem:$0x3F86];
	s0 =	simm.s32 @p1 $0x1  }
0x15: {  	[smem:$0x3FA3] =	sst s0;
	s0 =	simm.s32 @!p2 $0x0  }
0x16: {  	s3 =	sld [smem:$0x3FDB];
	s0 =	simm.s32 @p2 $0x1  }
0x17: {  	s4 =	simm.s32 $0x1BF5;
	[smem:$0x3FA5] =	sst s0  }
0x18: {  	s0 =	sld [smem:$0x3F88];
	_ =	swait.ge [sflag:s4], $0x0  }
0x19: {  	s7 =	sld [smem:$0x3F89]  }
0x1a: {  	s8 =	sadd.s32 $0xFFFFE003, lr  }
0x1b: {  	s9 =	sadd.s32 $0xFFFFFEF7, lr;
	s5 =	simm.s32 $0xFFFFFFFF;
	p2 =	slt.u32 s8, $0xFFFFF086  }
0x1c: {  	p1 =	slt.u32 s9, $0xF7A;
	s5 =	simm.s32 @!p2 $0x0  }
0x1d: {  	s5 =	simm.s32 @p1 $0x1;
	p0 =	seq.s32 s7, s2  }
0x1e: {  	s7 =	smul.u32 @!p0 $0xF7A, s2;
	p2 =	seq.s32 @!p0 s5, $0x0  }
0x1f: {  	s9 =	smul.u32 $0xF7A, s1;
	s8 =	simm.s32 @!p0 $0x1BF5;
	p2 =	por !p2, p0  }
0x20: {  	[sflag:s8] =	ssyncset.s32 @!p0 $0xFFFFF086;
	s6 =	sadd.s32 @!p0 s3, s7;
	s7 =	simm.s32 @!p0 $0x108  }
0x21: {  	s3 =	sadd.s32 s3, s9;
	s6 =	sadd.s32 @!p0 $0x88, s6;
	s7 =	simm.s32 @p2 $0x1082  }
0x22: {  	[simem:s7], [sflag:s8] =	dma.local @!p0 [hbm:s6], $0xF7A  }
0x23: {  	s9 =	sor.u32 $0xD0000000, s2;
	s6 =	simm.s32 $0x108;
	_ =	swait.ge @!p0 [sflag:s8], $0x0  }
0x24: {  	s3 =	sadd.s32 $0x88, s3;
	s6 =	simm.s32 @!p1 $0x1082;
	[sflag:s4] =	ssyncset.s32 $0xFFFFF086  }
0x25: {  	[simem:s6], [sflag:s4] =	dma.local [hbm:s3], $0xF7A  }
0x26: {  	[smem:$0x3F89] =	sst s1;
	(tag) =	ssettag s2;
	_ =	strace s9  }
0x27: {  	s1 =	sld [smem:$0x3F99]  }
0x28: {  	s2 =	sld [smem:$0x3F9A]  }
0x29: {  	s4 =	sld [smem:$0x3F9C]  }
0x2a: {  	p0 =	seq.s32 s5, $0x0;
	s5 =	sld [smem:$0x3F9D]  }
0x2b: {  	s6 =	sld [smem:$0x3F9E]  }
0x2c: {  	s7 =	sld [smem:$0x3F9F]  }
0x2d: {  	s3 =	simm.s32 $0x108;
	s8 =	sld [smem:$0x3FA0]  }
0x2e: {  	s3 =	simm.s32 @!p0 $0x1082;
	s9 =	sld [smem:$0x3FA1]  }
0x2f: {  	lr =	sadd.s32 s0, s3;
	s0 =	sld [smem:$0x3F98]  }
0x30: {  	s3 =	sld [smem:$0x3F9B]  }
0x31: {  	[smem:$0x3FA4] =	sst s10  }
0x32: {  	s10 =	sld [smem:$0x3FA2];
	_ =	sdelay $0x3  }
0x33: {  	p0 =	seq.s32 s10, $0x1;
	s10 =	sld [smem:$0x3FA4];
	_ =	sdelay $0x3  }
0x34: {  	[smem:$0x3FA4] =	sst s10  }
0x35: {  	s10 =	sld [smem:$0x3FA3];
	_ =	sdelay $0x3  }
0x36: {  	p1 =	seq.s32 s10, $0x1;
	s10 =	sld [smem:$0x3FA4];
	_ =	sdelay $0x3  }
0x37: {  	[smem:$0x3FA4] =	sst s10  }
0x38: {  	s10 =	sld [smem:$0x3FA5]  }
0x39: {  	_ = 	snop;
	(pc) =	sbr.ind lr, $3  }
0x3a: {  	_ = 	snop  }
0x3b: {  	_ = 	snop  }
0x3c: {  	p2 =	seq.s32 s10, $0x1;
	s10 =	sld [smem:$0x3FA4]  }
0x3d: {  	_ =	shalt  }
0x3e: {  	_ =	shalt  }
0x3f: {  	_ =	shalt  }
0x40: {  	_ =	shalt  }
0x41: {  	_ =	shalt  }
0x42: {  	_ =	shalt  }
0x43: {  	_ =	shalt  }
0x44: {  	_ =	shalt  }
0x45: {  	_ =	shalt  }
0x46: {  	_ =	shalt  }
0x47: {  	_ =	shalt  }
0x48: {  	_ =	shalt  }
0x49: {  	_ =	shalt  }
0x4a: {  	_ =	shalt  }
0x4b: {  	_ =	shalt  }
0x4c: {  	_ =	shalt  }
0x4d: {  	_ =	shalt  }
0x4e: {  	_ =	shalt  }
0x4f: {  	_ =	shalt  }
0x50: {  	_ =	shalt  }
0x51: {  	_ =	shalt  }
0x52: {  	_ =	shalt  }
0x53: {  	_ =	shalt  }
0x54: {  	_ =	shalt  }
0x55: {  	_ =	shalt  }
0x56: {  	_ =	shalt  }
0x57: {  	_ =	shalt  }
0x58: {  	_ =	shalt  }
0x59: {  	_ =	shalt  }
0x5a: {  	_ =	shalt  }
0x5b: {  	_ =	shalt  }
0x5c: {  	_ =	shalt  }
0x5d: {  	_ =	shalt  }
0x5e: {  	_ =	shalt  }
0x5f: {  	_ =	shalt  }
0x60: {  	_ =	shalt  }
0x61: {  	_ =	shalt  }
0x62: {  	_ =	shalt  }
0x63: {  	_ =	shalt  }
0x64: {  	_ =	shalt  }
0x65: {  	_ =	shalt  }
0x66: {  	_ =	shalt  }
0x67: {  	_ =	shalt  }
0x68: {  	_ =	shalt  }
0x69: {  	_ =	shalt  }
0x6a: {  	_ =	shalt  }
0x6b: {  	_ =	shalt  }
0x6c: {  	_ =	shalt  }
0x6d: {  	_ =	shalt  }
0x6e: {  	_ =	shalt  }
0x6f: {  	_ =	shalt  }
0x70: {  	_ =	shalt  }
0x71: {  	_ =	shalt  }
0x72: {  	_ =	shalt  }
0x73: {  	_ =	shalt  }
0x74: {  	_ =	shalt  }
0x75: {  	_ =	shalt  }
0x76: {  	_ =	shalt  }
0x77: {  	_ =	shalt  }
0x78: {  	_ =	shalt  }
0x79: {  	_ =	shalt  }
0x7a: {  	_ =	shalt  }
0x7b: {  	_ =	shalt  }
0x7c: {  	_ =	shalt  }
0x7d: {  	_ =	shalt  }
0x7e: {  	_ =	shalt  }
0x7f: {  	_ =	shalt  }
0x80: {  	_ =	shalt  }
0x81: {  	_ =	shalt  }
0x82: {  	_ =	shalt  }
0x83: {  	_ =	shalt  }
0x84: {  	_ =	shalt  }
0x85: {  	_ =	shalt  }
0x86: {  	_ =	shalt  }
0x87: {  	_ =	shalt  }
.Lfunc_end0:
.L_simem_size_0:
called_computation.4_lowered:
.L_overlay_start_0:
0x88: {  	s2 =	sld [smem:$0x3FD9]  }
0x89: {  	s3 =	sld [smem:$0x3FFE];
	_ =	sdelay $0x1  }
0x8a: {  	s1 =	srdreg.scid  }
0x8b: {  	s0 =	sand.u32 $0x1, s1  }
0x8c: {  	s16 =	sshll.u32 s0, $0xA;
	s2 =	sadd.s32 s3, s2  }
0x8d: {  	s2 =	sadd.s32 s2, s16  }
0x8e: {  	[smem:$0x3FB0] =	sst s2  }
0x8f: {  	_ = 	snop  }
0x90: {  	(tm) =	ssettm $0x1  }
0x91: {  	s17 =	sld [smem:$0x3FFB];
	_ =	sdelay $0x3  }
0x92: {  	_ =	strace s17  }
0x93: {  	s2 =	sld [smem:$0x3FFC];
	_ =	sdelay $0x3  }
0x94: {  	_ =	strace s2  }
0x95: {  	s2 =	sld [smem:$0x3FFD];
	_ =	sdelay $0x3  }
0x96: {  	_ =	strace s2  }
0x97: {  	_ =	strace $0x8FFFFFFF  }
0x98: {  	s18 =	sld [smem:$0x3FDB];
	_ =	sdelay $0x1  }
0x99: {  	s19 =	simm.s32 $_scs_section_size  }
0x9a: {  	s4 =	simm.s32 $_size__tile_overlayer_lowered;
	s5 =	simm.s32 $_tile_overlayer_lowered  }
0x9b: {  	s22 =	simm.s32 $0x1BFF;
	s21 =	sshll.u32 s5, $0x1;
	s2 =	sadd.s32 s19, s18  }
0x9c: {  	s6 =	simm.s32 $0x0;
	s20 =	sshll.u32 s4, $0x1;
	s4 =	sadd.s32 s21, s2  }
0x9d: {  	[timem:s6], [sflag:s22] =	dma.local [hbm:s4], s20  }
0x9e: {  	_ =	swait.ge [sflag:s22], s20  }
0x9f: {  	s3 =	ssub.s32 $0x0, s20;
	[sflag:s22] =	ssyncset.done $0x0  }
0xa0: {  	[sflag:s22] =	ssyncadd.s32 s3;
	_ =	sdelay $0x1  }
0xa1: {  	s23 =	simm.s32 $0x1B8B  }
0xa2: {  	_ =	swait.ge [sflag:s23], $0x1  }
0xa3: {  	[sflag:s23] =	ssyncset.done $0x0  }
0xa4: {  	s25 =	simm.s32 $0x1B8E;
	s24 =	sld [smem:$0x3FFE];
	[sflag:s23] =	ssyncadd.s32 $0xFFFFFFFF  }
0xa5: {  	s26 =	simm.s32 $execute0_lowered;
	[smem:$0x3FD2] =	sst s25  }
0xa6: {  	s4 =	sshll.u32 s26, $0x1;
	_ =	strace $0x80000052;
	[dreg:$0x1] =	wrdreg $0xFFFFFFFF  }
0xa7: {  	s28 =	simm.s32 $_size_execute0_lowered;
	s2 =	sadd.s32 s2, s4;
	[dreg:$0x0] =	wrdreg $0x0  }
0xa8: {  	s4 =	sshll.u32 s28, $0x1;
	[dreg:$0x2] =	wrdreg s2  }
0xa9: {  	[dreg:$0x3] =	wrdreg s4  }
0xaa: {  	[dreg:$0x4] =	wrdreg $0xC0  }
0xab: {  	_ =	task [dreg:s6], $0x5FFFF  }
0xac: {  	[dreg:$0x1] =	wrdreg $0xFFFFFFFF  }
0xad: {  	[dreg:$0x0] =	wrdreg $0x60  }
0xae: {  	[dreg:$0x2] =	wrdreg s24  }
0xaf: {  	[dreg:$0x3] =	wrdreg $0xAA000  }
0xb0: {  	[dreg:$0x4] =	wrdreg $0x9  }
0xb1: {  	_ =	task.clear_ibuf [dreg:s6], $0x5FFFF;
	_ =	strace $0x90000052  }
0xb2: {  	s29 =	simm.s32 $0x9;
	_ =	strace $0x80000054  }
0xb3: {  	_ =	swait.ge [sflag:s29], $0x1  }
0xb4: {  	[sflag:s29] =	ssyncadd.s32 $0xFFFFFFFF  }
0xb5: {  	_ =	strace $0x90000054  }
0xb6: {  	_ =	sfence  }
0xb7: {  	s30 =	sld [smem:$0x0];
	_ =	sdelay $0x2  }
0xb8: {  	s31 =	sshll.u32 s1, $0xD;
	s1 =	sshrl.u32 s1, $0x2  }
0xb9: {  	s3 =	sand.u32 $0x4000, s31;
	s1 =	sadd.s32 s1, s30  }
0xba: {  	s0 =	sor.u32 s3, s0;
	s1 =	sshll.u32 s1, $0x11  }
0xbb: {  	s0 =	sor.u32 s1, s0  }
0xbc: {  	s0 =	sadd.s32 $0x8F2B, s0  }
0xbd: {  	[sflag:s0] =	ssyncadd.remote.s32 $0x1  }
0xbe: {  	_ =	sfence.sel $0xFFFF  }
0xbf: {  	[dreg:$0x0] =	wrdreg $0xFFFFFFFF;
	(pc) =	sbr.abs _section_cstart, $3  }
0xc0: {  	[dreg:$0x1] =	wrdreg $0xFFFFFFFF  }
0xc1: {  	_ =	task.clear_ibuf [dreg:s6], $0x2FFFF;
	_ =	strace $0x9FFFFFFF  }
0xc2: {  	(tm) =	ssettm $0x7FFFFFFF  }
0xc3: {  	_ =	shalt  }
tec
execute0_lowered:
.L_overlay_start_1:
0x0: {  	(tag) =	ssettag $0x1  }
0x1: {  	s0 =	srdreg.scid;
	s8 =	rddreg [dreg:$0x0]  }
0x2: {  	s5 =	stileid.u32;
	s2 =	rddreg [dreg:$0x1]  }
0x3: {  	s4 =	simm.s32 $0x0;
	s19 =	simm.s32 $0x2A00;
	s28 =	simm.s32 $0x6A00  }
0x4: {  	s29 =	simm.s32 $0x1;
	s30 =	simm.s32 $0x5;
	s31 =	simm.s32 $0x2  }
0x5: {  	s0 =	sand.u32 $0x1, s0;
	s1 =	sshll.u32 s5, $0x1;
	s7 =	smul.u32 $0x14000, s5  }
0x6: {  	[smem:$0x7FF] =	sst s4;
	s9 =	smul.u32 $0x50000, s5;
	s5 =	sadd.s32 $0x19C00, s8  }
0x7: {  	s6 =	sadd.s32 $0xFC00, s8;
	s1 =	sor.u32 s0, s1;
	s20 =	smul.u32 $0x140000, s0  }
0x8: {  	_ =	strace $0x80000053;
	s0 =	ssub.s32 $0x2, s0;
	s3 =	smul.u32 $0x2800, s1  }
0x9: {  	s21 =	sshrl.u32 s9, $0x2;
	s22 =	sshrl.u32 s0, $0x1;
	s1 =	sadd.s32 s7, s20  }
0xa: {  	s7 =	sadd.s32 s21, s2;
	s0 =	ssub.s32 s0, s22;
	s20 =	simm.s32 $0x7  }
0xb: {  	s22 =	simm.s32 $0x80;
	s11 =	sshrl.u32 s3, $0x3;
	s1 =	sshrl.u32 s1, $0x3  }
0xc: {  	s23 =	sadd.s32 $0x4000, s7;
	s24 =	sadd.s32 $0x8000, s7;
	s25 =	sadd.s32 $0xC000, s7  }
0xd: {  	s26 =	sadd.s32 $0x10000, s7;
	s18 =	smax.u32 s0, $0x1;
	[dreg:$0x3] =	wrdreg s23  }
0xe: {  	s0 =	simm.s32 $0x0;
	s13 =	sadd.s32 s11, s8;
	[dreg:$0x4] =	wrdreg s24  }
.Ltmp0:
0xf: {  	s1 =	sadd.s32 s1, s8;
	[dreg:$0x5] =	wrdreg s25;
	(pc) =	sbr.rel .LBB2_1-.Ltmp0, $4  }
0x10: {  	s11 =	sadd.s32 s6, s11;
	[dreg:$0x6] =	wrdreg s26;
	s23 =	simm.s32 $0x100  }
0x11: {  	s24 =	simm.s32 $0x180;
	s25 =	simm.s32 $0x3;
	s26 =	simm.s32 $0x4  }
0x12: {  	s13 =	sadd.s32 $0x5C00, s13;
	s14 =	sadd.s32 $0x10, s11;
	s15 =	sadd.s32 $0x20, s11  }
0x13: {  	v0 =	vimm.f32 $0.0e+00;
	s16 =	sadd.s32 $0x30, s11;
	s17 =	sadd.s32 $0xB9C00, s1;
	s1 =	simm.s32 $0x6  }
.LBB2_6:
0x14: {  	_ =	swait.ge [sflag:s31], $0x4000  }
0x15: {  	[sflag:s31] =	ssyncset.done $0x0  }
0x16: {  	[sflag:s31] =	ssyncadd.s32 $0xFFFFC000  }
0x17: {  	[spmem:s2] =	stream.indirect.scatter.add.f32 [tilespmem:s28], [sflag:$0x7], $0x80, s21, s22, $0xb8;
	[tilespmem:$0x1EA00] =	vst v63  }
0x18: {  	s8 =	stileid.u32;
	_ =	swait.ge [sflag:s20], $0x4000  }
0x19: {  	s9 =	sshrl.u32 s7, $0x3;
	s0 =	sadd.s32 $0x1, s0;
	[sflag:s20] =	ssyncset.done $0x0  }
0x1a: {  	s8 =	sshll.u32 s8, $0x6;
	p0 =	sne.s32 s0, s18;
	[sflag:s20] =	ssyncadd.s32 $0xFFFFC000  }
.Ltmp1:
0x1b: {  	s8 =	sor.u32 $0x1C07, s8;
	[bflag:$0x0] =	sbarrier.arrive $0xFFFF;
	(pc) =	sbr.rel @!p0 .LBB2_7-.Ltmp1, $4  }
0x1c: {  	[hbm:s17], [sflag:s8] =	dma.local [spmem:s9], $0x2800  }
0x1d: {  	_ =	swait.ge [sflag:s20], $0x2800  }
0x1e: {  	[sflag:s20] =	ssyncset.done $0x0  }
0x1f: {  	[sflag:s20] =	ssyncadd.s32 $0xFFFFD800  }
.LBB2_1:
0x20: {  	s8 =	simm.s32 $0x0;
	s21 =	simm.s32 $0x200  }
.LBB2_2:
0x21: {  	p0 =	sne.s32 s21, $0xFE00;
	[tilespmem:s8+$0x2A70] =	vst v0  }
0x22: {  	[tilespmem:s8+$0x2A00] =	vst v0  }
0x23: {  	[tilespmem:s8+$0x2A10] =	vst v0  }
.Ltmp2:
0x24: {  	[tilespmem:s8+$0x2A20] =	vst v0;
	(pc) =	sbr.rel @p0 .LBB2_2-.Ltmp2, $4  }
0x25: {  	[tilespmem:s8+$0x2A30] =	vst v0  }
0x26: {  	[tilespmem:s8+$0x2A40] =	vst v0  }
0x27: {  	[tilespmem:s8+$0x2A50] =	vst v0  }
0x28: {  	[tilespmem:s8+$0x2A60] =	vst v0;
	s8 =	sshra.s32 s21, $0x2;
	s21 =	sadd.s32 $0x200, s21  }
0x29: {  	[tilespmem:s8+$0x2A70] =	vst v0  }
0x2a: {  	[tilespmem:s8+$0x2A00] =	vst v0  }
0x2b: {  	[tilespmem:s8+$0x2A10] =	vst v0  }
0x2c: {  	[tilespmem:s8+$0x2A20] =	vst v0  }
0x2d: {  	[tilespmem:s8+$0x2A30] =	vst v0  }
0x2e: {  	[tilespmem:s8+$0x2A40] =	vst v0  }
0x2f: {  	[tilespmem:s8+$0x2A50] =	vst v0  }
0x30: {  	[tilespmem:s8+$0x2A60] =	vst v0  }
0x31: {  	[spmem:s7] =	stream.linear.scatter [tilespmem:s19], [sflag:$0x7], $0x4000, $0x38;
	[tilespmem:$0x1EA00] =	vst v63  }
0x32: {  	_ =	swait.ge [sflag:s20], $0x4000  }
0x33: {  	[sflag:s20] =	ssyncset.done $0x0  }
0x34: {  	s21 =	rddreg [dreg:$0x3];
	[sflag:s20] =	ssyncadd.s32 $0xFFFFC000  }
0x35: {  	[spmem:s21] =	stream.linear.scatter [tilespmem:s19], [sflag:$0x7], $0x4000, $0x38;
	[tilespmem:$0x1EA00] =	vst v63  }
0x36: {  	_ =	swait.ge [sflag:s20], $0x4000  }
0x37: {  	[sflag:s20] =	ssyncset.done $0x0  }
0x38: {  	s9 =	rddreg [dreg:$0x4];
	[sflag:s20] =	ssyncadd.s32 $0xFFFFC000  }
0x39: {  	[spmem:s9] =	stream.linear.scatter [tilespmem:s19], [sflag:$0x7], $0x4000, $0x38;
	[tilespmem:$0x1EA00] =	vst v63  }
0x3a: {  	_ =	swait.ge [sflag:s20], $0x4000  }
0x3b: {  	[sflag:s20] =	ssyncset.done $0x0  }
0x3c: {  	s10 =	rddreg [dreg:$0x5];
	[sflag:s20] =	ssyncadd.s32 $0xFFFFC000  }
0x3d: {  	[spmem:s10] =	stream.linear.scatter [tilespmem:s19], [sflag:$0x7], $0x4000, $0x38;
	[tilespmem:$0x1EA00] =	vst v63  }
0x3e: {  	_ =	swait.ge [sflag:s20], $0x4000  }
0x3f: {  	[sflag:s20] =	ssyncset.done $0x0  }
0x40: {  	s12 =	rddreg [dreg:$0x6];
	[sflag:s20] =	ssyncadd.s32 $0xFFFFC000  }
0x41: {  	[spmem:s12] =	stream.linear.scatter [tilespmem:s19], [sflag:$0x7], $0x4000, $0x38;
	[tilespmem:$0x1EA00] =	vst v63  }
0x42: {  	_ =	swait.ge [sflag:s20], $0x4000  }
0x43: {  	[sflag:s20] =	ssyncset.done $0x0  }
0x44: {  	s21 =	simm.s32 $0x200;
	[sflag:s20] =	ssyncadd.s32 $0xFFFFC000  }
0x45: {  	[tilespmem:s21], [sflag:$0x7] =	stream.linear.gather [hbm4b:s13+s4], $0x2800, $0x38;
	[tilespmem:$0x1EA00] =	vst v63  }
0x46: {  	_ =	swait.ge [sflag:s20], $0x2800  }
0x47: {  	[sflag:s20] =	ssyncset.done $0x0  }
0x48: {  	[sflag:s20] =	ssyncadd.s32 $0xFFFFD800  }
0x49: {  	[tilespmem:s4], [sflag:$0x3] =	stream.linear.gather [hbm4b:s11+s4], $0x80, $0x38;
	[tilespmem:$0x1EA00] =	vst v63  }
0x4a: {  	_ = 	snop  }
0x4b: {  	[tilespmem:s22], [sflag:$0x4] =	stream.linear.gather [hbm4b:s14+s4], $0x80, $0x38;
	[tilespmem:$0x1EA00] =	vst v63  }
0x4c: {  	_ = 	snop  }
0x4d: {  	[tilespmem:s23], [sflag:$0x5] =	stream.linear.gather [hbm4b:s15+s4], $0x80, $0x38;
	[tilespmem:$0x1EA00] =	vst v63  }
0x4e: {  	_ = 	snop  }
0x4f: {  	[tilespmem:s24], [sflag:$0x6] =	stream.linear.gather [hbm4b:s16+s4], $0x80, $0x38;
	[tilespmem:$0x1EA00] =	vst v63  }
0x50: {  	[bflag:$0x0] =	sbarrier.arrive $0xFFFF  }
0x51: {  	_ =	swait.ge [sflag:s25], $0x80  }
0x52: {  	[sflag:s25] =	ssyncset.done $0x0  }
0x53: {  	[sflag:s25] =	ssyncadd.s32 $0xFFFFFF80  }
0x54: {  	[tilespmem:s19], [sflag:$0x1] =	stream.indirect.gather [hbm4b:s5+s22], $0x80, s4, s22, $0xb8;
	[tilespmem:$0x1EA00] =	vst v63  }
0x55: {  	_ =	swait.ge [sflag:s26], $0x80  }
0x56: {  	[sflag:s26] =	ssyncset.done $0x0  }
0x57: {  	s8 =	simm.s32 $0x380;
	s21 =	simm.s32 $0x380;
	[sflag:s26] =	ssyncadd.s32 $0xFFFFFF80  }
0x58: {  	[tilespmem:s28], [sflag:$0x2] =	stream.indirect.gather [hbm4b:s5+s22], $0x80, s22, s22, $0xb8;
	[tilespmem:$0x1EA00] =	vst v63  }
.LBB2_4:
0x59: {  	_ =	swait.ge [sflag:s29], $0x4000  }
0x5a: {  	[sflag:s29] =	ssyncset.done $0x0  }
0x5b: {  	s9 =	sadd.s32 $0xFFFFFE80, s21;
	p0 =	seq.s32 s8, $0x2980;
	[sflag:s29] =	ssyncadd.s32 $0xFFFFC000  }
0x5c: {  	[spmem:s2] =	stream.indirect.scatter.add.f32 [tilespmem:s19], [sflag:$0x7], $0x80, s9, s22, $0xb8;
	[tilespmem:$0x1EA00] =	vst v63  }
0x5d: {  	s9 =	sadd.s32 @!p0 $0xFFFFFE80, s8  }
0x5e: {  	s10 =	sand.u32 @!p0 $0x7C00, s9  }
0x5f: {  	s9 =	sand.u32 @!p0 $0x200, s9;
	s10 =	sadd.s32 @!p0 s3, s10  }
0x60: {  	_ =	swait.ge [sflag:s20], $0x4000;
	s9 =	sor.u32 @!p0 s9, s10  }
0x61: {  	[sflag:s20] =	ssyncset.done $0x0;
	s9 =	sshrl.u32 @!p0 s9, $0x3  }
0x62: {  	[sflag:s20] =	ssyncadd.s32 $0xFFFFC000;
	s10 =	simm.s32 @!p0 $0x0;
	s9 =	sadd.s32 @!p0 s6, s9  }
0x63: {  	[tilespmem:s10], [sflag:$0x3] =	stream.linear.gather @!p0 [hbm4b:s9+s10], $0x80, $0x38;
	[tilespmem:$0x1EA00] =	vst v63  }
0x64: {  	_ =	swait.ge [sflag:s30], $0x80  }
0x65: {  	[sflag:s30] =	ssyncset.done $0x0  }
0x66: {  	[sflag:s30] =	ssyncadd.s32 $0xFFFFFF80  }
0x67: {  	[tilespmem:s19], [sflag:$0x1] =	stream.indirect.gather [hbm4b:s5+s22], $0x80, s23, s22, $0xb8;
	[tilespmem:$0x1EA00] =	vst v63  }
0x68: {  	_ =	swait.ge [sflag:s31], $0x4000  }
0x69: {  	[sflag:s31] =	ssyncset.done $0x0  }
0x6a: {  	s12 =	sadd.s32 $0xFFFFFF00, s21;
	s9 =	sadd.s32 @!p0 $0xFFFFFF00, s8;
	[sflag:s31] =	ssyncadd.s32 $0xFFFFC000  }
0x6b: {  	[spmem:s2] =	stream.indirect.scatter.add.f32 [tilespmem:s28], [sflag:$0x7], $0x80, s12, s22, $0xb8;
	[tilespmem:$0x1EA00] =	vst v63  }
0x6c: {  	s12 =	sand.u32 @!p0 $0x7C00, s9  }
0x6d: {  	s9 =	sand.u32 @!p0 $0x280, s9;
	s12 =	sadd.s32 @!p0 s3, s12  }
0x6e: {  	_ =	swait.ge [sflag:s20], $0x4000;
	s9 =	sor.u32 @!p0 s9, s12  }
0x6f: {  	[sflag:s20] =	ssyncset.done $0x0;
	s9 =	sshrl.u32 @!p0 s9, $0x3  }
0x70: {  	s12 =	simm.s32 @!p0 $0x80;
	[sflag:s20] =	ssyncadd.s32 $0xFFFFC000;
	s9 =	sadd.s32 @!p0 s6, s9  }
0x71: {  	[tilespmem:s12], [sflag:$0x4] =	stream.linear.gather @!p0 [hbm4b:s9+s10], $0x80, $0x38;
	[tilespmem:$0x1EA00] =	vst v63  }
0x72: {  	_ =	swait.ge [sflag:s1], $0x80  }
0x73: {  	[sflag:s1] =	ssyncset.done $0x0  }
0x74: {  	[sflag:s1] =	ssyncadd.s32 $0xFFFFFF80  }
0x75: {  	[tilespmem:s28], [sflag:$0x2] =	stream.indirect.gather [hbm4b:s5+s22], $0x80, s24, s22, $0xb8;
	[tilespmem:$0x1EA00] =	vst v63  }
0x76: {  	_ =	swait.ge [sflag:s29], $0x4000  }
0x77: {  	[sflag:s29] =	ssyncset.done $0x0  }
.Ltmp3:
0x78: {  	s12 =	sadd.s32 $0xFFFFFF80, s21;
	[sflag:s29] =	ssyncadd.s32 $0xFFFFC000;
	(pc) =	sbr.rel @p0 .LBB2_6-.Ltmp3, $4  }
0x79: {  	[spmem:s2] =	stream.indirect.scatter.add.f32 [tilespmem:s19], [sflag:$0x7], $0x80, s12, s22, $0xb8;
	[tilespmem:$0x1EA00] =	vst v63  }
0x7a: {  	_ =	swait.ge [sflag:s20], $0x4000  }
0x7b: {  	[sflag:s20] =	ssyncset.done $0x0  }
0x7c: {  	[sflag:s20] =	ssyncadd.s32 $0xFFFFC000  }
0x7d: {  	s9 =	sadd.s32 $0xFFFFFF80, s8  }
0x7e: {  	s10 =	sand.u32 $0x7C00, s9  }
0x7f: {  	s9 =	sand.u32 $0x300, s9;
	s10 =	sadd.s32 s3, s10  }
0x80: {  	s9 =	sor.u32 s9, s10  }
0x81: {  	s9 =	sshrl.u32 s9, $0x3  }
0x82: {  	s9 =	sadd.s32 s6, s9  }
0x83: {  	[tilespmem:s23], [sflag:$0x5] =	stream.linear.gather [hbm4b:s9+s4], $0x80, $0x38;
	[tilespmem:$0x1EA00] =	vst v63  }
0x84: {  	_ =	swait.ge [sflag:s25], $0x80  }
0x85: {  	[sflag:s25] =	ssyncset.done $0x0  }
0x86: {  	[sflag:s25] =	ssyncadd.s32 $0xFFFFFF80  }
0x87: {  	[tilespmem:s19], [sflag:$0x1] =	stream.indirect.gather [hbm4b:s5+s22], $0x80, s4, s22, $0xb8;
	[tilespmem:$0x1EA00] =	vst v63  }
0x88: {  	_ =	swait.ge [sflag:s31], $0x4000  }
0x89: {  	s10 =	sand.u32 $0x7C00, s8;
	[sflag:s31] =	ssyncset.done $0x0  }
0x8a: {  	s12 =	sand.u32 $0x380, s8;
	s9 =	sadd.s32 s3, s10;
	[sflag:s31] =	ssyncadd.s32 $0xFFFFC000  }
0x8b: {  	[spmem:s2] =	stream.indirect.scatter.add.f32 [tilespmem:s28], [sflag:$0x7], $0x80, s21, s22, $0xb8;
	[tilespmem:$0x1EA00] =	vst v63  }
0x8c: {  	s9 =	sor.u32 s12, s9;
	_ =	swait.ge [sflag:s20], $0x4000  }
0x8d: {  	s9 =	sshrl.u32 s9, $0x3;
	[sflag:s20] =	ssyncset.done $0x0  }
0x8e: {  	s9 =	sadd.s32 s6, s9;
	[sflag:s20] =	ssyncadd.s32 $0xFFFFC000  }
0x8f: {  	[tilespmem:s24], [sflag:$0x6] =	stream.linear.gather [hbm4b:s9+s4], $0x80, $0x38;
	[tilespmem:$0x1EA00] =	vst v63  }
.Ltmp4:
0x90: {  	_ = 	snop;
	(pc) =	sbr.rel .LBB2_4-.Ltmp4, $4  }
0x91: {  	_ =	swait.ge [sflag:s26], $0x80  }
0x92: {  	[sflag:s26] =	ssyncset.done $0x0  }
0x93: {  	s8 =	sadd.s32 $0x200, s8;
	s21 =	sadd.s32 $0x200, s21;
	[sflag:s26] =	ssyncadd.s32 $0xFFFFFF80  }
0x94: {  	[tilespmem:s28], [sflag:$0x2] =	stream.indirect.gather [hbm4b:s5+s22], $0x80, s22, s22, $0xb8;
	[tilespmem:$0x1EA00] =	vst v63  }
.LBB2_7:
0x95: {  	_ =	sfence.sel $0x180000  }
0x96: {  	[bflag:$0x0] =	sbarrier.arrive $0xFFFF  }
0x97: {  	_ =	strace $0x90000053  }
0x98: {  	s0 =	stileid.u32;
	[bflag:$0x2] =	sbarrier.arrive $0xFFFF  }
0x99: {  	p0 =	sne.s32 s0, $0x0;
	s0 =	rddreg [dreg:$0x2]  }
0x9a: {  	s0 =	sadd.s32 @!p0 $0x100000, s0  }
0x9b: {  	[sflag:s0] =	ssyncadd.tile.s32 @!p0 $0x1;
	_ =	shalt  }
.Lfunc_end2:
_tile_overlayer_lowered:
.L_overlay_start_2:
0x9c: {  	(tag) =	ssettag $0x2  }
0x9d: {  	s0 =	rddreg [dreg:$0x0];
	s2 =	stileid.u32  }
0x9e: {  	s1 =	rddreg [dreg:$0x1];
	p0 =	sne.s32 s2, $0x0  }
0x9f: {  	s3 =	rddreg [dreg:$0x2];
	[bflag:$0x3] =	sbarrier.arrive $0xFFFF;
	s2 =	simm.s32 @!p0 $0x1C07  }
0xa0: {  	[timem:s3], [sflag:s2] =	dma.local @!p0 [hbm:s0], s1  }
0xa1: {  	s0 =	simm.s32 @!p0 $0x7  }
0xa2: {  	_ =	swait.ge @!p0 [sflag:s0], s1  }
0xa3: {  	s1 =	ssub.s32 @!p0 $0x0, s1;
	[sflag:s0] =	ssyncset.done @!p0 $0x0  }
0xa4: {  	[sflag:s0] =	ssyncadd.s32 @!p0 s1  }
0xa5: {  	[bflag:$0x3] =	sbarrier.arrive $0xFFFF  }
0xa6: {  	_ =	shalt  }

</sc_bundles>
